<compile_context>
chip_gen: v7x
topology: tpu7x:2x2x1
jax: 0.10.2.dev20260603
libtpu: 0.0.44.dev20260713+nightly
codegen_flags: <defaults>
</compile_context>

<pallas_src>
import functools

import jax
import jax.numpy as jnp
from jax import lax
from jax.experimental import pallas as pl
from jax.experimental.pallas import tpu as pltpu
import jax.experimental.pallas.tpu_sc as plsc

N = 32768
C = 96
CP = 128
R = 4
E = 1048576
HID = 384

NSC = 2
NT = 16
LANES = 16

RANGES_PER_SC = 4
NRANGE = NSC * RANGES_PER_SC
G = N // NRANGE
GR = G * R
ROWS_PER_TILE = GR // NT

KH = (N * R) // NSC
KPT = KH // NT

CHUNK = 1024
EPT = E // NT

NGRP_C = 8
PROWS_C = NGRP_C * 128
NGRP_F = 2
PROWS_F = NGRP_F * 128
ZROWS = 512

BN = 2048


def _gelu(x):
    return 0.5 * x * (1.0 + jnp.tanh(0.7978845608028654 * (x + 0.044715 * x * x * x)))



def _sc_count_body(dst_hbm, rel_hbm, out_hbm, acc, dstb, relb, pkey, ones, zb):
    c = lax.axis_index("c")
    s = lax.axis_index("s")
    dump = KH

    def _z(i, _):
        zb[i] = jnp.zeros((LANES,), jnp.float32)
        return 0
    lax.fori_loop(0, ZROWS, _z, 0)
    for k in range(KPT // ZROWS):
        pltpu.sync_copy(zb, acc.at[pl.ds(s * KPT + k * ZROWS, ZROWS)])

    @pl.when(s == NT - 1)
    def _():
        pltpu.sync_copy(zb.at[pl.ds(0, 8)], acc.at[pl.ds(KH, 8)])

    onesrow = jnp.where(lax.iota(jnp.int32, LANES) == 0, 1.0, 0.0).astype(jnp.float32)

    def _o(i, _):
        ones[i] = onesrow
        return 0
    lax.fori_loop(0, 128, _o, 0)

    def _refill(t, _):
        pkey[t // 8, pl.ds((t % 8) * LANES, LANES)] = jnp.full((LANES,), dump, jnp.int32)
        return 0
    lax.fori_loop(0, PROWS_C // LANES, _refill, 0)

    plsc.subcore_barrier()

    lo = c * (N // NSC)
    hi = lo + N // NSC

    def _flush(npend):
        for j in range(NGRP_C):
            pltpu.sync_copy(ones, acc.at[pkey.at[j]], add=True)
        lax.fori_loop(0, PROWS_C // LANES, _refill, 0)
        return 0

    def _chunk(ch, npend):
        base = s * EPT + ch * CHUNK
        pltpu.sync_copy(dst_hbm.at[pl.ds(base, CHUNK)], dstb)
        pltpu.sync_copy(rel_hbm.at[pl.ds(base, CHUNK)], relb)

        def _vec(i, npend):
            d = dstb[pl.ds(i * LANES, LANES)]
            r = relb[pl.ds(i * LANES, LANES)]
            m = (d >= lo) & (d < hi)
            key = jnp.where(m, (d - lo) * R + r, dump)
            npend = lax.cond(npend > PROWS_C - 2 * LANES, _flush, lambda n: n, npend)
            pref = plsc.cumsum(m.astype(jnp.int32))
            pos = jnp.where(m, npend + pref - 1,
                            PROWS_C - LANES + lax.iota(jnp.int32, LANES))
            plsc.store_scatter(pkey, [pos >> 7, pos & 127], key)
            return npend + pref[LANES - 1]

        return lax.fori_loop(0, CHUNK // LANES, _vec, npend)

    npend = lax.fori_loop(0, EPT // CHUNK, _chunk, 0)
    _flush(npend)
    plsc.subcore_barrier()

    for k in range(KPT // ZROWS):
        pltpu.sync_copy(acc.at[pl.ds(s * KPT + k * ZROWS, ZROWS)], zb)
        pltpu.sync_copy(zb, out_hbm.at[pl.ds(c * KH + s * KPT + k * ZROWS, ZROWS)])


@functools.lru_cache(maxsize=None)
def _sc_count_kernel():
    return pl.kernel(
        _sc_count_body,
        out_type=jax.ShapeDtypeStruct((N * R, LANES), jnp.float32),
        mesh=plsc.VectorSubcoreMesh(core_axis_name="c", subcore_axis_name="s",
                                    num_cores=NSC, num_subcores=NT),
        scratch_types=[
            pltpu.VMEM_SHARED((KH + 8, LANES), jnp.float32),
            pltpu.VMEM((CHUNK,), jnp.int32),
            pltpu.VMEM((CHUNK,), jnp.int32),
            pltpu.VMEM((NGRP_C, 128), jnp.int32),
            pltpu.VMEM((128, LANES), jnp.float32),
            pltpu.VMEM((ZROWS, LANES), jnp.float32),
        ],
        compiler_params=pltpu.CompilerParams(needs_layout_passes=False,
                                             use_tc_tiling_on_sc=False),
    )


def _sc_count(dst, rel):
    return _sc_count_kernel()(dst, rel)



def _sc_feat_body(hn_hbm, ei_hbm, rel_hbm, out_hbm,
                  acc, srcb, dstb, relb, psrc, pkey, gbuf, sem):
    c = lax.axis_index("c")
    s = lax.axis_index("s")
    dump = GR

    def _refill_key(t, _):
        pkey[t // 8, pl.ds((t % 8) * LANES, LANES)] = jnp.full((LANES,), dump, jnp.int32)
        return 0

    def _refill_src(t, _):
        psrc[t // 8, pl.ds((t % 8) * LANES, LANES)] = jnp.zeros((LANES,), jnp.int32)
        return 0

    lax.fori_loop(0, PROWS_F // LANES, _refill_key, 0)
    lax.fori_loop(0, PROWS_F // LANES, _refill_src, 0)

    def _zero_gbuf(i, _):
        def _zg(j, _):
            gbuf[i, pl.ds(j * LANES, LANES)] = jnp.zeros((LANES,), jnp.float32)
            return 0
        return lax.fori_loop(0, C // LANES, _zg, 0)

    def _flush(npend):
        for j in range(NGRP_F):
            pltpu.async_copy(hn_hbm.at[psrc.at[j]],
                             gbuf.at[pl.ds(j * 128, 128)], sem).wait()
        for j in range(NGRP_F):
            pltpu.sync_copy(gbuf.at[pl.ds(j * 128, 128)], acc.at[pkey.at[j]], add=True)
        lax.fori_loop(0, PROWS_F // LANES, _refill_key, 0)
        lax.fori_loop(0, PROWS_F // LANES, _refill_src, 0)
        return 0

    def _range(q, _):
        lo = (c * RANGES_PER_SC + q) * G
        lax.fori_loop(0, PROWS_F, _zero_gbuf, 0)
        for k in range(ROWS_PER_TILE // PROWS_F):
            pltpu.sync_copy(gbuf, acc.at[pl.ds(s * ROWS_PER_TILE + k * PROWS_F,
                                               PROWS_F)])

        @pl.when(s == NT - 1)
        def _():
            pltpu.sync_copy(gbuf.at[pl.ds(0, 8)], acc.at[pl.ds(GR, 8)])

        plsc.subcore_barrier()

        def _chunk(ch, npend):
            base = s * EPT + ch * CHUNK
            pltpu.sync_copy(ei_hbm.at[0, pl.ds(base, CHUNK)], srcb)
            pltpu.sync_copy(ei_hbm.at[1, pl.ds(base, CHUNK)], dstb)
            pltpu.sync_copy(rel_hbm.at[pl.ds(base, CHUNK)], relb)

            def _vec(i, npend):
                sv = srcb[pl.ds(i * LANES, LANES)]
                d = dstb[pl.ds(i * LANES, LANES)]
                r = relb[pl.ds(i * LANES, LANES)]
                m = (d >= lo) & (d < lo + G)
                key = jnp.where(m, (d - lo) * R + r, dump)
                sv = jnp.where(m, sv, 0)
                npend = lax.cond(npend > PROWS_F - 2 * LANES, _flush, lambda n: n, npend)
                pref = plsc.cumsum(m.astype(jnp.int32))
                pos = jnp.where(m, npend + pref - 1,
                                PROWS_F - LANES + lax.iota(jnp.int32, LANES))
                plsc.store_scatter(pkey, [pos >> 7, pos & 127], key)
                plsc.store_scatter(psrc, [pos >> 7, pos & 127], sv)
                return npend + pref[LANES - 1]

            return lax.fori_loop(0, CHUNK // LANES, _vec, npend)

        npend = lax.fori_loop(0, EPT // CHUNK, _chunk, 0)
        _flush(npend)
        plsc.subcore_barrier()

        row0 = (c * RANGES_PER_SC + q) * GR + s * ROWS_PER_TILE
        for k in range(ROWS_PER_TILE // PROWS_F):
            pltpu.sync_copy(acc.at[pl.ds(s * ROWS_PER_TILE + k * PROWS_F, PROWS_F)],
                            gbuf)
            pltpu.sync_copy(gbuf, out_hbm.at[pl.ds(row0 + k * PROWS_F, PROWS_F)])
        return 0

    lax.fori_loop(0, RANGES_PER_SC, _range, 0)


@functools.lru_cache(maxsize=None)
def _sc_feat_kernel():
    return pl.kernel(
        _sc_feat_body,
        out_type=jax.ShapeDtypeStruct((N * R, C), jnp.float32),
        mesh=plsc.VectorSubcoreMesh(core_axis_name="c", subcore_axis_name="s",
                                    num_cores=NSC, num_subcores=NT),
        scratch_types=[
            pltpu.VMEM_SHARED((GR + 8, C), jnp.float32),
            pltpu.VMEM((CHUNK,), jnp.int32),
            pltpu.VMEM((CHUNK,), jnp.int32),
            pltpu.VMEM((CHUNK,), jnp.int32),
            pltpu.VMEM((NGRP_F, 128), jnp.int32),
            pltpu.VMEM((NGRP_F, 128), jnp.int32),
            pltpu.VMEM((PROWS_F, C), jnp.float32),
            pltpu.SemaphoreType.DMA,
        ],
        compiler_params=pltpu.CompilerParams(needs_layout_passes=False,
                                             use_tc_tiling_on_sc=False),
    )


def _sc_feat(hn96, edge_index, rel):
    return _sc_feat_kernel()(hn96, edge_index, rel)



def _pre_body(h_ref, ln_s, ln_b, wg, bg, ws, bs, hn_ref, gates_ref, self_ref):
    x = h_ref[...]
    m = jnp.sum(x, axis=1, keepdims=True) * (1.0 / C)
    v = (jnp.sum(x * x, axis=1, keepdims=True) * (1.0 / C)) - m * m
    hn = (x - m) * lax.rsqrt(v + 1e-5) * ln_s[...] + ln_b[...]
    hn_ref[...] = hn[:, :C]
    logits = jnp.dot(hn, wg[...], preferred_element_type=jnp.float32) + bg[...]
    gates = jax.nn.softmax(logits, axis=-1)
    gates_ref[...] = gates[:, :8]
    self_ref[...] = jnp.dot(hn, ws[...], preferred_element_type=jnp.float32) + bs[...]


def _pre_call(h, ln_s, ln_b, wg, bg, ws, bs):
    grid = (N // BN,)
    row = lambda i: (i, 0)
    fix = lambda i: (0, 0)
    return pl.pallas_call(
        _pre_body,
        grid=grid,
        in_specs=[
            pl.BlockSpec((BN, CP), row),
            pl.BlockSpec((1, CP), fix), pl.BlockSpec((1, CP), fix),
            pl.BlockSpec((CP, CP), fix), pl.BlockSpec((1, CP), fix),
            pl.BlockSpec((CP, CP), fix), pl.BlockSpec((1, CP), fix),
        ],
        out_specs=[
            pl.BlockSpec((BN, C), row),
            pl.BlockSpec((BN, 8), row),
            pl.BlockSpec((BN, CP), row),
        ],
        out_shape=[
            jax.ShapeDtypeStruct((N, C), jnp.float32),
            jax.ShapeDtypeStruct((N, 8), jnp.float32),
            jax.ShapeDtypeStruct((N, CP), jnp.float32),
        ],
    )(h, ln_s, ln_b, wg, bg, ws, bs)



def _post_body(h_ref, self_ref, s_ref, cnt_ref, gates_ref,
               wcat, brel, wp, bp, ln2_s, ln2_b, w1, b1, w2, b2, out_ref):
    shortcut = h_ref[...]
    cnt = cnt_ref[...]
    gates = gates_ref[...]
    w = gates / jnp.maximum(cnt, 1.0)
    ind = jnp.where(cnt > 0.0, gates, 0.0)
    sval = s_ref[...]
    u = jnp.concatenate(
        [sval[:, r * C:(r + 1) * C] * w[:, r:r + 1] for r in range(R)], axis=1)
    mp = jnp.dot(u, wcat[...], preferred_element_type=jnp.float32)
    mp = mp + jnp.dot(ind, brel[...], preferred_element_type=jnp.float32)
    mp = mp + self_ref[...]
    act = _gelu(mp)
    out = jnp.dot(act, wp[...], preferred_element_type=jnp.float32) + bp[...]
    h2in = shortcut + out
    m2 = jnp.sum(h2in, axis=1, keepdims=True) * (1.0 / C)
    v2 = (jnp.sum(h2in * h2in, axis=1, keepdims=True) * (1.0 / C)) - m2 * m2
    h2 = (h2in - m2) * lax.rsqrt(v2 + 1e-5) * ln2_s[...] + ln2_b[...]
    f = _gelu(jnp.dot(h2, w1[...], preferred_element_type=jnp.float32) + b1[...])
    ffn = jnp.dot(f, w2[...], preferred_element_type=jnp.float32) + b2[...]
    out_ref[...] = h2in + ffn


def _post_call(h, selfterm, sres, cnt8, gates8,
               wcat, brel, wp, bp, ln2_s, ln2_b, w1, b1, w2, b2):
    grid = (N // BN,)
    row = lambda i: (i, 0)
    fix = lambda i: (0, 0)
    return pl.pallas_call(
        _post_body,
        grid=grid,
        in_specs=[
            pl.BlockSpec((BN, CP), row),
            pl.BlockSpec((BN, CP), row),
            pl.BlockSpec((BN, R * C), row),
            pl.BlockSpec((BN, 8), row),
            pl.BlockSpec((BN, 8), row),
            pl.BlockSpec((HID, CP), fix),
            pl.BlockSpec((8, CP), fix),
            pl.BlockSpec((CP, CP), fix), pl.BlockSpec((1, CP), fix),
            pl.BlockSpec((1, CP), fix), pl.BlockSpec((1, CP), fix),
            pl.BlockSpec((CP, HID), fix), pl.BlockSpec((1, HID), fix),
            pl.BlockSpec((HID, CP), fix), pl.BlockSpec((1, CP), fix),
        ],
        out_specs=[pl.BlockSpec((BN, CP), row)],
        out_shape=[jax.ShapeDtypeStruct((N, CP), jnp.float32)],
    )(h, selfterm, sres, cnt8, gates8,
      wcat, brel, wp, bp, ln2_s, ln2_b, w1, b1, w2, b2)[0]



def _pad_cols(a, width):
    return jnp.pad(a, ((0, 0), (0, width - a.shape[1])))


def _pad_vec(a, width, fill=0.0):
    return jnp.pad(a, (0, width - a.shape[0]), constant_values=fill).reshape(1, width)


def kernel(x, params, edge_index, edge_relation):
    h = jnp.pad(x.reshape(N, C), ((0, 0), (0, CP - C)))
    dst = edge_index[1]
    rel = edge_relation.astype(jnp.int32)

    cnt16 = _sc_count(dst, rel)
    cnt = cnt16[:, 0].reshape(N, R)
    cnt8 = jnp.pad(cnt, ((0, 0), (0, 8 - R)))

    for blk in params['blocks']:
        ln1_s = _pad_vec(blk['ln1_s'], CP)
        ln1_b = _pad_vec(blk['ln1_b'], CP)
        wg = _pad_cols(jnp.pad(blk['Wg'], ((0, CP - C), (0, 0))), CP)
        bg = _pad_vec(blk['bg'], CP, fill=-1e30)
        ws = _pad_cols(jnp.pad(blk['W_self'], ((0, CP - C), (0, 0))), CP)
        bs = _pad_vec(blk['b_self'], CP)
        wcat = _pad_cols(blk['W_rel'].reshape(R * C, C), CP)
        brel = jnp.pad(_pad_cols(blk['b_rel'], CP), ((0, 8 - R), (0, 0)))
        wp = _pad_cols(jnp.pad(blk['Wp'], ((0, CP - C), (0, 0))), CP)
        bp = _pad_vec(blk['bp'], CP)
        ln2_s = _pad_vec(blk['ln2_s'], CP)
        ln2_b = _pad_vec(blk['ln2_b'], CP)
        w1 = jnp.pad(blk['W1'], ((0, CP - C), (0, 0)))
        b1 = blk['b1'].reshape(1, HID)
        w2 = _pad_cols(blk['W2'], CP)
        b2 = _pad_vec(blk['b2'], CP)

        hn96, gates8, selfterm = _pre_call(h, ln1_s, ln1_b, wg, bg, ws, bs)
        s = _sc_feat(hn96, edge_index, rel)
        sres = s.reshape(N, R * C)
        h = _post_call(h, selfterm, sres, cnt8, gates8,
                       wcat, brel, wp, bp, ln2_s, ln2_b, w1, b1, w2, b2)

    return h[:, :C].reshape(32, 1024, C)

# --- scband reference (transcript-rebuilt; emitter-appended) ---
"""Pipeline reference for scband-eur-net-stage-11072425689100 (READ-ONLY COPY).

The authoritative reference and input builder live on the scoring server;
editing this copy changes nothing except your own understanding.
"""

import jax, jax.numpy as jnp
import numpy as np

B, L, C, R, E, DEPTH = 32, 1024, 96, 4, 1048576, 2
N = B * L
HID = int(C * 4.0)


def _make_params(key):
    blocks = []
    for i in range(DEPTH):
        k = jax.random.fold_in(key, i)
        ks = jax.random.split(k, 8)
        blk = {
            'ln1_s': jnp.ones((C,), jnp.float32), 'ln1_b': jnp.zeros((C,), jnp.float32),
            'W_rel': 0.02 * jax.random.normal(ks[0], (R, C, C), jnp.float32),
            'b_rel': jnp.zeros((R, C), jnp.float32),
            'Wg': 0.02 * jax.random.normal(ks[1], (C, R), jnp.float32), 'bg': jnp.zeros((R,), jnp.float32),
            'W_self': 0.02 * jax.random.normal(ks[2], (C, C), jnp.float32), 'b_self': jnp.zeros((C,), jnp.float32),
            'Wp': 0.02 * jax.random.normal(ks[3], (C, C), jnp.float32), 'bp': jnp.zeros((C,), jnp.float32),
            'ln2_s': jnp.ones((C,), jnp.float32), 'ln2_b': jnp.zeros((C,), jnp.float32),
            'W1': 0.02 * jax.random.normal(ks[4], (C, HID), jnp.float32), 'b1': jnp.zeros((HID,), jnp.float32),
            'W2': 0.02 * jax.random.normal(ks[5], (HID, C), jnp.float32), 'b2': jnp.zeros((C,), jnp.float32),
        }
        blocks.append(blk)
    return {'blocks': blocks}


def setup_inputs(seed: int = 0):
    key = jax.random.key(seed)
    k1, k2, k3, k4 = jax.random.split(key, 4)
    x = jax.random.normal(k1, (B, L, C), dtype=jnp.float32)
    edge_index = jax.random.randint(k2, (2, E), 0, N, dtype=jnp.int32)
    edge_relation = jax.random.randint(k3, (E,), 0, R, dtype=jnp.int32)
    params = _make_params(k4)
    return {'x': x, 'params': params, 'edge_index': edge_index, 'edge_relation': edge_relation}


def _layernorm(x, s, b):
    m = jnp.mean(x, axis=-1, keepdims=True)
    v = jnp.mean((x - m) ** 2, axis=-1, keepdims=True)
    return (x - m) / jnp.sqrt(v + 1e-5) * s + b


def _forward(x, params, edge_index, edge_relation):
    src = edge_index[0]
    dst = edge_index[1]
    h_all = x
    for blk in params['blocks']:
        # --- EurNetBlock: norm1 -> gated relational message passing -> proj -> residual ---
        shortcut = h_all
        h = _layernorm(h_all, blk['ln1_s'], blk['ln1_b'])
        hN = h.reshape(N, C)
        # per-relation node transforms [R, N, C]
        t = jnp.einsum('nc,rcd->rnd', hN, blk['W_rel']) + blk['b_rel'][:, None, :]
        # gather messages per edge (relation-specific transform of source node)
        msg = t[edge_relation, src]  # [E, C]
        # scatter-add mean aggregation per (dst node, relation)
        agg = jnp.zeros((N, R, C), jnp.float32).at[dst, edge_relation].add(msg)
        cnt = jnp.zeros((N, R), jnp.float32).at[dst, edge_relation].add(1.0)
        agg = agg / jnp.maximum(cnt, 1.0)[:, :, None]
        # gated combination over relations
        gates = jax.nn.softmax(hN @ blk['Wg'] + blk['bg'], axis=-1)  # [N, R]
        combined = jnp.einsum('nr,nrc->nc', gates, agg) + hN @ blk['W_self'] + blk['b_self']
        act = jax.nn.gelu(combined).reshape(B, L, C)
        out = act @ blk['Wp'] + blk['bp']
        h_all = shortcut + out
        # --- FFN branch ---
        h2 = _layernorm(h_all, blk['ln2_s'], blk['ln2_b'])
        ffn = jax.nn.gelu(h2 @ blk['W1'] + blk['b1']) @ blk['W2'] + blk['b2']
        h_all = h_all + ffn
    # downsample=None, no virtual node: stage returns (None, x); we return x
    return h_all


def reference(x, params, edge_index, edge_relation):
    return _forward(x, params, edge_index, edge_relation)

if __name__ == "__main__":
    import jax
    _d = setup_inputs()
    print(jax.jit(kernel)(*tuple(_d.values())))

</pallas_src>

<mosaic_0001>
#map = affine_map<(d0, d1) -> (0, 0)>
#map1 = affine_map<(d0, d1) -> (0)>
module attributes {stable_mosaic.version = 14 : i64} {
  func.func @_sc_feat_body(%arg0: i32, %arg1: i32, %arg2: memref<32768x96xf32, #tpu.memory_space<hbm>>, %arg3: memref<2x1048576xi32, #tpu.memory_space<hbm>>, %arg4: memref<1048576xi32, #tpu.memory_space<hbm>>, %arg5: memref<131072x96xf32, #tpu.memory_space<hbm>>, %arg6: memref<16392x96xf32, #tpu.memory_space<vmem_shared>>, %arg7: memref<1024xi32, #tpu.memory_space<vmem>>, %arg8: memref<1024xi32, #tpu.memory_space<vmem>>, %arg9: memref<1024xi32, #tpu.memory_space<vmem>>, %arg10: memref<2x128xi32, #tpu.memory_space<vmem>>, %arg11: memref<2x128xi32, #tpu.memory_space<vmem>>, %arg12: memref<256x96xf32, #tpu.memory_space<vmem>>, %arg13: memref<!tpu.dma_semaphore, #tpu.memory_space<semaphore_mem>>) attributes {dimension_semantics = [#tpu.dimension_semantics<core_parallel>, #tpu.dimension_semantics<subcore_parallel>], iteration_bounds = array<i64: 2, 16>, scalar_prefetch = 0 : i64, scratch_operands = 8 : i64, tpu.core_type = #tpu.core_type<sc_vector_subcore>, window_params = [{transform_indices = #map}, {transform_indices = #map}, {transform_indices = #map1}, {transform_indices = #map}]} {
    %scan3A = arith.constant 0 : i32
    %scan3A_0 = arith.constant 0 : i32
    %scan3A_1 = arith.constant 16 : i32
    %scan3A_2 = arith.addi %scan3A_0, %scan3A_1 : i32
    %scan3A_3 = arith.constant 1 : i32
    %scan3A_4 = scf.for %scan3A_20 = %scan3A_0 to %scan3A_2 step %scan3A_3 iter_args(%scan3A_21 = %scan3A) -> (i32)  : i32 {
      %broadcast_in_dim3A = arith.constant 16384 : i32
      %broadcast_in_dim3A_22 = vector.broadcast %broadcast_in_dim3A : i32 to vector<16xi32>
      %jit3A = arith.constant 8 : i32
      %div3A = arith.divsi %scan3A_20, %jit3A : i32
      %sign3A = arith.constant 0 : i32
      %sign3A_23 = arith.cmpi sgt, %scan3A_20, %sign3A : i32
      %sign3A_24 = arith.extui %sign3A_23 : i1 to i32
      %sign3A_25 = arith.constant 0 : i32
      %sign3A_26 = arith.cmpi slt, %scan3A_20, %sign3A_25 : i32
      %sign3A_27 = arith.extui %sign3A_26 : i1 to i32
      %sign3A_28 = arith.subi %sign3A_24, %sign3A_27 : i32
      %sign3A_29 = arith.constant 0 : i32
      %sign3A_30 = arith.cmpi sgt, %jit3A, %sign3A_29 : i32
      %sign3A_31 = arith.extui %sign3A_30 : i1 to i32
      %sign3A_32 = arith.constant 0 : i32
      %sign3A_33 = arith.cmpi slt, %jit3A, %sign3A_32 : i32
      %sign3A_34 = arith.extui %sign3A_33 : i1 to i32
      %sign3A_35 = arith.subi %sign3A_31, %sign3A_34 : i32
      %ne3A = arith.cmpi ne, %sign3A_28, %sign3A_35 : i32
      %rem3A = arith.remsi %scan3A_20, %jit3A : i32
      %ne3A_36 = arith.constant 0 : i32
      %ne3A_37 = arith.cmpi ne, %rem3A, %ne3A_36 : i32
      %and3A = arith.andi %ne3A, %ne3A_37 : i1
      %sub3A = arith.constant 1 : i32
      %sub3A_38 = arith.subi %div3A, %sub3A : i32
      %select_n3A = arith.select %and3A, %sub3A_38, %div3A : i32
      %jit3A_39 = arith.constant 8 : i32
      %eq3A = arith.constant 0 : i32
      %eq3A_40 = arith.cmpi eq, %jit3A_39, %eq3A : i32
      %jit3A_41 = arith.constant 1 : i32
      %select_n3A_42 = arith.select %eq3A_40, %jit3A_41, %jit3A_39 : i32
      %rem3A_43 = arith.remsi %scan3A_20, %select_n3A_42 : i32
      %ne3A_44 = arith.constant 0 : i32
      %ne3A_45 = arith.cmpi ne, %rem3A_43, %ne3A_44 : i32
      %lt3A = arith.constant 0 : i32
      %lt3A_46 = arith.cmpi slt, %rem3A_43, %lt3A : i32
      %lt3A_47 = arith.constant 0 : i32
      %lt3A_48 = arith.cmpi slt, %select_n3A_42, %lt3A_47 : i32
      %ne3A_49 = arith.xori %lt3A_46, %lt3A_48 : i1
      %and3A_50 = arith.andi %ne3A_49, %ne3A_45 : i1
      %add3A = arith.addi %rem3A_43, %select_n3A_42 : i32
      %select_n3A_51 = arith.select %and3A_50, %add3A, %rem3A_43 : i32
      %mul3A = arith.constant 16 : i32
      %mul3A_52 = arith.muli %select_n3A_51, %mul3A : i32
      %swap3A = arith.index_cast %select_n3A : i32 to index
      %swap3A_53 = arith.index_cast %mul3A_52 : i32 to index
      %swap3A_54 = tpu.vector_load %arg11[%swap3A, %swap3A_53] {strides = array<i32>} : memref<2x128xi32, #tpu.memory_space<vmem>>, vector<16xi32>,
      tpu.vector_store %arg11[%swap3A, %swap3A_53], %broadcast_in_dim3A_22 {strides = array<i32>} : memref<2x128xi32, #tpu.memory_space<vmem>>, vector<16xi32>,
      %scan3A_55 = arith.constant 0 : i32
      scf.yield %scan3A_55 : i32
    }
    %scan3A_5 = arith.constant 16 : i32
    %scan3A_6 = arith.constant 0 : i32
    %scan3A_7 = arith.constant 0 : i32
    %scan3A_8 = arith.constant 16 : i32
    %scan3A_9 = arith.addi %scan3A_7, %scan3A_8 : i32
    %scan3A_10 = arith.constant 1 : i32
    %scan3A_11 = scf.for %scan3A_20 = %scan3A_7 to %scan3A_9 step %scan3A_10 iter_args(%scan3A_21 = %scan3A_6) -> (i32)  : i32 {
      %broadcast_in_dim3A = arith.constant 0 : i32
      %broadcast_in_dim3A_22 = vector.broadcast %broadcast_in_dim3A : i32 to vector<16xi32>
      %jit3A = arith.constant 8 : i32
      %div3A = arith.divsi %scan3A_20, %jit3A : i32
      %sign3A = arith.constant 0 : i32
      %sign3A_23 = arith.cmpi sgt, %scan3A_20, %sign3A : i32
      %sign3A_24 = arith.extui %sign3A_23 : i1 to i32
      %sign3A_25 = arith.constant 0 : i32
      %sign3A_26 = arith.cmpi slt, %scan3A_20, %sign3A_25 : i32
      %sign3A_27 = arith.extui %sign3A_26 : i1 to i32
      %sign3A_28 = arith.subi %sign3A_24, %sign3A_27 : i32
      %sign3A_29 = arith.constant 0 : i32
      %sign3A_30 = arith.cmpi sgt, %jit3A, %sign3A_29 : i32
      %sign3A_31 = arith.extui %sign3A_30 : i1 to i32
      %sign3A_32 = arith.constant 0 : i32
      %sign3A_33 = arith.cmpi slt, %jit3A, %sign3A_32 : i32
      %sign3A_34 = arith.extui %sign3A_33 : i1 to i32
      %sign3A_35 = arith.subi %sign3A_31, %sign3A_34 : i32
      %ne3A = arith.cmpi ne, %sign3A_28, %sign3A_35 : i32
      %rem3A = arith.remsi %scan3A_20, %jit3A : i32
      %ne3A_36 = arith.constant 0 : i32
      %ne3A_37 = arith.cmpi ne, %rem3A, %ne3A_36 : i32
      %and3A = arith.andi %ne3A, %ne3A_37 : i1
      %sub3A = arith.constant 1 : i32
      %sub3A_38 = arith.subi %div3A, %sub3A : i32
      %select_n3A = arith.select %and3A, %sub3A_38, %div3A : i32
      %jit3A_39 = arith.constant 8 : i32
      %eq3A = arith.constant 0 : i32
      %eq3A_40 = arith.cmpi eq, %jit3A_39, %eq3A : i32
      %jit3A_41 = arith.constant 1 : i32
      %select_n3A_42 = arith.select %eq3A_40, %jit3A_41, %jit3A_39 : i32
      %rem3A_43 = arith.remsi %scan3A_20, %select_n3A_42 : i32
      %ne3A_44 = arith.constant 0 : i32
      %ne3A_45 = arith.cmpi ne, %rem3A_43, %ne3A_44 : i32
      %lt3A = arith.constant 0 : i32
      %lt3A_46 = arith.cmpi slt, %rem3A_43, %lt3A : i32
      %lt3A_47 = arith.constant 0 : i32
      %lt3A_48 = arith.cmpi slt, %select_n3A_42, %lt3A_47 : i32
      %ne3A_49 = arith.xori %lt3A_46, %lt3A_48 : i1
      %and3A_50 = arith.andi %ne3A_49, %ne3A_45 : i1
      %add3A = arith.addi %rem3A_43, %select_n3A_42 : i32
      %select_n3A_51 = arith.select %and3A_50, %add3A, %rem3A_43 : i32
      %mul3A = arith.constant 16 : i32
      %mul3A_52 = arith.muli %select_n3A_51, %mul3A : i32
      %swap3A = arith.index_cast %select_n3A : i32 to index
      %swap3A_53 = arith.index_cast %mul3A_52 : i32 to index
      %swap3A_54 = tpu.vector_load %arg10[%swap3A, %swap3A_53] {strides = array<i32>} : memref<2x128xi32, #tpu.memory_space<vmem>>, vector<16xi32>,
      tpu.vector_store %arg10[%swap3A, %swap3A_53], %broadcast_in_dim3A_22 {strides = array<i32>} : memref<2x128xi32, #tpu.memory_space<vmem>>, vector<16xi32>,
      %scan3A_55 = arith.constant 0 : i32
      scf.yield %scan3A_55 : i32
    }
    %scan3A_12 = arith.constant 16 : i32
    %scan3A_13 = arith.constant 0 : i32
    %scan3A_14 = arith.constant 0 : i32
    %scan3A_15 = arith.constant 4 : i32
    %scan3A_16 = arith.addi %scan3A_14, %scan3A_15 : i32
    %scan3A_17 = arith.constant 1 : i32
    %scan3A_18 = scf.for %scan3A_20 = %scan3A_14 to %scan3A_16 step %scan3A_17 iter_args(%scan3A_21 = %scan3A_13) -> (i32)  : i32 {
      %mul3A = arith.constant 4 : i32
      %mul3A_22 = arith.muli %arg0, %mul3A : i32
      %add3A = arith.addi %mul3A_22, %scan3A_20 : i32
      %mul3A_23 = arith.constant 4096 : i32
      %mul3A_24 = arith.muli %add3A, %mul3A_23 : i32
      %scan3A_25 = arith.constant 0 : i32
      %scan3A_26 = arith.constant 0 : i32
      %scan3A_27 = arith.constant 256 : i32
      %scan3A_28 = arith.addi %scan3A_26, %scan3A_27 : i32
      %scan3A_29 = arith.constant 1 : i32
      %scan3A_30 = scf.for %scan3A_144 = %scan3A_26 to %scan3A_28 step %scan3A_29 iter_args(%scan3A_145 = %scan3A_25) -> (i32)  : i32 {
        %scan3A_146 = arith.constant 0 : i32
        %scan3A_147 = arith.constant 0 : i32
        %scan3A_148 = arith.constant 6 : i32
        %scan3A_149 = arith.addi %scan3A_147, %scan3A_148 : i32
        %scan3A_150 = arith.constant 1 : i32
        %scan3A_151 = scf.for %scan3A_153 = %scan3A_147 to %scan3A_149 step %scan3A_150 iter_args(%scan3A_154 = %scan3A_146) -> (i32)  : i32 {
          %broadcast_in_dim3A = arith.constant 0.000000e+00 : f32
          %broadcast_in_dim3A_155 = vector.broadcast %broadcast_in_dim3A : f32 to vector<16xf32>
          %mul3A_156 = arith.constant 16 : i32
          %mul3A_157 = arith.muli %scan3A_153, %mul3A_156 : i32
          %swap3A = arith.index_cast %scan3A_144 : i32 to index
          %swap3A_158 = arith.index_cast %mul3A_157 : i32 to index
          %swap3A_159 = tpu.vector_load %arg12[%swap3A, %swap3A_158] {strides = array<i32>} : memref<256x96xf32, #tpu.memory_space<vmem>>, vector<16xf32>,
          tpu.vector_store %arg12[%swap3A, %swap3A_158], %broadcast_in_dim3A_155 {strides = array<i32>} : memref<256x96xf32, #tpu.memory_space<vmem>>, vector<16xf32>,
          %scan3A_160 = arith.constant 0 : i32
          scf.yield %scan3A_160 : i32
        }
        %scan3A_152 = arith.constant 6 : i32
        scf.yield %scan3A_151 : i32
      }
      %scan3A_31 = arith.constant 256 : i32
      %mul3A_32 = arith.constant 1024 : i32
      %mul3A_33 = arith.muli %arg1, %mul3A_32 : i32
      %add3A_34 = arith.constant 0 : i32
      %add3A_35 = arith.addi %mul3A_33, %add3A_34 : i32
      "tpu.region"() ({
        %run_scoped3A_144 = tpu.sem_alloc : memref<!tpu.dma_semaphore, #tpu.memory_space<semaphore_mem>>
        %dma_start3A_145 = arith.constant 0 : i32
        %dma_start3A_146 = tpu.memref_slice %arg6[%add3A_35, %dma_start3A_145] : memref<16392x96xf32, #tpu.memory_space<vmem_shared>> -> memref<256x96xf32, #tpu.memory_space<vmem_shared>>
        %dma_start3A_147 = arith.constant 0 : i32
        %dma_start3A_148 = tpu.memref_slice %arg6[%add3A_35, %dma_start3A_147] : memref<16392x96xf32, #tpu.memory_space<vmem_shared>> -> memref<256x96xf32, #tpu.memory_space<vmem_shared>>
        tpu.enqueue_dma source(%arg12 : memref<256x96xf32, #tpu.memory_space<vmem>>) target(%dma_start3A_148 : memref<256x96xf32, #tpu.memory_space<vmem_shared>>) target_semaphore(%run_scoped3A_144 : memref<!tpu.dma_semaphore, #tpu.memory_space<semaphore_mem>>)
        %dma_wait3A_149 = arith.constant 0 : i32
        %dma_wait3A_150 = tpu.memref_slice %arg6[%add3A_35, %dma_wait3A_149] : memref<16392x96xf32, #tpu.memory_space<vmem_shared>> -> memref<256x96xf32, #tpu.memory_space<vmem_shared>>
        %dma_wait3A_151 = arith.constant 0 : i32
        %dma_wait3A_152 = tpu.memref_slice %arg6[%add3A_35, %dma_wait3A_151] : memref<16392x96xf32, #tpu.memory_space<vmem_shared>> -> memref<256x96xf32, #tpu.memory_space<vmem_shared>>
        tpu.wait_dma2 semaphore(%run_scoped3A_144 : memref<!tpu.dma_semaphore, #tpu.memory_space<semaphore_mem>>) src(%arg12 : memref<256x96xf32, #tpu.memory_space<vmem>>) dst(%dma_wait3A_152 : memref<256x96xf32, #tpu.memory_space<vmem_shared>>)
        tpu.yield
      }) : () -> ()
      %mul3A_36 = arith.constant 1024 : i32
      %mul3A_37 = arith.muli %arg1, %mul3A_36 : i32
      %add3A_38 = arith.constant 256 : i32
      %add3A_39 = arith.addi %mul3A_37, %add3A_38 : i32
      "tpu.region"() ({
        %run_scoped3A_144 = tpu.sem_alloc : memref<!tpu.dma_semaphore, #tpu.memory_space<semaphore_mem>>
        %dma_start3A_145 = arith.constant 0 : i32
        %dma_start3A_146 = tpu.memref_slice %arg6[%add3A_39, %dma_start3A_145] : memref<16392x96xf32, #tpu.memory_space<vmem_shared>> -> memref<256x96xf32, #tpu.memory_space<vmem_shared>>
        %dma_start3A_147 = arith.constant 0 : i32
        %dma_start3A_148 = tpu.memref_slice %arg6[%add3A_39, %dma_start3A_147] : memref<16392x96xf32, #tpu.memory_space<vmem_shared>> -> memref<256x96xf32, #tpu.memory_space<vmem_shared>>
        tpu.enqueue_dma source(%arg12 : memref<256x96xf32, #tpu.memory_space<vmem>>) target(%dma_start3A_148 : memref<256x96xf32, #tpu.memory_space<vmem_shared>>) target_semaphore(%run_scoped3A_144 : memref<!tpu.dma_semaphore, #tpu.memory_space<semaphore_mem>>)
        %dma_wait3A_149 = arith.constant 0 : i32
        %dma_wait3A_150 = tpu.memref_slice %arg6[%add3A_39, %dma_wait3A_149] : memref<16392x96xf32, #tpu.memory_space<vmem_shared>> -> memref<256x96xf32, #tpu.memory_space<vmem_shared>>
        %dma_wait3A_151 = arith.constant 0 : i32
        %dma_wait3A_152 = tpu.memref_slice %arg6[%add3A_39, %dma_wait3A_151] : memref<16392x96xf32, #tpu.memory_space<vmem_shared>> -> memref<256x96xf32, #tpu.memory_space<vmem_shared>>
        tpu.wait_dma2 semaphore(%run_scoped3A_144 : memref<!tpu.dma_semaphore, #tpu.memory_space<semaphore_mem>>) src(%arg12 : memref<256x96xf32, #tpu.memory_space<vmem>>) dst(%dma_wait3A_152 : memref<256x96xf32, #tpu.memory_space<vmem_shared>>)
        tpu.yield
      }) : () -> ()
      %mul3A_40 = arith.constant 1024 : i32
      %mul3A_41 = arith.muli %arg1, %mul3A_40 : i32
      %add3A_42 = arith.constant 512 : i32
      %add3A_43 = arith.addi %mul3A_41, %add3A_42 : i32
      "tpu.region"() ({
        %run_scoped3A_144 = tpu.sem_alloc : memref<!tpu.dma_semaphore, #tpu.memory_space<semaphore_mem>>
        %dma_start3A_145 = arith.constant 0 : i32
        %dma_start3A_146 = tpu.memref_slice %arg6[%add3A_43, %dma_start3A_145] : memref<16392x96xf32, #tpu.memory_space<vmem_shared>> -> memref<256x96xf32, #tpu.memory_space<vmem_shared>>
        %dma_start3A_147 = arith.constant 0 : i32
        %dma_start3A_148 = tpu.memref_slice %arg6[%add3A_43, %dma_start3A_147] : memref<16392x96xf32, #tpu.memory_space<vmem_shared>> -> memref<256x96xf32, #tpu.memory_space<vmem_shared>>
        tpu.enqueue_dma source(%arg12 : memref<256x96xf32, #tpu.memory_space<vmem>>) target(%dma_start3A_148 : memref<256x96xf32, #tpu.memory_space<vmem_shared>>) target_semaphore(%run_scoped3A_144 : memref<!tpu.dma_semaphore, #tpu.memory_space<semaphore_mem>>)
        %dma_wait3A_149 = arith.constant 0 : i32
        %dma_wait3A_150 = tpu.memref_slice %arg6[%add3A_43, %dma_wait3A_149] : memref<16392x96xf32, #tpu.memory_space<vmem_shared>> -> memref<256x96xf32, #tpu.memory_space<vmem_shared>>
        %dma_wait3A_151 = arith.constant 0 : i32
        %dma_wait3A_152 = tpu.memref_slice %arg6[%add3A_43, %dma_wait3A_151] : memref<16392x96xf32, #tpu.memory_space<vmem_shared>> -> memref<256x96xf32, #tpu.memory_space<vmem_shared>>
        tpu.wait_dma2 semaphore(%run_scoped3A_144 : memref<!tpu.dma_semaphore, #tpu.memory_space<semaphore_mem>>) src(%arg12 : memref<256x96xf32, #tpu.memory_space<vmem>>) dst(%dma_wait3A_152 : memref<256x96xf32, #tpu.memory_space<vmem_shared>>)
        tpu.yield
      }) : () -> ()
      %mul3A_44 = arith.constant 1024 : i32
      %mul3A_45 = arith.muli %arg1, %mul3A_44 : i32
      %add3A_46 = arith.constant 768 : i32
      %add3A_47 = arith.addi %mul3A_45, %add3A_46 : i32
      "tpu.region"() ({
        %run_scoped3A_144 = tpu.sem_alloc : memref<!tpu.dma_semaphore, #tpu.memory_space<semaphore_mem>>
        %dma_start3A_145 = arith.constant 0 : i32
        %dma_start3A_146 = tpu.memref_slice %arg6[%add3A_47, %dma_start3A_145] : memref<16392x96xf32, #tpu.memory_space<vmem_shared>> -> memref<256x96xf32, #tpu.memory_space<vmem_shared>>
        %dma_start3A_147 = arith.constant 0 : i32
        %dma_start3A_148 = tpu.memref_slice %arg6[%add3A_47, %dma_start3A_147] : memref<16392x96xf32, #tpu.memory_space<vmem_shared>> -> memref<256x96xf32, #tpu.memory_space<vmem_shared>>
        tpu.enqueue_dma source(%arg12 : memref<256x96xf32, #tpu.memory_space<vmem>>) target(%dma_start3A_148 : memref<256x96xf32, #tpu.memory_space<vmem_shared>>) target_semaphore(%run_scoped3A_144 : memref<!tpu.dma_semaphore, #tpu.memory_space<semaphore_mem>>)
        %dma_wait3A_149 = arith.constant 0 : i32
        %dma_wait3A_150 = tpu.memref_slice %arg6[%add3A_47, %dma_wait3A_149] : memref<16392x96xf32, #tpu.memory_space<vmem_shared>> -> memref<256x96xf32, #tpu.memory_space<vmem_shared>>
        %dma_wait3A_151 = arith.constant 0 : i32
        %dma_wait3A_152 = tpu.memref_slice %arg6[%add3A_47, %dma_wait3A_151] : memref<16392x96xf32, #tpu.memory_space<vmem_shared>> -> memref<256x96xf32, #tpu.memory_space<vmem_shared>>
        tpu.wait_dma2 semaphore(%run_scoped3A_144 : memref<!tpu.dma_semaphore, #tpu.memory_space<semaphore_mem>>) src(%arg12 : memref<256x96xf32, #tpu.memory_space<vmem>>) dst(%dma_wait3A_152 : memref<256x96xf32, #tpu.memory_space<vmem_shared>>)
        tpu.yield
      }) : () -> ()
      %eq3A = arith.constant 15 : i32
      %eq3A_48 = arith.cmpi eq, %arg1, %eq3A : i32
      %convert_element_type3A = arith.extui %eq3A_48 : i1 to i32
      %cond3A = arith.constant 0 : i32
      %cond3A_49 = arith.cmpi ne, %convert_element_type3A, %cond3A : i32
      scf.if %cond3A_49 {
        "tpu.region"() ({
          %run_scoped3A_144 = tpu.sem_alloc : memref<!tpu.dma_semaphore, #tpu.memory_space<semaphore_mem>>
          %dma_start3A_145 = arith.constant 0 : i32
          %dma_start3A_146 = arith.constant 0 : i32
          %dma_start3A_147 = tpu.memref_slice %arg12[%dma_start3A_145, %dma_start3A_146] : memref<256x96xf32, #tpu.memory_space<vmem>> -> memref<8x96xf32, #tpu.memory_space<vmem>>
          %dma_start3A_148 = arith.constant 16384 : i32
          %dma_start3A_149 = arith.constant 0 : i32
          %dma_start3A_150 = tpu.memref_slice %arg6[%dma_start3A_148, %dma_start3A_149] : memref<16392x96xf32, #tpu.memory_space<vmem_shared>> -> memref<8x96xf32, #tpu.memory_space<vmem_shared>>
          %dma_start3A_151 = arith.constant 16384 : i32
          %dma_start3A_152 = arith.constant 0 : i32
          %dma_start3A_153 = tpu.memref_slice %arg6[%dma_start3A_151, %dma_start3A_152] : memref<16392x96xf32, #tpu.memory_space<vmem_shared>> -> memref<8x96xf32, #tpu.memory_space<vmem_shared>>
          %dma_start3A_154 = arith.constant 0 : i32
          %dma_start3A_155 = arith.constant 0 : i32
          %dma_start3A_156 = tpu.memref_slice %arg12[%dma_start3A_154, %dma_start3A_155] : memref<256x96xf32, #tpu.memory_space<vmem>> -> memref<8x96xf32, #tpu.memory_space<vmem>>
          tpu.enqueue_dma source(%dma_start3A_156 : memref<8x96xf32, #tpu.memory_space<vmem>>) target(%dma_start3A_153 : memref<8x96xf32, #tpu.memory_space<vmem_shared>>) target_semaphore(%run_scoped3A_144 : memref<!tpu.dma_semaphore, #tpu.memory_space<semaphore_mem>>)
          %dma_wait3A_157 = arith.constant 0 : i32
          %dma_wait3A_158 = arith.constant 0 : i32
          %dma_wait3A_159 = tpu.memref_slice %arg12[%dma_wait3A_157, %dma_wait3A_158] : memref<256x96xf32, #tpu.memory_space<vmem>> -> memref<8x96xf32, #tpu.memory_space<vmem>>
          %dma_wait3A_160 = arith.constant 16384 : i32
          %dma_wait3A_161 = arith.constant 0 : i32
          %dma_wait3A_162 = tpu.memref_slice %arg6[%dma_wait3A_160, %dma_wait3A_161] : memref<16392x96xf32, #tpu.memory_space<vmem_shared>> -> memref<8x96xf32, #tpu.memory_space<vmem_shared>>
          %dma_wait3A_163 = arith.constant 16384 : i32
          %dma_wait3A_164 = arith.constant 0 : i32
          %dma_wait3A_165 = tpu.memref_slice %arg6[%dma_wait3A_163, %dma_wait3A_164] : memref<16392x96xf32, #tpu.memory_space<vmem_shared>> -> memref<8x96xf32, #tpu.memory_space<vmem_shared>>
          %dma_wait3A_166 = arith.constant 0 : i32
          %dma_wait3A_167 = arith.constant 0 : i32
          %dma_wait3A_168 = tpu.memref_slice %arg12[%dma_wait3A_166, %dma_wait3A_167] : memref<256x96xf32, #tpu.memory_space<vmem>> -> memref<8x96xf32, #tpu.memory_space<vmem>>
          tpu.wait_dma2 semaphore(%run_scoped3A_144 : memref<!tpu.dma_semaphore, #tpu.memory_space<semaphore_mem>>) src(%dma_wait3A_168 : memref<8x96xf32, #tpu.memory_space<vmem>>) dst(%dma_wait3A_165 : memref<8x96xf32, #tpu.memory_space<vmem_shared>>)
          tpu.yield
        }) : () -> ()
      } else {
      }
      %barrier3A = arith.constant 0 : index
      tpu.barrier barrier_id(%barrier3A)
      %scan3A_50 = arith.constant 0 : i32
      %scan3A_51 = arith.constant 0 : i32
      %scan3A_52 = arith.constant 64 : i32
      %scan3A_53 = arith.addi %scan3A_51, %scan3A_52 : i32
      %scan3A_54 = arith.constant 1 : i32
      %scan3A_55 = scf.for %scan3A_144 = %scan3A_51 to %scan3A_53 step %scan3A_54 iter_args(%scan3A_145 = %scan3A_50) -> (i32)  : i32 {
        %mul3A_146 = arith.constant 65536 : i32
        %mul3A_147 = arith.muli %arg1, %mul3A_146 : i32
        %mul3A_148 = arith.constant 1024 : i32
        %mul3A_149 = arith.muli %scan3A_144, %mul3A_148 : i32
        %add3A_150 = arith.addi %mul3A_147, %mul3A_149 : i32
        %run_scoped3A_151 = arith.constant 0 : i32
        "tpu.region"() ({
          %run_scoped3A_159 = tpu.sem_alloc : memref<!tpu.dma_semaphore, #tpu.memory_space<semaphore_mem>>
          %dma_start3A_160 = tpu.memref_slice %arg3[%run_scoped3A_151, %add3A_150] : memref<2x1048576xi32, #tpu.memory_space<hbm>> -> memref<1x1024xi32, #tpu.memory_space<hbm>>
          %dma_start3A_161 = tpu.memref_squeeze %dma_start3A_160 : memref<1x1024xi32, #tpu.memory_space<hbm>> -> memref<1024xi32, #tpu.memory_space<hbm>>
          %dma_start3A_162 = tpu.memref_slice %arg3[%run_scoped3A_151, %add3A_150] : memref<2x1048576xi32, #tpu.memory_space<hbm>> -> memref<1x1024xi32, #tpu.memory_space<hbm>>
          %dma_start3A_163 = tpu.memref_squeeze %dma_start3A_162 : memref<1x1024xi32, #tpu.memory_space<hbm>> -> memref<1024xi32, #tpu.memory_space<hbm>>
          tpu.enqueue_dma source(%dma_start3A_163 : memref<1024xi32, #tpu.memory_space<hbm>>) target(%arg7 : memref<1024xi32, #tpu.memory_space<vmem>>) target_semaphore(%run_scoped3A_159 : memref<!tpu.dma_semaphore, #tpu.memory_space<semaphore_mem>>)
          %dma_wait3A_164 = tpu.memref_slice %arg3[%run_scoped3A_151, %add3A_150] : memref<2x1048576xi32, #tpu.memory_space<hbm>> -> memref<1x1024xi32, #tpu.memory_space<hbm>>
          %dma_wait3A_165 = tpu.memref_squeeze %dma_wait3A_164 : memref<1x1024xi32, #tpu.memory_space<hbm>> -> memref<1024xi32, #tpu.memory_space<hbm>>
          %dma_wait3A_166 = tpu.memref_slice %arg3[%run_scoped3A_151, %add3A_150] : memref<2x1048576xi32, #tpu.memory_space<hbm>> -> memref<1x1024xi32, #tpu.memory_space<hbm>>
          %dma_wait3A_167 = tpu.memref_squeeze %dma_wait3A_166 : memref<1x1024xi32, #tpu.memory_space<hbm>> -> memref<1024xi32, #tpu.memory_space<hbm>>
          tpu.wait_dma2 semaphore(%run_scoped3A_159 : memref<!tpu.dma_semaphore, #tpu.memory_space<semaphore_mem>>) src(%dma_wait3A_167 : memref<1024xi32, #tpu.memory_space<hbm>>) dst(%arg7 : memref<1024xi32, #tpu.memory_space<vmem>>)
          tpu.yield
        }) : () -> ()
        %run_scoped3A_152 = arith.constant 1 : i32
        "tpu.region"() ({
          %run_scoped3A_159 = tpu.sem_alloc : memref<!tpu.dma_semaphore, #tpu.memory_space<semaphore_mem>>
          %dma_start3A_160 = tpu.memref_slice %arg3[%run_scoped3A_152, %add3A_150] : memref<2x1048576xi32, #tpu.memory_space<hbm>> -> memref<1x1024xi32, #tpu.memory_space<hbm>>
          %dma_start3A_161 = tpu.memref_squeeze %dma_start3A_160 : memref<1x1024xi32, #tpu.memory_space<hbm>> -> memref<1024xi32, #tpu.memory_space<hbm>>
          %dma_start3A_162 = tpu.memref_slice %arg3[%run_scoped3A_152, %add3A_150] : memref<2x1048576xi32, #tpu.memory_space<hbm>> -> memref<1x1024xi32, #tpu.memory_space<hbm>>
          %dma_start3A_163 = tpu.memref_squeeze %dma_start3A_162 : memref<1x1024xi32, #tpu.memory_space<hbm>> -> memref<1024xi32, #tpu.memory_space<hbm>>
          tpu.enqueue_dma source(%dma_start3A_163 : memref<1024xi32, #tpu.memory_space<hbm>>) target(%arg8 : memref<1024xi32, #tpu.memory_space<vmem>>) target_semaphore(%run_scoped3A_159 : memref<!tpu.dma_semaphore, #tpu.memory_space<semaphore_mem>>)
          %dma_wait3A_164 = tpu.memref_slice %arg3[%run_scoped3A_152, %add3A_150] : memref<2x1048576xi32, #tpu.memory_space<hbm>> -> memref<1x1024xi32, #tpu.memory_space<hbm>>
          %dma_wait3A_165 = tpu.memref_squeeze %dma_wait3A_164 : memref<1x1024xi32, #tpu.memory_space<hbm>> -> memref<1024xi32, #tpu.memory_space<hbm>>
          %dma_wait3A_166 = tpu.memref_slice %arg3[%run_scoped3A_152, %add3A_150] : memref<2x1048576xi32, #tpu.memory_space<hbm>> -> memref<1x1024xi32, #tpu.memory_space<hbm>>
          %dma_wait3A_167 = tpu.memref_squeeze %dma_wait3A_166 : memref<1x1024xi32, #tpu.memory_space<hbm>> -> memref<1024xi32, #tpu.memory_space<hbm>>
          tpu.wait_dma2 semaphore(%run_scoped3A_159 : memref<!tpu.dma_semaphore, #tpu.memory_space<semaphore_mem>>) src(%dma_wait3A_167 : memref<1024xi32, #tpu.memory_space<hbm>>) dst(%arg8 : memref<1024xi32, #tpu.memory_space<vmem>>)
          tpu.yield
        }) : () -> ()
        "tpu.region"() ({
          %run_scoped3A_159 = tpu.sem_alloc : memref<!tpu.dma_semaphore, #tpu.memory_space<semaphore_mem>>
          %dma_start3A_160 = tpu.memref_slice %arg4[%add3A_150] : memref<1048576xi32, #tpu.memory_space<hbm>> -> memref<1024xi32, #tpu.memory_space<hbm>>
          %dma_start3A_161 = tpu.memref_slice %arg4[%add3A_150] : memref<1048576xi32, #tpu.memory_space<hbm>> -> memref<1024xi32, #tpu.memory_space<hbm>>
          tpu.enqueue_dma source(%dma_start3A_161 : memref<1024xi32, #tpu.memory_space<hbm>>) target(%arg9 : memref<1024xi32, #tpu.memory_space<vmem>>) target_semaphore(%run_scoped3A_159 : memref<!tpu.dma_semaphore, #tpu.memory_space<semaphore_mem>>)
          %dma_wait3A_162 = tpu.memref_slice %arg4[%add3A_150] : memref<1048576xi32, #tpu.memory_space<hbm>> -> memref<1024xi32, #tpu.memory_space<hbm>>
          %dma_wait3A_163 = tpu.memref_slice %arg4[%add3A_150] : memref<1048576xi32, #tpu.memory_space<hbm>> -> memref<1024xi32, #tpu.memory_space<hbm>>
          tpu.wait_dma2 semaphore(%run_scoped3A_159 : memref<!tpu.dma_semaphore, #tpu.memory_space<semaphore_mem>>) src(%dma_wait3A_163 : memref<1024xi32, #tpu.memory_space<hbm>>) dst(%arg9 : memref<1024xi32, #tpu.memory_space<vmem>>)
          tpu.yield
        }) : () -> ()
        %scan3A_153 = arith.constant 0 : i32
        %scan3A_154 = arith.constant 64 : i32
        %scan3A_155 = arith.addi %scan3A_153, %scan3A_154 : i32
        %scan3A_156 = arith.constant 1 : i32
        %scan3A_157 = scf.for %scan3A_159 = %scan3A_153 to %scan3A_155 step %scan3A_156 iter_args(%scan3A_160 = %scan3A_145) -> (i32)  : i32 {
          %mul3A_161 = arith.constant 16 : i32
          %mul3A_162 = arith.muli %scan3A_159, %mul3A_161 : i32
          %get3A = arith.index_cast %mul3A_162 : i32 to index
          %get3A_163 = tpu.vector_load %arg7[%get3A] {strides = array<i32>} : memref<1024xi32, #tpu.memory_space<vmem>>, vector<16xi32>,
          %mul3A_164 = arith.constant 16 : i32
          %mul3A_165 = arith.muli %scan3A_159, %mul3A_164 : i32
          %get3A_166 = arith.index_cast %mul3A_165 : i32 to index
          %get3A_167 = tpu.vector_load %arg8[%get3A_166] {strides = array<i32>} : memref<1024xi32, #tpu.memory_space<vmem>>, vector<16xi32>,
          %mul3A_168 = arith.constant 16 : i32
          %mul3A_169 = arith.muli %scan3A_159, %mul3A_168 : i32
          %get3A_170 = arith.index_cast %mul3A_169 : i32 to index
          %get3A_171 = tpu.vector_load %arg9[%get3A_170] {strides = array<i32>} : memref<1024xi32, #tpu.memory_space<vmem>>, vector<16xi32>,
          %ge3A = vector.broadcast %mul3A_24 : i32 to vector<16xi32>
          %ge3A_172 = arith.cmpi sge, %get3A_167, %ge3A : vector<16xi32>
          %add3A_173 = arith.constant 4096 : i32
          %add3A_174 = arith.addi %mul3A_24, %add3A_173 : i32
          %lt3A = vector.broadcast %add3A_174 : i32 to vector<16xi32>
          %lt3A_175 = arith.cmpi slt, %get3A_167, %lt3A : vector<16xi32>
          %and3A = arith.andi %ge3A_172, %lt3A_175 : vector<16xi1>
          %sub3A = vector.broadcast %mul3A_24 : i32 to vector<16xi32>
          %sub3A_176 = arith.subi %get3A_167, %sub3A : vector<16xi32>
          %mul3A_177 = arith.constant 4 : i32
          %mul3A_178 = vector.broadcast %mul3A_177 : i32 to vector<16xi32>
          %mul3A_179 = arith.muli %sub3A_176, %mul3A_178 : vector<16xi32>
          %add3A_180 = arith.addi %mul3A_179, %get3A_171 : vector<16xi32>
          %jit3A = arith.constant 16384 : i32
          %broadcast_in_dim3A = vector.broadcast %jit3A : i32 to vector<16xi32>
          %select_n3A = arith.select %and3A, %add3A_180, %broadcast_in_dim3A : vector<16xi1>, vector<16xi32>
          %jit3A_181 = arith.constant 0 : i32
          %broadcast_in_dim3A_182 = vector.broadcast %jit3A_181 : i32 to vector<16xi32>
          %select_n3A_183 = arith.select %and3A, %get3A_163, %broadcast_in_dim3A_182 : vector<16xi1>, vector<16xi32>
          %gt3A = arith.constant 224 : i32
          %gt3A_184 = arith.cmpi sgt, %scan3A_160, %gt3A : i32
          %convert_element_type3A_185 = arith.extui %gt3A_184 : i1 to i32
          %cond3A_186 = arith.constant 0 : i32
          %cond3A_187 = arith.cmpi ne, %convert_element_type3A_185, %cond3A_186 : i32
          %cond3A_188 = scf.if %cond3A_187 -> (i32) {
            %dma_start3A_213 = arith.constant 0 : i32
            %dma_start3A_214 = arith.constant 0 : i32
            %dma_start3A_215 = arith.constant 0 : i32
            %dma_start3A_216 = tpu.memref_slice %arg12[%dma_start3A_214, %dma_start3A_215] : memref<256x96xf32, #tpu.memory_space<vmem>> -> memref<128x96xf32, #tpu.memory_space<vmem>>
            %dma_start3A_217 = arith.constant 0 : i32
            %dma_start3A_218 = tpu.memref_slice %arg10[%dma_start3A_213, %dma_start3A_217] : memref<2x128xi32, #tpu.memory_space<vmem>> -> memref<1x128xi32, #tpu.memory_space<vmem>>
            %dma_start3A_219 = tpu.memref_squeeze %dma_start3A_218 : memref<1x128xi32, #tpu.memory_space<vmem>> -> memref<128xi32, #tpu.memory_space<vmem>>
            %dma_start3A_220 = arith.constant 0 : i32
            %dma_start3A_221 = arith.constant 0 : i32
            %dma_start3A_222 = tpu.memref_slice %arg2[%dma_start3A_220, %dma_start3A_221] : memref<32768x96xf32, #tpu.memory_space<hbm>> -> memref<32768x96xf32, #tpu.memory_space<hbm>>
            tpu.enqueue_indirect_dma source(%dma_start3A_222 : memref<32768x96xf32, #tpu.memory_space<hbm>>) target(%dma_start3A_216 : memref<128x96xf32, #tpu.memory_space<vmem>>) offsets(%dma_start3A_219 : memref<128xi32, #tpu.memory_space<vmem>>) semaphore(%arg13 : memref<!tpu.dma_semaphore, #tpu.memory_space<semaphore_mem>>)
            %dma_wait3A_223 = arith.constant 0 : i32
            %dma_wait3A_224 = arith.constant 0 : i32
            %dma_wait3A_225 = arith.constant 0 : i32
            %dma_wait3A_226 = tpu.memref_slice %arg12[%dma_wait3A_224, %dma_wait3A_225] : memref<256x96xf32, #tpu.memory_space<vmem>> -> memref<128x96xf32, #tpu.memory_space<vmem>>
            %dma_wait3A_227 = arith.constant 0 : i32
            %dma_wait3A_228 = tpu.memref_slice %arg10[%dma_wait3A_223, %dma_wait3A_227] : memref<2x128xi32, #tpu.memory_space<vmem>> -> memref<1x128xi32, #tpu.memory_space<vmem>>
            %dma_wait3A_229 = tpu.memref_squeeze %dma_wait3A_228 : memref<1x128xi32, #tpu.memory_space<vmem>> -> memref<128xi32, #tpu.memory_space<vmem>>
            %dma_wait3A_230 = arith.constant 0 : i32
            %dma_wait3A_231 = arith.constant 0 : i32
            %dma_wait3A_232 = tpu.memref_slice %arg2[%dma_wait3A_230, %dma_wait3A_231] : memref<32768x96xf32, #tpu.memory_space<hbm>> -> memref<32768x96xf32, #tpu.memory_space<hbm>>
            tpu.wait_indirect_dma semaphore(%arg13 : memref<!tpu.dma_semaphore, #tpu.memory_space<semaphore_mem>>) src(%dma_wait3A_232 : memref<32768x96xf32, #tpu.memory_space<hbm>>) dst(%dma_wait3A_226 : memref<128x96xf32, #tpu.memory_space<vmem>>)
            %dma_start3A_233 = arith.constant 1 : i32
            %dma_start3A_234 = arith.constant 128 : i32
            %dma_start3A_235 = arith.constant 0 : i32
            %dma_start3A_236 = tpu.memref_slice %arg12[%dma_start3A_234, %dma_start3A_235] : memref<256x96xf32, #tpu.memory_space<vmem>> -> memref<128x96xf32, #tpu.memory_space<vmem>>
            %dma_start3A_237 = arith.constant 0 : i32
            %dma_start3A_238 = tpu.memref_slice %arg10[%dma_start3A_233, %dma_start3A_237] : memref<2x128xi32, #tpu.memory_space<vmem>> -> memref<1x128xi32, #tpu.memory_space<vmem>>
            %dma_start3A_239 = tpu.memref_squeeze %dma_start3A_238 : memref<1x128xi32, #tpu.memory_space<vmem>> -> memref<128xi32, #tpu.memory_space<vmem>>
            %dma_start3A_240 = arith.constant 0 : i32
            %dma_start3A_241 = arith.constant 0 : i32
            %dma_start3A_242 = tpu.memref_slice %arg2[%dma_start3A_240, %dma_start3A_241] : memref<32768x96xf32, #tpu.memory_space<hbm>> -> memref<32768x96xf32, #tpu.memory_space<hbm>>
            tpu.enqueue_indirect_dma source(%dma_start3A_242 : memref<32768x96xf32, #tpu.memory_space<hbm>>) target(%dma_start3A_236 : memref<128x96xf32, #tpu.memory_space<vmem>>) offsets(%dma_start3A_239 : memref<128xi32, #tpu.memory_space<vmem>>) semaphore(%arg13 : memref<!tpu.dma_semaphore, #tpu.memory_space<semaphore_mem>>)
            %dma_wait3A_243 = arith.constant 1 : i32
            %dma_wait3A_244 = arith.constant 128 : i32
            %dma_wait3A_245 = arith.constant 0 : i32
            %dma_wait3A_246 = tpu.memref_slice %arg12[%dma_wait3A_244, %dma_wait3A_245] : memref<256x96xf32, #tpu.memory_space<vmem>> -> memref<128x96xf32, #tpu.memory_space<vmem>>
            %dma_wait3A_247 = arith.constant 0 : i32
            %dma_wait3A_248 = tpu.memref_slice %arg10[%dma_wait3A_243, %dma_wait3A_247] : memref<2x128xi32, #tpu.memory_space<vmem>> -> memref<1x128xi32, #tpu.memory_space<vmem>>
            %dma_wait3A_249 = tpu.memref_squeeze %dma_wait3A_248 : memref<1x128xi32, #tpu.memory_space<vmem>> -> memref<128xi32, #tpu.memory_space<vmem>>
            %dma_wait3A_250 = arith.constant 0 : i32
            %dma_wait3A_251 = arith.constant 0 : i32
            %dma_wait3A_252 = tpu.memref_slice %arg2[%dma_wait3A_250, %dma_wait3A_251] : memref<32768x96xf32, #tpu.memory_space<hbm>> -> memref<32768x96xf32, #tpu.memory_space<hbm>>
            tpu.wait_indirect_dma semaphore(%arg13 : memref<!tpu.dma_semaphore, #tpu.memory_space<semaphore_mem>>) src(%dma_wait3A_252 : memref<32768x96xf32, #tpu.memory_space<hbm>>) dst(%dma_wait3A_246 : memref<128x96xf32, #tpu.memory_space<vmem>>)
            %run_scoped3A_253 = arith.constant 0 : i32
            "tpu.region"() ({
              %run_scoped3A_270 = tpu.sem_alloc : memref<!tpu.dma_semaphore, #tpu.memory_space<semaphore_mem>>
              %dma_start3A_271 = arith.constant 0 : i32
              %dma_start3A_272 = arith.constant 0 : i32
              %dma_start3A_273 = tpu.memref_slice %arg12[%dma_start3A_271, %dma_start3A_272] : memref<256x96xf32, #tpu.memory_space<vmem>> -> memref<128x96xf32, #tpu.memory_space<vmem>>
              %dma_start3A_274 = arith.constant 0 : i32
              %dma_start3A_275 = tpu.memref_slice %arg11[%run_scoped3A_253, %dma_start3A_274] : memref<2x128xi32, #tpu.memory_space<vmem>> -> memref<1x128xi32, #tpu.memory_space<vmem>>
              %dma_start3A_276 = tpu.memref_squeeze %dma_start3A_275 : memref<1x128xi32, #tpu.memory_space<vmem>> -> memref<128xi32, #tpu.memory_space<vmem>>
              %dma_start3A_277 = arith.constant 0 : i32
              %dma_start3A_278 = arith.constant 0 : i32
              %dma_start3A_279 = tpu.memref_slice %arg6[%dma_start3A_277, %dma_start3A_278] : memref<16392x96xf32, #tpu.memory_space<vmem_shared>> -> memref<16392x96xf32, #tpu.memory_space<vmem_shared>>
              tpu.enqueue_indirect_dma source(%dma_start3A_273 : memref<128x96xf32, #tpu.memory_space<vmem>>) target(%dma_start3A_279 : memref<16392x96xf32, #tpu.memory_space<vmem_shared>>) offsets(%dma_start3A_276 : memref<128xi32, #tpu.memory_space<vmem>>) semaphore(%run_scoped3A_270 : memref<!tpu.dma_semaphore, #tpu.memory_space<semaphore_mem>>) {add = true}
              %dma_wait3A_280 = arith.constant 0 : i32
              %dma_wait3A_281 = arith.constant 0 : i32
              %dma_wait3A_282 = tpu.memref_slice %arg12[%dma_wait3A_280, %dma_wait3A_281] : memref<256x96xf32, #tpu.memory_space<vmem>> -> memref<128x96xf32, #tpu.memory_space<vmem>>
              %dma_wait3A_283 = arith.constant 0 : i32
              %dma_wait3A_284 = tpu.memref_slice %arg11[%run_scoped3A_253, %dma_wait3A_283] : memref<2x128xi32, #tpu.memory_space<vmem>> -> memref<1x128xi32, #tpu.memory_space<vmem>>
              %dma_wait3A_285 = tpu.memref_squeeze %dma_wait3A_284 : memref<1x128xi32, #tpu.memory_space<vmem>> -> memref<128xi32, #tpu.memory_space<vmem>>
              %dma_wait3A_286 = arith.constant 0 : i32
              %dma_wait3A_287 = arith.constant 0 : i32
              %dma_wait3A_288 = tpu.memref_slice %arg6[%dma_wait3A_286, %dma_wait3A_287] : memref<16392x96xf32, #tpu.memory_space<vmem_shared>> -> memref<16392x96xf32, #tpu.memory_space<vmem_shared>>
              tpu.wait_indirect_dma semaphore(%run_scoped3A_270 : memref<!tpu.dma_semaphore, #tpu.memory_space<semaphore_mem>>) src(%dma_wait3A_282 : memref<128x96xf32, #tpu.memory_space<vmem>>) dst(%dma_wait3A_288 : memref<16392x96xf32, #tpu.memory_space<vmem_shared>>)
              tpu.yield
            }) : () -> ()
            %run_scoped3A_254 = arith.constant 1 : i32
            "tpu.region"() ({
              %run_scoped3A_270 = tpu.sem_alloc : memref<!tpu.dma_semaphore, #tpu.memory_space<semaphore_mem>>
              %dma_start3A_271 = arith.constant 128 : i32
              %dma_start3A_272 = arith.constant 0 : i32
              %dma_start3A_273 = tpu.memref_slice %arg12[%dma_start3A_271, %dma_start3A_272] : memref<256x96xf32, #tpu.memory_space<vmem>> -> memref<128x96xf32, #tpu.memory_space<vmem>>
              %dma_start3A_274 = arith.constant 0 : i32
              %dma_start3A_275 = tpu.memref_slice %arg11[%run_scoped3A_254, %dma_start3A_274] : memref<2x128xi32, #tpu.memory_space<vmem>> -> memref<1x128xi32, #tpu.memory_space<vmem>>
              %dma_start3A_276 = tpu.memref_squeeze %dma_start3A_275 : memref<1x128xi32, #tpu.memory_space<vmem>> -> memref<128xi32, #tpu.memory_space<vmem>>
              %dma_start3A_277 = arith.constant 0 : i32
              %dma_start3A_278 = arith.constant 0 : i32
              %dma_start3A_279 = tpu.memref_slice %arg6[%dma_start3A_277, %dma_start3A_278] : memref<16392x96xf32, #tpu.memory_space<vmem_shared>> -> memref<16392x96xf32, #tpu.memory_space<vmem_shared>>
              tpu.enqueue_indirect_dma source(%dma_start3A_273 : memref<128x96xf32, #tpu.memory_space<vmem>>) target(%dma_start3A_279 : memref<16392x96xf32, #tpu.memory_space<vmem_shared>>) offsets(%dma_start3A_276 : memref<128xi32, #tpu.memory_space<vmem>>) semaphore(%run_scoped3A_270 : memref<!tpu.dma_semaphore, #tpu.memory_space<semaphore_mem>>) {add = true}
              %dma_wait3A_280 = arith.constant 128 : i32
              %dma_wait3A_281 = arith.constant 0 : i32
              %dma_wait3A_282 = tpu.memref_slice %arg12[%dma_wait3A_280, %dma_wait3A_281] : memref<256x96xf32, #tpu.memory_space<vmem>> -> memref<128x96xf32, #tpu.memory_space<vmem>>
              %dma_wait3A_283 = arith.constant 0 : i32
              %dma_wait3A_284 = tpu.memref_slice %arg11[%run_scoped3A_254, %dma_wait3A_283] : memref<2x128xi32, #tpu.memory_space<vmem>> -> memref<1x128xi32, #tpu.memory_space<vmem>>
              %dma_wait3A_285 = tpu.memref_squeeze %dma_wait3A_284 : memref<1x128xi32, #tpu.memory_space<vmem>> -> memref<128xi32, #tpu.memory_space<vmem>>
              %dma_wait3A_286 = arith.constant 0 : i32
              %dma_wait3A_287 = arith.constant 0 : i32
              %dma_wait3A_288 = tpu.memref_slice %arg6[%dma_wait3A_286, %dma_wait3A_287] : memref<16392x96xf32, #tpu.memory_space<vmem_shared>> -> memref<16392x96xf32, #tpu.memory_space<vmem_shared>>
              tpu.wait_indirect_dma semaphore(%run_scoped3A_270 : memref<!tpu.dma_semaphore, #tpu.memory_space<semaphore_mem>>) src(%dma_wait3A_282 : memref<128x96xf32, #tpu.memory_space<vmem>>) dst(%dma_wait3A_288 : memref<16392x96xf32, #tpu.memory_space<vmem_shared>>)
              tpu.yield
            }) : () -> ()
            %scan3A_255 = arith.constant 0 : i32
            %scan3A_256 = arith.constant 0 : i32
            %scan3A_257 = arith.constant 16 : i32
            %scan3A_258 = arith.addi %scan3A_256, %scan3A_257 : i32
            %scan3A_259 = arith.constant 1 : i32
            %scan3A_260 = scf.for %scan3A_270 = %scan3A_256 to %scan3A_258 step %scan3A_259 iter_args(%scan3A_271 = %scan3A_255) -> (i32)  : i32 {
              %broadcast_in_dim3A_272 = arith.constant 16384 : i32
              %broadcast_in_dim3A_273 = vector.broadcast %broadcast_in_dim3A_272 : i32 to vector<16xi32>
              %jit3A_274 = arith.constant 8 : i32
              %div3A = arith.divsi %scan3A_270, %jit3A_274 : i32
              %sign3A = arith.constant 0 : i32
              %sign3A_275 = arith.cmpi sgt, %scan3A_270, %sign3A : i32
              %sign3A_276 = arith.extui %sign3A_275 : i1 to i32
              %sign3A_277 = arith.constant 0 : i32
              %sign3A_278 = arith.cmpi slt, %scan3A_270, %sign3A_277 : i32
              %sign3A_279 = arith.extui %sign3A_278 : i1 to i32
              %sign3A_280 = arith.subi %sign3A_276, %sign3A_279 : i32
              %sign3A_281 = arith.constant 0 : i32
              %sign3A_282 = arith.cmpi sgt, %jit3A_274, %sign3A_281 : i32
              %sign3A_283 = arith.extui %sign3A_282 : i1 to i32
              %sign3A_284 = arith.constant 0 : i32
              %sign3A_285 = arith.cmpi slt, %jit3A_274, %sign3A_284 : i32
              %sign3A_286 = arith.extui %sign3A_285 : i1 to i32
              %sign3A_287 = arith.subi %sign3A_283, %sign3A_286 : i32
              %ne3A = arith.cmpi ne, %sign3A_280, %sign3A_287 : i32
              %rem3A = arith.remsi %scan3A_270, %jit3A_274 : i32
              %ne3A_288 = arith.constant 0 : i32
              %ne3A_289 = arith.cmpi ne, %rem3A, %ne3A_288 : i32
              %and3A_290 = arith.andi %ne3A, %ne3A_289 : i1
              %sub3A_291 = arith.constant 1 : i32
              %sub3A_292 = arith.subi %div3A, %sub3A_291 : i32
              %select_n3A_293 = arith.select %and3A_290, %sub3A_292, %div3A : i32
              %jit3A_294 = arith.constant 8 : i32
              %eq3A_295 = arith.constant 0 : i32
              %eq3A_296 = arith.cmpi eq, %jit3A_294, %eq3A_295 : i32
              %jit3A_297 = arith.constant 1 : i32
              %select_n3A_298 = arith.select %eq3A_296, %jit3A_297, %jit3A_294 : i32
              %rem3A_299 = arith.remsi %scan3A_270, %select_n3A_298 : i32
              %ne3A_300 = arith.constant 0 : i32
              %ne3A_301 = arith.cmpi ne, %rem3A_299, %ne3A_300 : i32
              %lt3A_302 = arith.constant 0 : i32
              %lt3A_303 = arith.cmpi slt, %rem3A_299, %lt3A_302 : i32
              %lt3A_304 = arith.constant 0 : i32
              %lt3A_305 = arith.cmpi slt, %select_n3A_298, %lt3A_304 : i32
              %ne3A_306 = arith.xori %lt3A_303, %lt3A_305 : i1
              %and3A_307 = arith.andi %ne3A_306, %ne3A_301 : i1
              %add3A_308 = arith.addi %rem3A_299, %select_n3A_298 : i32
              %select_n3A_309 = arith.select %and3A_307, %add3A_308, %rem3A_299 : i32
              %mul3A_310 = arith.constant 16 : i32
              %mul3A_311 = arith.muli %select_n3A_309, %mul3A_310 : i32
              %swap3A = arith.index_cast %select_n3A_293 : i32 to index
              %swap3A_312 = arith.index_cast %mul3A_311 : i32 to index
              %swap3A_313 = tpu.vector_load %arg11[%swap3A, %swap3A_312] {strides = array<i32>} : memref<2x128xi32, #tpu.memory_space<vmem>>, vector<16xi32>,
              tpu.vector_store %arg11[%swap3A, %swap3A_312], %broadcast_in_dim3A_273 {strides = array<i32>} : memref<2x128xi32, #tpu.memory_space<vmem>>, vector<16xi32>,
              %scan3A_314 = arith.constant 0 : i32
              scf.yield %scan3A_314 : i32
            }
            %scan3A_261 = arith.constant 16 : i32
            %scan3A_262 = arith.constant 0 : i32
            %scan3A_263 = arith.constant 0 : i32
            %scan3A_264 = arith.constant 16 : i32
            %scan3A_265 = arith.addi %scan3A_263, %scan3A_264 : i32
            %scan3A_266 = arith.constant 1 : i32
            %scan3A_267 = scf.for %scan3A_270 = %scan3A_263 to %scan3A_265 step %scan3A_266 iter_args(%scan3A_271 = %scan3A_262) -> (i32)  : i32 {
              %broadcast_in_dim3A_272 = arith.constant 0 : i32
              %broadcast_in_dim3A_273 = vector.broadcast %broadcast_in_dim3A_272 : i32 to vector<16xi32>
              %jit3A_274 = arith.constant 8 : i32
              %div3A = arith.divsi %scan3A_270, %jit3A_274 : i32
              %sign3A = arith.constant 0 : i32
              %sign3A_275 = arith.cmpi sgt, %scan3A_270, %sign3A : i32
              %sign3A_276 = arith.extui %sign3A_275 : i1 to i32
              %sign3A_277 = arith.constant 0 : i32
              %sign3A_278 = arith.cmpi slt, %scan3A_270, %sign3A_277 : i32
              %sign3A_279 = arith.extui %sign3A_278 : i1 to i32
              %sign3A_280 = arith.subi %sign3A_276, %sign3A_279 : i32
              %sign3A_281 = arith.constant 0 : i32
              %sign3A_282 = arith.cmpi sgt, %jit3A_274, %sign3A_281 : i32
              %sign3A_283 = arith.extui %sign3A_282 : i1 to i32
              %sign3A_284 = arith.constant 0 : i32
              %sign3A_285 = arith.cmpi slt, %jit3A_274, %sign3A_284 : i32
              %sign3A_286 = arith.extui %sign3A_285 : i1 to i32
              %sign3A_287 = arith.subi %sign3A_283, %sign3A_286 : i32
              %ne3A = arith.cmpi ne, %sign3A_280, %sign3A_287 : i32
              %rem3A = arith.remsi %scan3A_270, %jit3A_274 : i32
              %ne3A_288 = arith.constant 0 : i32
              %ne3A_289 = arith.cmpi ne, %rem3A, %ne3A_288 : i32
              %and3A_290 = arith.andi %ne3A, %ne3A_289 : i1
              %sub3A_291 = arith.constant 1 : i32
              %sub3A_292 = arith.subi %div3A, %sub3A_291 : i32
              %select_n3A_293 = arith.select %and3A_290, %sub3A_292, %div3A : i32
              %jit3A_294 = arith.constant 8 : i32
              %eq3A_295 = arith.constant 0 : i32
              %eq3A_296 = arith.cmpi eq, %jit3A_294, %eq3A_295 : i32
              %jit3A_297 = arith.constant 1 : i32
              %select_n3A_298 = arith.select %eq3A_296, %jit3A_297, %jit3A_294 : i32
              %rem3A_299 = arith.remsi %scan3A_270, %select_n3A_298 : i32
              %ne3A_300 = arith.constant 0 : i32
              %ne3A_301 = arith.cmpi ne, %rem3A_299, %ne3A_300 : i32
              %lt3A_302 = arith.constant 0 : i32
              %lt3A_303 = arith.cmpi slt, %rem3A_299, %lt3A_302 : i32
              %lt3A_304 = arith.constant 0 : i32
              %lt3A_305 = arith.cmpi slt, %select_n3A_298, %lt3A_304 : i32
              %ne3A_306 = arith.xori %lt3A_303, %lt3A_305 : i1
              %and3A_307 = arith.andi %ne3A_306, %ne3A_301 : i1
              %add3A_308 = arith.addi %rem3A_299, %select_n3A_298 : i32
              %select_n3A_309 = arith.select %and3A_307, %add3A_308, %rem3A_299 : i32
              %mul3A_310 = arith.constant 16 : i32
              %mul3A_311 = arith.muli %select_n3A_309, %mul3A_310 : i32
              %swap3A = arith.index_cast %select_n3A_293 : i32 to index
              %swap3A_312 = arith.index_cast %mul3A_311 : i32 to index
              %swap3A_313 = tpu.vector_load %arg10[%swap3A, %swap3A_312] {strides = array<i32>} : memref<2x128xi32, #tpu.memory_space<vmem>>, vector<16xi32>,
              tpu.vector_store %arg10[%swap3A, %swap3A_312], %broadcast_in_dim3A_273 {strides = array<i32>} : memref<2x128xi32, #tpu.memory_space<vmem>>, vector<16xi32>,
              %scan3A_314 = arith.constant 0 : i32
              scf.yield %scan3A_314 : i32
            }
            %scan3A_268 = arith.constant 16 : i32
            %cond3A_269 = arith.constant 0 : i32
            scf.yield %cond3A_269 : i32
          } else {
            scf.yield %scan3A_160 : i32
          }
          %convert_element_type3A_189 = arith.extui %and3A : vector<16xi1> to vector<16xi32>
          %broadcast_in_dim3A_190 = arith.constant true
          %broadcast_in_dim3A_191 = vector.broadcast %broadcast_in_dim3A_190 : i1 to vector<16xi1>
          %masked_cumsum3A = tpu.scan <sum>, %convert_element_type3A_189 masked %broadcast_in_dim3A_191 : vector<16xi32>, vector<16xi1> -> vector<16xi32>
          %add3A_192 = vector.broadcast %cond3A_188 : i32 to vector<16xi32>
          %add3A_193 = arith.addi %add3A_192, %masked_cumsum3A : vector<16xi32>
          %sub3A_194 = arith.constant 1 : i32
          %sub3A_195 = vector.broadcast %sub3A_194 : i32 to vector<16xi32>
          %sub3A_196 = arith.subi %add3A_193, %sub3A_195 : vector<16xi32>
          %iota3A = tpu.iota {dimensions = array<i32: 0>} : vector<16xi32>
          %add3A_197 = arith.constant 240 : i32
          %add3A_198 = vector.broadcast %add3A_197 : i32 to vector<16xi32>
          %add3A_199 = arith.addi %add3A_198, %iota3A : vector<16xi32>
          %select_n3A_200 = arith.select %and3A, %sub3A_196, %add3A_199 : vector<16xi1>, vector<16xi32>
          %shift_right_arithmetic3A = arith.constant 7 : i32
          %shift_right_arithmetic3A_201 = vector.broadcast %shift_right_arithmetic3A : i32 to vector<16xi32>
          %shift_right_arithmetic3A_202 = arith.shrsi %select_n3A_200, %shift_right_arithmetic3A_201 : vector<16xi32>
          %and3A_203 = arith.constant 127 : i32
          %and3A_204 = vector.broadcast %and3A_203 : i32 to vector<16xi32>
          %and3A_205 = arith.andi %select_n3A_200, %and3A_204 : vector<16xi32>
          tpu.vector_store_idx %arg11[%shift_right_arithmetic3A_202, %and3A_205], %select_n3A : memref<2x128xi32, #tpu.memory_space<vmem>>[vector<16xi32>, vector<16xi32>], vector<16xi32>,
          %shift_right_arithmetic3A_206 = arith.constant 7 : i32
          %shift_right_arithmetic3A_207 = vector.broadcast %shift_right_arithmetic3A_206 : i32 to vector<16xi32>
          %shift_right_arithmetic3A_208 = arith.shrsi %select_n3A_200, %shift_right_arithmetic3A_207 : vector<16xi32>
          %and3A_209 = arith.constant 127 : i32
          %and3A_210 = vector.broadcast %and3A_209 : i32 to vector<16xi32>
          %and3A_211 = arith.andi %select_n3A_200, %and3A_210 : vector<16xi32>
          tpu.vector_store_idx %arg10[%shift_right_arithmetic3A_208, %and3A_211], %select_n3A_183 : memref<2x128xi32, #tpu.memory_space<vmem>>[vector<16xi32>, vector<16xi32>], vector<16xi32>,
          %slice3A = vector.extract_strided_slice %masked_cumsum3A {offsets = [15], sizes = [1], strides = [1]} : vector<16xi32> to vector<1xi32>
          %squeeze3A = vector.extract %slice3A[0] : i32 from vector<1xi32>
          %add3A_212 = arith.addi %cond3A_188, %squeeze3A : i32
          scf.yield %add3A_212 : i32
        }
        %scan3A_158 = arith.constant 64 : i32
        scf.yield %scan3A_157 : i32
      }
      %scan3A_56 = arith.constant 64 : i32
      %dma_start3A = arith.constant 0 : i32
      %dma_start3A_57 = arith.constant 0 : i32
      %dma_start3A_58 = arith.constant 0 : i32
      %dma_start3A_59 = tpu.memref_slice %arg12[%dma_start3A_57, %dma_start3A_58] : memref<256x96xf32, #tpu.memory_space<vmem>> -> memref<128x96xf32, #tpu.memory_space<vmem>>
      %dma_start3A_60 = arith.constant 0 : i32
      %dma_start3A_61 = tpu.memref_slice %arg10[%dma_start3A, %dma_start3A_60] : memref<2x128xi32, #tpu.memory_space<vmem>> -> memref<1x128xi32, #tpu.memory_space<vmem>>
      %dma_start3A_62 = tpu.memref_squeeze %dma_start3A_61 : memref<1x128xi32, #tpu.memory_space<vmem>> -> memref<128xi32, #tpu.memory_space<vmem>>
      %dma_start3A_63 = arith.constant 0 : i32
      %dma_start3A_64 = arith.constant 0 : i32
      %dma_start3A_65 = tpu.memref_slice %arg2[%dma_start3A_63, %dma_start3A_64] : memref<32768x96xf32, #tpu.memory_space<hbm>> -> memref<32768x96xf32, #tpu.memory_space<hbm>>
      tpu.enqueue_indirect_dma source(%dma_start3A_65 : memref<32768x96xf32, #tpu.memory_space<hbm>>) target(%dma_start3A_59 : memref<128x96xf32, #tpu.memory_space<vmem>>) offsets(%dma_start3A_62 : memref<128xi32, #tpu.memory_space<vmem>>) semaphore(%arg13 : memref<!tpu.dma_semaphore, #tpu.memory_space<semaphore_mem>>)
      %dma_wait3A = arith.constant 0 : i32
      %dma_wait3A_66 = arith.constant 0 : i32
      %dma_wait3A_67 = arith.constant 0 : i32
      %dma_wait3A_68 = tpu.memref_slice %arg12[%dma_wait3A_66, %dma_wait3A_67] : memref<256x96xf32, #tpu.memory_space<vmem>> -> memref<128x96xf32, #tpu.memory_space<vmem>>
      %dma_wait3A_69 = arith.constant 0 : i32
      %dma_wait3A_70 = tpu.memref_slice %arg10[%dma_wait3A, %dma_wait3A_69] : memref<2x128xi32, #tpu.memory_space<vmem>> -> memref<1x128xi32, #tpu.memory_space<vmem>>
      %dma_wait3A_71 = tpu.memref_squeeze %dma_wait3A_70 : memref<1x128xi32, #tpu.memory_space<vmem>> -> memref<128xi32, #tpu.memory_space<vmem>>
      %dma_wait3A_72 = arith.constant 0 : i32
      %dma_wait3A_73 = arith.constant 0 : i32
      %dma_wait3A_74 = tpu.memref_slice %arg2[%dma_wait3A_72, %dma_wait3A_73] : memref<32768x96xf32, #tpu.memory_space<hbm>> -> memref<32768x96xf32, #tpu.memory_space<hbm>>
      tpu.wait_indirect_dma semaphore(%arg13 : memref<!tpu.dma_semaphore, #tpu.memory_space<semaphore_mem>>) src(%dma_wait3A_74 : memref<32768x96xf32, #tpu.memory_space<hbm>>) dst(%dma_wait3A_68 : memref<128x96xf32, #tpu.memory_space<vmem>>)
      %dma_start3A_75 = arith.constant 1 : i32
      %dma_start3A_76 = arith.constant 128 : i32
      %dma_start3A_77 = arith.constant 0 : i32
      %dma_start3A_78 = tpu.memref_slice %arg12[%dma_start3A_76, %dma_start3A_77] : memref<256x96xf32, #tpu.memory_space<vmem>> -> memref<128x96xf32, #tpu.memory_space<vmem>>
      %dma_start3A_79 = arith.constant 0 : i32
      %dma_start3A_80 = tpu.memref_slice %arg10[%dma_start3A_75, %dma_start3A_79] : memref<2x128xi32, #tpu.memory_space<vmem>> -> memref<1x128xi32, #tpu.memory_space<vmem>>
      %dma_start3A_81 = tpu.memref_squeeze %dma_start3A_80 : memref<1x128xi32, #tpu.memory_space<vmem>> -> memref<128xi32, #tpu.memory_space<vmem>>
      %dma_start3A_82 = arith.constant 0 : i32
      %dma_start3A_83 = arith.constant 0 : i32
      %dma_start3A_84 = tpu.memref_slice %arg2[%dma_start3A_82, %dma_start3A_83] : memref<32768x96xf32, #tpu.memory_space<hbm>> -> memref<32768x96xf32, #tpu.memory_space<hbm>>
      tpu.enqueue_indirect_dma source(%dma_start3A_84 : memref<32768x96xf32, #tpu.memory_space<hbm>>) target(%dma_start3A_78 : memref<128x96xf32, #tpu.memory_space<vmem>>) offsets(%dma_start3A_81 : memref<128xi32, #tpu.memory_space<vmem>>) semaphore(%arg13 : memref<!tpu.dma_semaphore, #tpu.memory_space<semaphore_mem>>)
      %dma_wait3A_85 = arith.constant 1 : i32
      %dma_wait3A_86 = arith.constant 128 : i32
      %dma_wait3A_87 = arith.constant 0 : i32
      %dma_wait3A_88 = tpu.memref_slice %arg12[%dma_wait3A_86, %dma_wait3A_87] : memref<256x96xf32, #tpu.memory_space<vmem>> -> memref<128x96xf32, #tpu.memory_space<vmem>>
      %dma_wait3A_89 = arith.constant 0 : i32
      %dma_wait3A_90 = tpu.memref_slice %arg10[%dma_wait3A_85, %dma_wait3A_89] : memref<2x128xi32, #tpu.memory_space<vmem>> -> memref<1x128xi32, #tpu.memory_space<vmem>>
      %dma_wait3A_91 = tpu.memref_squeeze %dma_wait3A_90 : memref<1x128xi32, #tpu.memory_space<vmem>> -> memref<128xi32, #tpu.memory_space<vmem>>
      %dma_wait3A_92 = arith.constant 0 : i32
      %dma_wait3A_93 = arith.constant 0 : i32
      %dma_wait3A_94 = tpu.memref_slice %arg2[%dma_wait3A_92, %dma_wait3A_93] : memref<32768x96xf32, #tpu.memory_space<hbm>> -> memref<32768x96xf32, #tpu.memory_space<hbm>>
      tpu.wait_indirect_dma semaphore(%arg13 : memref<!tpu.dma_semaphore, #tpu.memory_space<semaphore_mem>>) src(%dma_wait3A_94 : memref<32768x96xf32, #tpu.memory_space<hbm>>) dst(%dma_wait3A_88 : memref<128x96xf32, #tpu.memory_space<vmem>>)
      %run_scoped3A = arith.constant 0 : i32
      "tpu.region"() ({
        %run_scoped3A_144 = tpu.sem_alloc : memref<!tpu.dma_semaphore, #tpu.memory_space<semaphore_mem>>
        %dma_start3A_145 = arith.constant 0 : i32
        %dma_start3A_146 = arith.constant 0 : i32
        %dma_start3A_147 = tpu.memref_slice %arg12[%dma_start3A_145, %dma_start3A_146] : memref<256x96xf32, #tpu.memory_space<vmem>> -> memref<128x96xf32, #tpu.memory_space<vmem>>
        %dma_start3A_148 = arith.constant 0 : i32
        %dma_start3A_149 = tpu.memref_slice %arg11[%run_scoped3A, %dma_start3A_148] : memref<2x128xi32, #tpu.memory_space<vmem>> -> memref<1x128xi32, #tpu.memory_space<vmem>>
        %dma_start3A_150 = tpu.memref_squeeze %dma_start3A_149 : memref<1x128xi32, #tpu.memory_space<vmem>> -> memref<128xi32, #tpu.memory_space<vmem>>
        %dma_start3A_151 = arith.constant 0 : i32
        %dma_start3A_152 = arith.constant 0 : i32
        %dma_start3A_153 = tpu.memref_slice %arg6[%dma_start3A_151, %dma_start3A_152] : memref<16392x96xf32, #tpu.memory_space<vmem_shared>> -> memref<16392x96xf32, #tpu.memory_space<vmem_shared>>
        tpu.enqueue_indirect_dma source(%dma_start3A_147 : memref<128x96xf32, #tpu.memory_space<vmem>>) target(%dma_start3A_153 : memref<16392x96xf32, #tpu.memory_space<vmem_shared>>) offsets(%dma_start3A_150 : memref<128xi32, #tpu.memory_space<vmem>>) semaphore(%run_scoped3A_144 : memref<!tpu.dma_semaphore, #tpu.memory_space<semaphore_mem>>) {add = true}
        %dma_wait3A_154 = arith.constant 0 : i32
        %dma_wait3A_155 = arith.constant 0 : i32
        %dma_wait3A_156 = tpu.memref_slice %arg12[%dma_wait3A_154, %dma_wait3A_155] : memref<256x96xf32, #tpu.memory_space<vmem>> -> memref<128x96xf32, #tpu.memory_space<vmem>>
        %dma_wait3A_157 = arith.constant 0 : i32
        %dma_wait3A_158 = tpu.memref_slice %arg11[%run_scoped3A, %dma_wait3A_157] : memref<2x128xi32, #tpu.memory_space<vmem>> -> memref<1x128xi32, #tpu.memory_space<vmem>>
        %dma_wait3A_159 = tpu.memref_squeeze %dma_wait3A_158 : memref<1x128xi32, #tpu.memory_space<vmem>> -> memref<128xi32, #tpu.memory_space<vmem>>
        %dma_wait3A_160 = arith.constant 0 : i32
        %dma_wait3A_161 = arith.constant 0 : i32
        %dma_wait3A_162 = tpu.memref_slice %arg6[%dma_wait3A_160, %dma_wait3A_161] : memref<16392x96xf32, #tpu.memory_space<vmem_shared>> -> memref<16392x96xf32, #tpu.memory_space<vmem_shared>>
        tpu.wait_indirect_dma semaphore(%run_scoped3A_144 : memref<!tpu.dma_semaphore, #tpu.memory_space<semaphore_mem>>) src(%dma_wait3A_156 : memref<128x96xf32, #tpu.memory_space<vmem>>) dst(%dma_wait3A_162 : memref<16392x96xf32, #tpu.memory_space<vmem_shared>>)
        tpu.yield
      }) : () -> ()
      %run_scoped3A_95 = arith.constant 1 : i32
      "tpu.region"() ({
        %run_scoped3A_144 = tpu.sem_alloc : memref<!tpu.dma_semaphore, #tpu.memory_space<semaphore_mem>>
        %dma_start3A_145 = arith.constant 128 : i32
        %dma_start3A_146 = arith.constant 0 : i32
        %dma_start3A_147 = tpu.memref_slice %arg12[%dma_start3A_145, %dma_start3A_146] : memref<256x96xf32, #tpu.memory_space<vmem>> -> memref<128x96xf32, #tpu.memory_space<vmem>>
        %dma_start3A_148 = arith.constant 0 : i32
        %dma_start3A_149 = tpu.memref_slice %arg11[%run_scoped3A_95, %dma_start3A_148] : memref<2x128xi32, #tpu.memory_space<vmem>> -> memref<1x128xi32, #tpu.memory_space<vmem>>
        %dma_start3A_150 = tpu.memref_squeeze %dma_start3A_149 : memref<1x128xi32, #tpu.memory_space<vmem>> -> memref<128xi32, #tpu.memory_space<vmem>>
        %dma_start3A_151 = arith.constant 0 : i32
        %dma_start3A_152 = arith.constant 0 : i32
        %dma_start3A_153 = tpu.memref_slice %arg6[%dma_start3A_151, %dma_start3A_152] : memref<16392x96xf32, #tpu.memory_space<vmem_shared>> -> memref<16392x96xf32, #tpu.memory_space<vmem_shared>>
        tpu.enqueue_indirect_dma source(%dma_start3A_147 : memref<128x96xf32, #tpu.memory_space<vmem>>) target(%dma_start3A_153 : memref<16392x96xf32, #tpu.memory_space<vmem_shared>>) offsets(%dma_start3A_150 : memref<128xi32, #tpu.memory_space<vmem>>) semaphore(%run_scoped3A_144 : memref<!tpu.dma_semaphore, #tpu.memory_space<semaphore_mem>>) {add = true}
        %dma_wait3A_154 = arith.constant 128 : i32
        %dma_wait3A_155 = arith.constant 0 : i32
        %dma_wait3A_156 = tpu.memref_slice %arg12[%dma_wait3A_154, %dma_wait3A_155] : memref<256x96xf32, #tpu.memory_space<vmem>> -> memref<128x96xf32, #tpu.memory_space<vmem>>
        %dma_wait3A_157 = arith.constant 0 : i32
        %dma_wait3A_158 = tpu.memref_slice %arg11[%run_scoped3A_95, %dma_wait3A_157] : memref<2x128xi32, #tpu.memory_space<vmem>> -> memref<1x128xi32, #tpu.memory_space<vmem>>
        %dma_wait3A_159 = tpu.memref_squeeze %dma_wait3A_158 : memref<1x128xi32, #tpu.memory_space<vmem>> -> memref<128xi32, #tpu.memory_space<vmem>>
        %dma_wait3A_160 = arith.constant 0 : i32
        %dma_wait3A_161 = arith.constant 0 : i32
        %dma_wait3A_162 = tpu.memref_slice %arg6[%dma_wait3A_160, %dma_wait3A_161] : memref<16392x96xf32, #tpu.memory_space<vmem_shared>> -> memref<16392x96xf32, #tpu.memory_space<vmem_shared>>
        tpu.wait_indirect_dma semaphore(%run_scoped3A_144 : memref<!tpu.dma_semaphore, #tpu.memory_space<semaphore_mem>>) src(%dma_wait3A_156 : memref<128x96xf32, #tpu.memory_space<vmem>>) dst(%dma_wait3A_162 : memref<16392x96xf32, #tpu.memory_space<vmem_shared>>)
        tpu.yield
      }) : () -> ()
      %scan3A_96 = arith.constant 0 : i32
      %scan3A_97 = arith.constant 0 : i32
      %scan3A_98 = arith.constant 16 : i32
      %scan3A_99 = arith.addi %scan3A_97, %scan3A_98 : i32
      %scan3A_100 = arith.constant 1 : i32
      %scan3A_101 = scf.for %scan3A_144 = %scan3A_97 to %scan3A_99 step %scan3A_100 iter_args(%scan3A_145 = %scan3A_96) -> (i32)  : i32 {
        %broadcast_in_dim3A = arith.constant 16384 : i32
        %broadcast_in_dim3A_146 = vector.broadcast %broadcast_in_dim3A : i32 to vector<16xi32>
        %jit3A = arith.constant 8 : i32
        %div3A = arith.divsi %scan3A_144, %jit3A : i32
        %sign3A = arith.constant 0 : i32
        %sign3A_147 = arith.cmpi sgt, %scan3A_144, %sign3A : i32
        %sign3A_148 = arith.extui %sign3A_147 : i1 to i32
        %sign3A_149 = arith.constant 0 : i32
        %sign3A_150 = arith.cmpi slt, %scan3A_144, %sign3A_149 : i32
        %sign3A_151 = arith.extui %sign3A_150 : i1 to i32
        %sign3A_152 = arith.subi %sign3A_148, %sign3A_151 : i32
        %sign3A_153 = arith.constant 0 : i32
        %sign3A_154 = arith.cmpi sgt, %jit3A, %sign3A_153 : i32
        %sign3A_155 = arith.extui %sign3A_154 : i1 to i32
        %sign3A_156 = arith.constant 0 : i32
        %sign3A_157 = arith.cmpi slt, %jit3A, %sign3A_156 : i32
        %sign3A_158 = arith.extui %sign3A_157 : i1 to i32
        %sign3A_159 = arith.subi %sign3A_155, %sign3A_158 : i32
        %ne3A = arith.cmpi ne, %sign3A_152, %sign3A_159 : i32
        %rem3A = arith.remsi %scan3A_144, %jit3A : i32
        %ne3A_160 = arith.constant 0 : i32
        %ne3A_161 = arith.cmpi ne, %rem3A, %ne3A_160 : i32
        %and3A = arith.andi %ne3A, %ne3A_161 : i1
        %sub3A = arith.constant 1 : i32
        %sub3A_162 = arith.subi %div3A, %sub3A : i32
        %select_n3A = arith.select %and3A, %sub3A_162, %div3A : i32
        %jit3A_163 = arith.constant 8 : i32
        %eq3A_164 = arith.constant 0 : i32
        %eq3A_165 = arith.cmpi eq, %jit3A_163, %eq3A_164 : i32
        %jit3A_166 = arith.constant 1 : i32
        %select_n3A_167 = arith.select %eq3A_165, %jit3A_166, %jit3A_163 : i32
        %rem3A_168 = arith.remsi %scan3A_144, %select_n3A_167 : i32
        %ne3A_169 = arith.constant 0 : i32
        %ne3A_170 = arith.cmpi ne, %rem3A_168, %ne3A_169 : i32
        %lt3A = arith.constant 0 : i32
        %lt3A_171 = arith.cmpi slt, %rem3A_168, %lt3A : i32
        %lt3A_172 = arith.constant 0 : i32
        %lt3A_173 = arith.cmpi slt, %select_n3A_167, %lt3A_172 : i32
        %ne3A_174 = arith.xori %lt3A_171, %lt3A_173 : i1
        %and3A_175 = arith.andi %ne3A_174, %ne3A_170 : i1
        %add3A_176 = arith.addi %rem3A_168, %select_n3A_167 : i32
        %select_n3A_177 = arith.select %and3A_175, %add3A_176, %rem3A_168 : i32
        %mul3A_178 = arith.constant 16 : i32
        %mul3A_179 = arith.muli %select_n3A_177, %mul3A_178 : i32
        %swap3A = arith.index_cast %select_n3A : i32 to index
        %swap3A_180 = arith.index_cast %mul3A_179 : i32 to index
        %swap3A_181 = tpu.vector_load %arg11[%swap3A, %swap3A_180] {strides = array<i32>} : memref<2x128xi32, #tpu.memory_space<vmem>>, vector<16xi32>,
        tpu.vector_store %arg11[%swap3A, %swap3A_180], %broadcast_in_dim3A_146 {strides = array<i32>} : memref<2x128xi32, #tpu.memory_space<vmem>>, vector<16xi32>,
        %scan3A_182 = arith.constant 0 : i32
        scf.yield %scan3A_182 : i32
      }
      %scan3A_102 = arith.constant 16 : i32
      %scan3A_103 = arith.constant 0 : i32
      %scan3A_104 = arith.constant 0 : i32
      %scan3A_105 = arith.constant 16 : i32
      %scan3A_106 = arith.addi %scan3A_104, %scan3A_105 : i32
      %scan3A_107 = arith.constant 1 : i32
      %scan3A_108 = scf.for %scan3A_144 = %scan3A_104 to %scan3A_106 step %scan3A_107 iter_args(%scan3A_145 = %scan3A_103) -> (i32)  : i32 {
        %broadcast_in_dim3A = arith.constant 0 : i32
        %broadcast_in_dim3A_146 = vector.broadcast %broadcast_in_dim3A : i32 to vector<16xi32>
        %jit3A = arith.constant 8 : i32
        %div3A = arith.divsi %scan3A_144, %jit3A : i32
        %sign3A = arith.constant 0 : i32
        %sign3A_147 = arith.cmpi sgt, %scan3A_144, %sign3A : i32
        %sign3A_148 = arith.extui %sign3A_147 : i1 to i32
        %sign3A_149 = arith.constant 0 : i32
        %sign3A_150 = arith.cmpi slt, %scan3A_144, %sign3A_149 : i32
        %sign3A_151 = arith.extui %sign3A_150 : i1 to i32
        %sign3A_152 = arith.subi %sign3A_148, %sign3A_151 : i32
        %sign3A_153 = arith.constant 0 : i32
        %sign3A_154 = arith.cmpi sgt, %jit3A, %sign3A_153 : i32
        %sign3A_155 = arith.extui %sign3A_154 : i1 to i32
        %sign3A_156 = arith.constant 0 : i32
        %sign3A_157 = arith.cmpi slt, %jit3A, %sign3A_156 : i32
        %sign3A_158 = arith.extui %sign3A_157 : i1 to i32
        %sign3A_159 = arith.subi %sign3A_155, %sign3A_158 : i32
        %ne3A = arith.cmpi ne, %sign3A_152, %sign3A_159 : i32
        %rem3A = arith.remsi %scan3A_144, %jit3A : i32
        %ne3A_160 = arith.constant 0 : i32
        %ne3A_161 = arith.cmpi ne, %rem3A, %ne3A_160 : i32
        %and3A = arith.andi %ne3A, %ne3A_161 : i1
        %sub3A = arith.constant 1 : i32
        %sub3A_162 = arith.subi %div3A, %sub3A : i32
        %select_n3A = arith.select %and3A, %sub3A_162, %div3A : i32
        %jit3A_163 = arith.constant 8 : i32
        %eq3A_164 = arith.constant 0 : i32
        %eq3A_165 = arith.cmpi eq, %jit3A_163, %eq3A_164 : i32
        %jit3A_166 = arith.constant 1 : i32
        %select_n3A_167 = arith.select %eq3A_165, %jit3A_166, %jit3A_163 : i32
        %rem3A_168 = arith.remsi %scan3A_144, %select_n3A_167 : i32
        %ne3A_169 = arith.constant 0 : i32
        %ne3A_170 = arith.cmpi ne, %rem3A_168, %ne3A_169 : i32
        %lt3A = arith.constant 0 : i32
        %lt3A_171 = arith.cmpi slt, %rem3A_168, %lt3A : i32
        %lt3A_172 = arith.constant 0 : i32
        %lt3A_173 = arith.cmpi slt, %select_n3A_167, %lt3A_172 : i32
        %ne3A_174 = arith.xori %lt3A_171, %lt3A_173 : i1
        %and3A_175 = arith.andi %ne3A_174, %ne3A_170 : i1
        %add3A_176 = arith.addi %rem3A_168, %select_n3A_167 : i32
        %select_n3A_177 = arith.select %and3A_175, %add3A_176, %rem3A_168 : i32
        %mul3A_178 = arith.constant 16 : i32
        %mul3A_179 = arith.muli %select_n3A_177, %mul3A_178 : i32
        %swap3A = arith.index_cast %select_n3A : i32 to index
        %swap3A_180 = arith.index_cast %mul3A_179 : i32 to index
        %swap3A_181 = tpu.vector_load %arg10[%swap3A, %swap3A_180] {strides = array<i32>} : memref<2x128xi32, #tpu.memory_space<vmem>>, vector<16xi32>,
        tpu.vector_store %arg10[%swap3A, %swap3A_180], %broadcast_in_dim3A_146 {strides = array<i32>} : memref<2x128xi32, #tpu.memory_space<vmem>>, vector<16xi32>,
        %scan3A_182 = arith.constant 0 : i32
        scf.yield %scan3A_182 : i32
      }
      %scan3A_109 = arith.constant 16 : i32
      %barrier3A_110 = arith.constant 0 : index
      tpu.barrier barrier_id(%barrier3A_110)
      %mul3A_111 = arith.constant 4 : i32
      %mul3A_112 = arith.muli %arg0, %mul3A_111 : i32
      %add3A_113 = arith.addi %mul3A_112, %scan3A_20 : i32
      %mul3A_114 = arith.constant 16384 : i32
      %mul3A_115 = arith.muli %add3A_113, %mul3A_114 : i32
      %mul3A_116 = arith.constant 1024 : i32
      %mul3A_117 = arith.muli %arg1, %mul3A_116 : i32
      %add3A_118 = arith.addi %mul3A_115, %mul3A_117 : i32
      %mul3A_119 = arith.constant 1024 : i32
      %mul3A_120 = arith.muli %arg1, %mul3A_119 : i32
      %add3A_121 = arith.constant 0 : i32
      %add3A_122 = arith.addi %mul3A_120, %add3A_121 : i32
      "tpu.region"() ({
        %run_scoped3A_144 = tpu.sem_alloc : memref<!tpu.dma_semaphore, #tpu.memory_space<semaphore_mem>>
        %dma_start3A_145 = arith.constant 0 : i32
        %dma_start3A_146 = tpu.memref_slice %arg6[%add3A_122, %dma_start3A_145] : memref<16392x96xf32, #tpu.memory_space<vmem_shared>> -> memref<256x96xf32, #tpu.memory_space<vmem_shared>>
        %dma_start3A_147 = arith.constant 0 : i32
        %dma_start3A_148 = tpu.memref_slice %arg6[%add3A_122, %dma_start3A_147] : memref<16392x96xf32, #tpu.memory_space<vmem_shared>> -> memref<256x96xf32, #tpu.memory_space<vmem_shared>>
        tpu.enqueue_dma source(%dma_start3A_148 : memref<256x96xf32, #tpu.memory_space<vmem_shared>>) target(%arg12 : memref<256x96xf32, #tpu.memory_space<vmem>>) target_semaphore(%run_scoped3A_144 : memref<!tpu.dma_semaphore, #tpu.memory_space<semaphore_mem>>)
        %dma_wait3A_149 = arith.constant 0 : i32
        %dma_wait3A_150 = tpu.memref_slice %arg6[%add3A_122, %dma_wait3A_149] : memref<16392x96xf32, #tpu.memory_space<vmem_shared>> -> memref<256x96xf32, #tpu.memory_space<vmem_shared>>
        %dma_wait3A_151 = arith.constant 0 : i32
        %dma_wait3A_152 = tpu.memref_slice %arg6[%add3A_122, %dma_wait3A_151] : memref<16392x96xf32, #tpu.memory_space<vmem_shared>> -> memref<256x96xf32, #tpu.memory_space<vmem_shared>>
        tpu.wait_dma2 semaphore(%run_scoped3A_144 : memref<!tpu.dma_semaphore, #tpu.memory_space<semaphore_mem>>) src(%dma_wait3A_152 : memref<256x96xf32, #tpu.memory_space<vmem_shared>>) dst(%arg12 : memref<256x96xf32, #tpu.memory_space<vmem>>)
        tpu.yield
      }) : () -> ()
      %add3A_123 = arith.constant 0 : i32
      %add3A_124 = arith.addi %add3A_118, %add3A_123 : i32
      "tpu.region"() ({
        %run_scoped3A_144 = tpu.sem_alloc : memref<!tpu.dma_semaphore, #tpu.memory_space<semaphore_mem>>
        %dma_start3A_145 = arith.constant 0 : i32
        %dma_start3A_146 = tpu.memref_slice %arg5[%add3A_124, %dma_start3A_145] : memref<131072x96xf32, #tpu.memory_space<hbm>> -> memref<256x96xf32, #tpu.memory_space<hbm>>
        %dma_start3A_147 = arith.constant 0 : i32
        %dma_start3A_148 = tpu.memref_slice %arg5[%add3A_124, %dma_start3A_147] : memref<131072x96xf32, #tpu.memory_space<hbm>> -> memref<256x96xf32, #tpu.memory_space<hbm>>
        tpu.enqueue_dma source(%arg12 : memref<256x96xf32, #tpu.memory_space<vmem>>) target(%dma_start3A_148 : memref<256x96xf32, #tpu.memory_space<hbm>>) target_semaphore(%run_scoped3A_144 : memref<!tpu.dma_semaphore, #tpu.memory_space<semaphore_mem>>)
        %dma_wait3A_149 = arith.constant 0 : i32
        %dma_wait3A_150 = tpu.memref_slice %arg5[%add3A_124, %dma_wait3A_149] : memref<131072x96xf32, #tpu.memory_space<hbm>> -> memref<256x96xf32, #tpu.memory_space<hbm>>
        %dma_wait3A_151 = arith.constant 0 : i32
        %dma_wait3A_152 = tpu.memref_slice %arg5[%add3A_124, %dma_wait3A_151] : memref<131072x96xf32, #tpu.memory_space<hbm>> -> memref<256x96xf32, #tpu.memory_space<hbm>>
        tpu.wait_dma2 semaphore(%run_scoped3A_144 : memref<!tpu.dma_semaphore, #tpu.memory_space<semaphore_mem>>) src(%arg12 : memref<256x96xf32, #tpu.memory_space<vmem>>) dst(%dma_wait3A_152 : memref<256x96xf32, #tpu.memory_space<hbm>>)
        tpu.yield
      }) : () -> ()
      %mul3A_125 = arith.constant 1024 : i32
      %mul3A_126 = arith.muli %arg1, %mul3A_125 : i32
      %add3A_127 = arith.constant 256 : i32
      %add3A_128 = arith.addi %mul3A_126, %add3A_127 : i32
      "tpu.region"() ({
        %run_scoped3A_144 = tpu.sem_alloc : memref<!tpu.dma_semaphore, #tpu.memory_space<semaphore_mem>>
        %dma_start3A_145 = arith.constant 0 : i32
        %dma_start3A_146 = tpu.memref_slice %arg6[%add3A_128, %dma_start3A_145] : memref<16392x96xf32, #tpu.memory_space<vmem_shared>> -> memref<256x96xf32, #tpu.memory_space<vmem_shared>>
        %dma_start3A_147 = arith.constant 0 : i32
        %dma_start3A_148 = tpu.memref_slice %arg6[%add3A_128, %dma_start3A_147] : memref<16392x96xf32, #tpu.memory_space<vmem_shared>> -> memref<256x96xf32, #tpu.memory_space<vmem_shared>>
        tpu.enqueue_dma source(%dma_start3A_148 : memref<256x96xf32, #tpu.memory_space<vmem_shared>>) target(%arg12 : memref<256x96xf32, #tpu.memory_space<vmem>>) target_semaphore(%run_scoped3A_144 : memref<!tpu.dma_semaphore, #tpu.memory_space<semaphore_mem>>)
        %dma_wait3A_149 = arith.constant 0 : i32
        %dma_wait3A_150 = tpu.memref_slice %arg6[%add3A_128, %dma_wait3A_149] : memref<16392x96xf32, #tpu.memory_space<vmem_shared>> -> memref<256x96xf32, #tpu.memory_space<vmem_shared>>
        %dma_wait3A_151 = arith.constant 0 : i32
        %dma_wait3A_152 = tpu.memref_slice %arg6[%add3A_128, %dma_wait3A_151] : memref<16392x96xf32, #tpu.memory_space<vmem_shared>> -> memref<256x96xf32, #tpu.memory_space<vmem_shared>>
        tpu.wait_dma2 semaphore(%run_scoped3A_144 : memref<!tpu.dma_semaphore, #tpu.memory_space<semaphore_mem>>) src(%dma_wait3A_152 : memref<256x96xf32, #tpu.memory_space<vmem_shared>>) dst(%arg12 : memref<256x96xf32, #tpu.memory_space<vmem>>)
        tpu.yield
      }) : () -> ()
      %add3A_129 = arith.constant 256 : i32
      %add3A_130 = arith.addi %add3A_118, %add3A_129 : i32
      "tpu.region"() ({
        %run_scoped3A_144 = tpu.sem_alloc : memref<!tpu.dma_semaphore, #tpu.memory_space<semaphore_mem>>
        %dma_start3A_145 = arith.constant 0 : i32
        %dma_start3A_146 = tpu.memref_slice %arg5[%add3A_130, %dma_start3A_145] : memref<131072x96xf32, #tpu.memory_space<hbm>> -> memref<256x96xf32, #tpu.memory_space<hbm>>
        %dma_start3A_147 = arith.constant 0 : i32
        %dma_start3A_148 = tpu.memref_slice %arg5[%add3A_130, %dma_start3A_147] : memref<131072x96xf32, #tpu.memory_space<hbm>> -> memref<256x96xf32, #tpu.memory_space<hbm>>
        tpu.enqueue_dma source(%arg12 : memref<256x96xf32, #tpu.memory_space<vmem>>) target(%dma_start3A_148 : memref<256x96xf32, #tpu.memory_space<hbm>>) target_semaphore(%run_scoped3A_144 : memref<!tpu.dma_semaphore, #tpu.memory_space<semaphore_mem>>)
        %dma_wait3A_149 = arith.constant 0 : i32
        %dma_wait3A_150 = tpu.memref_slice %arg5[%add3A_130, %dma_wait3A_149] : memref<131072x96xf32, #tpu.memory_space<hbm>> -> memref<256x96xf32, #tpu.memory_space<hbm>>
        %dma_wait3A_151 = arith.constant 0 : i32
        %dma_wait3A_152 = tpu.memref_slice %arg5[%add3A_130, %dma_wait3A_151] : memref<131072x96xf32, #tpu.memory_space<hbm>> -> memref<256x96xf32, #tpu.memory_space<hbm>>
        tpu.wait_dma2 semaphore(%run_scoped3A_144 : memref<!tpu.dma_semaphore, #tpu.memory_space<semaphore_mem>>) src(%arg12 : memref<256x96xf32, #tpu.memory_space<vmem>>) dst(%dma_wait3A_152 : memref<256x96xf32, #tpu.memory_space<hbm>>)
        tpu.yield
      }) : () -> ()
      %mul3A_131 = arith.constant 1024 : i32
      %mul3A_132 = arith.muli %arg1, %mul3A_131 : i32
      %add3A_133 = arith.constant 512 : i32
      %add3A_134 = arith.addi %mul3A_132, %add3A_133 : i32
      "tpu.region"() ({
        %run_scoped3A_144 = tpu.sem_alloc : memref<!tpu.dma_semaphore, #tpu.memory_space<semaphore_mem>>
        %dma_start3A_145 = arith.constant 0 : i32
        %dma_start3A_146 = tpu.memref_slice %arg6[%add3A_134, %dma_start3A_145] : memref<16392x96xf32, #tpu.memory_space<vmem_shared>> -> memref<256x96xf32, #tpu.memory_space<vmem_shared>>
        %dma_start3A_147 = arith.constant 0 : i32
        %dma_start3A_148 = tpu.memref_slice %arg6[%add3A_134, %dma_start3A_147] : memref<16392x96xf32, #tpu.memory_space<vmem_shared>> -> memref<256x96xf32, #tpu.memory_space<vmem_shared>>
        tpu.enqueue_dma source(%dma_start3A_148 : memref<256x96xf32, #tpu.memory_space<vmem_shared>>) target(%arg12 : memref<256x96xf32, #tpu.memory_space<vmem>>) target_semaphore(%run_scoped3A_144 : memref<!tpu.dma_semaphore, #tpu.memory_space<semaphore_mem>>)
        %dma_wait3A_149 = arith.constant 0 : i32
        %dma_wait3A_150 = tpu.memref_slice %arg6[%add3A_134, %dma_wait3A_149] : memref<16392x96xf32, #tpu.memory_space<vmem_shared>> -> memref<256x96xf32, #tpu.memory_space<vmem_shared>>
        %dma_wait3A_151 = arith.constant 0 : i32
        %dma_wait3A_152 = tpu.memref_slice %arg6[%add3A_134, %dma_wait3A_151] : memref<16392x96xf32, #tpu.memory_space<vmem_shared>> -> memref<256x96xf32, #tpu.memory_space<vmem_shared>>
        tpu.wait_dma2 semaphore(%run_scoped3A_144 : memref<!tpu.dma_semaphore, #tpu.memory_space<semaphore_mem>>) src(%dma_wait3A_152 : memref<256x96xf32, #tpu.memory_space<vmem_shared>>) dst(%arg12 : memref<256x96xf32, #tpu.memory_space<vmem>>)
        tpu.yield
      }) : () -> ()
      %add3A_135 = arith.constant 512 : i32
      %add3A_136 = arith.addi %add3A_118, %add3A_135 : i32
      "tpu.region"() ({
        %run_scoped3A_144 = tpu.sem_alloc : memref<!tpu.dma_semaphore, #tpu.memory_space<semaphore_mem>>
        %dma_start3A_145 = arith.constant 0 : i32
        %dma_start3A_146 = tpu.memref_slice %arg5[%add3A_136, %dma_start3A_145] : memref<131072x96xf32, #tpu.memory_space<hbm>> -> memref<256x96xf32, #tpu.memory_space<hbm>>
        %dma_start3A_147 = arith.constant 0 : i32
        %dma_start3A_148 = tpu.memref_slice %arg5[%add3A_136, %dma_start3A_147] : memref<131072x96xf32, #tpu.memory_space<hbm>> -> memref<256x96xf32, #tpu.memory_space<hbm>>
        tpu.enqueue_dma source(%arg12 : memref<256x96xf32, #tpu.memory_space<vmem>>) target(%dma_start3A_148 : memref<256x96xf32, #tpu.memory_space<hbm>>) target_semaphore(%run_scoped3A_144 : memref<!tpu.dma_semaphore, #tpu.memory_space<semaphore_mem>>)
        %dma_wait3A_149 = arith.constant 0 : i32
        %dma_wait3A_150 = tpu.memref_slice %arg5[%add3A_136, %dma_wait3A_149] : memref<131072x96xf32, #tpu.memory_space<hbm>> -> memref<256x96xf32, #tpu.memory_space<hbm>>
        %dma_wait3A_151 = arith.constant 0 : i32
        %dma_wait3A_152 = tpu.memref_slice %arg5[%add3A_136, %dma_wait3A_151] : memref<131072x96xf32, #tpu.memory_space<hbm>> -> memref<256x96xf32, #tpu.memory_space<hbm>>
        tpu.wait_dma2 semaphore(%run_scoped3A_144 : memref<!tpu.dma_semaphore, #tpu.memory_space<semaphore_mem>>) src(%arg12 : memref<256x96xf32, #tpu.memory_space<vmem>>) dst(%dma_wait3A_152 : memref<256x96xf32, #tpu.memory_space<hbm>>)
        tpu.yield
      }) : () -> ()
      %mul3A_137 = arith.constant 1024 : i32
      %mul3A_138 = arith.muli %arg1, %mul3A_137 : i32
      %add3A_139 = arith.constant 768 : i32
      %add3A_140 = arith.addi %mul3A_138, %add3A_139 : i32
      "tpu.region"() ({
        %run_scoped3A_144 = tpu.sem_alloc : memref<!tpu.dma_semaphore, #tpu.memory_space<semaphore_mem>>
        %dma_start3A_145 = arith.constant 0 : i32
        %dma_start3A_146 = tpu.memref_slice %arg6[%add3A_140, %dma_start3A_145] : memref<16392x96xf32, #tpu.memory_space<vmem_shared>> -> memref<256x96xf32, #tpu.memory_space<vmem_shared>>
        %dma_start3A_147 = arith.constant 0 : i32
        %dma_start3A_148 = tpu.memref_slice %arg6[%add3A_140, %dma_start3A_147] : memref<16392x96xf32, #tpu.memory_space<vmem_shared>> -> memref<256x96xf32, #tpu.memory_space<vmem_shared>>
        tpu.enqueue_dma source(%dma_start3A_148 : memref<256x96xf32, #tpu.memory_space<vmem_shared>>) target(%arg12 : memref<256x96xf32, #tpu.memory_space<vmem>>) target_semaphore(%run_scoped3A_144 : memref<!tpu.dma_semaphore, #tpu.memory_space<semaphore_mem>>)
        %dma_wait3A_149 = arith.constant 0 : i32
        %dma_wait3A_150 = tpu.memref_slice %arg6[%add3A_140, %dma_wait3A_149] : memref<16392x96xf32, #tpu.memory_space<vmem_shared>> -> memref<256x96xf32, #tpu.memory_space<vmem_shared>>
        %dma_wait3A_151 = arith.constant 0 : i32
        %dma_wait3A_152 = tpu.memref_slice %arg6[%add3A_140, %dma_wait3A_151] : memref<16392x96xf32, #tpu.memory_space<vmem_shared>> -> memref<256x96xf32, #tpu.memory_space<vmem_shared>>
        tpu.wait_dma2 semaphore(%run_scoped3A_144 : memref<!tpu.dma_semaphore, #tpu.memory_space<semaphore_mem>>) src(%dma_wait3A_152 : memref<256x96xf32, #tpu.memory_space<vmem_shared>>) dst(%arg12 : memref<256x96xf32, #tpu.memory_space<vmem>>)
        tpu.yield
      }) : () -> ()
      %add3A_141 = arith.constant 768 : i32
      %add3A_142 = arith.addi %add3A_118, %add3A_141 : i32
      "tpu.region"() ({
        %run_scoped3A_144 = tpu.sem_alloc : memref<!tpu.dma_semaphore, #tpu.memory_space<semaphore_mem>>
        %dma_start3A_145 = arith.constant 0 : i32
        %dma_start3A_146 = tpu.memref_slice %arg5[%add3A_142, %dma_start3A_145] : memref<131072x96xf32, #tpu.memory_space<hbm>> -> memref<256x96xf32, #tpu.memory_space<hbm>>
        %dma_start3A_147 = arith.constant 0 : i32
        %dma_start3A_148 = tpu.memref_slice %arg5[%add3A_142, %dma_start3A_147] : memref<131072x96xf32, #tpu.memory_space<hbm>> -> memref<256x96xf32, #tpu.memory_space<hbm>>
        tpu.enqueue_dma source(%arg12 : memref<256x96xf32, #tpu.memory_space<vmem>>) target(%dma_start3A_148 : memref<256x96xf32, #tpu.memory_space<hbm>>) target_semaphore(%run_scoped3A_144 : memref<!tpu.dma_semaphore, #tpu.memory_space<semaphore_mem>>)
        %dma_wait3A_149 = arith.constant 0 : i32
        %dma_wait3A_150 = tpu.memref_slice %arg5[%add3A_142, %dma_wait3A_149] : memref<131072x96xf32, #tpu.memory_space<hbm>> -> memref<256x96xf32, #tpu.memory_space<hbm>>
        %dma_wait3A_151 = arith.constant 0 : i32
        %dma_wait3A_152 = tpu.memref_slice %arg5[%add3A_142, %dma_wait3A_151] : memref<131072x96xf32, #tpu.memory_space<hbm>> -> memref<256x96xf32, #tpu.memory_space<hbm>>
        tpu.wait_dma2 semaphore(%run_scoped3A_144 : memref<!tpu.dma_semaphore, #tpu.memory_space<semaphore_mem>>) src(%arg12 : memref<256x96xf32, #tpu.memory_space<vmem>>) dst(%dma_wait3A_152 : memref<256x96xf32, #tpu.memory_space<hbm>>)
        tpu.yield
      }) : () -> ()
      %scan3A_143 = arith.constant 0 : i32
      scf.yield %scan3A_143 : i32
    }
    %scan3A_19 = arith.constant 4 : i32
    return
  }
}

#map = affine_map<(d0, d1) -> (0, 0)>
#map1 = affine_map<(d0, d1) -> (0)>
module attributes {stable_mosaic.version = 14 : i64} {
  func.func @_sc_feat_body(%arg0: i32, %arg1: i32, %arg2: memref<32768x96xf32, #tpu.memory_space<hbm>>, %arg3: memref<2x1048576xi32, #tpu.memory_space<hbm>>, %arg4: memref<1048576xi32, #tpu.memory_space<hbm>>, %arg5: memref<131072x96xf32, #tpu.memory_space<hbm>>, %arg6: memref<16392x96xf32, #tpu.memory_space<vmem_shared>>, %arg7: memref<1024xi32, #tpu.memory_space<vmem>>, %arg8: memref<1024xi32, #tpu.memory_space<vmem>>, %arg9: memref<1024xi32, #tpu.memory_space<vmem>>, %arg10: memref<2x128xi32, #tpu.memory_space<vmem>>, %arg11: memref<2x128xi32, #tpu.memory_space<vmem>>, %arg12: memref<256x96xf32, #tpu.memory_space<vmem>>, %arg13: memref<!tpu.dma_semaphore, #tpu.memory_space<semaphore_mem>>) attributes {dimension_semantics = [#tpu.dimension_semantics<core_parallel>, #tpu.dimension_semantics<subcore_parallel>], iteration_bounds = array<i64: 2, 16>, scalar_prefetch = 0 : i64, scratch_operands = 8 : i64, tpu.core_type = #tpu.core_type<sc_vector_subcore>, window_params = [{transform_indices = #map}, {transform_indices = #map}, {transform_indices = #map1}, {transform_indices = #map}]} {
    %scan3A = arith.constant 0 : i32
    %scan3A_0 = arith.constant 0 : i32
    %scan3A_1 = arith.constant 16 : i32
    %scan3A_2 = arith.addi %scan3A_0, %scan3A_1 : i32
    %scan3A_3 = arith.constant 1 : i32
    %scan3A_4 = scf.for %scan3A_20 = %scan3A_0 to %scan3A_2 step %scan3A_3 iter_args(%scan3A_21 = %scan3A) -> (i32)  : i32 {
      %broadcast_in_dim3A = arith.constant 16384 : i32
      %broadcast_in_dim3A_22 = vector.broadcast %broadcast_in_dim3A : i32 to vector<16xi32>
      %jit3A = arith.constant 8 : i32
      %div3A = arith.divsi %scan3A_20, %jit3A : i32
      %sign3A = arith.constant 0 : i32
      %sign3A_23 = arith.cmpi sgt, %scan3A_20, %sign3A : i32
      %sign3A_24 = arith.extui %sign3A_23 : i1 to i32
      %sign3A_25 = arith.constant 0 : i32
      %sign3A_26 = arith.cmpi slt, %scan3A_20, %sign3A_25 : i32
      %sign3A_27 = arith.extui %sign3A_26 : i1 to i32
      %sign3A_28 = arith.subi %sign3A_24, %sign3A_27 : i32
      %sign3A_29 = arith.constant 0 : i32
      %sign3A_30 = arith.cmpi sgt, %jit3A, %sign3A_29 : i32
      %sign3A_31 = arith.extui %sign3A_30 : i1 to i32
      %sign3A_32 = arith.constant 0 : i32
      %sign3A_33 = arith.cmpi slt, %jit3A, %sign3A_32 : i32
      %sign3A_34 = arith.extui %sign3A_33 : i1 to i32
      %sign3A_35 = arith.subi %sign3A_31, %sign3A_34 : i32
      %ne3A = arith.cmpi ne, %sign3A_28, %sign3A_35 : i32
      %rem3A = arith.remsi %scan3A_20, %jit3A : i32
      %ne3A_36 = arith.constant 0 : i32
      %ne3A_37 = arith.cmpi ne, %rem3A, %ne3A_36 : i32
      %and3A = arith.andi %ne3A, %ne3A_37 : i1
      %sub3A = arith.constant 1 : i32
      %sub3A_38 = arith.subi %div3A, %sub3A : i32
      %select_n3A = arith.select %and3A, %sub3A_38, %div3A : i32
      %jit3A_39 = arith.constant 8 : i32
      %eq3A = arith.constant 0 : i32
      %eq3A_40 = arith.cmpi eq, %jit3A_39, %eq3A : i32
      %jit3A_41 = arith.constant 1 : i32
      %select_n3A_42 = arith.select %eq3A_40, %jit3A_41, %jit3A_39 : i32
      %rem3A_43 = arith.remsi %scan3A_20, %select_n3A_42 : i32
      %ne3A_44 = arith.constant 0 : i32
      %ne3A_45 = arith.cmpi ne, %rem3A_43, %ne3A_44 : i32
      %lt3A = arith.constant 0 : i32
      %lt3A_46 = arith.cmpi slt, %rem3A_43, %lt3A : i32
      %lt3A_47 = arith.constant 0 : i32
      %lt3A_48 = arith.cmpi slt, %select_n3A_42, %lt3A_47 : i32
      %ne3A_49 = arith.xori %lt3A_46, %lt3A_48 : i1
      %and3A_50 = arith.andi %ne3A_49, %ne3A_45 : i1
      %add3A = arith.addi %rem3A_43, %select_n3A_42 : i32
      %select_n3A_51 = arith.select %and3A_50, %add3A, %rem3A_43 : i32
      %mul3A = arith.constant 16 : i32
      %mul3A_52 = arith.muli %select_n3A_51, %mul3A : i32
      %swap3A = arith.index_cast %select_n3A : i32 to index
      %swap3A_53 = arith.index_cast %mul3A_52 : i32 to index
      %swap3A_54 = tpu.vector_load %arg11[%swap3A, %swap3A_53] {strides = array<i32>} : memref<2x128xi32, #tpu.memory_space<vmem>>, vector<16xi32>,
      tpu.vector_store %arg11[%swap3A, %swap3A_53], %broadcast_in_dim3A_22 {strides = array<i32>} : memref<2x128xi32, #tpu.memory_space<vmem>>, vector<16xi32>,
      %scan3A_55 = arith.constant 0 : i32
      scf.yield %scan3A_55 : i32
    }
    %scan3A_5 = arith.constant 16 : i32
    %scan3A_6 = arith.constant 0 : i32
    %scan3A_7 = arith.constant 0 : i32
    %scan3A_8 = arith.constant 16 : i32
    %scan3A_9 = arith.addi %scan3A_7, %scan3A_8 : i32
    %scan3A_10 = arith.constant 1 : i32
    %scan3A_11 = scf.for %scan3A_20 = %scan3A_7 to %scan3A_9 step %scan3A_10 iter_args(%scan3A_21 = %scan3A_6) -> (i32)  : i32 {
      %broadcast_in_dim3A = arith.constant 0 : i32
      %broadcast_in_dim3A_22 = vector.broadcast %broadcast_in_dim3A : i32 to vector<16xi32>
      %jit3A = arith.constant 8 : i32
      %div3A = arith.divsi %scan3A_20, %jit3A : i32
      %sign3A = arith.constant 0 : i32
      %sign3A_23 = arith.cmpi sgt, %scan3A_20, %sign3A : i32
      %sign3A_24 = arith.extui %sign3A_23 : i1 to i32
      %sign3A_25 = arith.constant 0 : i32
      %sign3A_26 = arith.cmpi slt, %scan3A_20, %sign3A_25 : i32
      %sign3A_27 = arith.extui %sign3A_26 : i1 to i32
      %sign3A_28 = arith.subi %sign3A_24, %sign3A_27 : i32
      %sign3A_29 = arith.constant 0 : i32
      %sign3A_30 = arith.cmpi sgt, %jit3A, %sign3A_29 : i32
      %sign3A_31 = arith.extui %sign3A_30 : i1 to i32
      %sign3A_32 = arith.constant 0 : i32
      %sign3A_33 = arith.cmpi slt, %jit3A, %sign3A_32 : i32
      %sign3A_34 = arith.extui %sign3A_33 : i1 to i32
      %sign3A_35 = arith.subi %sign3A_31, %sign3A_34 : i32
      %ne3A = arith.cmpi ne, %sign3A_28, %sign3A_35 : i32
      %rem3A = arith.remsi %scan3A_20, %jit3A : i32
      %ne3A_36 = arith.constant 0 : i32
      %ne3A_37 = arith.cmpi ne, %rem3A, %ne3A_36 : i32
      %and3A = arith.andi %ne3A, %ne3A_37 : i1
      %sub3A = arith.constant 1 : i32
      %sub3A_38 = arith.subi %div3A, %sub3A : i32
      %select_n3A = arith.select %and3A, %sub3A_38, %div3A : i32
      %jit3A_39 = arith.constant 8 : i32
      %eq3A = arith.constant 0 : i32
      %eq3A_40 = arith.cmpi eq, %jit3A_39, %eq3A : i32
      %jit3A_41 = arith.constant 1 : i32
      %select_n3A_42 = arith.select %eq3A_40, %jit3A_41, %jit3A_39 : i32
      %rem3A_43 = arith.remsi %scan3A_20, %select_n3A_42 : i32
      %ne3A_44 = arith.constant 0 : i32
      %ne3A_45 = arith.cmpi ne, %rem3A_43, %ne3A_44 : i32
      %lt3A = arith.constant 0 : i32
      %lt3A_46 = arith.cmpi slt, %rem3A_43, %lt3A : i32
      %lt3A_47 = arith.constant 0 : i32
      %lt3A_48 = arith.cmpi slt, %select_n3A_42, %lt3A_47 : i32
      %ne3A_49 = arith.xori %lt3A_46, %lt3A_48 : i1
      %and3A_50 = arith.andi %ne3A_49, %ne3A_45 : i1
      %add3A = arith.addi %rem3A_43, %select_n3A_42 : i32
      %select_n3A_51 = arith.select %and3A_50, %add3A, %rem3A_43 : i32
      %mul3A = arith.constant 16 : i32
      %mul3A_52 = arith.muli %select_n3A_51, %mul3A : i32
      %swap3A = arith.index_cast %select_n3A : i32 to index
      %swap3A_53 = arith.index_cast %mul3A_52 : i32 to index
      %swap3A_54 = tpu.vector_load %arg10[%swap3A, %swap3A_53] {strides = array<i32>} : memref<2x128xi32, #tpu.memory_space<vmem>>, vector<16xi32>,
      tpu.vector_store %arg10[%swap3A, %swap3A_53], %broadcast_in_dim3A_22 {strides = array<i32>} : memref<2x128xi32, #tpu.memory_space<vmem>>, vector<16xi32>,
      %scan3A_55 = arith.constant 0 : i32
      scf.yield %scan3A_55 : i32
    }
    %scan3A_12 = arith.constant 16 : i32
    %scan3A_13 = arith.constant 0 : i32
    %scan3A_14 = arith.constant 0 : i32
    %scan3A_15 = arith.constant 4 : i32
    %scan3A_16 = arith.addi %scan3A_14, %scan3A_15 : i32
    %scan3A_17 = arith.constant 1 : i32
    %scan3A_18 = scf.for %scan3A_20 = %scan3A_14 to %scan3A_16 step %scan3A_17 iter_args(%scan3A_21 = %scan3A_13) -> (i32)  : i32 {
      %mul3A = arith.constant 4 : i32
      %mul3A_22 = arith.muli %arg0, %mul3A : i32
      %add3A = arith.addi %mul3A_22, %scan3A_20 : i32
      %mul3A_23 = arith.constant 4096 : i32
      %mul3A_24 = arith.muli %add3A, %mul3A_23 : i32
      %scan3A_25 = arith.constant 0 : i32
      %scan3A_26 = arith.constant 0 : i32
      %scan3A_27 = arith.constant 256 : i32
      %scan3A_28 = arith.addi %scan3A_26, %scan3A_27 : i32
      %scan3A_29 = arith.constant 1 : i32
      %scan3A_30 = scf.for %scan3A_144 = %scan3A_26 to %scan3A_28 step %scan3A_29 iter_args(%scan3A_145 = %scan3A_25) -> (i32)  : i32 {
        %scan3A_146 = arith.constant 0 : i32
        %scan3A_147 = arith.constant 0 : i32
        %scan3A_148 = arith.constant 6 : i32
        %scan3A_149 = arith.addi %scan3A_147, %scan3A_148 : i32
        %scan3A_150 = arith.constant 1 : i32
        %scan3A_151 = scf.for %scan3A_153 = %scan3A_147 to %scan3A_149 step %scan3A_150 iter_args(%scan3A_154 = %scan3A_146) -> (i32)  : i32 {
          %broadcast_in_dim3A = arith.constant 0.000000e+00 : f32
          %broadcast_in_dim3A_155 = vector.broadcast %broadcast_in_dim3A : f32 to vector<16xf32>
          %mul3A_156 = arith.constant 16 : i32
          %mul3A_157 = arith.muli %scan3A_153, %mul3A_156 : i32
          %swap3A = arith.index_cast %scan3A_144 : i32 to index
          %swap3A_158 = arith.index_cast %mul3A_157 : i32 to index
          %swap3A_159 = tpu.vector_load %arg12[%swap3A, %swap3A_158] {strides = array<i32>} : memref<256x96xf32, #tpu.memory_space<vmem>>, vector<16xf32>,
          tpu.vector_store %arg12[%swap3A, %swap3A_158], %broadcast_in_dim3A_155 {strides = array<i32>} : memref<256x96xf32, #tpu.memory_space<vmem>>, vector<16xf32>,
          %scan3A_160 = arith.constant 0 : i32
          scf.yield %scan3A_160 : i32
        }
        %scan3A_152 = arith.constant 6 : i32
        scf.yield %scan3A_151 : i32
      }
      %scan3A_31 = arith.constant 256 : i32
      %mul3A_32 = arith.constant 1024 : i32
      %mul3A_33 = arith.muli %arg1, %mul3A_32 : i32
      %add3A_34 = arith.constant 0 : i32
      %add3A_35 = arith.addi %mul3A_33, %add3A_34 : i32
      "tpu.region"() ({
        %run_scoped3A_144 = tpu.sem_alloc : memref<!tpu.dma_semaphore, #tpu.memory_space<semaphore_mem>>
        %dma_start3A_145 = arith.constant 0 : i32
        %dma_start3A_146 = tpu.memref_slice %arg6[%add3A_35, %dma_start3A_145] : memref<16392x96xf32, #tpu.memory_space<vmem_shared>> -> memref<256x96xf32, #tpu.memory_space<vmem_shared>>
        %dma_start3A_147 = arith.constant 0 : i32
        %dma_start3A_148 = tpu.memref_slice %arg6[%add3A_35, %dma_start3A_147] : memref<16392x96xf32, #tpu.memory_space<vmem_shared>> -> memref<256x96xf32, #tpu.memory_space<vmem_shared>>
        tpu.enqueue_dma source(%arg12 : memref<256x96xf32, #tpu.memory_space<vmem>>) target(%dma_start3A_148 : memref<256x96xf32, #tpu.memory_space<vmem_shared>>) target_semaphore(%run_scoped3A_144 : memref<!tpu.dma_semaphore, #tpu.memory_space<semaphore_mem>>)
        %dma_wait3A_149 = arith.constant 0 : i32
        %dma_wait3A_150 = tpu.memref_slice %arg6[%add3A_35, %dma_wait3A_149] : memref<16392x96xf32, #tpu.memory_space<vmem_shared>> -> memref<256x96xf32, #tpu.memory_space<vmem_shared>>
        %dma_wait3A_151 = arith.constant 0 : i32
        %dma_wait3A_152 = tpu.memref_slice %arg6[%add3A_35, %dma_wait3A_151] : memref<16392x96xf32, #tpu.memory_space<vmem_shared>> -> memref<256x96xf32, #tpu.memory_space<vmem_shared>>
        tpu.wait_dma2 semaphore(%run_scoped3A_144 : memref<!tpu.dma_semaphore, #tpu.memory_space<semaphore_mem>>) src(%arg12 : memref<256x96xf32, #tpu.memory_space<vmem>>) dst(%dma_wait3A_152 : memref<256x96xf32, #tpu.memory_space<vmem_shared>>)
        tpu.yield
      }) : () -> ()
      %mul3A_36 = arith.constant 1024 : i32
      %mul3A_37 = arith.muli %arg1, %mul3A_36 : i32
      %add3A_38 = arith.constant 256 : i32
      %add3A_39 = arith.addi %mul3A_37, %add3A_38 : i32
      "tpu.region"() ({
        %run_scoped3A_144 = tpu.sem_alloc : memref<!tpu.dma_semaphore, #tpu.memory_space<semaphore_mem>>
        %dma_start3A_145 = arith.constant 0 : i32
        %dma_start3A_146 = tpu.memref_slice %arg6[%add3A_39, %dma_start3A_145] : memref<16392x96xf32, #tpu.memory_space<vmem_shared>> -> memref<256x96xf32, #tpu.memory_space<vmem_shared>>
        %dma_start3A_147 = arith.constant 0 : i32
        %dma_start3A_148 = tpu.memref_slice %arg6[%add3A_39, %dma_start3A_147] : memref<16392x96xf32, #tpu.memory_space<vmem_shared>> -> memref<256x96xf32, #tpu.memory_space<vmem_shared>>
        tpu.enqueue_dma source(%arg12 : memref<256x96xf32, #tpu.memory_space<vmem>>) target(%dma_start3A_148 : memref<256x96xf32, #tpu.memory_space<vmem_shared>>) target_semaphore(%run_scoped3A_144 : memref<!tpu.dma_semaphore, #tpu.memory_space<semaphore_mem>>)
        %dma_wait3A_149 = arith.constant 0 : i32
        %dma_wait3A_150 = tpu.memref_slice %arg6[%add3A_39, %dma_wait3A_149] : memref<16392x96xf32, #tpu.memory_space<vmem_shared>> -> memref<256x96xf32, #tpu.memory_space<vmem_shared>>
        %dma_wait3A_151 = arith.constant 0 : i32
        %dma_wait3A_152 = tpu.memref_slice %arg6[%add3A_39, %dma_wait3A_151] : memref<16392x96xf32, #tpu.memory_space<vmem_shared>> -> memref<256x96xf32, #tpu.memory_space<vmem_shared>>
        tpu.wait_dma2 semaphore(%run_scoped3A_144 : memref<!tpu.dma_semaphore, #tpu.memory_space<semaphore_mem>>) src(%arg12 : memref<256x96xf32, #tpu.memory_space<vmem>>) dst(%dma_wait3A_152 : memref<256x96xf32, #tpu.memory_space<vmem_shared>>)
        tpu.yield
      }) : () -> ()
      %mul3A_40 = arith.constant 1024 : i32
      %mul3A_41 = arith.muli %arg1, %mul3A_40 : i32
      %add3A_42 = arith.constant 512 : i32
      %add3A_43 = arith.addi %mul3A_41, %add3A_42 : i32
      "tpu.region"() ({
        %run_scoped3A_144 = tpu.sem_alloc : memref<!tpu.dma_semaphore, #tpu.memory_space<semaphore_mem>>
        %dma_start3A_145 = arith.constant 0 : i32
        %dma_start3A_146 = tpu.memref_slice %arg6[%add3A_43, %dma_start3A_145] : memref<16392x96xf32, #tpu.memory_space<vmem_shared>> -> memref<256x96xf32, #tpu.memory_space<vmem_shared>>
        %dma_start3A_147 = arith.constant 0 : i32
        %dma_start3A_148 = tpu.memref_slice %arg6[%add3A_43, %dma_start3A_147] : memref<16392x96xf32, #tpu.memory_space<vmem_shared>> -> memref<256x96xf32, #tpu.memory_space<vmem_shared>>
        tpu.enqueue_dma source(%arg12 : memref<256x96xf32, #tpu.memory_space<vmem>>) target(%dma_start3A_148 : memref<256x96xf32, #tpu.memory_space<vmem_shared>>) target_semaphore(%run_scoped3A_144 : memref<!tpu.dma_semaphore, #tpu.memory_space<semaphore_mem>>)
        %dma_wait3A_149 = arith.constant 0 : i32
        %dma_wait3A_150 = tpu.memref_slice %arg6[%add3A_43, %dma_wait3A_149] : memref<16392x96xf32, #tpu.memory_space<vmem_shared>> -> memref<256x96xf32, #tpu.memory_space<vmem_shared>>
        %dma_wait3A_151 = arith.constant 0 : i32
        %dma_wait3A_152 = tpu.memref_slice %arg6[%add3A_43, %dma_wait3A_151] : memref<16392x96xf32, #tpu.memory_space<vmem_shared>> -> memref<256x96xf32, #tpu.memory_space<vmem_shared>>
        tpu.wait_dma2 semaphore(%run_scoped3A_144 : memref<!tpu.dma_semaphore, #tpu.memory_space<semaphore_mem>>) src(%arg12 : memref<256x96xf32, #tpu.memory_space<vmem>>) dst(%dma_wait3A_152 : memref<256x96xf32, #tpu.memory_space<vmem_shared>>)
        tpu.yield
      }) : () -> ()
      %mul3A_44 = arith.constant 1024 : i32
      %mul3A_45 = arith.muli %arg1, %mul3A_44 : i32
      %add3A_46 = arith.constant 768 : i32
      %add3A_47 = arith.addi %mul3A_45, %add3A_46 : i32
      "tpu.region"() ({
        %run_scoped3A_144 = tpu.sem_alloc : memref<!tpu.dma_semaphore, #tpu.memory_space<semaphore_mem>>
        %dma_start3A_145 = arith.constant 0 : i32
        %dma_start3A_146 = tpu.memref_slice %arg6[%add3A_47, %dma_start3A_145] : memref<16392x96xf32, #tpu.memory_space<vmem_shared>> -> memref<256x96xf32, #tpu.memory_space<vmem_shared>>
        %dma_start3A_147 = arith.constant 0 : i32
        %dma_start3A_148 = tpu.memref_slice %arg6[%add3A_47, %dma_start3A_147] : memref<16392x96xf32, #tpu.memory_space<vmem_shared>> -> memref<256x96xf32, #tpu.memory_space<vmem_shared>>
        tpu.enqueue_dma source(%arg12 : memref<256x96xf32, #tpu.memory_space<vmem>>) target(%dma_start3A_148 : memref<256x96xf32, #tpu.memory_space<vmem_shared>>) target_semaphore(%run_scoped3A_144 : memref<!tpu.dma_semaphore, #tpu.memory_space<semaphore_mem>>)
        %dma_wait3A_149 = arith.constant 0 : i32
        %dma_wait3A_150 = tpu.memref_slice %arg6[%add3A_47, %dma_wait3A_149] : memref<16392x96xf32, #tpu.memory_space<vmem_shared>> -> memref<256x96xf32, #tpu.memory_space<vmem_shared>>
        %dma_wait3A_151 = arith.constant 0 : i32
        %dma_wait3A_152 = tpu.memref_slice %arg6[%add3A_47, %dma_wait3A_151] : memref<16392x96xf32, #tpu.memory_space<vmem_shared>> -> memref<256x96xf32, #tpu.memory_space<vmem_shared>>
        tpu.wait_dma2 semaphore(%run_scoped3A_144 : memref<!tpu.dma_semaphore, #tpu.memory_space<semaphore_mem>>) src(%arg12 : memref<256x96xf32, #tpu.memory_space<vmem>>) dst(%dma_wait3A_152 : memref<256x96xf32, #tpu.memory_space<vmem_shared>>)
        tpu.yield
      }) : () -> ()
      %eq3A = arith.constant 15 : i32
      %eq3A_48 = arith.cmpi eq, %arg1, %eq3A : i32
      %convert_element_type3A = arith.extui %eq3A_48 : i1 to i32
      %cond3A = arith.constant 0 : i32
      %cond3A_49 = arith.cmpi ne, %convert_element_type3A, %cond3A : i32
      scf.if %cond3A_49 {
        "tpu.region"() ({
          %run_scoped3A_144 = tpu.sem_alloc : memref<!tpu.dma_semaphore, #tpu.memory_space<semaphore_mem>>
          %dma_start3A_145 = arith.constant 0 : i32
          %dma_start3A_146 = arith.constant 0 : i32
          %dma_start3A_147 = tpu.memref_slice %arg12[%dma_start3A_145, %dma_start3A_146] : memref<256x96xf32, #tpu.memory_space<vmem>> -> memref<8x96xf32, #tpu.memory_space<vmem>>
          %dma_start3A_148 = arith.constant 16384 : i32
          %dma_start3A_149 = arith.constant 0 : i32
          %dma_start3A_150 = tpu.memref_slice %arg6[%dma_start3A_148, %dma_start3A_149] : memref<16392x96xf32, #tpu.memory_space<vmem_shared>> -> memref<8x96xf32, #tpu.memory_space<vmem_shared>>
          %dma_start3A_151 = arith.constant 16384 : i32
          %dma_start3A_152 = arith.constant 0 : i32
          %dma_start3A_153 = tpu.memref_slice %arg6[%dma_start3A_151, %dma_start3A_152] : memref<16392x96xf32, #tpu.memory_space<vmem_shared>> -> memref<8x96xf32, #tpu.memory_space<vmem_shared>>
          %dma_start3A_154 = arith.constant 0 : i32
          %dma_start3A_155 = arith.constant 0 : i32
          %dma_start3A_156 = tpu.memref_slice %arg12[%dma_start3A_154, %dma_start3A_155] : memref<256x96xf32, #tpu.memory_space<vmem>> -> memref<8x96xf32, #tpu.memory_space<vmem>>
          tpu.enqueue_dma source(%dma_start3A_156 : memref<8x96xf32, #tpu.memory_space<vmem>>) target(%dma_start3A_153 : memref<8x96xf32, #tpu.memory_space<vmem_shared>>) target_semaphore(%run_scoped3A_144 : memref<!tpu.dma_semaphore, #tpu.memory_space<semaphore_mem>>)
          %dma_wait3A_157 = arith.constant 0 : i32
          %dma_wait3A_158 = arith.constant 0 : i32
          %dma_wait3A_159 = tpu.memref_slice %arg12[%dma_wait3A_157, %dma_wait3A_158] : memref<256x96xf32, #tpu.memory_space<vmem>> -> memref<8x96xf32, #tpu.memory_space<vmem>>
          %dma_wait3A_160 = arith.constant 16384 : i32
          %dma_wait3A_161 = arith.constant 0 : i32
          %dma_wait3A_162 = tpu.memref_slice %arg6[%dma_wait3A_160, %dma_wait3A_161] : memref<16392x96xf32, #tpu.memory_space<vmem_shared>> -> memref<8x96xf32, #tpu.memory_space<vmem_shared>>
          %dma_wait3A_163 = arith.constant 16384 : i32
          %dma_wait3A_164 = arith.constant 0 : i32
          %dma_wait3A_165 = tpu.memref_slice %arg6[%dma_wait3A_163, %dma_wait3A_164] : memref<16392x96xf32, #tpu.memory_space<vmem_shared>> -> memref<8x96xf32, #tpu.memory_space<vmem_shared>>
          %dma_wait3A_166 = arith.constant 0 : i32
          %dma_wait3A_167 = arith.constant 0 : i32
          %dma_wait3A_168 = tpu.memref_slice %arg12[%dma_wait3A_166, %dma_wait3A_167] : memref<256x96xf32, #tpu.memory_space<vmem>> -> memref<8x96xf32, #tpu.memory_space<vmem>>
          tpu.wait_dma2 semaphore(%run_scoped3A_144 : memref<!tpu.dma_semaphore, #tpu.memory_space<semaphore_mem>>) src(%dma_wait3A_168 : memref<8x96xf32, #tpu.memory_space<vmem>>) dst(%dma_wait3A_165 : memref<8x96xf32, #tpu.memory_space<vmem_shared>>)
          tpu.yield
        }) : () -> ()
      } else {
      }
      %barrier3A = arith.constant 0 : index
      tpu.barrier barrier_id(%barrier3A)
      %scan3A_50 = arith.constant 0 : i32
      %scan3A_51 = arith.constant 0 : i32
      %scan3A_52 = arith.constant 64 : i32
      %scan3A_53 = arith.addi %scan3A_51, %scan3A_52 : i32
      %scan3A_54 = arith.constant 1 : i32
      %scan3A_55 = scf.for %scan3A_144 = %scan3A_51 to %scan3A_53 step %scan3A_54 iter_args(%scan3A_145 = %scan3A_50) -> (i32)  : i32 {
        %mul3A_146 = arith.constant 65536 : i32
        %mul3A_147 = arith.muli %arg1, %mul3A_146 : i32
        %mul3A_148 = arith.constant 1024 : i32
        %mul3A_149 = arith.muli %scan3A_144, %mul3A_148 : i32
        %add3A_150 = arith.addi %mul3A_147, %mul3A_149 : i32
        %run_scoped3A_151 = arith.constant 0 : i32
        "tpu.region"() ({
          %run_scoped3A_159 = tpu.sem_alloc : memref<!tpu.dma_semaphore, #tpu.memory_space<semaphore_mem>>
          %dma_start3A_160 = tpu.memref_slice %arg3[%run_scoped3A_151, %add3A_150] : memref<2x1048576xi32, #tpu.memory_space<hbm>> -> memref<1x1024xi32, #tpu.memory_space<hbm>>
          %dma_start3A_161 = tpu.memref_squeeze %dma_start3A_160 : memref<1x1024xi32, #tpu.memory_space<hbm>> -> memref<1024xi32, #tpu.memory_space<hbm>>
          %dma_start3A_162 = tpu.memref_slice %arg3[%run_scoped3A_151, %add3A_150] : memref<2x1048576xi32, #tpu.memory_space<hbm>> -> memref<1x1024xi32, #tpu.memory_space<hbm>>
          %dma_start3A_163 = tpu.memref_squeeze %dma_start3A_162 : memref<1x1024xi32, #tpu.memory_space<hbm>> -> memref<1024xi32, #tpu.memory_space<hbm>>
          tpu.enqueue_dma source(%dma_start3A_163 : memref<1024xi32, #tpu.memory_space<hbm>>) target(%arg7 : memref<1024xi32, #tpu.memory_space<vmem>>) target_semaphore(%run_scoped3A_159 : memref<!tpu.dma_semaphore, #tpu.memory_space<semaphore_mem>>)
          %dma_wait3A_164 = tpu.memref_slice %arg3[%run_scoped3A_151, %add3A_150] : memref<2x1048576xi32, #tpu.memory_space<hbm>> -> memref<1x1024xi32, #tpu.memory_space<hbm>>
          %dma_wait3A_165 = tpu.memref_squeeze %dma_wait3A_164 : memref<1x1024xi32, #tpu.memory_space<hbm>> -> memref<1024xi32, #tpu.memory_space<hbm>>
          %dma_wait3A_166 = tpu.memref_slice %arg3[%run_scoped3A_151, %add3A_150] : memref<2x1048576xi32, #tpu.memory_space<hbm>> -> memref<1x1024xi32, #tpu.memory_space<hbm>>
          %dma_wait3A_167 = tpu.memref_squeeze %dma_wait3A_166 : memref<1x1024xi32, #tpu.memory_space<hbm>> -> memref<1024xi32, #tpu.memory_space<hbm>>
          tpu.wait_dma2 semaphore(%run_scoped3A_159 : memref<!tpu.dma_semaphore, #tpu.memory_space<semaphore_mem>>) src(%dma_wait3A_167 : memref<1024xi32, #tpu.memory_space<hbm>>) dst(%arg7 : memref<1024xi32, #tpu.memory_space<vmem>>)
          tpu.yield
        }) : () -> ()
        %run_scoped3A_152 = arith.constant 1 : i32
        "tpu.region"() ({
          %run_scoped3A_159 = tpu.sem_alloc : memref<!tpu.dma_semaphore, #tpu.memory_space<semaphore_mem>>
          %dma_start3A_160 = tpu.memref_slice %arg3[%run_scoped3A_152, %add3A_150] : memref<2x1048576xi32, #tpu.memory_space<hbm>> -> memref<1x1024xi32, #tpu.memory_space<hbm>>
          %dma_start3A_161 = tpu.memref_squeeze %dma_start3A_160 : memref<1x1024xi32, #tpu.memory_space<hbm>> -> memref<1024xi32, #tpu.memory_space<hbm>>
          %dma_start3A_162 = tpu.memref_slice %arg3[%run_scoped3A_152, %add3A_150] : memref<2x1048576xi32, #tpu.memory_space<hbm>> -> memref<1x1024xi32, #tpu.memory_space<hbm>>
          %dma_start3A_163 = tpu.memref_squeeze %dma_start3A_162 : memref<1x1024xi32, #tpu.memory_space<hbm>> -> memref<1024xi32, #tpu.memory_space<hbm>>
          tpu.enqueue_dma source(%dma_start3A_163 : memref<1024xi32, #tpu.memory_space<hbm>>) target(%arg8 : memref<1024xi32, #tpu.memory_space<vmem>>) target_semaphore(%run_scoped3A_159 : memref<!tpu.dma_semaphore, #tpu.memory_space<semaphore_mem>>)
          %dma_wait3A_164 = tpu.memref_slice %arg3[%run_scoped3A_152, %add3A_150] : memref<2x1048576xi32, #tpu.memory_space<hbm>> -> memref<1x1024xi32, #tpu.memory_space<hbm>>
          %dma_wait3A_165 = tpu.memref_squeeze %dma_wait3A_164 : memref<1x1024xi32, #tpu.memory_space<hbm>> -> memref<1024xi32, #tpu.memory_space<hbm>>
          %dma_wait3A_166 = tpu.memref_slice %arg3[%run_scoped3A_152, %add3A_150] : memref<2x1048576xi32, #tpu.memory_space<hbm>> -> memref<1x1024xi32, #tpu.memory_space<hbm>>
          %dma_wait3A_167 = tpu.memref_squeeze %dma_wait3A_166 : memref<1x1024xi32, #tpu.memory_space<hbm>> -> memref<1024xi32, #tpu.memory_space<hbm>>
          tpu.wait_dma2 semaphore(%run_scoped3A_159 : memref<!tpu.dma_semaphore, #tpu.memory_space<semaphore_mem>>) src(%dma_wait3A_167 : memref<1024xi32, #tpu.memory_space<hbm>>) dst(%arg8 : memref<1024xi32, #tpu.memory_space<vmem>>)
          tpu.yield
        }) : () -> ()
        "tpu.region"() ({
          %run_scoped3A_159 = tpu.sem_alloc : memref<!tpu.dma_semaphore, #tpu.memory_space<semaphore_mem>>
          %dma_start3A_160 = tpu.memref_slice %arg4[%add3A_150] : memref<1048576xi32, #tpu.memory_space<hbm>> -> memref<1024xi32, #tpu.memory_space<hbm>>
          %dma_start3A_161 = tpu.memref_slice %arg4[%add3A_150] : memref<1048576xi32, #tpu.memory_space<hbm>> -> memref<1024xi32, #tpu.memory_space<hbm>>
          tpu.enqueue_dma source(%dma_start3A_161 : memref<1024xi32, #tpu.memory_space<hbm>>) target(%arg9 : memref<1024xi32, #tpu.memory_space<vmem>>) target_semaphore(%run_scoped3A_159 : memref<!tpu.dma_semaphore, #tpu.memory_space<semaphore_mem>>)
          %dma_wait3A_162 = tpu.memref_slice %arg4[%add3A_150] : memref<1048576xi32, #tpu.memory_space<hbm>> -> memref<1024xi32, #tpu.memory_space<hbm>>
          %dma_wait3A_163 = tpu.memref_slice %arg4[%add3A_150] : memref<1048576xi32, #tpu.memory_space<hbm>> -> memref<1024xi32, #tpu.memory_space<hbm>>
          tpu.wait_dma2 semaphore(%run_scoped3A_159 : memref<!tpu.dma_semaphore, #tpu.memory_space<semaphore_mem>>) src(%dma_wait3A_163 : memref<1024xi32, #tpu.memory_space<hbm>>) dst(%arg9 : memref<1024xi32, #tpu.memory_space<vmem>>)
          tpu.yield
        }) : () -> ()
        %scan3A_153 = arith.constant 0 : i32
        %scan3A_154 = arith.constant 64 : i32
        %scan3A_155 = arith.addi %scan3A_153, %scan3A_154 : i32
        %scan3A_156 = arith.constant 1 : i32
        %scan3A_157 = scf.for %scan3A_159 = %scan3A_153 to %scan3A_155 step %scan3A_156 iter_args(%scan3A_160 = %scan3A_145) -> (i32)  : i32 {
          %mul3A_161 = arith.constant 16 : i32
          %mul3A_162 = arith.muli %scan3A_159, %mul3A_161 : i32
          %get3A = arith.index_cast %mul3A_162 : i32 to index
          %get3A_163 = tpu.vector_load %arg7[%get3A] {strides = array<i32>} : memref<1024xi32, #tpu.memory_space<vmem>>, vector<16xi32>,
          %mul3A_164 = arith.constant 16 : i32
          %mul3A_165 = arith.muli %scan3A_159, %mul3A_164 : i32
          %get3A_166 = arith.index_cast %mul3A_165 : i32 to index
          %get3A_167 = tpu.vector_load %arg8[%get3A_166] {strides = array<i32>} : memref<1024xi32, #tpu.memory_space<vmem>>, vector<16xi32>,
          %mul3A_168 = arith.constant 16 : i32
          %mul3A_169 = arith.muli %scan3A_159, %mul3A_168 : i32
          %get3A_170 = arith.index_cast %mul3A_169 : i32 to index
          %get3A_171 = tpu.vector_load %arg9[%get3A_170] {strides = array<i32>} : memref<1024xi32, #tpu.memory_space<vmem>>, vector<16xi32>,
          %ge3A = vector.broadcast %mul3A_24 : i32 to vector<16xi32>
          %ge3A_172 = arith.cmpi sge, %get3A_167, %ge3A : vector<16xi32>
          %add3A_173 = arith.constant 4096 : i32
          %add3A_174 = arith.addi %mul3A_24, %add3A_173 : i32
          %lt3A = vector.broadcast %add3A_174 : i32 to vector<16xi32>
          %lt3A_175 = arith.cmpi slt, %get3A_167, %lt3A : vector<16xi32>
          %and3A = arith.andi %ge3A_172, %lt3A_175 : vector<16xi1>
          %sub3A = vector.broadcast %mul3A_24 : i32 to vector<16xi32>
          %sub3A_176 = arith.subi %get3A_167, %sub3A : vector<16xi32>
          %mul3A_177 = arith.constant 4 : i32
          %mul3A_178 = vector.broadcast %mul3A_177 : i32 to vector<16xi32>
          %mul3A_179 = arith.muli %sub3A_176, %mul3A_178 : vector<16xi32>
          %add3A_180 = arith.addi %mul3A_179, %get3A_171 : vector<16xi32>
          %jit3A = arith.constant 16384 : i32
          %broadcast_in_dim3A = vector.broadcast %jit3A : i32 to vector<16xi32>
          %select_n3A = arith.select %and3A, %add3A_180, %broadcast_in_dim3A : vector<16xi1>, vector<16xi32>
          %jit3A_181 = arith.constant 0 : i32
          %broadcast_in_dim3A_182 = vector.broadcast %jit3A_181 : i32 to vector<16xi32>
          %select_n3A_183 = arith.select %and3A, %get3A_163, %broadcast_in_dim3A_182 : vector<16xi1>, vector<16xi32>
          %gt3A = arith.constant 224 : i32
          %gt3A_184 = arith.cmpi sgt, %scan3A_160, %gt3A : i32
          %convert_element_type3A_185 = arith.extui %gt3A_184 : i1 to i32
          %cond3A_186 = arith.constant 0 : i32
          %cond3A_187 = arith.cmpi ne, %convert_element_type3A_185, %cond3A_186 : i32
          %cond3A_188 = scf.if %cond3A_187 -> (i32) {
            %dma_start3A_213 = arith.constant 0 : i32
            %dma_start3A_214 = arith.constant 0 : i32
            %dma_start3A_215 = arith.constant 0 : i32
            %dma_start3A_216 = tpu.memref_slice %arg12[%dma_start3A_214, %dma_start3A_215] : memref<256x96xf32, #tpu.memory_space<vmem>> -> memref<128x96xf32, #tpu.memory_space<vmem>>
            %dma_start3A_217 = arith.constant 0 : i32
            %dma_start3A_218 = tpu.memref_slice %arg10[%dma_start3A_213, %dma_start3A_217] : memref<2x128xi32, #tpu.memory_space<vmem>> -> memref<1x128xi32, #tpu.memory_space<vmem>>
            %dma_start3A_219 = tpu.memref_squeeze %dma_start3A_218 : memref<1x128xi32, #tpu.memory_space<vmem>> -> memref<128xi32, #tpu.memory_space<vmem>>
            %dma_start3A_220 = arith.constant 0 : i32
            %dma_start3A_221 = arith.constant 0 : i32
            %dma_start3A_222 = tpu.memref_slice %arg2[%dma_start3A_220, %dma_start3A_221] : memref<32768x96xf32, #tpu.memory_space<hbm>> -> memref<32768x96xf32, #tpu.memory_space<hbm>>
            tpu.enqueue_indirect_dma source(%dma_start3A_222 : memref<32768x96xf32, #tpu.memory_space<hbm>>) target(%dma_start3A_216 : memref<128x96xf32, #tpu.memory_space<vmem>>) offsets(%dma_start3A_219 : memref<128xi32, #tpu.memory_space<vmem>>) semaphore(%arg13 : memref<!tpu.dma_semaphore, #tpu.memory_space<semaphore_mem>>)
            %dma_wait3A_223 = arith.constant 0 : i32
            %dma_wait3A_224 = arith.constant 0 : i32
            %dma_wait3A_225 = arith.constant 0 : i32
            %dma_wait3A_226 = tpu.memref_slice %arg12[%dma_wait3A_224, %dma_wait3A_225] : memref<256x96xf32, #tpu.memory_space<vmem>> -> memref<128x96xf32, #tpu.memory_space<vmem>>
            %dma_wait3A_227 = arith.constant 0 : i32
            %dma_wait3A_228 = tpu.memref_slice %arg10[%dma_wait3A_223, %dma_wait3A_227] : memref<2x128xi32, #tpu.memory_space<vmem>> -> memref<1x128xi32, #tpu.memory_space<vmem>>
            %dma_wait3A_229 = tpu.memref_squeeze %dma_wait3A_228 : memref<1x128xi32, #tpu.memory_space<vmem>> -> memref<128xi32, #tpu.memory_space<vmem>>
            %dma_wait3A_230 = arith.constant 0 : i32
            %dma_wait3A_231 = arith.constant 0 : i32
            %dma_wait3A_232 = tpu.memref_slice %arg2[%dma_wait3A_230, %dma_wait3A_231] : memref<32768x96xf32, #tpu.memory_space<hbm>> -> memref<32768x96xf32, #tpu.memory_space<hbm>>
            tpu.wait_indirect_dma semaphore(%arg13 : memref<!tpu.dma_semaphore, #tpu.memory_space<semaphore_mem>>) src(%dma_wait3A_232 : memref<32768x96xf32, #tpu.memory_space<hbm>>) dst(%dma_wait3A_226 : memref<128x96xf32, #tpu.memory_space<vmem>>)
            %dma_start3A_233 = arith.constant 1 : i32
            %dma_start3A_234 = arith.constant 128 : i32
            %dma_start3A_235 = arith.constant 0 : i32
            %dma_start3A_236 = tpu.memref_slice %arg12[%dma_start3A_234, %dma_start3A_235] : memref<256x96xf32, #tpu.memory_space<vmem>> -> memref<128x96xf32, #tpu.memory_space<vmem>>
            %dma_start3A_237 = arith.constant 0 : i32
            %dma_start3A_238 = tpu.memref_slice %arg10[%dma_start3A_233, %dma_start3A_237] : memref<2x128xi32, #tpu.memory_space<vmem>> -> memref<1x128xi32, #tpu.memory_space<vmem>>
            %dma_start3A_239 = tpu.memref_squeeze %dma_start3A_238 : memref<1x128xi32, #tpu.memory_space<vmem>> -> memref<128xi32, #tpu.memory_space<vmem>>
            %dma_start3A_240 = arith.constant 0 : i32
            %dma_start3A_241 = arith.constant 0 : i32
            %dma_start3A_242 = tpu.memref_slice %arg2[%dma_start3A_240, %dma_start3A_241] : memref<32768x96xf32, #tpu.memory_space<hbm>> -> memref<32768x96xf32, #tpu.memory_space<hbm>>
            tpu.enqueue_indirect_dma source(%dma_start3A_242 : memref<32768x96xf32, #tpu.memory_space<hbm>>) target(%dma_start3A_236 : memref<128x96xf32, #tpu.memory_space<vmem>>) offsets(%dma_start3A_239 : memref<128xi32, #tpu.memory_space<vmem>>) semaphore(%arg13 : memref<!tpu.dma_semaphore, #tpu.memory_space<semaphore_mem>>)
            %dma_wait3A_243 = arith.constant 1 : i32
            %dma_wait3A_244 = arith.constant 128 : i32
            %dma_wait3A_245 = arith.constant 0 : i32
            %dma_wait3A_246 = tpu.memref_slice %arg12[%dma_wait3A_244, %dma_wait3A_245] : memref<256x96xf32, #tpu.memory_space<vmem>> -> memref<128x96xf32, #tpu.memory_space<vmem>>
            %dma_wait3A_247 = arith.constant 0 : i32
            %dma_wait3A_248 = tpu.memref_slice %arg10[%dma_wait3A_243, %dma_wait3A_247] : memref<2x128xi32, #tpu.memory_space<vmem>> -> memref<1x128xi32, #tpu.memory_space<vmem>>
            %dma_wait3A_249 = tpu.memref_squeeze %dma_wait3A_248 : memref<1x128xi32, #tpu.memory_space<vmem>> -> memref<128xi32, #tpu.memory_space<vmem>>
            %dma_wait3A_250 = arith.constant 0 : i32
            %dma_wait3A_251 = arith.constant 0 : i32
            %dma_wait3A_252 = tpu.memref_slice %arg2[%dma_wait3A_250, %dma_wait3A_251] : memref<32768x96xf32, #tpu.memory_space<hbm>> -> memref<32768x96xf32, #tpu.memory_space<hbm>>
            tpu.wait_indirect_dma semaphore(%arg13 : memref<!tpu.dma_semaphore, #tpu.memory_space<semaphore_mem>>) src(%dma_wait3A_252 : memref<32768x96xf32, #tpu.memory_space<hbm>>) dst(%dma_wait3A_246 : memref<128x96xf32, #tpu.memory_space<vmem>>)
            %run_scoped3A_253 = arith.constant 0 : i32
            "tpu.region"() ({
              %run_scoped3A_270 = tpu.sem_alloc : memref<!tpu.dma_semaphore, #tpu.memory_space<semaphore_mem>>
              %dma_start3A_271 = arith.constant 0 : i32
              %dma_start3A_272 = arith.constant 0 : i32
              %dma_start3A_273 = tpu.memref_slice %arg12[%dma_start3A_271, %dma_start3A_272] : memref<256x96xf32, #tpu.memory_space<vmem>> -> memref<128x96xf32, #tpu.memory_space<vmem>>
              %dma_start3A_274 = arith.constant 0 : i32
              %dma_start3A_275 = tpu.memref_slice %arg11[%run_scoped3A_253, %dma_start3A_274] : memref<2x128xi32, #tpu.memory_space<vmem>> -> memref<1x128xi32, #tpu.memory_space<vmem>>
              %dma_start3A_276 = tpu.memref_squeeze %dma_start3A_275 : memref<1x128xi32, #tpu.memory_space<vmem>> -> memref<128xi32, #tpu.memory_space<vmem>>
              %dma_start3A_277 = arith.constant 0 : i32
              %dma_start3A_278 = arith.constant 0 : i32
              %dma_start3A_279 = tpu.memref_slice %arg6[%dma_start3A_277, %dma_start3A_278] : memref<16392x96xf32, #tpu.memory_space<vmem_shared>> -> memref<16392x96xf32, #tpu.memory_space<vmem_shared>>
              tpu.enqueue_indirect_dma source(%dma_start3A_273 : memref<128x96xf32, #tpu.memory_space<vmem>>) target(%dma_start3A_279 : memref<16392x96xf32, #tpu.memory_space<vmem_shared>>) offsets(%dma_start3A_276 : memref<128xi32, #tpu.memory_space<vmem>>) semaphore(%run_scoped3A_270 : memref<!tpu.dma_semaphore, #tpu.memory_space<semaphore_mem>>) {add = true}
              %dma_wait3A_280 = arith.constant 0 : i32
              %dma_wait3A_281 = arith.constant 0 : i32
              %dma_wait3A_282 = tpu.memref_slice %arg12[%dma_wait3A_280, %dma_wait3A_281] : memref<256x96xf32, #tpu.memory_space<vmem>> -> memref<128x96xf32, #tpu.memory_space<vmem>>
              %dma_wait3A_283 = arith.constant 0 : i32
              %dma_wait3A_284 = tpu.memref_slice %arg11[%run_scoped3A_253, %dma_wait3A_283] : memref<2x128xi32, #tpu.memory_space<vmem>> -> memref<1x128xi32, #tpu.memory_space<vmem>>
              %dma_wait3A_285 = tpu.memref_squeeze %dma_wait3A_284 : memref<1x128xi32, #tpu.memory_space<vmem>> -> memref<128xi32, #tpu.memory_space<vmem>>
              %dma_wait3A_286 = arith.constant 0 : i32
              %dma_wait3A_287 = arith.constant 0 : i32
              %dma_wait3A_288 = tpu.memref_slice %arg6[%dma_wait3A_286, %dma_wait3A_287] : memref<16392x96xf32, #tpu.memory_space<vmem_shared>> -> memref<16392x96xf32, #tpu.memory_space<vmem_shared>>
              tpu.wait_indirect_dma semaphore(%run_scoped3A_270 : memref<!tpu.dma_semaphore, #tpu.memory_space<semaphore_mem>>) src(%dma_wait3A_282 : memref<128x96xf32, #tpu.memory_space<vmem>>) dst(%dma_wait3A_288 : memref<16392x96xf32, #tpu.memory_space<vmem_shared>>)
              tpu.yield
            }) : () -> ()
            %run_scoped3A_254 = arith.constant 1 : i32
            "tpu.region"() ({
              %run_scoped3A_270 = tpu.sem_alloc : memref<!tpu.dma_semaphore, #tpu.memory_space<semaphore_mem>>
              %dma_start3A_271 = arith.constant 128 : i32
              %dma_start3A_272 = arith.constant 0 : i32
              %dma_start3A_273 = tpu.memref_slice %arg12[%dma_start3A_271, %dma_start3A_272] : memref<256x96xf32, #tpu.memory_space<vmem>> -> memref<128x96xf32, #tpu.memory_space<vmem>>
              %dma_start3A_274 = arith.constant 0 : i32
              %dma_start3A_275 = tpu.memref_slice %arg11[%run_scoped3A_254, %dma_start3A_274] : memref<2x128xi32, #tpu.memory_space<vmem>> -> memref<1x128xi32, #tpu.memory_space<vmem>>
              %dma_start3A_276 = tpu.memref_squeeze %dma_start3A_275 : memref<1x128xi32, #tpu.memory_space<vmem>> -> memref<128xi32, #tpu.memory_space<vmem>>
              %dma_start3A_277 = arith.constant 0 : i32
              %dma_start3A_278 = arith.constant 0 : i32
              %dma_start3A_279 = tpu.memref_slice %arg6[%dma_start3A_277, %dma_start3A_278] : memref<16392x96xf32, #tpu.memory_space<vmem_shared>> -> memref<16392x96xf32, #tpu.memory_space<vmem_shared>>
              tpu.enqueue_indirect_dma source(%dma_start3A_273 : memref<128x96xf32, #tpu.memory_space<vmem>>) target(%dma_start3A_279 : memref<16392x96xf32, #tpu.memory_space<vmem_shared>>) offsets(%dma_start3A_276 : memref<128xi32, #tpu.memory_space<vmem>>) semaphore(%run_scoped3A_270 : memref<!tpu.dma_semaphore, #tpu.memory_space<semaphore_mem>>) {add = true}
              %dma_wait3A_280 = arith.constant 128 : i32
              %dma_wait3A_281 = arith.constant 0 : i32
              %dma_wait3A_282 = tpu.memref_slice %arg12[%dma_wait3A_280, %dma_wait3A_281] : memref<256x96xf32, #tpu.memory_space<vmem>> -> memref<128x96xf32, #tpu.memory_space<vmem>>
              %dma_wait3A_283 = arith.constant 0 : i32
              %dma_wait3A_284 = tpu.memref_slice %arg11[%run_scoped3A_254, %dma_wait3A_283] : memref<2x128xi32, #tpu.memory_space<vmem>> -> memref<1x128xi32, #tpu.memory_space<vmem>>
              %dma_wait3A_285 = tpu.memref_squeeze %dma_wait3A_284 : memref<1x128xi32, #tpu.memory_space<vmem>> -> memref<128xi32, #tpu.memory_space<vmem>>
              %dma_wait3A_286 = arith.constant 0 : i32
              %dma_wait3A_287 = arith.constant 0 : i32
              %dma_wait3A_288 = tpu.memref_slice %arg6[%dma_wait3A_286, %dma_wait3A_287] : memref<16392x96xf32, #tpu.memory_space<vmem_shared>> -> memref<16392x96xf32, #tpu.memory_space<vmem_shared>>
              tpu.wait_indirect_dma semaphore(%run_scoped3A_270 : memref<!tpu.dma_semaphore, #tpu.memory_space<semaphore_mem>>) src(%dma_wait3A_282 : memref<128x96xf32, #tpu.memory_space<vmem>>) dst(%dma_wait3A_288 : memref<16392x96xf32, #tpu.memory_space<vmem_shared>>)
              tpu.yield
            }) : () -> ()
            %scan3A_255 = arith.constant 0 : i32
            %scan3A_256 = arith.constant 0 : i32
            %scan3A_257 = arith.constant 16 : i32
            %scan3A_258 = arith.addi %scan3A_256, %scan3A_257 : i32
            %scan3A_259 = arith.constant 1 : i32
            %scan3A_260 = scf.for %scan3A_270 = %scan3A_256 to %scan3A_258 step %scan3A_259 iter_args(%scan3A_271 = %scan3A_255) -> (i32)  : i32 {
              %broadcast_in_dim3A_272 = arith.constant 16384 : i32
              %broadcast_in_dim3A_273 = vector.broadcast %broadcast_in_dim3A_272 : i32 to vector<16xi32>
              %jit3A_274 = arith.constant 8 : i32
              %div3A = arith.divsi %scan3A_270, %jit3A_274 : i32
              %sign3A = arith.constant 0 : i32
              %sign3A_275 = arith.cmpi sgt, %scan3A_270, %sign3A : i32
              %sign3A_276 = arith.extui %sign3A_275 : i1 to i32
              %sign3A_277 = arith.constant 0 : i32
              %sign3A_278 = arith.cmpi slt, %scan3A_270, %sign3A_277 : i32
              %sign3A_279 = arith.extui %sign3A_278 : i1 to i32
              %sign3A_280 = arith.subi %sign3A_276, %sign3A_279 : i32
              %sign3A_281 = arith.constant 0 : i32
              %sign3A_282 = arith.cmpi sgt, %jit3A_274, %sign3A_281 : i32
              %sign3A_283 = arith.extui %sign3A_282 : i1 to i32
              %sign3A_284 = arith.constant 0 : i32
              %sign3A_285 = arith.cmpi slt, %jit3A_274, %sign3A_284 : i32
              %sign3A_286 = arith.extui %sign3A_285 : i1 to i32
              %sign3A_287 = arith.subi %sign3A_283, %sign3A_286 : i32
              %ne3A = arith.cmpi ne, %sign3A_280, %sign3A_287 : i32
              %rem3A = arith.remsi %scan3A_270, %jit3A_274 : i32
              %ne3A_288 = arith.constant 0 : i32
              %ne3A_289 = arith.cmpi ne, %rem3A, %ne3A_288 : i32
              %and3A_290 = arith.andi %ne3A, %ne3A_289 : i1
              %sub3A_291 = arith.constant 1 : i32
              %sub3A_292 = arith.subi %div3A, %sub3A_291 : i32
              %select_n3A_293 = arith.select %and3A_290, %sub3A_292, %div3A : i32
              %jit3A_294 = arith.constant 8 : i32
              %eq3A_295 = arith.constant 0 : i32
              %eq3A_296 = arith.cmpi eq, %jit3A_294, %eq3A_295 : i32
              %jit3A_297 = arith.constant 1 : i32
              %select_n3A_298 = arith.select %eq3A_296, %jit3A_297, %jit3A_294 : i32
              %rem3A_299 = arith.remsi %scan3A_270, %select_n3A_298 : i32
              %ne3A_300 = arith.constant 0 : i32
              %ne3A_301 = arith.cmpi ne, %rem3A_299, %ne3A_300 : i32
              %lt3A_302 = arith.constant 0 : i32
              %lt3A_303 = arith.cmpi slt, %rem3A_299, %lt3A_302 : i32
              %lt3A_304 = arith.constant 0 : i32
              %lt3A_305 = arith.cmpi slt, %select_n3A_298, %lt3A_304 : i32
              %ne3A_306 = arith.xori %lt3A_303, %lt3A_305 : i1
              %and3A_307 = arith.andi %ne3A_306, %ne3A_301 : i1
              %add3A_308 = arith.addi %rem3A_299, %select_n3A_298 : i32
              %select_n3A_309 = arith.select %and3A_307, %add3A_308, %rem3A_299 : i32
              %mul3A_310 = arith.constant 16 : i32
              %mul3A_311 = arith.muli %select_n3A_309, %mul3A_310 : i32
              %swap3A = arith.index_cast %select_n3A_293 : i32 to index
              %swap3A_312 = arith.index_cast %mul3A_311 : i32 to index
              %swap3A_313 = tpu.vector_load %arg11[%swap3A, %swap3A_312] {strides = array<i32>} : memref<2x128xi32, #tpu.memory_space<vmem>>, vector<16xi32>,
              tpu.vector_store %arg11[%swap3A, %swap3A_312], %broadcast_in_dim3A_273 {strides = array<i32>} : memref<2x128xi32, #tpu.memory_space<vmem>>, vector<16xi32>,
              %scan3A_314 = arith.constant 0 : i32
              scf.yield %scan3A_314 : i32
            }
            %scan3A_261 = arith.constant 16 : i32
            %scan3A_262 = arith.constant 0 : i32
            %scan3A_263 = arith.constant 0 : i32
            %scan3A_264 = arith.constant 16 : i32
            %scan3A_265 = arith.addi %scan3A_263, %scan3A_264 : i32
            %scan3A_266 = arith.constant 1 : i32
            %scan3A_267 = scf.for %scan3A_270 = %scan3A_263 to %scan3A_265 step %scan3A_266 iter_args(%scan3A_271 = %scan3A_262) -> (i32)  : i32 {
              %broadcast_in_dim3A_272 = arith.constant 0 : i32
              %broadcast_in_dim3A_273 = vector.broadcast %broadcast_in_dim3A_272 : i32 to vector<16xi32>
              %jit3A_274 = arith.constant 8 : i32
              %div3A = arith.divsi %scan3A_270, %jit3A_274 : i32
              %sign3A = arith.constant 0 : i32
              %sign3A_275 = arith.cmpi sgt, %scan3A_270, %sign3A : i32
              %sign3A_276 = arith.extui %sign3A_275 : i1 to i32
              %sign3A_277 = arith.constant 0 : i32
              %sign3A_278 = arith.cmpi slt, %scan3A_270, %sign3A_277 : i32
              %sign3A_279 = arith.extui %sign3A_278 : i1 to i32
              %sign3A_280 = arith.subi %sign3A_276, %sign3A_279 : i32
              %sign3A_281 = arith.constant 0 : i32
              %sign3A_282 = arith.cmpi sgt, %jit3A_274, %sign3A_281 : i32
              %sign3A_283 = arith.extui %sign3A_282 : i1 to i32
              %sign3A_284 = arith.constant 0 : i32
              %sign3A_285 = arith.cmpi slt, %jit3A_274, %sign3A_284 : i32
              %sign3A_286 = arith.extui %sign3A_285 : i1 to i32
              %sign3A_287 = arith.subi %sign3A_283, %sign3A_286 : i32
              %ne3A = arith.cmpi ne, %sign3A_280, %sign3A_287 : i32
              %rem3A = arith.remsi %scan3A_270, %jit3A_274 : i32
              %ne3A_288 = arith.constant 0 : i32
              %ne3A_289 = arith.cmpi ne, %rem3A, %ne3A_288 : i32
              %and3A_290 = arith.andi %ne3A, %ne3A_289 : i1
              %sub3A_291 = arith.constant 1 : i32
              %sub3A_292 = arith.subi %div3A, %sub3A_291 : i32
              %select_n3A_293 = arith.select %and3A_290, %sub3A_292, %div3A : i32
              %jit3A_294 = arith.constant 8 : i32
              %eq3A_295 = arith.constant 0 : i32
              %eq3A_296 = arith.cmpi eq, %jit3A_294, %eq3A_295 : i32
              %jit3A_297 = arith.constant 1 : i32
              %select_n3A_298 = arith.select %eq3A_296, %jit3A_297, %jit3A_294 : i32
              %rem3A_299 = arith.remsi %scan3A_270, %select_n3A_298 : i32
              %ne3A_300 = arith.constant 0 : i32
              %ne3A_301 = arith.cmpi ne, %rem3A_299, %ne3A_300 : i32
              %lt3A_302 = arith.constant 0 : i32
              %lt3A_303 = arith.cmpi slt, %rem3A_299, %lt3A_302 : i32
              %lt3A_304 = arith.constant 0 : i32
              %lt3A_305 = arith.cmpi slt, %select_n3A_298, %lt3A_304 : i32
              %ne3A_306 = arith.xori %lt3A_303, %lt3A_305 : i1
              %and3A_307 = arith.andi %ne3A_306, %ne3A_301 : i1
              %add3A_308 = arith.addi %rem3A_299, %select_n3A_298 : i32
              %select_n3A_309 = arith.select %and3A_307, %add3A_308, %rem3A_299 : i32
              %mul3A_310 = arith.constant 16 : i32
              %mul3A_311 = arith.muli %select_n3A_309, %mul3A_310 : i32
              %swap3A = arith.index_cast %select_n3A_293 : i32 to index
              %swap3A_312 = arith.index_cast %mul3A_311 : i32 to index
              %swap3A_313 = tpu.vector_load %arg10[%swap3A, %swap3A_312] {strides = array<i32>} : memref<2x128xi32, #tpu.memory_space<vmem>>, vector<16xi32>,
              tpu.vector_store %arg10[%swap3A, %swap3A_312], %broadcast_in_dim3A_273 {strides = array<i32>} : memref<2x128xi32, #tpu.memory_space<vmem>>, vector<16xi32>,
              %scan3A_314 = arith.constant 0 : i32
              scf.yield %scan3A_314 : i32
            }
            %scan3A_268 = arith.constant 16 : i32
            %cond3A_269 = arith.constant 0 : i32
            scf.yield %cond3A_269 : i32
          } else {
            scf.yield %scan3A_160 : i32
          }
          %convert_element_type3A_189 = arith.extui %and3A : vector<16xi1> to vector<16xi32>
          %broadcast_in_dim3A_190 = arith.constant true
          %broadcast_in_dim3A_191 = vector.broadcast %broadcast_in_dim3A_190 : i1 to vector<16xi1>
          %masked_cumsum3A = tpu.scan <sum>, %convert_element_type3A_189 masked %broadcast_in_dim3A_191 : vector<16xi32>, vector<16xi1> -> vector<16xi32>
          %add3A_192 = vector.broadcast %cond3A_188 : i32 to vector<16xi32>
          %add3A_193 = arith.addi %add3A_192, %masked_cumsum3A : vector<16xi32>
          %sub3A_194 = arith.constant 1 : i32
          %sub3A_195 = vector.broadcast %sub3A_194 : i32 to vector<16xi32>
          %sub3A_196 = arith.subi %add3A_193, %sub3A_195 : vector<16xi32>
          %iota3A = tpu.iota {dimensions = array<i32: 0>} : vector<16xi32>
          %add3A_197 = arith.constant 240 : i32
          %add3A_198 = vector.broadcast %add3A_197 : i32 to vector<16xi32>
          %add3A_199 = arith.addi %add3A_198, %iota3A : vector<16xi32>
          %select_n3A_200 = arith.select %and3A, %sub3A_196, %add3A_199 : vector<16xi1>, vector<16xi32>
          %shift_right_arithmetic3A = arith.constant 7 : i32
          %shift_right_arithmetic3A_201 = vector.broadcast %shift_right_arithmetic3A : i32 to vector<16xi32>
          %shift_right_arithmetic3A_202 = arith.shrsi %select_n3A_200, %shift_right_arithmetic3A_201 : vector<16xi32>
          %and3A_203 = arith.constant 127 : i32
          %and3A_204 = vector.broadcast %and3A_203 : i32 to vector<16xi32>
          %and3A_205 = arith.andi %select_n3A_200, %and3A_204 : vector<16xi32>
          tpu.vector_store_idx %arg11[%shift_right_arithmetic3A_202, %and3A_205], %select_n3A : memref<2x128xi32, #tpu.memory_space<vmem>>[vector<16xi32>, vector<16xi32>], vector<16xi32>,
          %shift_right_arithmetic3A_206 = arith.constant 7 : i32
          %shift_right_arithmetic3A_207 = vector.broadcast %shift_right_arithmetic3A_206 : i32 to vector<16xi32>
          %shift_right_arithmetic3A_208 = arith.shrsi %select_n3A_200, %shift_right_arithmetic3A_207 : vector<16xi32>
          %and3A_209 = arith.constant 127 : i32
          %and3A_210 = vector.broadcast %and3A_209 : i32 to vector<16xi32>
          %and3A_211 = arith.andi %select_n3A_200, %and3A_210 : vector<16xi32>
          tpu.vector_store_idx %arg10[%shift_right_arithmetic3A_208, %and3A_211], %select_n3A_183 : memref<2x128xi32, #tpu.memory_space<vmem>>[vector<16xi32>, vector<16xi32>], vector<16xi32>,
          %slice3A = vector.extract_strided_slice %masked_cumsum3A {offsets = [15], sizes = [1], strides = [1]} : vector<16xi32> to vector<1xi32>
          %squeeze3A = vector.extract %slice3A[0] : i32 from vector<1xi32>
          %add3A_212 = arith.addi %cond3A_188, %squeeze3A : i32
          scf.yield %add3A_212 : i32
        }
        %scan3A_158 = arith.constant 64 : i32
        scf.yield %scan3A_157 : i32
      }
      %scan3A_56 = arith.constant 64 : i32
      %dma_start3A = arith.constant 0 : i32
      %dma_start3A_57 = arith.constant 0 : i32
      %dma_start3A_58 = arith.constant 0 : i32
      %dma_start3A_59 = tpu.memref_slice %arg12[%dma_start3A_57, %dma_start3A_58] : memref<256x96xf32, #tpu.memory_space<vmem>> -> memref<128x96xf32, #tpu.memory_space<vmem>>
      %dma_start3A_60 = arith.constant 0 : i32
      %dma_start3A_61 = tpu.memref_slice %arg10[%dma_start3A, %dma_start3A_60] : memref<2x128xi32, #tpu.memory_space<vmem>> -> memref<1x128xi32, #tpu.memory_space<vmem>>
      %dma_start3A_62 = tpu.memref_squeeze %dma_start3A_61 : memref<1x128xi32, #tpu.memory_space<vmem>> -> memref<128xi32, #tpu.memory_space<vmem>>
      %dma_start3A_63 = arith.constant 0 : i32
      %dma_start3A_64 = arith.constant 0 : i32
      %dma_start3A_65 = tpu.memref_slice %arg2[%dma_start3A_63, %dma_start3A_64] : memref<32768x96xf32, #tpu.memory_space<hbm>> -> memref<32768x96xf32, #tpu.memory_space<hbm>>
      tpu.enqueue_indirect_dma source(%dma_start3A_65 : memref<32768x96xf32, #tpu.memory_space<hbm>>) target(%dma_start3A_59 : memref<128x96xf32, #tpu.memory_space<vmem>>) offsets(%dma_start3A_62 : memref<128xi32, #tpu.memory_space<vmem>>) semaphore(%arg13 : memref<!tpu.dma_semaphore, #tpu.memory_space<semaphore_mem>>)
      %dma_wait3A = arith.constant 0 : i32
      %dma_wait3A_66 = arith.constant 0 : i32
      %dma_wait3A_67 = arith.constant 0 : i32
      %dma_wait3A_68 = tpu.memref_slice %arg12[%dma_wait3A_66, %dma_wait3A_67] : memref<256x96xf32, #tpu.memory_space<vmem>> -> memref<128x96xf32, #tpu.memory_space<vmem>>
      %dma_wait3A_69 = arith.constant 0 : i32
      %dma_wait3A_70 = tpu.memref_slice %arg10[%dma_wait3A, %dma_wait3A_69] : memref<2x128xi32, #tpu.memory_space<vmem>> -> memref<1x128xi32, #tpu.memory_space<vmem>>
      %dma_wait3A_71 = tpu.memref_squeeze %dma_wait3A_70 : memref<1x128xi32, #tpu.memory_space<vmem>> -> memref<128xi32, #tpu.memory_space<vmem>>
      %dma_wait3A_72 = arith.constant 0 : i32
      %dma_wait3A_73 = arith.constant 0 : i32
      %dma_wait3A_74 = tpu.memref_slice %arg2[%dma_wait3A_72, %dma_wait3A_73] : memref<32768x96xf32, #tpu.memory_space<hbm>> -> memref<32768x96xf32, #tpu.memory_space<hbm>>
      tpu.wait_indirect_dma semaphore(%arg13 : memref<!tpu.dma_semaphore, #tpu.memory_space<semaphore_mem>>) src(%dma_wait3A_74 : memref<32768x96xf32, #tpu.memory_space<hbm>>) dst(%dma_wait3A_68 : memref<128x96xf32, #tpu.memory_space<vmem>>)
      %dma_start3A_75 = arith.constant 1 : i32
      %dma_start3A_76 = arith.constant 128 : i32
      %dma_start3A_77 = arith.constant 0 : i32
      %dma_start3A_78 = tpu.memref_slice %arg12[%dma_start3A_76, %dma_start3A_77] : memref<256x96xf32, #tpu.memory_space<vmem>> -> memref<128x96xf32, #tpu.memory_space<vmem>>
      %dma_start3A_79 = arith.constant 0 : i32
      %dma_start3A_80 = tpu.memref_slice %arg10[%dma_start3A_75, %dma_start3A_79] : memref<2x128xi32, #tpu.memory_space<vmem>> -> memref<1x128xi32, #tpu.memory_space<vmem>>
      %dma_start3A_81 = tpu.memref_squeeze %dma_start3A_80 : memref<1x128xi32, #tpu.memory_space<vmem>> -> memref<128xi32, #tpu.memory_space<vmem>>
      %dma_start3A_82 = arith.constant 0 : i32
      %dma_start3A_83 = arith.constant 0 : i32
      %dma_start3A_84 = tpu.memref_slice %arg2[%dma_start3A_82, %dma_start3A_83] : memref<32768x96xf32, #tpu.memory_space<hbm>> -> memref<32768x96xf32, #tpu.memory_space<hbm>>
      tpu.enqueue_indirect_dma source(%dma_start3A_84 : memref<32768x96xf32, #tpu.memory_space<hbm>>) target(%dma_start3A_78 : memref<128x96xf32, #tpu.memory_space<vmem>>) offsets(%dma_start3A_81 : memref<128xi32, #tpu.memory_space<vmem>>) semaphore(%arg13 : memref<!tpu.dma_semaphore, #tpu.memory_space<semaphore_mem>>)
      %dma_wait3A_85 = arith.constant 1 : i32
      %dma_wait3A_86 = arith.constant 128 : i32
      %dma_wait3A_87 = arith.constant 0 : i32
      %dma_wait3A_88 = tpu.memref_slice %arg12[%dma_wait3A_86, %dma_wait3A_87] : memref<256x96xf32, #tpu.memory_space<vmem>> -> memref<128x96xf32, #tpu.memory_space<vmem>>
      %dma_wait3A_89 = arith.constant 0 : i32
      %dma_wait3A_90 = tpu.memref_slice %arg10[%dma_wait3A_85, %dma_wait3A_89] : memref<2x128xi32, #tpu.memory_space<vmem>> -> memref<1x128xi32, #tpu.memory_space<vmem>>
      %dma_wait3A_91 = tpu.memref_squeeze %dma_wait3A_90 : memref<1x128xi32, #tpu.memory_space<vmem>> -> memref<128xi32, #tpu.memory_space<vmem>>
      %dma_wait3A_92 = arith.constant 0 : i32
      %dma_wait3A_93 = arith.constant 0 : i32
      %dma_wait3A_94 = tpu.memref_slice %arg2[%dma_wait3A_92, %dma_wait3A_93] : memref<32768x96xf32, #tpu.memory_space<hbm>> -> memref<32768x96xf32, #tpu.memory_space<hbm>>
      tpu.wait_indirect_dma semaphore(%arg13 : memref<!tpu.dma_semaphore, #tpu.memory_space<semaphore_mem>>) src(%dma_wait3A_94 : memref<32768x96xf32, #tpu.memory_space<hbm>>) dst(%dma_wait3A_88 : memref<128x96xf32, #tpu.memory_space<vmem>>)
      %run_scoped3A = arith.constant 0 : i32
      "tpu.region"() ({
        %run_scoped3A_144 = tpu.sem_alloc : memref<!tpu.dma_semaphore, #tpu.memory_space<semaphore_mem>>
        %dma_start3A_145 = arith.constant 0 : i32
        %dma_start3A_146 = arith.constant 0 : i32
        %dma_start3A_147 = tpu.memref_slice %arg12[%dma_start3A_145, %dma_start3A_146] : memref<256x96xf32, #tpu.memory_space<vmem>> -> memref<128x96xf32, #tpu.memory_space<vmem>>
        %dma_start3A_148 = arith.constant 0 : i32
        %dma_start3A_149 = tpu.memref_slice %arg11[%run_scoped3A, %dma_start3A_148] : memref<2x128xi32, #tpu.memory_space<vmem>> -> memref<1x128xi32, #tpu.memory_space<vmem>>
        %dma_start3A_150 = tpu.memref_squeeze %dma_start3A_149 : memref<1x128xi32, #tpu.memory_space<vmem>> -> memref<128xi32, #tpu.memory_space<vmem>>
        %dma_start3A_151 = arith.constant 0 : i32
        %dma_start3A_152 = arith.constant 0 : i32
        %dma_start3A_153 = tpu.memref_slice %arg6[%dma_start3A_151, %dma_start3A_152] : memref<16392x96xf32, #tpu.memory_space<vmem_shared>> -> memref<16392x96xf32, #tpu.memory_space<vmem_shared>>
        tpu.enqueue_indirect_dma source(%dma_start3A_147 : memref<128x96xf32, #tpu.memory_space<vmem>>) target(%dma_start3A_153 : memref<16392x96xf32, #tpu.memory_space<vmem_shared>>) offsets(%dma_start3A_150 : memref<128xi32, #tpu.memory_space<vmem>>) semaphore(%run_scoped3A_144 : memref<!tpu.dma_semaphore, #tpu.memory_space<semaphore_mem>>) {add = true}
        %dma_wait3A_154 = arith.constant 0 : i32
        %dma_wait3A_155 = arith.constant 0 : i32
        %dma_wait3A_156 = tpu.memref_slice %arg12[%dma_wait3A_154, %dma_wait3A_155] : memref<256x96xf32, #tpu.memory_space<vmem>> -> memref<128x96xf32, #tpu.memory_space<vmem>>
        %dma_wait3A_157 = arith.constant 0 : i32
        %dma_wait3A_158 = tpu.memref_slice %arg11[%run_scoped3A, %dma_wait3A_157] : memref<2x128xi32, #tpu.memory_space<vmem>> -> memref<1x128xi32, #tpu.memory_space<vmem>>
        %dma_wait3A_159 = tpu.memref_squeeze %dma_wait3A_158 : memref<1x128xi32, #tpu.memory_space<vmem>> -> memref<128xi32, #tpu.memory_space<vmem>>
        %dma_wait3A_160 = arith.constant 0 : i32
        %dma_wait3A_161 = arith.constant 0 : i32
        %dma_wait3A_162 = tpu.memref_slice %arg6[%dma_wait3A_160, %dma_wait3A_161] : memref<16392x96xf32, #tpu.memory_space<vmem_shared>> -> memref<16392x96xf32, #tpu.memory_space<vmem_shared>>
        tpu.wait_indirect_dma semaphore(%run_scoped3A_144 : memref<!tpu.dma_semaphore, #tpu.memory_space<semaphore_mem>>) src(%dma_wait3A_156 : memref<128x96xf32, #tpu.memory_space<vmem>>) dst(%dma_wait3A_162 : memref<16392x96xf32, #tpu.memory_space<vmem_shared>>)
        tpu.yield
      }) : () -> ()
      %run_scoped3A_95 = arith.constant 1 : i32
      "tpu.region"() ({
        %run_scoped3A_144 = tpu.sem_alloc : memref<!tpu.dma_semaphore, #tpu.memory_space<semaphore_mem>>
        %dma_start3A_145 = arith.constant 128 : i32
        %dma_start3A_146 = arith.constant 0 : i32
        %dma_start3A_147 = tpu.memref_slice %arg12[%dma_start3A_145, %dma_start3A_146] : memref<256x96xf32, #tpu.memory_space<vmem>> -> memref<128x96xf32, #tpu.memory_space<vmem>>
        %dma_start3A_148 = arith.constant 0 : i32
        %dma_start3A_149 = tpu.memref_slice %arg11[%run_scoped3A_95, %dma_start3A_148] : memref<2x128xi32, #tpu.memory_space<vmem>> -> memref<1x128xi32, #tpu.memory_space<vmem>>
        %dma_start3A_150 = tpu.memref_squeeze %dma_start3A_149 : memref<1x128xi32, #tpu.memory_space<vmem>> -> memref<128xi32, #tpu.memory_space<vmem>>
        %dma_start3A_151 = arith.constant 0 : i32
        %dma_start3A_152 = arith.constant 0 : i32
        %dma_start3A_153 = tpu.memref_slice %arg6[%dma_start3A_151, %dma_start3A_152] : memref<16392x96xf32, #tpu.memory_space<vmem_shared>> -> memref<16392x96xf32, #tpu.memory_space<vmem_shared>>
        tpu.enqueue_indirect_dma source(%dma_start3A_147 : memref<128x96xf32, #tpu.memory_space<vmem>>) target(%dma_start3A_153 : memref<16392x96xf32, #tpu.memory_space<vmem_shared>>) offsets(%dma_start3A_150 : memref<128xi32, #tpu.memory_space<vmem>>) semaphore(%run_scoped3A_144 : memref<!tpu.dma_semaphore, #tpu.memory_space<semaphore_mem>>) {add = true}
        %dma_wait3A_154 = arith.constant 128 : i32
        %dma_wait3A_155 = arith.constant 0 : i32
        %dma_wait3A_156 = tpu.memref_slice %arg12[%dma_wait3A_154, %dma_wait3A_155] : memref<256x96xf32, #tpu.memory_space<vmem>> -> memref<128x96xf32, #tpu.memory_space<vmem>>
        %dma_wait3A_157 = arith.constant 0 : i32
        %dma_wait3A_158 = tpu.memref_slice %arg11[%run_scoped3A_95, %dma_wait3A_157] : memref<2x128xi32, #tpu.memory_space<vmem>> -> memref<1x128xi32, #tpu.memory_space<vmem>>
        %dma_wait3A_159 = tpu.memref_squeeze %dma_wait3A_158 : memref<1x128xi32, #tpu.memory_space<vmem>> -> memref<128xi32, #tpu.memory_space<vmem>>
        %dma_wait3A_160 = arith.constant 0 : i32
        %dma_wait3A_161 = arith.constant 0 : i32
        %dma_wait3A_162 = tpu.memref_slice %arg6[%dma_wait3A_160, %dma_wait3A_161] : memref<16392x96xf32, #tpu.memory_space<vmem_shared>> -> memref<16392x96xf32, #tpu.memory_space<vmem_shared>>
        tpu.wait_indirect_dma semaphore(%run_scoped3A_144 : memref<!tpu.dma_semaphore, #tpu.memory_space<semaphore_mem>>) src(%dma_wait3A_156 : memref<128x96xf32, #tpu.memory_space<vmem>>) dst(%dma_wait3A_162 : memref<16392x96xf32, #tpu.memory_space<vmem_shared>>)
        tpu.yield
      }) : () -> ()
      %scan3A_96 = arith.constant 0 : i32
      %scan3A_97 = arith.constant 0 : i32
      %scan3A_98 = arith.constant 16 : i32
      %scan3A_99 = arith.addi %scan3A_97, %scan3A_98 : i32
      %scan3A_100 = arith.constant 1 : i32
      %scan3A_101 = scf.for %scan3A_144 = %scan3A_97 to %scan3A_99 step %scan3A_100 iter_args(%scan3A_145 = %scan3A_96) -> (i32)  : i32 {
        %broadcast_in_dim3A = arith.constant 16384 : i32
        %broadcast_in_dim3A_146 = vector.broadcast %broadcast_in_dim3A : i32 to vector<16xi32>
        %jit3A = arith.constant 8 : i32
        %div3A = arith.divsi %scan3A_144, %jit3A : i32
        %sign3A = arith.constant 0 : i32
        %sign3A_147 = arith.cmpi sgt, %scan3A_144, %sign3A : i32
        %sign3A_148 = arith.extui %sign3A_147 : i1 to i32
        %sign3A_149 = arith.constant 0 : i32
        %sign3A_150 = arith.cmpi slt, %scan3A_144, %sign3A_149 : i32
        %sign3A_151 = arith.extui %sign3A_150 : i1 to i32
        %sign3A_152 = arith.subi %sign3A_148, %sign3A_151 : i32
        %sign3A_153 = arith.constant 0 : i32
        %sign3A_154 = arith.cmpi sgt, %jit3A, %sign3A_153 : i32
        %sign3A_155 = arith.extui %sign3A_154 : i1 to i32
        %sign3A_156 = arith.constant 0 : i32
        %sign3A_157 = arith.cmpi slt, %jit3A, %sign3A_156 : i32
        %sign3A_158 = arith.extui %sign3A_157 : i1 to i32
        %sign3A_159 = arith.subi %sign3A_155, %sign3A_158 : i32
        %ne3A = arith.cmpi ne, %sign3A_152, %sign3A_159 : i32
        %rem3A = arith.remsi %scan3A_144, %jit3A : i32
        %ne3A_160 = arith.constant 0 : i32
        %ne3A_161 = arith.cmpi ne, %rem3A, %ne3A_160 : i32
        %and3A = arith.andi %ne3A, %ne3A_161 : i1
        %sub3A = arith.constant 1 : i32
        %sub3A_162 = arith.subi %div3A, %sub3A : i32
        %select_n3A = arith.select %and3A, %sub3A_162, %div3A : i32
        %jit3A_163 = arith.constant 8 : i32
        %eq3A_164 = arith.constant 0 : i32
        %eq3A_165 = arith.cmpi eq, %jit3A_163, %eq3A_164 : i32
        %jit3A_166 = arith.constant 1 : i32
        %select_n3A_167 = arith.select %eq3A_165, %jit3A_166, %jit3A_163 : i32
        %rem3A_168 = arith.remsi %scan3A_144, %select_n3A_167 : i32
        %ne3A_169 = arith.constant 0 : i32
        %ne3A_170 = arith.cmpi ne, %rem3A_168, %ne3A_169 : i32
        %lt3A = arith.constant 0 : i32
        %lt3A_171 = arith.cmpi slt, %rem3A_168, %lt3A : i32
        %lt3A_172 = arith.constant 0 : i32
        %lt3A_173 = arith.cmpi slt, %select_n3A_167, %lt3A_172 : i32
        %ne3A_174 = arith.xori %lt3A_171, %lt3A_173 : i1
        %and3A_175 = arith.andi %ne3A_174, %ne3A_170 : i1
        %add3A_176 = arith.addi %rem3A_168, %select_n3A_167 : i32
        %select_n3A_177 = arith.select %and3A_175, %add3A_176, %rem3A_168 : i32
        %mul3A_178 = arith.constant 16 : i32
        %mul3A_179 = arith.muli %select_n3A_177, %mul3A_178 : i32
        %swap3A = arith.index_cast %select_n3A : i32 to index
        %swap3A_180 = arith.index_cast %mul3A_179 : i32 to index
        %swap3A_181 = tpu.vector_load %arg11[%swap3A, %swap3A_180] {strides = array<i32>} : memref<2x128xi32, #tpu.memory_space<vmem>>, vector<16xi32>,
        tpu.vector_store %arg11[%swap3A, %swap3A_180], %broadcast_in_dim3A_146 {strides = array<i32>} : memref<2x128xi32, #tpu.memory_space<vmem>>, vector<16xi32>,
        %scan3A_182 = arith.constant 0 : i32
        scf.yield %scan3A_182 : i32
      }
      %scan3A_102 = arith.constant 16 : i32
      %scan3A_103 = arith.constant 0 : i32
      %scan3A_104 = arith.constant 0 : i32
      %scan3A_105 = arith.constant 16 : i32
      %scan3A_106 = arith.addi %scan3A_104, %scan3A_105 : i32
      %scan3A_107 = arith.constant 1 : i32
      %scan3A_108 = scf.for %scan3A_144 = %scan3A_104 to %scan3A_106 step %scan3A_107 iter_args(%scan3A_145 = %scan3A_103) -> (i32)  : i32 {
        %broadcast_in_dim3A = arith.constant 0 : i32
        %broadcast_in_dim3A_146 = vector.broadcast %broadcast_in_dim3A : i32 to vector<16xi32>
        %jit3A = arith.constant 8 : i32
        %div3A = arith.divsi %scan3A_144, %jit3A : i32
        %sign3A = arith.constant 0 : i32
        %sign3A_147 = arith.cmpi sgt, %scan3A_144, %sign3A : i32
        %sign3A_148 = arith.extui %sign3A_147 : i1 to i32
        %sign3A_149 = arith.constant 0 : i32
        %sign3A_150 = arith.cmpi slt, %scan3A_144, %sign3A_149 : i32
        %sign3A_151 = arith.extui %sign3A_150 : i1 to i32
        %sign3A_152 = arith.subi %sign3A_148, %sign3A_151 : i32
        %sign3A_153 = arith.constant 0 : i32
        %sign3A_154 = arith.cmpi sgt, %jit3A, %sign3A_153 : i32
        %sign3A_155 = arith.extui %sign3A_154 : i1 to i32
        %sign3A_156 = arith.constant 0 : i32
        %sign3A_157 = arith.cmpi slt, %jit3A, %sign3A_156 : i32
        %sign3A_158 = arith.extui %sign3A_157 : i1 to i32
        %sign3A_159 = arith.subi %sign3A_155, %sign3A_158 : i32
        %ne3A = arith.cmpi ne, %sign3A_152, %sign3A_159 : i32
        %rem3A = arith.remsi %scan3A_144, %jit3A : i32
        %ne3A_160 = arith.constant 0 : i32
        %ne3A_161 = arith.cmpi ne, %rem3A, %ne3A_160 : i32
        %and3A = arith.andi %ne3A, %ne3A_161 : i1
        %sub3A = arith.constant 1 : i32
        %sub3A_162 = arith.subi %div3A, %sub3A : i32
        %select_n3A = arith.select %and3A, %sub3A_162, %div3A : i32
        %jit3A_163 = arith.constant 8 : i32
        %eq3A_164 = arith.constant 0 : i32
        %eq3A_165 = arith.cmpi eq, %jit3A_163, %eq3A_164 : i32
        %jit3A_166 = arith.constant 1 : i32
        %select_n3A_167 = arith.select %eq3A_165, %jit3A_166, %jit3A_163 : i32
        %rem3A_168 = arith.remsi %scan3A_144, %select_n3A_167 : i32
        %ne3A_169 = arith.constant 0 : i32
        %ne3A_170 = arith.cmpi ne, %rem3A_168, %ne3A_169 : i32
        %lt3A = arith.constant 0 : i32
        %lt3A_171 = arith.cmpi slt, %rem3A_168, %lt3A : i32
        %lt3A_172 = arith.constant 0 : i32
        %lt3A_173 = arith.cmpi slt, %select_n3A_167, %lt3A_172 : i32
        %ne3A_174 = arith.xori %lt3A_171, %lt3A_173 : i1
        %and3A_175 = arith.andi %ne3A_174, %ne3A_170 : i1
        %add3A_176 = arith.addi %rem3A_168, %select_n3A_167 : i32
        %select_n3A_177 = arith.select %and3A_175, %add3A_176, %rem3A_168 : i32
        %mul3A_178 = arith.constant 16 : i32
        %mul3A_179 = arith.muli %select_n3A_177, %mul3A_178 : i32
        %swap3A = arith.index_cast %select_n3A : i32 to index
        %swap3A_180 = arith.index_cast %mul3A_179 : i32 to index
        %swap3A_181 = tpu.vector_load %arg10[%swap3A, %swap3A_180] {strides = array<i32>} : memref<2x128xi32, #tpu.memory_space<vmem>>, vector<16xi32>,
        tpu.vector_store %arg10[%swap3A, %swap3A_180], %broadcast_in_dim3A_146 {strides = array<i32>} : memref<2x128xi32, #tpu.memory_space<vmem>>, vector<16xi32>,
        %scan3A_182 = arith.constant 0 : i32
        scf.yield %scan3A_182 : i32
      }
      %scan3A_109 = arith.constant 16 : i32
      %barrier3A_110 = arith.constant 0 : index
      tpu.barrier barrier_id(%barrier3A_110)
      %mul3A_111 = arith.constant 4 : i32
      %mul3A_112 = arith.muli %arg0, %mul3A_111 : i32
      %add3A_113 = arith.addi %mul3A_112, %scan3A_20 : i32
      %mul3A_114 = arith.constant 16384 : i32
      %mul3A_115 = arith.muli %add3A_113, %mul3A_114 : i32
      %mul3A_116 = arith.constant 1024 : i32
      %mul3A_117 = arith.muli %arg1, %mul3A_116 : i32
      %add3A_118 = arith.addi %mul3A_115, %mul3A_117 : i32
      %mul3A_119 = arith.constant 1024 : i32
      %mul3A_120 = arith.muli %arg1, %mul3A_119 : i32
      %add3A_121 = arith.constant 0 : i32
      %add3A_122 = arith.addi %mul3A_120, %add3A_121 : i32
      "tpu.region"() ({
        %run_scoped3A_144 = tpu.sem_alloc : memref<!tpu.dma_semaphore, #tpu.memory_space<semaphore_mem>>
        %dma_start3A_145 = arith.constant 0 : i32
        %dma_start3A_146 = tpu.memref_slice %arg6[%add3A_122, %dma_start3A_145] : memref<16392x96xf32, #tpu.memory_space<vmem_shared>> -> memref<256x96xf32, #tpu.memory_space<vmem_shared>>
        %dma_start3A_147 = arith.constant 0 : i32
        %dma_start3A_148 = tpu.memref_slice %arg6[%add3A_122, %dma_start3A_147] : memref<16392x96xf32, #tpu.memory_space<vmem_shared>> -> memref<256x96xf32, #tpu.memory_space<vmem_shared>>
        tpu.enqueue_dma source(%dma_start3A_148 : memref<256x96xf32, #tpu.memory_space<vmem_shared>>) target(%arg12 : memref<256x96xf32, #tpu.memory_space<vmem>>) target_semaphore(%run_scoped3A_144 : memref<!tpu.dma_semaphore, #tpu.memory_space<semaphore_mem>>)
        %dma_wait3A_149 = arith.constant 0 : i32
        %dma_wait3A_150 = tpu.memref_slice %arg6[%add3A_122, %dma_wait3A_149] : memref<16392x96xf32, #tpu.memory_space<vmem_shared>> -> memref<256x96xf32, #tpu.memory_space<vmem_shared>>
        %dma_wait3A_151 = arith.constant 0 : i32
        %dma_wait3A_152 = tpu.memref_slice %arg6[%add3A_122, %dma_wait3A_151] : memref<16392x96xf32, #tpu.memory_space<vmem_shared>> -> memref<256x96xf32, #tpu.memory_space<vmem_shared>>
        tpu.wait_dma2 semaphore(%run_scoped3A_144 : memref<!tpu.dma_semaphore, #tpu.memory_space<semaphore_mem>>) src(%dma_wait3A_152 : memref<256x96xf32, #tpu.memory_space<vmem_shared>>) dst(%arg12 : memref<256x96xf32, #tpu.memory_space<vmem>>)
        tpu.yield
      }) : () -> ()
      %add3A_123 = arith.constant 0 : i32
      %add3A_124 = arith.addi %add3A_118, %add3A_123 : i32
      "tpu.region"() ({
        %run_scoped3A_144 = tpu.sem_alloc : memref<!tpu.dma_semaphore, #tpu.memory_space<semaphore_mem>>
        %dma_start3A_145 = arith.constant 0 : i32
        %dma_start3A_146 = tpu.memref_slice %arg5[%add3A_124, %dma_start3A_145] : memref<131072x96xf32, #tpu.memory_space<hbm>> -> memref<256x96xf32, #tpu.memory_space<hbm>>
        %dma_start3A_147 = arith.constant 0 : i32
        %dma_start3A_148 = tpu.memref_slice %arg5[%add3A_124, %dma_start3A_147] : memref<131072x96xf32, #tpu.memory_space<hbm>> -> memref<256x96xf32, #tpu.memory_space<hbm>>
        tpu.enqueue_dma source(%arg12 : memref<256x96xf32, #tpu.memory_space<vmem>>) target(%dma_start3A_148 : memref<256x96xf32, #tpu.memory_space<hbm>>) target_semaphore(%run_scoped3A_144 : memref<!tpu.dma_semaphore, #tpu.memory_space<semaphore_mem>>)
        %dma_wait3A_149 = arith.constant 0 : i32
        %dma_wait3A_150 = tpu.memref_slice %arg5[%add3A_124, %dma_wait3A_149] : memref<131072x96xf32, #tpu.memory_space<hbm>> -> memref<256x96xf32, #tpu.memory_space<hbm>>
        %dma_wait3A_151 = arith.constant 0 : i32
        %dma_wait3A_152 = tpu.memref_slice %arg5[%add3A_124, %dma_wait3A_151] : memref<131072x96xf32, #tpu.memory_space<hbm>> -> memref<256x96xf32, #tpu.memory_space<hbm>>
        tpu.wait_dma2 semaphore(%run_scoped3A_144 : memref<!tpu.dma_semaphore, #tpu.memory_space<semaphore_mem>>) src(%arg12 : memref<256x96xf32, #tpu.memory_space<vmem>>) dst(%dma_wait3A_152 : memref<256x96xf32, #tpu.memory_space<hbm>>)
        tpu.yield
      }) : () -> ()
      %mul3A_125 = arith.constant 1024 : i32
      %mul3A_126 = arith.muli %arg1, %mul3A_125 : i32
      %add3A_127 = arith.constant 256 : i32
      %add3A_128 = arith.addi %mul3A_126, %add3A_127 : i32
      "tpu.region"() ({
        %run_scoped3A_144 = tpu.sem_alloc : memref<!tpu.dma_semaphore, #tpu.memory_space<semaphore_mem>>
        %dma_start3A_145 = arith.constant 0 : i32
        %dma_start3A_146 = tpu.memref_slice %arg6[%add3A_128, %dma_start3A_145] : memref<16392x96xf32, #tpu.memory_space<vmem_shared>> -> memref<256x96xf32, #tpu.memory_space<vmem_shared>>
        %dma_start3A_147 = arith.constant 0 : i32
        %dma_start3A_148 = tpu.memref_slice %arg6[%add3A_128, %dma_start3A_147] : memref<16392x96xf32, #tpu.memory_space<vmem_shared>> -> memref<256x96xf32, #tpu.memory_space<vmem_shared>>
        tpu.enqueue_dma source(%dma_start3A_148 : memref<256x96xf32, #tpu.memory_space<vmem_shared>>) target(%arg12 : memref<256x96xf32, #tpu.memory_space<vmem>>) target_semaphore(%run_scoped3A_144 : memref<!tpu.dma_semaphore, #tpu.memory_space<semaphore_mem>>)
        %dma_wait3A_149 = arith.constant 0 : i32
        %dma_wait3A_150 = tpu.memref_slice %arg6[%add3A_128, %dma_wait3A_149] : memref<16392x96xf32, #tpu.memory_space<vmem_shared>> -> memref<256x96xf32, #tpu.memory_space<vmem_shared>>
        %dma_wait3A_151 = arith.constant 0 : i32
        %dma_wait3A_152 = tpu.memref_slice %arg6[%add3A_128, %dma_wait3A_151] : memref<16392x96xf32, #tpu.memory_space<vmem_shared>> -> memref<256x96xf32, #tpu.memory_space<vmem_shared>>
        tpu.wait_dma2 semaphore(%run_scoped3A_144 : memref<!tpu.dma_semaphore, #tpu.memory_space<semaphore_mem>>) src(%dma_wait3A_152 : memref<256x96xf32, #tpu.memory_space<vmem_shared>>) dst(%arg12 : memref<256x96xf32, #tpu.memory_space<vmem>>)
        tpu.yield
      }) : () -> ()
      %add3A_129 = arith.constant 256 : i32
      %add3A_130 = arith.addi %add3A_118, %add3A_129 : i32
      "tpu.region"() ({
        %run_scoped3A_144 = tpu.sem_alloc : memref<!tpu.dma_semaphore, #tpu.memory_space<semaphore_mem>>
        %dma_start3A_145 = arith.constant 0 : i32
        %dma_start3A_146 = tpu.memref_slice %arg5[%add3A_130, %dma_start3A_145] : memref<131072x96xf32, #tpu.memory_space<hbm>> -> memref<256x96xf32, #tpu.memory_space<hbm>>
        %dma_start3A_147 = arith.constant 0 : i32
        %dma_start3A_148 = tpu.memref_slice %arg5[%add3A_130, %dma_start3A_147] : memref<131072x96xf32, #tpu.memory_space<hbm>> -> memref<256x96xf32, #tpu.memory_space<hbm>>
        tpu.enqueue_dma source(%arg12 : memref<256x96xf32, #tpu.memory_space<vmem>>) target(%dma_start3A_148 : memref<256x96xf32, #tpu.memory_space<hbm>>) target_semaphore(%run_scoped3A_144 : memref<!tpu.dma_semaphore, #tpu.memory_space<semaphore_mem>>)
        %dma_wait3A_149 = arith.constant 0 : i32
        %dma_wait3A_150 = tpu.memref_slice %arg5[%add3A_130, %dma_wait3A_149] : memref<131072x96xf32, #tpu.memory_space<hbm>> -> memref<256x96xf32, #tpu.memory_space<hbm>>
        %dma_wait3A_151 = arith.constant 0 : i32
        %dma_wait3A_152 = tpu.memref_slice %arg5[%add3A_130, %dma_wait3A_151] : memref<131072x96xf32, #tpu.memory_space<hbm>> -> memref<256x96xf32, #tpu.memory_space<hbm>>
        tpu.wait_dma2 semaphore(%run_scoped3A_144 : memref<!tpu.dma_semaphore, #tpu.memory_space<semaphore_mem>>) src(%arg12 : memref<256x96xf32, #tpu.memory_space<vmem>>) dst(%dma_wait3A_152 : memref<256x96xf32, #tpu.memory_space<hbm>>)
        tpu.yield
      }) : () -> ()
      %mul3A_131 = arith.constant 1024 : i32
      %mul3A_132 = arith.muli %arg1, %mul3A_131 : i32
      %add3A_133 = arith.constant 512 : i32
      %add3A_134 = arith.addi %mul3A_132, %add3A_133 : i32
      "tpu.region"() ({
        %run_scoped3A_144 = tpu.sem_alloc : memref<!tpu.dma_semaphore, #tpu.memory_space<semaphore_mem>>
        %dma_start3A_145 = arith.constant 0 : i32
        %dma_start3A_146 = tpu.memref_slice %arg6[%add3A_134, %dma_start3A_145] : memref<16392x96xf32, #tpu.memory_space<vmem_shared>> -> memref<256x96xf32, #tpu.memory_space<vmem_shared>>
        %dma_start3A_147 = arith.constant 0 : i32
        %dma_start3A_148 = tpu.memref_slice %arg6[%add3A_134, %dma_start3A_147] : memref<16392x96xf32, #tpu.memory_space<vmem_shared>> -> memref<256x96xf32, #tpu.memory_space<vmem_shared>>
        tpu.enqueue_dma source(%dma_start3A_148 : memref<256x96xf32, #tpu.memory_space<vmem_shared>>) target(%arg12 : memref<256x96xf32, #tpu.memory_space<vmem>>) target_semaphore(%run_scoped3A_144 : memref<!tpu.dma_semaphore, #tpu.memory_space<semaphore_mem>>)
        %dma_wait3A_149 = arith.constant 0 : i32
        %dma_wait3A_150 = tpu.memref_slice %arg6[%add3A_134, %dma_wait3A_149] : memref<16392x96xf32, #tpu.memory_space<vmem_shared>> -> memref<256x96xf32, #tpu.memory_space<vmem_shared>>
        %dma_wait3A_151 = arith.constant 0 : i32
        %dma_wait3A_152 = tpu.memref_slice %arg6[%add3A_134, %dma_wait3A_151] : memref<16392x96xf32, #tpu.memory_space<vmem_shared>> -> memref<256x96xf32, #tpu.memory_space<vmem_shared>>
        tpu.wait_dma2 semaphore(%run_scoped3A_144 : memref<!tpu.dma_semaphore, #tpu.memory_space<semaphore_mem>>) src(%dma_wait3A_152 : memref<256x96xf32, #tpu.memory_space<vmem_shared>>) dst(%arg12 : memref<256x96xf32, #tpu.memory_space<vmem>>)
        tpu.yield
      }) : () -> ()
      %add3A_135 = arith.constant 512 : i32
      %add3A_136 = arith.addi %add3A_118, %add3A_135 : i32
      "tpu.region"() ({
        %run_scoped3A_144 = tpu.sem_alloc : memref<!tpu.dma_semaphore, #tpu.memory_space<semaphore_mem>>
        %dma_start3A_145 = arith.constant 0 : i32
        %dma_start3A_146 = tpu.memref_slice %arg5[%add3A_136, %dma_start3A_145] : memref<131072x96xf32, #tpu.memory_space<hbm>> -> memref<256x96xf32, #tpu.memory_space<hbm>>
        %dma_start3A_147 = arith.constant 0 : i32
        %dma_start3A_148 = tpu.memref_slice %arg5[%add3A_136, %dma_start3A_147] : memref<131072x96xf32, #tpu.memory_space<hbm>> -> memref<256x96xf32, #tpu.memory_space<hbm>>
        tpu.enqueue_dma source(%arg12 : memref<256x96xf32, #tpu.memory_space<vmem>>) target(%dma_start3A_148 : memref<256x96xf32, #tpu.memory_space<hbm>>) target_semaphore(%run_scoped3A_144 : memref<!tpu.dma_semaphore, #tpu.memory_space<semaphore_mem>>)
        %dma_wait3A_149 = arith.constant 0 : i32
        %dma_wait3A_150 = tpu.memref_slice %arg5[%add3A_136, %dma_wait3A_149] : memref<131072x96xf32, #tpu.memory_space<hbm>> -> memref<256x96xf32, #tpu.memory_space<hbm>>
        %dma_wait3A_151 = arith.constant 0 : i32
        %dma_wait3A_152 = tpu.memref_slice %arg5[%add3A_136, %dma_wait3A_151] : memref<131072x96xf32, #tpu.memory_space<hbm>> -> memref<256x96xf32, #tpu.memory_space<hbm>>
        tpu.wait_dma2 semaphore(%run_scoped3A_144 : memref<!tpu.dma_semaphore, #tpu.memory_space<semaphore_mem>>) src(%arg12 : memref<256x96xf32, #tpu.memory_space<vmem>>) dst(%dma_wait3A_152 : memref<256x96xf32, #tpu.memory_space<hbm>>)
        tpu.yield
      }) : () -> ()
      %mul3A_137 = arith.constant 1024 : i32
      %mul3A_138 = arith.muli %arg1, %mul3A_137 : i32
      %add3A_139 = arith.constant 768 : i32
      %add3A_140 = arith.addi %mul3A_138, %add3A_139 : i32
      "tpu.region"() ({
        %run_scoped3A_144 = tpu.sem_alloc : memref<!tpu.dma_semaphore, #tpu.memory_space<semaphore_mem>>
        %dma_start3A_145 = arith.constant 0 : i32
        %dma_start3A_146 = tpu.memref_slice %arg6[%add3A_140, %dma_start3A_145] : memref<16392x96xf32, #tpu.memory_space<vmem_shared>> -> memref<256x96xf32, #tpu.memory_space<vmem_shared>>
        %dma_start3A_147 = arith.constant 0 : i32
        %dma_start3A_148 = tpu.memref_slice %arg6[%add3A_140, %dma_start3A_147] : memref<16392x96xf32, #tpu.memory_space<vmem_shared>> -> memref<256x96xf32, #tpu.memory_space<vmem_shared>>
        tpu.enqueue_dma source(%dma_start3A_148 : memref<256x96xf32, #tpu.memory_space<vmem_shared>>) target(%arg12 : memref<256x96xf32, #tpu.memory_space<vmem>>) target_semaphore(%run_scoped3A_144 : memref<!tpu.dma_semaphore, #tpu.memory_space<semaphore_mem>>)
        %dma_wait3A_149 = arith.constant 0 : i32
        %dma_wait3A_150 = tpu.memref_slice %arg6[%add3A_140, %dma_wait3A_149] : memref<16392x96xf32, #tpu.memory_space<vmem_shared>> -> memref<256x96xf32, #tpu.memory_space<vmem_shared>>
        %dma_wait3A_151 = arith.constant 0 : i32
        %dma_wait3A_152 = tpu.memref_slice %arg6[%add3A_140, %dma_wait3A_151] : memref<16392x96xf32, #tpu.memory_space<vmem_shared>> -> memref<256x96xf32, #tpu.memory_space<vmem_shared>>
        tpu.wait_dma2 semaphore(%run_scoped3A_144 : memref<!tpu.dma_semaphore, #tpu.memory_space<semaphore_mem>>) src(%dma_wait3A_152 : memref<256x96xf32, #tpu.memory_space<vmem_shared>>) dst(%arg12 : memref<256x96xf32, #tpu.memory_space<vmem>>)
        tpu.yield
      }) : () -> ()
      %add3A_141 = arith.constant 768 : i32
      %add3A_142 = arith.addi %add3A_118, %add3A_141 : i32
      "tpu.region"() ({
        %run_scoped3A_144 = tpu.sem_alloc : memref<!tpu.dma_semaphore, #tpu.memory_space<semaphore_mem>>
        %dma_start3A_145 = arith.constant 0 : i32
        %dma_start3A_146 = tpu.memref_slice %arg5[%add3A_142, %dma_start3A_145] : memref<131072x96xf32, #tpu.memory_space<hbm>> -> memref<256x96xf32, #tpu.memory_space<hbm>>
        %dma_start3A_147 = arith.constant 0 : i32
        %dma_start3A_148 = tpu.memref_slice %arg5[%add3A_142, %dma_start3A_147] : memref<131072x96xf32, #tpu.memory_space<hbm>> -> memref<256x96xf32, #tpu.memory_space<hbm>>
        tpu.enqueue_dma source(%arg12 : memref<256x96xf32, #tpu.memory_space<vmem>>) target(%dma_start3A_148 : memref<256x96xf32, #tpu.memory_space<hbm>>) target_semaphore(%run_scoped3A_144 : memref<!tpu.dma_semaphore, #tpu.memory_space<semaphore_mem>>)
        %dma_wait3A_149 = arith.constant 0 : i32
        %dma_wait3A_150 = tpu.memref_slice %arg5[%add3A_142, %dma_wait3A_149] : memref<131072x96xf32, #tpu.memory_space<hbm>> -> memref<256x96xf32, #tpu.memory_space<hbm>>
        %dma_wait3A_151 = arith.constant 0 : i32
        %dma_wait3A_152 = tpu.memref_slice %arg5[%add3A_142, %dma_wait3A_151] : memref<131072x96xf32, #tpu.memory_space<hbm>> -> memref<256x96xf32, #tpu.memory_space<hbm>>
        tpu.wait_dma2 semaphore(%run_scoped3A_144 : memref<!tpu.dma_semaphore, #tpu.memory_space<semaphore_mem>>) src(%arg12 : memref<256x96xf32, #tpu.memory_space<vmem>>) dst(%dma_wait3A_152 : memref<256x96xf32, #tpu.memory_space<hbm>>)
        tpu.yield
      }) : () -> ()
      %scan3A_143 = arith.constant 0 : i32
      scf.yield %scan3A_143 : i32
    }
    %scan3A_19 = arith.constant 4 : i32
    return
  }
}

#map = affine_map<(d0, d1) -> (0)>
#map1 = affine_map<(d0, d1) -> (0, 0)>
module attributes {stable_mosaic.version = 14 : i64} {
  func.func @_sc_count_body(%arg0: i32, %arg1: i32, %arg2: memref<1048576xi32, #tpu.memory_space<hbm>>, %arg3: memref<1048576xi32, #tpu.memory_space<hbm>>, %arg4: memref<131072x16xf32, #tpu.memory_space<hbm>>, %arg5: memref<65544x16xf32, #tpu.memory_space<vmem_shared>>, %arg6: memref<1024xi32, #tpu.memory_space<vmem>>, %arg7: memref<1024xi32, #tpu.memory_space<vmem>>, %arg8: memref<8x128xi32, #tpu.memory_space<vmem>>, %arg9: memref<128x16xf32, #tpu.memory_space<vmem>>, %arg10: memref<512x16xf32, #tpu.memory_space<vmem>>) attributes {dimension_semantics = [#tpu.dimension_semantics<core_parallel>, #tpu.dimension_semantics<subcore_parallel>], iteration_bounds = array<i64: 2, 16>, scalar_prefetch = 0 : i64, scratch_operands = 6 : i64, tpu.core_type = #tpu.core_type<sc_vector_subcore>, window_params = [{transform_indices = #map}, {transform_indices = #map}, {transform_indices = #map1}]} {
    %scan3A = arith.constant 0 : i32
    %scan3A_0 = arith.constant 0 : i32
    %scan3A_1 = arith.constant 512 : i32
    %scan3A_2 = arith.addi %scan3A_0, %scan3A_1 : i32
    %scan3A_3 = arith.constant 1 : i32
    %scan3A_4 = scf.for %scan3A_171 = %scan3A_0 to %scan3A_2 step %scan3A_3 iter_args(%scan3A_172 = %scan3A) -> (i32)  : i32 {
      %broadcast_in_dim3A_173 = arith.constant 0.000000e+00 : f32
      %broadcast_in_dim3A_174 = vector.broadcast %broadcast_in_dim3A_173 : f32 to vector<16xf32>
      %swap3A = arith.index_cast %scan3A_171 : i32 to index
      %swap3A_175 = arith.constant 0 : index
      %swap3A_176 = tpu.vector_load %arg10[%swap3A, %swap3A_175] {strides = array<i32>} : memref<512x16xf32, #tpu.memory_space<vmem>>, vector<16xf32>,
      tpu.vector_store %arg10[%swap3A, %swap3A_175], %broadcast_in_dim3A_174 {strides = array<i32>} : memref<512x16xf32, #tpu.memory_space<vmem>>, vector<16xf32>,
      %scan3A_177 = arith.constant 0 : i32
      scf.yield %scan3A_177 : i32
    }
    %scan3A_5 = arith.constant 512 : i32
    %mul3A = arith.constant 4096 : i32
    %mul3A_6 = arith.muli %arg1, %mul3A : i32
    %add3A = arith.constant 0 : i32
    %add3A_7 = arith.addi %mul3A_6, %add3A : i32
    "tpu.region"() ({
      %run_scoped3A_171 = tpu.sem_alloc : memref<!tpu.dma_semaphore, #tpu.memory_space<semaphore_mem>>
      %dma_start3A = arith.constant 0 : i32
      %dma_start3A_172 = tpu.memref_slice %arg5[%add3A_7, %dma_start3A] : memref<65544x16xf32, #tpu.memory_space<vmem_shared>> -> memref<512x16xf32, #tpu.memory_space<vmem_shared>>
      %dma_start3A_173 = arith.constant 0 : i32
      %dma_start3A_174 = tpu.memref_slice %arg5[%add3A_7, %dma_start3A_173] : memref<65544x16xf32, #tpu.memory_space<vmem_shared>> -> memref<512x16xf32, #tpu.memory_space<vmem_shared>>
      tpu.enqueue_dma source(%arg10 : memref<512x16xf32, #tpu.memory_space<vmem>>) target(%dma_start3A_174 : memref<512x16xf32, #tpu.memory_space<vmem_shared>>) target_semaphore(%run_scoped3A_171 : memref<!tpu.dma_semaphore, #tpu.memory_space<semaphore_mem>>)
      %dma_wait3A = arith.constant 0 : i32
      %dma_wait3A_175 = tpu.memref_slice %arg5[%add3A_7, %dma_wait3A] : memref<65544x16xf32, #tpu.memory_space<vmem_shared>> -> memref<512x16xf32, #tpu.memory_space<vmem_shared>>
      %dma_wait3A_176 = arith.constant 0 : i32
      %dma_wait3A_177 = tpu.memref_slice %arg5[%add3A_7, %dma_wait3A_176] : memref<65544x16xf32, #tpu.memory_space<vmem_shared>> -> memref<512x16xf32, #tpu.memory_space<vmem_shared>>
      tpu.wait_dma2 semaphore(%run_scoped3A_171 : memref<!tpu.dma_semaphore, #tpu.memory_space<semaphore_mem>>) src(%arg10 : memref<512x16xf32, #tpu.memory_space<vmem>>) dst(%dma_wait3A_177 : memref<512x16xf32, #tpu.memory_space<vmem_shared>>)
      tpu.yield
    }) : () -> ()
    %mul3A_8 = arith.constant 4096 : i32
    %mul3A_9 = arith.muli %arg1, %mul3A_8 : i32
    %add3A_10 = arith.constant 512 : i32
    %add3A_11 = arith.addi %mul3A_9, %add3A_10 : i32
    "tpu.region"() ({
      %run_scoped3A_171 = tpu.sem_alloc : memref<!tpu.dma_semaphore, #tpu.memory_space<semaphore_mem>>
      %dma_start3A = arith.constant 0 : i32
      %dma_start3A_172 = tpu.memref_slice %arg5[%add3A_11, %dma_start3A] : memref<65544x16xf32, #tpu.memory_space<vmem_shared>> -> memref<512x16xf32, #tpu.memory_space<vmem_shared>>
      %dma_start3A_173 = arith.constant 0 : i32
      %dma_start3A_174 = tpu.memref_slice %arg5[%add3A_11, %dma_start3A_173] : memref<65544x16xf32, #tpu.memory_space<vmem_shared>> -> memref<512x16xf32, #tpu.memory_space<vmem_shared>>
      tpu.enqueue_dma source(%arg10 : memref<512x16xf32, #tpu.memory_space<vmem>>) target(%dma_start3A_174 : memref<512x16xf32, #tpu.memory_space<vmem_shared>>) target_semaphore(%run_scoped3A_171 : memref<!tpu.dma_semaphore, #tpu.memory_space<semaphore_mem>>)
      %dma_wait3A = arith.constant 0 : i32
      %dma_wait3A_175 = tpu.memref_slice %arg5[%add3A_11, %dma_wait3A] : memref<65544x16xf32, #tpu.memory_space<vmem_shared>> -> memref<512x16xf32, #tpu.memory_space<vmem_shared>>
      %dma_wait3A_176 = arith.constant 0 : i32
      %dma_wait3A_177 = tpu.memref_slice %arg5[%add3A_11, %dma_wait3A_176] : memref<65544x16xf32, #tpu.memory_space<vmem_shared>> -> memref<512x16xf32, #tpu.memory_space<vmem_shared>>
      tpu.wait_dma2 semaphore(%run_scoped3A_171 : memref<!tpu.dma_semaphore, #tpu.memory_space<semaphore_mem>>) src(%arg10 : memref<512x16xf32, #tpu.memory_space<vmem>>) dst(%dma_wait3A_177 : memref<512x16xf32, #tpu.memory_space<vmem_shared>>)
      tpu.yield
    }) : () -> ()
    %mul3A_12 = arith.constant 4096 : i32
    %mul3A_13 = arith.muli %arg1, %mul3A_12 : i32
    %add3A_14 = arith.constant 1024 : i32
    %add3A_15 = arith.addi %mul3A_13, %add3A_14 : i32
    "tpu.region"() ({
      %run_scoped3A_171 = tpu.sem_alloc : memref<!tpu.dma_semaphore, #tpu.memory_space<semaphore_mem>>
      %dma_start3A = arith.constant 0 : i32
      %dma_start3A_172 = tpu.memref_slice %arg5[%add3A_15, %dma_start3A] : memref<65544x16xf32, #tpu.memory_space<vmem_shared>> -> memref<512x16xf32, #tpu.memory_space<vmem_shared>>
      %dma_start3A_173 = arith.constant 0 : i32
      %dma_start3A_174 = tpu.memref_slice %arg5[%add3A_15, %dma_start3A_173] : memref<65544x16xf32, #tpu.memory_space<vmem_shared>> -> memref<512x16xf32, #tpu.memory_space<vmem_shared>>
      tpu.enqueue_dma source(%arg10 : memref<512x16xf32, #tpu.memory_space<vmem>>) target(%dma_start3A_174 : memref<512x16xf32, #tpu.memory_space<vmem_shared>>) target_semaphore(%run_scoped3A_171 : memref<!tpu.dma_semaphore, #tpu.memory_space<semaphore_mem>>)
      %dma_wait3A = arith.constant 0 : i32
      %dma_wait3A_175 = tpu.memref_slice %arg5[%add3A_15, %dma_wait3A] : memref<65544x16xf32, #tpu.memory_space<vmem_shared>> -> memref<512x16xf32, #tpu.memory_space<vmem_shared>>
      %dma_wait3A_176 = arith.constant 0 : i32
      %dma_wait3A_177 = tpu.memref_slice %arg5[%add3A_15, %dma_wait3A_176] : memref<65544x16xf32, #tpu.memory_space<vmem_shared>> -> memref<512x16xf32, #tpu.memory_space<vmem_shared>>
      tpu.wait_dma2 semaphore(%run_scoped3A_171 : memref<!tpu.dma_semaphore, #tpu.memory_space<semaphore_mem>>) src(%arg10 : memref<512x16xf32, #tpu.memory_space<vmem>>) dst(%dma_wait3A_177 : memref<512x16xf32, #tpu.memory_space<vmem_shared>>)
      tpu.yield
    }) : () -> ()
    %mul3A_16 = arith.constant 4096 : i32
    %mul3A_17 = arith.muli %arg1, %mul3A_16 : i32
    %add3A_18 = arith.constant 1536 : i32
    %add3A_19 = arith.addi %mul3A_17, %add3A_18 : i32
    "tpu.region"() ({
      %run_scoped3A_171 = tpu.sem_alloc : memref<!tpu.dma_semaphore, #tpu.memory_space<semaphore_mem>>
      %dma_start3A = arith.constant 0 : i32
      %dma_start3A_172 = tpu.memref_slice %arg5[%add3A_19, %dma_start3A] : memref<65544x16xf32, #tpu.memory_space<vmem_shared>> -> memref<512x16xf32, #tpu.memory_space<vmem_shared>>
      %dma_start3A_173 = arith.constant 0 : i32
      %dma_start3A_174 = tpu.memref_slice %arg5[%add3A_19, %dma_start3A_173] : memref<65544x16xf32, #tpu.memory_space<vmem_shared>> -> memref<512x16xf32, #tpu.memory_space<vmem_shared>>
      tpu.enqueue_dma source(%arg10 : memref<512x16xf32, #tpu.memory_space<vmem>>) target(%dma_start3A_174 : memref<512x16xf32, #tpu.memory_space<vmem_shared>>) target_semaphore(%run_scoped3A_171 : memref<!tpu.dma_semaphore, #tpu.memory_space<semaphore_mem>>)
      %dma_wait3A = arith.constant 0 : i32
      %dma_wait3A_175 = tpu.memref_slice %arg5[%add3A_19, %dma_wait3A] : memref<65544x16xf32, #tpu.memory_space<vmem_shared>> -> memref<512x16xf32, #tpu.memory_space<vmem_shared>>
      %dma_wait3A_176 = arith.constant 0 : i32
      %dma_wait3A_177 = tpu.memref_slice %arg5[%add3A_19, %dma_wait3A_176] : memref<65544x16xf32, #tpu.memory_space<vmem_shared>> -> memref<512x16xf32, #tpu.memory_space<vmem_shared>>
      tpu.wait_dma2 semaphore(%run_scoped3A_171 : memref<!tpu.dma_semaphore, #tpu.memory_space<semaphore_mem>>) src(%arg10 : memref<512x16xf32, #tpu.memory_space<vmem>>) dst(%dma_wait3A_177 : memref<512x16xf32, #tpu.memory_space<vmem_shared>>)
      tpu.yield
    }) : () -> ()
    %mul3A_20 = arith.constant 4096 : i32
    %mul3A_21 = arith.muli %arg1, %mul3A_20 : i32
    %add3A_22 = arith.constant 2048 : i32
    %add3A_23 = arith.addi %mul3A_21, %add3A_22 : i32
    "tpu.region"() ({
      %run_scoped3A_171 = tpu.sem_alloc : memref<!tpu.dma_semaphore, #tpu.memory_space<semaphore_mem>>
      %dma_start3A = arith.constant 0 : i32
      %dma_start3A_172 = tpu.memref_slice %arg5[%add3A_23, %dma_start3A] : memref<65544x16xf32, #tpu.memory_space<vmem_shared>> -> memref<512x16xf32, #tpu.memory_space<vmem_shared>>
      %dma_start3A_173 = arith.constant 0 : i32
      %dma_start3A_174 = tpu.memref_slice %arg5[%add3A_23, %dma_start3A_173] : memref<65544x16xf32, #tpu.memory_space<vmem_shared>> -> memref<512x16xf32, #tpu.memory_space<vmem_shared>>
      tpu.enqueue_dma source(%arg10 : memref<512x16xf32, #tpu.memory_space<vmem>>) target(%dma_start3A_174 : memref<512x16xf32, #tpu.memory_space<vmem_shared>>) target_semaphore(%run_scoped3A_171 : memref<!tpu.dma_semaphore, #tpu.memory_space<semaphore_mem>>)
      %dma_wait3A = arith.constant 0 : i32
      %dma_wait3A_175 = tpu.memref_slice %arg5[%add3A_23, %dma_wait3A] : memref<65544x16xf32, #tpu.memory_space<vmem_shared>> -> memref<512x16xf32, #tpu.memory_space<vmem_shared>>
      %dma_wait3A_176 = arith.constant 0 : i32
      %dma_wait3A_177 = tpu.memref_slice %arg5[%add3A_23, %dma_wait3A_176] : memref<65544x16xf32, #tpu.memory_space<vmem_shared>> -> memref<512x16xf32, #tpu.memory_space<vmem_shared>>
      tpu.wait_dma2 semaphore(%run_scoped3A_171 : memref<!tpu.dma_semaphore, #tpu.memory_space<semaphore_mem>>) src(%arg10 : memref<512x16xf32, #tpu.memory_space<vmem>>) dst(%dma_wait3A_177 : memref<512x16xf32, #tpu.memory_space<vmem_shared>>)
      tpu.yield
    }) : () -> ()
    %mul3A_24 = arith.constant 4096 : i32
    %mul3A_25 = arith.muli %arg1, %mul3A_24 : i32
    %add3A_26 = arith.constant 2560 : i32
    %add3A_27 = arith.addi %mul3A_25, %add3A_26 : i32
    "tpu.region"() ({
      %run_scoped3A_171 = tpu.sem_alloc : memref<!tpu.dma_semaphore, #tpu.memory_space<semaphore_mem>>
      %dma_start3A = arith.constant 0 : i32
      %dma_start3A_172 = tpu.memref_slice %arg5[%add3A_27, %dma_start3A] : memref<65544x16xf32, #tpu.memory_space<vmem_shared>> -> memref<512x16xf32, #tpu.memory_space<vmem_shared>>
      %dma_start3A_173 = arith.constant 0 : i32
      %dma_start3A_174 = tpu.memref_slice %arg5[%add3A_27, %dma_start3A_173] : memref<65544x16xf32, #tpu.memory_space<vmem_shared>> -> memref<512x16xf32, #tpu.memory_space<vmem_shared>>
      tpu.enqueue_dma source(%arg10 : memref<512x16xf32, #tpu.memory_space<vmem>>) target(%dma_start3A_174 : memref<512x16xf32, #tpu.memory_space<vmem_shared>>) target_semaphore(%run_scoped3A_171 : memref<!tpu.dma_semaphore, #tpu.memory_space<semaphore_mem>>)
      %dma_wait3A = arith.constant 0 : i32
      %dma_wait3A_175 = tpu.memref_slice %arg5[%add3A_27, %dma_wait3A] : memref<65544x16xf32, #tpu.memory_space<vmem_shared>> -> memref<512x16xf32, #tpu.memory_space<vmem_shared>>
      %dma_wait3A_176 = arith.constant 0 : i32
      %dma_wait3A_177 = tpu.memref_slice %arg5[%add3A_27, %dma_wait3A_176] : memref<65544x16xf32, #tpu.memory_space<vmem_shared>> -> memref<512x16xf32, #tpu.memory_space<vmem_shared>>
      tpu.wait_dma2 semaphore(%run_scoped3A_171 : memref<!tpu.dma_semaphore, #tpu.memory_space<semaphore_mem>>) src(%arg10 : memref<512x16xf32, #tpu.memory_space<vmem>>) dst(%dma_wait3A_177 : memref<512x16xf32, #tpu.memory_space<vmem_shared>>)
      tpu.yield
    }) : () -> ()
    %mul3A_28 = arith.constant 4096 : i32
    %mul3A_29 = arith.muli %arg1, %mul3A_28 : i32
    %add3A_30 = arith.constant 3072 : i32
    %add3A_31 = arith.addi %mul3A_29, %add3A_30 : i32
    "tpu.region"() ({
      %run_scoped3A_171 = tpu.sem_alloc : memref<!tpu.dma_semaphore, #tpu.memory_space<semaphore_mem>>
      %dma_start3A = arith.constant 0 : i32
      %dma_start3A_172 = tpu.memref_slice %arg5[%add3A_31, %dma_start3A] : memref<65544x16xf32, #tpu.memory_space<vmem_shared>> -> memref<512x16xf32, #tpu.memory_space<vmem_shared>>
      %dma_start3A_173 = arith.constant 0 : i32
      %dma_start3A_174 = tpu.memref_slice %arg5[%add3A_31, %dma_start3A_173] : memref<65544x16xf32, #tpu.memory_space<vmem_shared>> -> memref<512x16xf32, #tpu.memory_space<vmem_shared>>
      tpu.enqueue_dma source(%arg10 : memref<512x16xf32, #tpu.memory_space<vmem>>) target(%dma_start3A_174 : memref<512x16xf32, #tpu.memory_space<vmem_shared>>) target_semaphore(%run_scoped3A_171 : memref<!tpu.dma_semaphore, #tpu.memory_space<semaphore_mem>>)
      %dma_wait3A = arith.constant 0 : i32
      %dma_wait3A_175 = tpu.memref_slice %arg5[%add3A_31, %dma_wait3A] : memref<65544x16xf32, #tpu.memory_space<vmem_shared>> -> memref<512x16xf32, #tpu.memory_space<vmem_shared>>
      %dma_wait3A_176 = arith.constant 0 : i32
      %dma_wait3A_177 = tpu.memref_slice %arg5[%add3A_31, %dma_wait3A_176] : memref<65544x16xf32, #tpu.memory_space<vmem_shared>> -> memref<512x16xf32, #tpu.memory_space<vmem_shared>>
      tpu.wait_dma2 semaphore(%run_scoped3A_171 : memref<!tpu.dma_semaphore, #tpu.memory_space<semaphore_mem>>) src(%arg10 : memref<512x16xf32, #tpu.memory_space<vmem>>) dst(%dma_wait3A_177 : memref<512x16xf32, #tpu.memory_space<vmem_shared>>)
      tpu.yield
    }) : () -> ()
    %mul3A_32 = arith.constant 4096 : i32
    %mul3A_33 = arith.muli %arg1, %mul3A_32 : i32
    %add3A_34 = arith.constant 3584 : i32
    %add3A_35 = arith.addi %mul3A_33, %add3A_34 : i32
    "tpu.region"() ({
      %run_scoped3A_171 = tpu.sem_alloc : memref<!tpu.dma_semaphore, #tpu.memory_space<semaphore_mem>>
      %dma_start3A = arith.constant 0 : i32
      %dma_start3A_172 = tpu.memref_slice %arg5[%add3A_35, %dma_start3A] : memref<65544x16xf32, #tpu.memory_space<vmem_shared>> -> memref<512x16xf32, #tpu.memory_space<vmem_shared>>
      %dma_start3A_173 = arith.constant 0 : i32
      %dma_start3A_174 = tpu.memref_slice %arg5[%add3A_35, %dma_start3A_173] : memref<65544x16xf32, #tpu.memory_space<vmem_shared>> -> memref<512x16xf32, #tpu.memory_space<vmem_shared>>
      tpu.enqueue_dma source(%arg10 : memref<512x16xf32, #tpu.memory_space<vmem>>) target(%dma_start3A_174 : memref<512x16xf32, #tpu.memory_space<vmem_shared>>) target_semaphore(%run_scoped3A_171 : memref<!tpu.dma_semaphore, #tpu.memory_space<semaphore_mem>>)
      %dma_wait3A = arith.constant 0 : i32
      %dma_wait3A_175 = tpu.memref_slice %arg5[%add3A_35, %dma_wait3A] : memref<65544x16xf32, #tpu.memory_space<vmem_shared>> -> memref<512x16xf32, #tpu.memory_space<vmem_shared>>
      %dma_wait3A_176 = arith.constant 0 : i32
      %dma_wait3A_177 = tpu.memref_slice %arg5[%add3A_35, %dma_wait3A_176] : memref<65544x16xf32, #tpu.memory_space<vmem_shared>> -> memref<512x16xf32, #tpu.memory_space<vmem_shared>>
      tpu.wait_dma2 semaphore(%run_scoped3A_171 : memref<!tpu.dma_semaphore, #tpu.memory_space<semaphore_mem>>) src(%arg10 : memref<512x16xf32, #tpu.memory_space<vmem>>) dst(%dma_wait3A_177 : memref<512x16xf32, #tpu.memory_space<vmem_shared>>)
      tpu.yield
    }) : () -> ()
    %eq3A = arith.constant 15 : i32
    %eq3A_36 = arith.cmpi eq, %arg1, %eq3A : i32
    %convert_element_type3A = arith.extui %eq3A_36 : i1 to i32
    %cond3A = arith.constant 0 : i32
    %cond3A_37 = arith.cmpi ne, %convert_element_type3A, %cond3A : i32
    scf.if %cond3A_37 {
      "tpu.region"() ({
        %run_scoped3A_171 = tpu.sem_alloc : memref<!tpu.dma_semaphore, #tpu.memory_space<semaphore_mem>>
        %dma_start3A = arith.constant 0 : i32
        %dma_start3A_172 = arith.constant 0 : i32
        %dma_start3A_173 = tpu.memref_slice %arg10[%dma_start3A, %dma_start3A_172] : memref<512x16xf32, #tpu.memory_space<vmem>> -> memref<8x16xf32, #tpu.memory_space<vmem>>
        %dma_start3A_174 = arith.constant 65536 : i32
        %dma_start3A_175 = arith.constant 0 : i32
        %dma_start3A_176 = tpu.memref_slice %arg5[%dma_start3A_174, %dma_start3A_175] : memref<65544x16xf32, #tpu.memory_space<vmem_shared>> -> memref<8x16xf32, #tpu.memory_space<vmem_shared>>
        %dma_start3A_177 = arith.constant 65536 : i32
        %dma_start3A_178 = arith.constant 0 : i32
        %dma_start3A_179 = tpu.memref_slice %arg5[%dma_start3A_177, %dma_start3A_178] : memref<65544x16xf32, #tpu.memory_space<vmem_shared>> -> memref<8x16xf32, #tpu.memory_space<vmem_shared>>
        %dma_start3A_180 = arith.constant 0 : i32
        %dma_start3A_181 = arith.constant 0 : i32
        %dma_start3A_182 = tpu.memref_slice %arg10[%dma_start3A_180, %dma_start3A_181] : memref<512x16xf32, #tpu.memory_space<vmem>> -> memref<8x16xf32, #tpu.memory_space<vmem>>
        tpu.enqueue_dma source(%dma_start3A_182 : memref<8x16xf32, #tpu.memory_space<vmem>>) target(%dma_start3A_179 : memref<8x16xf32, #tpu.memory_space<vmem_shared>>) target_semaphore(%run_scoped3A_171 : memref<!tpu.dma_semaphore, #tpu.memory_space<semaphore_mem>>)
        %dma_wait3A = arith.constant 0 : i32
        %dma_wait3A_183 = arith.constant 0 : i32
        %dma_wait3A_184 = tpu.memref_slice %arg10[%dma_wait3A, %dma_wait3A_183] : memref<512x16xf32, #tpu.memory_space<vmem>> -> memref<8x16xf32, #tpu.memory_space<vmem>>
        %dma_wait3A_185 = arith.constant 65536 : i32
        %dma_wait3A_186 = arith.constant 0 : i32
        %dma_wait3A_187 = tpu.memref_slice %arg5[%dma_wait3A_185, %dma_wait3A_186] : memref<65544x16xf32, #tpu.memory_space<vmem_shared>> -> memref<8x16xf32, #tpu.memory_space<vmem_shared>>
        %dma_wait3A_188 = arith.constant 65536 : i32
        %dma_wait3A_189 = arith.constant 0 : i32
        %dma_wait3A_190 = tpu.memref_slice %arg5[%dma_wait3A_188, %dma_wait3A_189] : memref<65544x16xf32, #tpu.memory_space<vmem_shared>> -> memref<8x16xf32, #tpu.memory_space<vmem_shared>>
        %dma_wait3A_191 = arith.constant 0 : i32
        %dma_wait3A_192 = arith.constant 0 : i32
        %dma_wait3A_193 = tpu.memref_slice %arg10[%dma_wait3A_191, %dma_wait3A_192] : memref<512x16xf32, #tpu.memory_space<vmem>> -> memref<8x16xf32, #tpu.memory_space<vmem>>
        tpu.wait_dma2 semaphore(%run_scoped3A_171 : memref<!tpu.dma_semaphore, #tpu.memory_space<semaphore_mem>>) src(%dma_wait3A_193 : memref<8x16xf32, #tpu.memory_space<vmem>>) dst(%dma_wait3A_190 : memref<8x16xf32, #tpu.memory_space<vmem_shared>>)
        tpu.yield
      }) : () -> ()
    } else {
    }
    %iota3A = tpu.iota {dimensions = array<i32: 0>} : vector<16xi32>
    %eq3A_38 = arith.constant 0 : i32
    %eq3A_39 = vector.broadcast %eq3A_38 : i32 to vector<16xi32>
    %eq3A_40 = arith.cmpi eq, %iota3A, %eq3A_39 : vector<16xi32>
    %jit3A = arith.constant 1.000000e+00 : f32
    %jit3A_41 = arith.constant 0.000000e+00 : f32
    %broadcast_in_dim3A = vector.broadcast %jit3A : f32 to vector<16xf32>
    %broadcast_in_dim3A_42 = vector.broadcast %jit3A_41 : f32 to vector<16xf32>
    %select_n3A = arith.select %eq3A_40, %broadcast_in_dim3A, %broadcast_in_dim3A_42 : vector<16xi1>, vector<16xf32>
    %scan3A_43 = arith.constant 0 : i32
    %scan3A_44 = arith.constant 0 : i32
    %scan3A_45 = arith.constant 128 : i32
    %scan3A_46 = arith.addi %scan3A_44, %scan3A_45 : i32
    %scan3A_47 = arith.constant 1 : i32
    %scan3A_48 = scf.for %scan3A_171 = %scan3A_44 to %scan3A_46 step %scan3A_47 iter_args(%scan3A_172 = %scan3A_43) -> (i32)  : i32 {
      %swap3A = arith.index_cast %scan3A_171 : i32 to index
      %swap3A_173 = arith.constant 0 : index
      %swap3A_174 = tpu.vector_load %arg9[%swap3A, %swap3A_173] {strides = array<i32>} : memref<128x16xf32, #tpu.memory_space<vmem>>, vector<16xf32>,
      tpu.vector_store %arg9[%swap3A, %swap3A_173], %select_n3A {strides = array<i32>} : memref<128x16xf32, #tpu.memory_space<vmem>>, vector<16xf32>,
      %scan3A_175 = arith.constant 0 : i32
      scf.yield %scan3A_175 : i32
    }
    %scan3A_49 = arith.constant 128 : i32
    %scan3A_50 = arith.constant 0 : i32
    %scan3A_51 = arith.constant 0 : i32
    %scan3A_52 = arith.constant 64 : i32
    %scan3A_53 = arith.addi %scan3A_51, %scan3A_52 : i32
    %scan3A_54 = arith.constant 1 : i32
    %scan3A_55 = scf.for %scan3A_171 = %scan3A_51 to %scan3A_53 step %scan3A_54 iter_args(%scan3A_172 = %scan3A_50) -> (i32)  : i32 {
      %broadcast_in_dim3A_173 = arith.constant 65536 : i32
      %broadcast_in_dim3A_174 = vector.broadcast %broadcast_in_dim3A_173 : i32 to vector<16xi32>
      %jit3A_175 = arith.constant 8 : i32
      %div3A = arith.divsi %scan3A_171, %jit3A_175 : i32
      %sign3A = arith.constant 0 : i32
      %sign3A_176 = arith.cmpi sgt, %scan3A_171, %sign3A : i32
      %sign3A_177 = arith.extui %sign3A_176 : i1 to i32
      %sign3A_178 = arith.constant 0 : i32
      %sign3A_179 = arith.cmpi slt, %scan3A_171, %sign3A_178 : i32
      %sign3A_180 = arith.extui %sign3A_179 : i1 to i32
      %sign3A_181 = arith.subi %sign3A_177, %sign3A_180 : i32
      %sign3A_182 = arith.constant 0 : i32
      %sign3A_183 = arith.cmpi sgt, %jit3A_175, %sign3A_182 : i32
      %sign3A_184 = arith.extui %sign3A_183 : i1 to i32
      %sign3A_185 = arith.constant 0 : i32
      %sign3A_186 = arith.cmpi slt, %jit3A_175, %sign3A_185 : i32
      %sign3A_187 = arith.extui %sign3A_186 : i1 to i32
      %sign3A_188 = arith.subi %sign3A_184, %sign3A_187 : i32
      %ne3A = arith.cmpi ne, %sign3A_181, %sign3A_188 : i32
      %rem3A = arith.remsi %scan3A_171, %jit3A_175 : i32
      %ne3A_189 = arith.constant 0 : i32
      %ne3A_190 = arith.cmpi ne, %rem3A, %ne3A_189 : i32
      %and3A = arith.andi %ne3A, %ne3A_190 : i1
      %sub3A = arith.constant 1 : i32
      %sub3A_191 = arith.subi %div3A, %sub3A : i32
      %select_n3A_192 = arith.select %and3A, %sub3A_191, %div3A : i32
      %jit3A_193 = arith.constant 8 : i32
      %eq3A_194 = arith.constant 0 : i32
      %eq3A_195 = arith.cmpi eq, %jit3A_193, %eq3A_194 : i32
      %jit3A_196 = arith.constant 1 : i32
      %select_n3A_197 = arith.select %eq3A_195, %jit3A_196, %jit3A_193 : i32
      %rem3A_198 = arith.remsi %scan3A_171, %select_n3A_197 : i32
      %ne3A_199 = arith.constant 0 : i32
      %ne3A_200 = arith.cmpi ne, %rem3A_198, %ne3A_199 : i32
      %lt3A = arith.constant 0 : i32
      %lt3A_201 = arith.cmpi slt, %rem3A_198, %lt3A : i32
      %lt3A_202 = arith.constant 0 : i32
      %lt3A_203 = arith.cmpi slt, %select_n3A_197, %lt3A_202 : i32
      %ne3A_204 = arith.xori %lt3A_201, %lt3A_203 : i1
      %and3A_205 = arith.andi %ne3A_204, %ne3A_200 : i1
      %add3A_206 = arith.addi %rem3A_198, %select_n3A_197 : i32
      %select_n3A_207 = arith.select %and3A_205, %add3A_206, %rem3A_198 : i32
      %mul3A_208 = arith.constant 16 : i32
      %mul3A_209 = arith.muli %select_n3A_207, %mul3A_208 : i32
      %swap3A = arith.index_cast %select_n3A_192 : i32 to index
      %swap3A_210 = arith.index_cast %mul3A_209 : i32 to index
      %swap3A_211 = tpu.vector_load %arg8[%swap3A, %swap3A_210] {strides = array<i32>} : memref<8x128xi32, #tpu.memory_space<vmem>>, vector<16xi32>,
      tpu.vector_store %arg8[%swap3A, %swap3A_210], %broadcast_in_dim3A_174 {strides = array<i32>} : memref<8x128xi32, #tpu.memory_space<vmem>>, vector<16xi32>,
      %scan3A_212 = arith.constant 0 : i32
      scf.yield %scan3A_212 : i32
    }
    %scan3A_56 = arith.constant 64 : i32
    %barrier3A = arith.constant 0 : index
    tpu.barrier barrier_id(%barrier3A)
    %mul3A_57 = arith.constant 16384 : i32
    %mul3A_58 = arith.muli %arg0, %mul3A_57 : i32
    %add3A_59 = arith.constant 16384 : i32
    %add3A_60 = arith.addi %mul3A_58, %add3A_59 : i32
    %scan3A_61 = arith.constant 0 : i32
    %scan3A_62 = arith.constant 0 : i32
    %scan3A_63 = arith.constant 64 : i32
    %scan3A_64 = arith.addi %scan3A_62, %scan3A_63 : i32
    %scan3A_65 = arith.constant 1 : i32
    %scan3A_66 = scf.for %scan3A_171 = %scan3A_62 to %scan3A_64 step %scan3A_65 iter_args(%scan3A_172 = %scan3A_61) -> (i32)  : i32 {
      %mul3A_173 = arith.constant 65536 : i32
      %mul3A_174 = arith.muli %arg1, %mul3A_173 : i32
      %mul3A_175 = arith.constant 1024 : i32
      %mul3A_176 = arith.muli %scan3A_171, %mul3A_175 : i32
      %add3A_177 = arith.addi %mul3A_174, %mul3A_176 : i32
      "tpu.region"() ({
        %run_scoped3A_184 = tpu.sem_alloc : memref<!tpu.dma_semaphore, #tpu.memory_space<semaphore_mem>>
        %dma_start3A = tpu.memref_slice %arg2[%add3A_177] : memref<1048576xi32, #tpu.memory_space<hbm>> -> memref<1024xi32, #tpu.memory_space<hbm>>
        %dma_start3A_185 = tpu.memref_slice %arg2[%add3A_177] : memref<1048576xi32, #tpu.memory_space<hbm>> -> memref<1024xi32, #tpu.memory_space<hbm>>
        tpu.enqueue_dma source(%dma_start3A_185 : memref<1024xi32, #tpu.memory_space<hbm>>) target(%arg6 : memref<1024xi32, #tpu.memory_space<vmem>>) target_semaphore(%run_scoped3A_184 : memref<!tpu.dma_semaphore, #tpu.memory_space<semaphore_mem>>)
        %dma_wait3A = tpu.memref_slice %arg2[%add3A_177] : memref<1048576xi32, #tpu.memory_space<hbm>> -> memref<1024xi32, #tpu.memory_space<hbm>>
        %dma_wait3A_186 = tpu.memref_slice %arg2[%add3A_177] : memref<1048576xi32, #tpu.memory_space<hbm>> -> memref<1024xi32, #tpu.memory_space<hbm>>
        tpu.wait_dma2 semaphore(%run_scoped3A_184 : memref<!tpu.dma_semaphore, #tpu.memory_space<semaphore_mem>>) src(%dma_wait3A_186 : memref<1024xi32, #tpu.memory_space<hbm>>) dst(%arg6 : memref<1024xi32, #tpu.memory_space<vmem>>)
        tpu.yield
      }) : () -> ()
      "tpu.region"() ({
        %run_scoped3A_184 = tpu.sem_alloc : memref<!tpu.dma_semaphore, #tpu.memory_space<semaphore_mem>>
        %dma_start3A = tpu.memref_slice %arg3[%add3A_177] : memref<1048576xi32, #tpu.memory_space<hbm>> -> memref<1024xi32, #tpu.memory_space<hbm>>
        %dma_start3A_185 = tpu.memref_slice %arg3[%add3A_177] : memref<1048576xi32, #tpu.memory_space<hbm>> -> memref<1024xi32, #tpu.memory_space<hbm>>
        tpu.enqueue_dma source(%dma_start3A_185 : memref<1024xi32, #tpu.memory_space<hbm>>) target(%arg7 : memref<1024xi32, #tpu.memory_space<vmem>>) target_semaphore(%run_scoped3A_184 : memref<!tpu.dma_semaphore, #tpu.memory_space<semaphore_mem>>)
        %dma_wait3A = tpu.memref_slice %arg3[%add3A_177] : memref<1048576xi32, #tpu.memory_space<hbm>> -> memref<1024xi32, #tpu.memory_space<hbm>>
        %dma_wait3A_186 = tpu.memref_slice %arg3[%add3A_177] : memref<1048576xi32, #tpu.memory_space<hbm>> -> memref<1024xi32, #tpu.memory_space<hbm>>
        tpu.wait_dma2 semaphore(%run_scoped3A_184 : memref<!tpu.dma_semaphore, #tpu.memory_space<semaphore_mem>>) src(%dma_wait3A_186 : memref<1024xi32, #tpu.memory_space<hbm>>) dst(%arg7 : memref<1024xi32, #tpu.memory_space<vmem>>)
        tpu.yield
      }) : () -> ()
      %scan3A_178 = arith.constant 0 : i32
      %scan3A_179 = arith.constant 64 : i32
      %scan3A_180 = arith.addi %scan3A_178, %scan3A_179 : i32
      %scan3A_181 = arith.constant 1 : i32
      %scan3A_182 = scf.for %scan3A_184 = %scan3A_178 to %scan3A_180 step %scan3A_181 iter_args(%scan3A_185 = %scan3A_172) -> (i32)  : i32 {
        %mul3A_186 = arith.constant 16 : i32
        %mul3A_187 = arith.muli %scan3A_184, %mul3A_186 : i32
        %get3A = arith.index_cast %mul3A_187 : i32 to index
        %get3A_188 = tpu.vector_load %arg6[%get3A] {strides = array<i32>} : memref<1024xi32, #tpu.memory_space<vmem>>, vector<16xi32>,
        %mul3A_189 = arith.constant 16 : i32
        %mul3A_190 = arith.muli %scan3A_184, %mul3A_189 : i32
        %get3A_191 = arith.index_cast %mul3A_190 : i32 to index
        %get3A_192 = tpu.vector_load %arg7[%get3A_191] {strides = array<i32>} : memref<1024xi32, #tpu.memory_space<vmem>>, vector<16xi32>,
        %ge3A = vector.broadcast %mul3A_58 : i32 to vector<16xi32>
        %ge3A_193 = arith.cmpi sge, %get3A_188, %ge3A : vector<16xi32>
        %lt3A = vector.broadcast %add3A_60 : i32 to vector<16xi32>
        %lt3A_194 = arith.cmpi slt, %get3A_188, %lt3A : vector<16xi32>
        %and3A = arith.andi %ge3A_193, %lt3A_194 : vector<16xi1>
        %sub3A = vector.broadcast %mul3A_58 : i32 to vector<16xi32>
        %sub3A_195 = arith.subi %get3A_188, %sub3A : vector<16xi32>
        %mul3A_196 = arith.constant 4 : i32
        %mul3A_197 = vector.broadcast %mul3A_196 : i32 to vector<16xi32>
        %mul3A_198 = arith.muli %sub3A_195, %mul3A_197 : vector<16xi32>
        %add3A_199 = arith.addi %mul3A_198, %get3A_192 : vector<16xi32>
        %jit3A_200 = arith.constant 65536 : i32
        %broadcast_in_dim3A_201 = vector.broadcast %jit3A_200 : i32 to vector<16xi32>
        %select_n3A_202 = arith.select %and3A, %add3A_199, %broadcast_in_dim3A_201 : vector<16xi1>, vector<16xi32>
        %gt3A = arith.constant 992 : i32
        %gt3A_203 = arith.cmpi sgt, %scan3A_185, %gt3A : i32
        %convert_element_type3A_204 = arith.extui %gt3A_203 : i1 to i32
        %cond3A_205 = arith.constant 0 : i32
        %cond3A_206 = arith.cmpi ne, %convert_element_type3A_204, %cond3A_205 : i32
        %cond3A_207 = scf.if %cond3A_206 -> (i32) {
          %run_scoped3A_227 = arith.constant 0 : i32
          "tpu.region"() ({
            %run_scoped3A_243 = tpu.sem_alloc : memref<!tpu.dma_semaphore, #tpu.memory_space<semaphore_mem>>
            %dma_start3A = arith.constant 0 : i32
            %dma_start3A_244 = tpu.memref_slice %arg8[%run_scoped3A_227, %dma_start3A] : memref<8x128xi32, #tpu.memory_space<vmem>> -> memref<1x128xi32, #tpu.memory_space<vmem>>
            %dma_start3A_245 = tpu.memref_squeeze %dma_start3A_244 : memref<1x128xi32, #tpu.memory_space<vmem>> -> memref<128xi32, #tpu.memory_space<vmem>>
            %dma_start3A_246 = arith.constant 0 : i32
            %dma_start3A_247 = arith.constant 0 : i32
            %dma_start3A_248 = tpu.memref_slice %arg5[%dma_start3A_246, %dma_start3A_247] : memref<65544x16xf32, #tpu.memory_space<vmem_shared>> -> memref<65544x16xf32, #tpu.memory_space<vmem_shared>>
            tpu.enqueue_indirect_dma source(%arg9 : memref<128x16xf32, #tpu.memory_space<vmem>>) target(%dma_start3A_248 : memref<65544x16xf32, #tpu.memory_space<vmem_shared>>) offsets(%dma_start3A_245 : memref<128xi32, #tpu.memory_space<vmem>>) semaphore(%run_scoped3A_243 : memref<!tpu.dma_semaphore, #tpu.memory_space<semaphore_mem>>) {add = true}
            %dma_wait3A = arith.constant 0 : i32
            %dma_wait3A_249 = tpu.memref_slice %arg8[%run_scoped3A_227, %dma_wait3A] : memref<8x128xi32, #tpu.memory_space<vmem>> -> memref<1x128xi32, #tpu.memory_space<vmem>>
            %dma_wait3A_250 = tpu.memref_squeeze %dma_wait3A_249 : memref<1x128xi32, #tpu.memory_space<vmem>> -> memref<128xi32, #tpu.memory_space<vmem>>
            %dma_wait3A_251 = arith.constant 0 : i32
            %dma_wait3A_252 = arith.constant 0 : i32
            %dma_wait3A_253 = tpu.memref_slice %arg5[%dma_wait3A_251, %dma_wait3A_252] : memref<65544x16xf32, #tpu.memory_space<vmem_shared>> -> memref<65544x16xf32, #tpu.memory_space<vmem_shared>>
            tpu.wait_indirect_dma semaphore(%run_scoped3A_243 : memref<!tpu.dma_semaphore, #tpu.memory_space<semaphore_mem>>) src(%arg9 : memref<128x16xf32, #tpu.memory_space<vmem>>) dst(%dma_wait3A_253 : memref<65544x16xf32, #tpu.memory_space<vmem_shared>>)
            tpu.yield
          }) : () -> ()
          %run_scoped3A_228 = arith.constant 1 : i32
          "tpu.region"() ({
            %run_scoped3A_243 = tpu.sem_alloc : memref<!tpu.dma_semaphore, #tpu.memory_space<semaphore_mem>>
            %dma_start3A = arith.constant 0 : i32
            %dma_start3A_244 = tpu.memref_slice %arg8[%run_scoped3A_228, %dma_start3A] : memref<8x128xi32, #tpu.memory_space<vmem>> -> memref<1x128xi32, #tpu.memory_space<vmem>>
            %dma_start3A_245 = tpu.memref_squeeze %dma_start3A_244 : memref<1x128xi32, #tpu.memory_space<vmem>> -> memref<128xi32, #tpu.memory_space<vmem>>
            %dma_start3A_246 = arith.constant 0 : i32
            %dma_start3A_247 = arith.constant 0 : i32
            %dma_start3A_248 = tpu.memref_slice %arg5[%dma_start3A_246, %dma_start3A_247] : memref<65544x16xf32, #tpu.memory_space<vmem_shared>> -> memref<65544x16xf32, #tpu.memory_space<vmem_shared>>
            tpu.enqueue_indirect_dma source(%arg9 : memref<128x16xf32, #tpu.memory_space<vmem>>) target(%dma_start3A_248 : memref<65544x16xf32, #tpu.memory_space<vmem_shared>>) offsets(%dma_start3A_245 : memref<128xi32, #tpu.memory_space<vmem>>) semaphore(%run_scoped3A_243 : memref<!tpu.dma_semaphore, #tpu.memory_space<semaphore_mem>>) {add = true}
            %dma_wait3A = arith.constant 0 : i32
            %dma_wait3A_249 = tpu.memref_slice %arg8[%run_scoped3A_228, %dma_wait3A] : memref<8x128xi32, #tpu.memory_space<vmem>> -> memref<1x128xi32, #tpu.memory_space<vmem>>
            %dma_wait3A_250 = tpu.memref_squeeze %dma_wait3A_249 : memref<1x128xi32, #tpu.memory_space<vmem>> -> memref<128xi32, #tpu.memory_space<vmem>>
            %dma_wait3A_251 = arith.constant 0 : i32
            %dma_wait3A_252 = arith.constant 0 : i32
            %dma_wait3A_253 = tpu.memref_slice %arg5[%dma_wait3A_251, %dma_wait3A_252] : memref<65544x16xf32, #tpu.memory_space<vmem_shared>> -> memref<65544x16xf32, #tpu.memory_space<vmem_shared>>
            tpu.wait_indirect_dma semaphore(%run_scoped3A_243 : memref<!tpu.dma_semaphore, #tpu.memory_space<semaphore_mem>>) src(%arg9 : memref<128x16xf32, #tpu.memory_space<vmem>>) dst(%dma_wait3A_253 : memref<65544x16xf32, #tpu.memory_space<vmem_shared>>)
            tpu.yield
          }) : () -> ()
          %run_scoped3A_229 = arith.constant 2 : i32
          "tpu.region"() ({
            %run_scoped3A_243 = tpu.sem_alloc : memref<!tpu.dma_semaphore, #tpu.memory_space<semaphore_mem>>
            %dma_start3A = arith.constant 0 : i32
            %dma_start3A_244 = tpu.memref_slice %arg8[%run_scoped3A_229, %dma_start3A] : memref<8x128xi32, #tpu.memory_space<vmem>> -> memref<1x128xi32, #tpu.memory_space<vmem>>
            %dma_start3A_245 = tpu.memref_squeeze %dma_start3A_244 : memref<1x128xi32, #tpu.memory_space<vmem>> -> memref<128xi32, #tpu.memory_space<vmem>>
            %dma_start3A_246 = arith.constant 0 : i32
            %dma_start3A_247 = arith.constant 0 : i32
            %dma_start3A_248 = tpu.memref_slice %arg5[%dma_start3A_246, %dma_start3A_247] : memref<65544x16xf32, #tpu.memory_space<vmem_shared>> -> memref<65544x16xf32, #tpu.memory_space<vmem_shared>>
            tpu.enqueue_indirect_dma source(%arg9 : memref<128x16xf32, #tpu.memory_space<vmem>>) target(%dma_start3A_248 : memref<65544x16xf32, #tpu.memory_space<vmem_shared>>) offsets(%dma_start3A_245 : memref<128xi32, #tpu.memory_space<vmem>>) semaphore(%run_scoped3A_243 : memref<!tpu.dma_semaphore, #tpu.memory_space<semaphore_mem>>) {add = true}
            %dma_wait3A = arith.constant 0 : i32
            %dma_wait3A_249 = tpu.memref_slice %arg8[%run_scoped3A_229, %dma_wait3A] : memref<8x128xi32, #tpu.memory_space<vmem>> -> memref<1x128xi32, #tpu.memory_space<vmem>>
            %dma_wait3A_250 = tpu.memref_squeeze %dma_wait3A_249 : memref<1x128xi32, #tpu.memory_space<vmem>> -> memref<128xi32, #tpu.memory_space<vmem>>
            %dma_wait3A_251 = arith.constant 0 : i32
            %dma_wait3A_252 = arith.constant 0 : i32
            %dma_wait3A_253 = tpu.memref_slice %arg5[%dma_wait3A_251, %dma_wait3A_252] : memref<65544x16xf32, #tpu.memory_space<vmem_shared>> -> memref<65544x16xf32, #tpu.memory_space<vmem_shared>>
            tpu.wait_indirect_dma semaphore(%run_scoped3A_243 : memref<!tpu.dma_semaphore, #tpu.memory_space<semaphore_mem>>) src(%arg9 : memref<128x16xf32, #tpu.memory_space<vmem>>) dst(%dma_wait3A_253 : memref<65544x16xf32, #tpu.memory_space<vmem_shared>>)
            tpu.yield
          }) : () -> ()
          %run_scoped3A_230 = arith.constant 3 : i32
          "tpu.region"() ({
            %run_scoped3A_243 = tpu.sem_alloc : memref<!tpu.dma_semaphore, #tpu.memory_space<semaphore_mem>>
            %dma_start3A = arith.constant 0 : i32
            %dma_start3A_244 = tpu.memref_slice %arg8[%run_scoped3A_230, %dma_start3A] : memref<8x128xi32, #tpu.memory_space<vmem>> -> memref<1x128xi32, #tpu.memory_space<vmem>>
            %dma_start3A_245 = tpu.memref_squeeze %dma_start3A_244 : memref<1x128xi32, #tpu.memory_space<vmem>> -> memref<128xi32, #tpu.memory_space<vmem>>
            %dma_start3A_246 = arith.constant 0 : i32
            %dma_start3A_247 = arith.constant 0 : i32
            %dma_start3A_248 = tpu.memref_slice %arg5[%dma_start3A_246, %dma_start3A_247] : memref<65544x16xf32, #tpu.memory_space<vmem_shared>> -> memref<65544x16xf32, #tpu.memory_space<vmem_shared>>
            tpu.enqueue_indirect_dma source(%arg9 : memref<128x16xf32, #tpu.memory_space<vmem>>) target(%dma_start3A_248 : memref<65544x16xf32, #tpu.memory_space<vmem_shared>>) offsets(%dma_start3A_245 : memref<128xi32, #tpu.memory_space<vmem>>) semaphore(%run_scoped3A_243 : memref<!tpu.dma_semaphore, #tpu.memory_space<semaphore_mem>>) {add = true}
            %dma_wait3A = arith.constant 0 : i32
            %dma_wait3A_249 = tpu.memref_slice %arg8[%run_scoped3A_230, %dma_wait3A] : memref<8x128xi32, #tpu.memory_space<vmem>> -> memref<1x128xi32, #tpu.memory_space<vmem>>
            %dma_wait3A_250 = tpu.memref_squeeze %dma_wait3A_249 : memref<1x128xi32, #tpu.memory_space<vmem>> -> memref<128xi32, #tpu.memory_space<vmem>>
            %dma_wait3A_251 = arith.constant 0 : i32
            %dma_wait3A_252 = arith.constant 0 : i32
            %dma_wait3A_253 = tpu.memref_slice %arg5[%dma_wait3A_251, %dma_wait3A_252] : memref<65544x16xf32, #tpu.memory_space<vmem_shared>> -> memref<65544x16xf32, #tpu.memory_space<vmem_shared>>
            tpu.wait_indirect_dma semaphore(%run_scoped3A_243 : memref<!tpu.dma_semaphore, #tpu.memory_space<semaphore_mem>>) src(%arg9 : memref<128x16xf32, #tpu.memory_space<vmem>>) dst(%dma_wait3A_253 : memref<65544x16xf32, #tpu.memory_space<vmem_shared>>)
            tpu.yield
          }) : () -> ()
          %run_scoped3A_231 = arith.constant 4 : i32
          "tpu.region"() ({
            %run_scoped3A_243 = tpu.sem_alloc : memref<!tpu.dma_semaphore, #tpu.memory_space<semaphore_mem>>
            %dma_start3A = arith.constant 0 : i32
            %dma_start3A_244 = tpu.memref_slice %arg8[%run_scoped3A_231, %dma_start3A] : memref<8x128xi32, #tpu.memory_space<vmem>> -> memref<1x128xi32, #tpu.memory_space<vmem>>
            %dma_start3A_245 = tpu.memref_squeeze %dma_start3A_244 : memref<1x128xi32, #tpu.memory_space<vmem>> -> memref<128xi32, #tpu.memory_space<vmem>>
            %dma_start3A_246 = arith.constant 0 : i32
            %dma_start3A_247 = arith.constant 0 : i32
            %dma_start3A_248 = tpu.memref_slice %arg5[%dma_start3A_246, %dma_start3A_247] : memref<65544x16xf32, #tpu.memory_space<vmem_shared>> -> memref<65544x16xf32, #tpu.memory_space<vmem_shared>>
            tpu.enqueue_indirect_dma source(%arg9 : memref<128x16xf32, #tpu.memory_space<vmem>>) target(%dma_start3A_248 : memref<65544x16xf32, #tpu.memory_space<vmem_shared>>) offsets(%dma_start3A_245 : memref<128xi32, #tpu.memory_space<vmem>>) semaphore(%run_scoped3A_243 : memref<!tpu.dma_semaphore, #tpu.memory_space<semaphore_mem>>) {add = true}
            %dma_wait3A = arith.constant 0 : i32
            %dma_wait3A_249 = tpu.memref_slice %arg8[%run_scoped3A_231, %dma_wait3A] : memref<8x128xi32, #tpu.memory_space<vmem>> -> memref<1x128xi32, #tpu.memory_space<vmem>>
            %dma_wait3A_250 = tpu.memref_squeeze %dma_wait3A_249 : memref<1x128xi32, #tpu.memory_space<vmem>> -> memref<128xi32, #tpu.memory_space<vmem>>
            %dma_wait3A_251 = arith.constant 0 : i32
            %dma_wait3A_252 = arith.constant 0 : i32
            %dma_wait3A_253 = tpu.memref_slice %arg5[%dma_wait3A_251, %dma_wait3A_252] : memref<65544x16xf32, #tpu.memory_space<vmem_shared>> -> memref<65544x16xf32, #tpu.memory_space<vmem_shared>>
            tpu.wait_indirect_dma semaphore(%run_scoped3A_243 : memref<!tpu.dma_semaphore, #tpu.memory_space<semaphore_mem>>) src(%arg9 : memref<128x16xf32, #tpu.memory_space<vmem>>) dst(%dma_wait3A_253 : memref<65544x16xf32, #tpu.memory_space<vmem_shared>>)
            tpu.yield
          }) : () -> ()
          %run_scoped3A_232 = arith.constant 5 : i32
          "tpu.region"() ({
            %run_scoped3A_243 = tpu.sem_alloc : memref<!tpu.dma_semaphore, #tpu.memory_space<semaphore_mem>>
            %dma_start3A = arith.constant 0 : i32
            %dma_start3A_244 = tpu.memref_slice %arg8[%run_scoped3A_232, %dma_start3A] : memref<8x128xi32, #tpu.memory_space<vmem>> -> memref<1x128xi32, #tpu.memory_space<vmem>>
            %dma_start3A_245 = tpu.memref_squeeze %dma_start3A_244 : memref<1x128xi32, #tpu.memory_space<vmem>> -> memref<128xi32, #tpu.memory_space<vmem>>
            %dma_start3A_246 = arith.constant 0 : i32
            %dma_start3A_247 = arith.constant 0 : i32
            %dma_start3A_248 = tpu.memref_slice %arg5[%dma_start3A_246, %dma_start3A_247] : memref<65544x16xf32, #tpu.memory_space<vmem_shared>> -> memref<65544x16xf32, #tpu.memory_space<vmem_shared>>
            tpu.enqueue_indirect_dma source(%arg9 : memref<128x16xf32, #tpu.memory_space<vmem>>) target(%dma_start3A_248 : memref<65544x16xf32, #tpu.memory_space<vmem_shared>>) offsets(%dma_start3A_245 : memref<128xi32, #tpu.memory_space<vmem>>) semaphore(%run_scoped3A_243 : memref<!tpu.dma_semaphore, #tpu.memory_space<semaphore_mem>>) {add = true}
            %dma_wait3A = arith.constant 0 : i32
            %dma_wait3A_249 = tpu.memref_slice %arg8[%run_scoped3A_232, %dma_wait3A] : memref<8x128xi32, #tpu.memory_space<vmem>> -> memref<1x128xi32, #tpu.memory_space<vmem>>
            %dma_wait3A_250 = tpu.memref_squeeze %dma_wait3A_249 : memref<1x128xi32, #tpu.memory_space<vmem>> -> memref<128xi32, #tpu.memory_space<vmem>>
            %dma_wait3A_251 = arith.constant 0 : i32
            %dma_wait3A_252 = arith.constant 0 : i32
            %dma_wait3A_253 = tpu.memref_slice %arg5[%dma_wait3A_251, %dma_wait3A_252] : memref<65544x16xf32, #tpu.memory_space<vmem_shared>> -> memref<65544x16xf32, #tpu.memory_space<vmem_shared>>
            tpu.wait_indirect_dma semaphore(%run_scoped3A_243 : memref<!tpu.dma_semaphore, #tpu.memory_space<semaphore_mem>>) src(%arg9 : memref<128x16xf32, #tpu.memory_space<vmem>>) dst(%dma_wait3A_253 : memref<65544x16xf32, #tpu.memory_space<vmem_shared>>)
            tpu.yield
          }) : () -> ()
          %run_scoped3A_233 = arith.constant 6 : i32
          "tpu.region"() ({
            %run_scoped3A_243 = tpu.sem_alloc : memref<!tpu.dma_semaphore, #tpu.memory_space<semaphore_mem>>
            %dma_start3A = arith.constant 0 : i32
            %dma_start3A_244 = tpu.memref_slice %arg8[%run_scoped3A_233, %dma_start3A] : memref<8x128xi32, #tpu.memory_space<vmem>> -> memref<1x128xi32, #tpu.memory_space<vmem>>
            %dma_start3A_245 = tpu.memref_squeeze %dma_start3A_244 : memref<1x128xi32, #tpu.memory_space<vmem>> -> memref<128xi32, #tpu.memory_space<vmem>>
            %dma_start3A_246 = arith.constant 0 : i32
            %dma_start3A_247 = arith.constant 0 : i32
            %dma_start3A_248 = tpu.memref_slice %arg5[%dma_start3A_246, %dma_start3A_247] : memref<65544x16xf32, #tpu.memory_space<vmem_shared>> -> memref<65544x16xf32, #tpu.memory_space<vmem_shared>>
            tpu.enqueue_indirect_dma source(%arg9 : memref<128x16xf32, #tpu.memory_space<vmem>>) target(%dma_start3A_248 : memref<65544x16xf32, #tpu.memory_space<vmem_shared>>) offsets(%dma_start3A_245 : memref<128xi32, #tpu.memory_space<vmem>>) semaphore(%run_scoped3A_243 : memref<!tpu.dma_semaphore, #tpu.memory_space<semaphore_mem>>) {add = true}
            %dma_wait3A = arith.constant 0 : i32
            %dma_wait3A_249 = tpu.memref_slice %arg8[%run_scoped3A_233, %dma_wait3A] : memref<8x128xi32, #tpu.memory_space<vmem>> -> memref<1x128xi32, #tpu.memory_space<vmem>>
            %dma_wait3A_250 = tpu.memref_squeeze %dma_wait3A_249 : memref<1x128xi32, #tpu.memory_space<vmem>> -> memref<128xi32, #tpu.memory_space<vmem>>
            %dma_wait3A_251 = arith.constant 0 : i32
            %dma_wait3A_252 = arith.constant 0 : i32
            %dma_wait3A_253 = tpu.memref_slice %arg5[%dma_wait3A_251, %dma_wait3A_252] : memref<65544x16xf32, #tpu.memory_space<vmem_shared>> -> memref<65544x16xf32, #tpu.memory_space<vmem_shared>>
            tpu.wait_indirect_dma semaphore(%run_scoped3A_243 : memref<!tpu.dma_semaphore, #tpu.memory_space<semaphore_mem>>) src(%arg9 : memref<128x16xf32, #tpu.memory_space<vmem>>) dst(%dma_wait3A_253 : memref<65544x16xf32, #tpu.memory_space<vmem_shared>>)
            tpu.yield
          }) : () -> ()
          %run_scoped3A_234 = arith.constant 7 : i32
          "tpu.region"() ({
            %run_scoped3A_243 = tpu.sem_alloc : memref<!tpu.dma_semaphore, #tpu.memory_space<semaphore_mem>>
            %dma_start3A = arith.constant 0 : i32
            %dma_start3A_244 = tpu.memref_slice %arg8[%run_scoped3A_234, %dma_start3A] : memref<8x128xi32, #tpu.memory_space<vmem>> -> memref<1x128xi32, #tpu.memory_space<vmem>>
            %dma_start3A_245 = tpu.memref_squeeze %dma_start3A_244 : memref<1x128xi32, #tpu.memory_space<vmem>> -> memref<128xi32, #tpu.memory_space<vmem>>
            %dma_start3A_246 = arith.constant 0 : i32
            %dma_start3A_247 = arith.constant 0 : i32
            %dma_start3A_248 = tpu.memref_slice %arg5[%dma_start3A_246, %dma_start3A_247] : memref<65544x16xf32, #tpu.memory_space<vmem_shared>> -> memref<65544x16xf32, #tpu.memory_space<vmem_shared>>
            tpu.enqueue_indirect_dma source(%arg9 : memref<128x16xf32, #tpu.memory_space<vmem>>) target(%dma_start3A_248 : memref<65544x16xf32, #tpu.memory_space<vmem_shared>>) offsets(%dma_start3A_245 : memref<128xi32, #tpu.memory_space<vmem>>) semaphore(%run_scoped3A_243 : memref<!tpu.dma_semaphore, #tpu.memory_space<semaphore_mem>>) {add = true}
            %dma_wait3A = arith.constant 0 : i32
            %dma_wait3A_249 = tpu.memref_slice %arg8[%run_scoped3A_234, %dma_wait3A] : memref<8x128xi32, #tpu.memory_space<vmem>> -> memref<1x128xi32, #tpu.memory_space<vmem>>
            %dma_wait3A_250 = tpu.memref_squeeze %dma_wait3A_249 : memref<1x128xi32, #tpu.memory_space<vmem>> -> memref<128xi32, #tpu.memory_space<vmem>>
            %dma_wait3A_251 = arith.constant 0 : i32
            %dma_wait3A_252 = arith.constant 0 : i32
            %dma_wait3A_253 = tpu.memref_slice %arg5[%dma_wait3A_251, %dma_wait3A_252] : memref<65544x16xf32, #tpu.memory_space<vmem_shared>> -> memref<65544x16xf32, #tpu.memory_space<vmem_shared>>
            tpu.wait_indirect_dma semaphore(%run_scoped3A_243 : memref<!tpu.dma_semaphore, #tpu.memory_space<semaphore_mem>>) src(%arg9 : memref<128x16xf32, #tpu.memory_space<vmem>>) dst(%dma_wait3A_253 : memref<65544x16xf32, #tpu.memory_space<vmem_shared>>)
            tpu.yield
          }) : () -> ()
          %scan3A_235 = arith.constant 0 : i32
          %scan3A_236 = arith.constant 0 : i32
          %scan3A_237 = arith.constant 64 : i32
          %scan3A_238 = arith.addi %scan3A_236, %scan3A_237 : i32
          %scan3A_239 = arith.constant 1 : i32
          %scan3A_240 = scf.for %scan3A_243 = %scan3A_236 to %scan3A_238 step %scan3A_239 iter_args(%scan3A_244 = %scan3A_235) -> (i32)  : i32 {
            %broadcast_in_dim3A_245 = arith.constant 65536 : i32
            %broadcast_in_dim3A_246 = vector.broadcast %broadcast_in_dim3A_245 : i32 to vector<16xi32>
            %jit3A_247 = arith.constant 8 : i32
            %div3A = arith.divsi %scan3A_243, %jit3A_247 : i32
            %sign3A = arith.constant 0 : i32
            %sign3A_248 = arith.cmpi sgt, %scan3A_243, %sign3A : i32
            %sign3A_249 = arith.extui %sign3A_248 : i1 to i32
            %sign3A_250 = arith.constant 0 : i32
            %sign3A_251 = arith.cmpi slt, %scan3A_243, %sign3A_250 : i32
            %sign3A_252 = arith.extui %sign3A_251 : i1 to i32
            %sign3A_253 = arith.subi %sign3A_249, %sign3A_252 : i32
            %sign3A_254 = arith.constant 0 : i32
            %sign3A_255 = arith.cmpi sgt, %jit3A_247, %sign3A_254 : i32
            %sign3A_256 = arith.extui %sign3A_255 : i1 to i32
            %sign3A_257 = arith.constant 0 : i32
            %sign3A_258 = arith.cmpi slt, %jit3A_247, %sign3A_257 : i32
            %sign3A_259 = arith.extui %sign3A_258 : i1 to i32
            %sign3A_260 = arith.subi %sign3A_256, %sign3A_259 : i32
            %ne3A = arith.cmpi ne, %sign3A_253, %sign3A_260 : i32
            %rem3A = arith.remsi %scan3A_243, %jit3A_247 : i32
            %ne3A_261 = arith.constant 0 : i32
            %ne3A_262 = arith.cmpi ne, %rem3A, %ne3A_261 : i32
            %and3A_263 = arith.andi %ne3A, %ne3A_262 : i1
            %sub3A_264 = arith.constant 1 : i32
            %sub3A_265 = arith.subi %div3A, %sub3A_264 : i32
            %select_n3A_266 = arith.select %and3A_263, %sub3A_265, %div3A : i32
            %jit3A_267 = arith.constant 8 : i32
            %eq3A_268 = arith.constant 0 : i32
            %eq3A_269 = arith.cmpi eq, %jit3A_267, %eq3A_268 : i32
            %jit3A_270 = arith.constant 1 : i32
            %select_n3A_271 = arith.select %eq3A_269, %jit3A_270, %jit3A_267 : i32
            %rem3A_272 = arith.remsi %scan3A_243, %select_n3A_271 : i32
            %ne3A_273 = arith.constant 0 : i32
            %ne3A_274 = arith.cmpi ne, %rem3A_272, %ne3A_273 : i32
            %lt3A_275 = arith.constant 0 : i32
            %lt3A_276 = arith.cmpi slt, %rem3A_272, %lt3A_275 : i32
            %lt3A_277 = arith.constant 0 : i32
            %lt3A_278 = arith.cmpi slt, %select_n3A_271, %lt3A_277 : i32
            %ne3A_279 = arith.xori %lt3A_276, %lt3A_278 : i1
            %and3A_280 = arith.andi %ne3A_279, %ne3A_274 : i1
            %add3A_281 = arith.addi %rem3A_272, %select_n3A_271 : i32
            %select_n3A_282 = arith.select %and3A_280, %add3A_281, %rem3A_272 : i32
            %mul3A_283 = arith.constant 16 : i32
            %mul3A_284 = arith.muli %select_n3A_282, %mul3A_283 : i32
            %swap3A = arith.index_cast %select_n3A_266 : i32 to index
            %swap3A_285 = arith.index_cast %mul3A_284 : i32 to index
            %swap3A_286 = tpu.vector_load %arg8[%swap3A, %swap3A_285] {strides = array<i32>} : memref<8x128xi32, #tpu.memory_space<vmem>>, vector<16xi32>,
            tpu.vector_store %arg8[%swap3A, %swap3A_285], %broadcast_in_dim3A_246 {strides = array<i32>} : memref<8x128xi32, #tpu.memory_space<vmem>>, vector<16xi32>,
            %scan3A_287 = arith.constant 0 : i32
            scf.yield %scan3A_287 : i32
          }
          %scan3A_241 = arith.constant 64 : i32
          %cond3A_242 = arith.constant 0 : i32
          scf.yield %cond3A_242 : i32
        } else {
          scf.yield %scan3A_185 : i32
        }
        %convert_element_type3A_208 = arith.extui %and3A : vector<16xi1> to vector<16xi32>
        %broadcast_in_dim3A_209 = arith.constant true
        %broadcast_in_dim3A_210 = vector.broadcast %broadcast_in_dim3A_209 : i1 to vector<16xi1>
        %masked_cumsum3A = tpu.scan <sum>, %convert_element_type3A_208 masked %broadcast_in_dim3A_210 : vector<16xi32>, vector<16xi1> -> vector<16xi32>
        %add3A_211 = vector.broadcast %cond3A_207 : i32 to vector<16xi32>
        %add3A_212 = arith.addi %add3A_211, %masked_cumsum3A : vector<16xi32>
        %sub3A_213 = arith.constant 1 : i32
        %sub3A_214 = vector.broadcast %sub3A_213 : i32 to vector<16xi32>
        %sub3A_215 = arith.subi %add3A_212, %sub3A_214 : vector<16xi32>
        %iota3A_216 = tpu.iota {dimensions = array<i32: 0>} : vector<16xi32>
        %add3A_217 = arith.constant 1008 : i32
        %add3A_218 = vector.broadcast %add3A_217 : i32 to vector<16xi32>
        %add3A_219 = arith.addi %add3A_218, %iota3A_216 : vector<16xi32>
        %select_n3A_220 = arith.select %and3A, %sub3A_215, %add3A_219 : vector<16xi1>, vector<16xi32>
        %shift_right_arithmetic3A = arith.constant 7 : i32
        %shift_right_arithmetic3A_221 = vector.broadcast %shift_right_arithmetic3A : i32 to vector<16xi32>
        %shift_right_arithmetic3A_222 = arith.shrsi %select_n3A_220, %shift_right_arithmetic3A_221 : vector<16xi32>
        %and3A_223 = arith.constant 127 : i32
        %and3A_224 = vector.broadcast %and3A_223 : i32 to vector<16xi32>
        %and3A_225 = arith.andi %select_n3A_220, %and3A_224 : vector<16xi32>
        tpu.vector_store_idx %arg8[%shift_right_arithmetic3A_222, %and3A_225], %select_n3A_202 : memref<8x128xi32, #tpu.memory_space<vmem>>[vector<16xi32>, vector<16xi32>], vector<16xi32>,
        %slice3A = vector.extract_strided_slice %masked_cumsum3A {offsets = [15], sizes = [1], strides = [1]} : vector<16xi32> to vector<1xi32>
        %squeeze3A = vector.extract %slice3A[0] : i32 from vector<1xi32>
        %add3A_226 = arith.addi %cond3A_207, %squeeze3A : i32
        scf.yield %add3A_226 : i32
      }
      %scan3A_183 = arith.constant 64 : i32
      scf.yield %scan3A_182 : i32
    }
    %scan3A_67 = arith.constant 64 : i32
    %run_scoped3A = arith.constant 0 : i32
    "tpu.region"() ({
      %run_scoped3A_171 = tpu.sem_alloc : memref<!tpu.dma_semaphore, #tpu.memory_space<semaphore_mem>>
      %dma_start3A = arith.constant 0 : i32
      %dma_start3A_172 = tpu.memref_slice %arg8[%run_scoped3A, %dma_start3A] : memref<8x128xi32, #tpu.memory_space<vmem>> -> memref<1x128xi32, #tpu.memory_space<vmem>>
      %dma_start3A_173 = tpu.memref_squeeze %dma_start3A_172 : memref<1x128xi32, #tpu.memory_space<vmem>> -> memref<128xi32, #tpu.memory_space<vmem>>
      %dma_start3A_174 = arith.constant 0 : i32
      %dma_start3A_175 = arith.constant 0 : i32
      %dma_start3A_176 = tpu.memref_slice %arg5[%dma_start3A_174, %dma_start3A_175] : memref<65544x16xf32, #tpu.memory_space<vmem_shared>> -> memref<65544x16xf32, #tpu.memory_space<vmem_shared>>
      tpu.enqueue_indirect_dma source(%arg9 : memref<128x16xf32, #tpu.memory_space<vmem>>) target(%dma_start3A_176 : memref<65544x16xf32, #tpu.memory_space<vmem_shared>>) offsets(%dma_start3A_173 : memref<128xi32, #tpu.memory_space<vmem>>) semaphore(%run_scoped3A_171 : memref<!tpu.dma_semaphore, #tpu.memory_space<semaphore_mem>>) {add = true}
      %dma_wait3A = arith.constant 0 : i32
      %dma_wait3A_177 = tpu.memref_slice %arg8[%run_scoped3A, %dma_wait3A] : memref<8x128xi32, #tpu.memory_space<vmem>> -> memref<1x128xi32, #tpu.memory_space<vmem>>
      %dma_wait3A_178 = tpu.memref_squeeze %dma_wait3A_177 : memref<1x128xi32, #tpu.memory_space<vmem>> -> memref<128xi32, #tpu.memory_space<vmem>>
      %dma_wait3A_179 = arith.constant 0 : i32
      %dma_wait3A_180 = arith.constant 0 : i32
      %dma_wait3A_181 = tpu.memref_slice %arg5[%dma_wait3A_179, %dma_wait3A_180] : memref<65544x16xf32, #tpu.memory_space<vmem_shared>> -> memref<65544x16xf32, #tpu.memory_space<vmem_shared>>
      tpu.wait_indirect_dma semaphore(%run_scoped3A_171 : memref<!tpu.dma_semaphore, #tpu.memory_space<semaphore_mem>>) src(%arg9 : memref<128x16xf32, #tpu.memory_space<vmem>>) dst(%dma_wait3A_181 : memref<65544x16xf32, #tpu.memory_space<vmem_shared>>)
      tpu.yield
    }) : () -> ()
    %run_scoped3A_68 = arith.constant 1 : i32
    "tpu.region"() ({
      %run_scoped3A_171 = tpu.sem_alloc : memref<!tpu.dma_semaphore, #tpu.memory_space<semaphore_mem>>
      %dma_start3A = arith.constant 0 : i32
      %dma_start3A_172 = tpu.memref_slice %arg8[%run_scoped3A_68, %dma_start3A] : memref<8x128xi32, #tpu.memory_space<vmem>> -> memref<1x128xi32, #tpu.memory_space<vmem>>
      %dma_start3A_173 = tpu.memref_squeeze %dma_start3A_172 : memref<1x128xi32, #tpu.memory_space<vmem>> -> memref<128xi32, #tpu.memory_space<vmem>>
      %dma_start3A_174 = arith.constant 0 : i32
      %dma_start3A_175 = arith.constant 0 : i32
      %dma_start3A_176 = tpu.memref_slice %arg5[%dma_start3A_174, %dma_start3A_175] : memref<65544x16xf32, #tpu.memory_space<vmem_shared>> -> memref<65544x16xf32, #tpu.memory_space<vmem_shared>>
      tpu.enqueue_indirect_dma source(%arg9 : memref<128x16xf32, #tpu.memory_space<vmem>>) target(%dma_start3A_176 : memref<65544x16xf32, #tpu.memory_space<vmem_shared>>) offsets(%dma_start3A_173 : memref<128xi32, #tpu.memory_space<vmem>>) semaphore(%run_scoped3A_171 : memref<!tpu.dma_semaphore, #tpu.memory_space<semaphore_mem>>) {add = true}
      %dma_wait3A = arith.constant 0 : i32
      %dma_wait3A_177 = tpu.memref_slice %arg8[%run_scoped3A_68, %dma_wait3A] : memref<8x128xi32, #tpu.memory_space<vmem>> -> memref<1x128xi32, #tpu.memory_space<vmem>>
      %dma_wait3A_178 = tpu.memref_squeeze %dma_wait3A_177 : memref<1x128xi32, #tpu.memory_space<vmem>> -> memref<128xi32, #tpu.memory_space<vmem>>
      %dma_wait3A_179 = arith.constant 0 : i32
      %dma_wait3A_180 = arith.constant 0 : i32
      %dma_wait3A_181 = tpu.memref_slice %arg5[%dma_wait3A_179, %dma_wait3A_180] : memref<65544x16xf32, #tpu.memory_space<vmem_shared>> -> memref<65544x16xf32, #tpu.memory_space<vmem_shared>>
      tpu.wait_indirect_dma semaphore(%run_scoped3A_171 : memref<!tpu.dma_semaphore, #tpu.memory_space<semaphore_mem>>) src(%arg9 : memref<128x16xf32, #tpu.memory_space<vmem>>) dst(%dma_wait3A_181 : memref<65544x16xf32, #tpu.memory_space<vmem_shared>>)
      tpu.yield
    }) : () -> ()
    %run_scoped3A_69 = arith.constant 2 : i32
    "tpu.region"() ({
      %run_scoped3A_171 = tpu.sem_alloc : memref<!tpu.dma_semaphore, #tpu.memory_space<semaphore_mem>>
      %dma_start3A = arith.constant 0 : i32
      %dma_start3A_172 = tpu.memref_slice %arg8[%run_scoped3A_69, %dma_start3A] : memref<8x128xi32, #tpu.memory_space<vmem>> -> memref<1x128xi32, #tpu.memory_space<vmem>>
      %dma_start3A_173 = tpu.memref_squeeze %dma_start3A_172 : memref<1x128xi32, #tpu.memory_space<vmem>> -> memref<128xi32, #tpu.memory_space<vmem>>
      %dma_start3A_174 = arith.constant 0 : i32
      %dma_start3A_175 = arith.constant 0 : i32
      %dma_start3A_176 = tpu.memref_slice %arg5[%dma_start3A_174, %dma_start3A_175] : memref<65544x16xf32, #tpu.memory_space<vmem_shared>> -> memref<65544x16xf32, #tpu.memory_space<vmem_shared>>
      tpu.enqueue_indirect_dma source(%arg9 : memref<128x16xf32, #tpu.memory_space<vmem>>) target(%dma_start3A_176 : memref<65544x16xf32, #tpu.memory_space<vmem_shared>>) offsets(%dma_start3A_173 : memref<128xi32, #tpu.memory_space<vmem>>) semaphore(%run_scoped3A_171 : memref<!tpu.dma_semaphore, #tpu.memory_space<semaphore_mem>>) {add = true}
      %dma_wait3A = arith.constant 0 : i32
      %dma_wait3A_177 = tpu.memref_slice %arg8[%run_scoped3A_69, %dma_wait3A] : memref<8x128xi32, #tpu.memory_space<vmem>> -> memref<1x128xi32, #tpu.memory_space<vmem>>
      %dma_wait3A_178 = tpu.memref_squeeze %dma_wait3A_177 : memref<1x128xi32, #tpu.memory_space<vmem>> -> memref<128xi32, #tpu.memory_space<vmem>>
      %dma_wait3A_179 = arith.constant 0 : i32
      %dma_wait3A_180 = arith.constant 0 : i32
      %dma_wait3A_181 = tpu.memref_slice %arg5[%dma_wait3A_179, %dma_wait3A_180] : memref<65544x16xf32, #tpu.memory_space<vmem_shared>> -> memref<65544x16xf32, #tpu.memory_space<vmem_shared>>
      tpu.wait_indirect_dma semaphore(%run_scoped3A_171 : memref<!tpu.dma_semaphore, #tpu.memory_space<semaphore_mem>>) src(%arg9 : memref<128x16xf32, #tpu.memory_space<vmem>>) dst(%dma_wait3A_181 : memref<65544x16xf32, #tpu.memory_space<vmem_shared>>)
      tpu.yield
    }) : () -> ()
    %run_scoped3A_70 = arith.constant 3 : i32
    "tpu.region"() ({
      %run_scoped3A_171 = tpu.sem_alloc : memref<!tpu.dma_semaphore, #tpu.memory_space<semaphore_mem>>
      %dma_start3A = arith.constant 0 : i32
      %dma_start3A_172 = tpu.memref_slice %arg8[%run_scoped3A_70, %dma_start3A] : memref<8x128xi32, #tpu.memory_space<vmem>> -> memref<1x128xi32, #tpu.memory_space<vmem>>
      %dma_start3A_173 = tpu.memref_squeeze %dma_start3A_172 : memref<1x128xi32, #tpu.memory_space<vmem>> -> memref<128xi32, #tpu.memory_space<vmem>>
      %dma_start3A_174 = arith.constant 0 : i32
      %dma_start3A_175 = arith.constant 0 : i32
      %dma_start3A_176 = tpu.memref_slice %arg5[%dma_start3A_174, %dma_start3A_175] : memref<65544x16xf32, #tpu.memory_space<vmem_shared>> -> memref<65544x16xf32, #tpu.memory_space<vmem_shared>>
      tpu.enqueue_indirect_dma source(%arg9 : memref<128x16xf32, #tpu.memory_space<vmem>>) target(%dma_start3A_176 : memref<65544x16xf32, #tpu.memory_space<vmem_shared>>) offsets(%dma_start3A_173 : memref<128xi32, #tpu.memory_space<vmem>>) semaphore(%run_scoped3A_171 : memref<!tpu.dma_semaphore, #tpu.memory_space<semaphore_mem>>) {add = true}
      %dma_wait3A = arith.constant 0 : i32
      %dma_wait3A_177 = tpu.memref_slice %arg8[%run_scoped3A_70, %dma_wait3A] : memref<8x128xi32, #tpu.memory_space<vmem>> -> memref<1x128xi32, #tpu.memory_space<vmem>>
      %dma_wait3A_178 = tpu.memref_squeeze %dma_wait3A_177 : memref<1x128xi32, #tpu.memory_space<vmem>> -> memref<128xi32, #tpu.memory_space<vmem>>
      %dma_wait3A_179 = arith.constant 0 : i32
      %dma_wait3A_180 = arith.constant 0 : i32
      %dma_wait3A_181 = tpu.memref_slice %arg5[%dma_wait3A_179, %dma_wait3A_180] : memref<65544x16xf32, #tpu.memory_space<vmem_shared>> -> memref<65544x16xf32, #tpu.memory_space<vmem_shared>>
      tpu.wait_indirect_dma semaphore(%run_scoped3A_171 : memref<!tpu.dma_semaphore, #tpu.memory_space<semaphore_mem>>) src(%arg9 : memref<128x16xf32, #tpu.memory_space<vmem>>) dst(%dma_wait3A_181 : memref<65544x16xf32, #tpu.memory_space<vmem_shared>>)
      tpu.yield
    }) : () -> ()
    %run_scoped3A_71 = arith.constant 4 : i32
    "tpu.region"() ({
      %run_scoped3A_171 = tpu.sem_alloc : memref<!tpu.dma_semaphore, #tpu.memory_space<semaphore_mem>>
      %dma_start3A = arith.constant 0 : i32
      %dma_start3A_172 = tpu.memref_slice %arg8[%run_scoped3A_71, %dma_start3A] : memref<8x128xi32, #tpu.memory_space<vmem>> -> memref<1x128xi32, #tpu.memory_space<vmem>>
      %dma_start3A_173 = tpu.memref_squeeze %dma_start3A_172 : memref<1x128xi32, #tpu.memory_space<vmem>> -> memref<128xi32, #tpu.memory_space<vmem>>
      %dma_start3A_174 = arith.constant 0 : i32
      %dma_start3A_175 = arith.constant 0 : i32
      %dma_start3A_176 = tpu.memref_slice %arg5[%dma_start3A_174, %dma_start3A_175] : memref<65544x16xf32, #tpu.memory_space<vmem_shared>> -> memref<65544x16xf32, #tpu.memory_space<vmem_shared>>
      tpu.enqueue_indirect_dma source(%arg9 : memref<128x16xf32, #tpu.memory_space<vmem>>) target(%dma_start3A_176 : memref<65544x16xf32, #tpu.memory_space<vmem_shared>>) offsets(%dma_start3A_173 : memref<128xi32, #tpu.memory_space<vmem>>) semaphore(%run_scoped3A_171 : memref<!tpu.dma_semaphore, #tpu.memory_space<semaphore_mem>>) {add = true}
      %dma_wait3A = arith.constant 0 : i32
      %dma_wait3A_177 = tpu.memref_slice %arg8[%run_scoped3A_71, %dma_wait3A] : memref<8x128xi32, #tpu.memory_space<vmem>> -> memref<1x128xi32, #tpu.memory_space<vmem>>
      %dma_wait3A_178 = tpu.memref_squeeze %dma_wait3A_177 : memref<1x128xi32, #tpu.memory_space<vmem>> -> memref<128xi32, #tpu.memory_space<vmem>>
      %dma_wait3A_179 = arith.constant 0 : i32
      %dma_wait3A_180 = arith.constant 0 : i32
      %dma_wait3A_181 = tpu.memref_slice %arg5[%dma_wait3A_179, %dma_wait3A_180] : memref<65544x16xf32, #tpu.memory_space<vmem_shared>> -> memref<65544x16xf32, #tpu.memory_space<vmem_shared>>
      tpu.wait_indirect_dma semaphore(%run_scoped3A_171 : memref<!tpu.dma_semaphore, #tpu.memory_space<semaphore_mem>>) src(%arg9 : memref<128x16xf32, #tpu.memory_space<vmem>>) dst(%dma_wait3A_181 : memref<65544x16xf32, #tpu.memory_space<vmem_shared>>)
      tpu.yield
    }) : () -> ()
    %run_scoped3A_72 = arith.constant 5 : i32
    "tpu.region"() ({
      %run_scoped3A_171 = tpu.sem_alloc : memref<!tpu.dma_semaphore, #tpu.memory_space<semaphore_mem>>
      %dma_start3A = arith.constant 0 : i32
      %dma_start3A_172 = tpu.memref_slice %arg8[%run_scoped3A_72, %dma_start3A] : memref<8x128xi32, #tpu.memory_space<vmem>> -> memref<1x128xi32, #tpu.memory_space<vmem>>
      %dma_start3A_173 = tpu.memref_squeeze %dma_start3A_172 : memref<1x128xi32, #tpu.memory_space<vmem>> -> memref<128xi32, #tpu.memory_space<vmem>>
      %dma_start3A_174 = arith.constant 0 : i32
      %dma_start3A_175 = arith.constant 0 : i32
      %dma_start3A_176 = tpu.memref_slice %arg5[%dma_start3A_174, %dma_start3A_175] : memref<65544x16xf32, #tpu.memory_space<vmem_shared>> -> memref<65544x16xf32, #tpu.memory_space<vmem_shared>>
      tpu.enqueue_indirect_dma source(%arg9 : memref<128x16xf32, #tpu.memory_space<vmem>>) target(%dma_start3A_176 : memref<65544x16xf32, #tpu.memory_space<vmem_shared>>) offsets(%dma_start3A_173 : memref<128xi32, #tpu.memory_space<vmem>>) semaphore(%run_scoped3A_171 : memref<!tpu.dma_semaphore, #tpu.memory_space<semaphore_mem>>) {add = true}
      %dma_wait3A = arith.constant 0 : i32
      %dma_wait3A_177 = tpu.memref_slice %arg8[%run_scoped3A_72, %dma_wait3A] : memref<8x128xi32, #tpu.memory_space<vmem>> -> memref<1x128xi32, #tpu.memory_space<vmem>>
      %dma_wait3A_178 = tpu.memref_squeeze %dma_wait3A_177 : memref<1x128xi32, #tpu.memory_space<vmem>> -> memref<128xi32, #tpu.memory_space<vmem>>
      %dma_wait3A_179 = arith.constant 0 : i32
      %dma_wait3A_180 = arith.constant 0 : i32
      %dma_wait3A_181 = tpu.memref_slice %arg5[%dma_wait3A_179, %dma_wait3A_180] : memref<65544x16xf32, #tpu.memory_space<vmem_shared>> -> memref<65544x16xf32, #tpu.memory_space<vmem_shared>>
      tpu.wait_indirect_dma semaphore(%run_scoped3A_171 : memref<!tpu.dma_semaphore, #tpu.memory_space<semaphore_mem>>) src(%arg9 : memref<128x16xf32, #tpu.memory_space<vmem>>) dst(%dma_wait3A_181 : memref<65544x16xf32, #tpu.memory_space<vmem_shared>>)
      tpu.yield
    }) : () -> ()
    %run_scoped3A_73 = arith.constant 6 : i32
    "tpu.region"() ({
      %run_scoped3A_171 = tpu.sem_alloc : memref<!tpu.dma_semaphore, #tpu.memory_space<semaphore_mem>>
      %dma_start3A = arith.constant 0 : i32
      %dma_start3A_172 = tpu.memref_slice %arg8[%run_scoped3A_73, %dma_start3A] : memref<8x128xi32, #tpu.memory_space<vmem>> -> memref<1x128xi32, #tpu.memory_space<vmem>>
      %dma_start3A_173 = tpu.memref_squeeze %dma_start3A_172 : memref<1x128xi32, #tpu.memory_space<vmem>> -> memref<128xi32, #tpu.memory_space<vmem>>
      %dma_start3A_174 = arith.constant 0 : i32
      %dma_start3A_175 = arith.constant 0 : i32
      %dma_start3A_176 = tpu.memref_slice %arg5[%dma_start3A_174, %dma_start3A_175] : memref<65544x16xf32, #tpu.memory_space<vmem_shared>> -> memref<65544x16xf32, #tpu.memory_space<vmem_shared>>
      tpu.enqueue_indirect_dma source(%arg9 : memref<128x16xf32, #tpu.memory_space<vmem>>) target(%dma_start3A_176 : memref<65544x16xf32, #tpu.memory_space<vmem_shared>>) offsets(%dma_start3A_173 : memref<128xi32, #tpu.memory_space<vmem>>) semaphore(%run_scoped3A_171 : memref<!tpu.dma_semaphore, #tpu.memory_space<semaphore_mem>>) {add = true}
      %dma_wait3A = arith.constant 0 : i32
      %dma_wait3A_177 = tpu.memref_slice %arg8[%run_scoped3A_73, %dma_wait3A] : memref<8x128xi32, #tpu.memory_space<vmem>> -> memref<1x128xi32, #tpu.memory_space<vmem>>
      %dma_wait3A_178 = tpu.memref_squeeze %dma_wait3A_177 : memref<1x128xi32, #tpu.memory_space<vmem>> -> memref<128xi32, #tpu.memory_space<vmem>>
      %dma_wait3A_179 = arith.constant 0 : i32
      %dma_wait3A_180 = arith.constant 0 : i32
      %dma_wait3A_181 = tpu.memref_slice %arg5[%dma_wait3A_179, %dma_wait3A_180] : memref<65544x16xf32, #tpu.memory_space<vmem_shared>> -> memref<65544x16xf32, #tpu.memory_space<vmem_shared>>
      tpu.wait_indirect_dma semaphore(%run_scoped3A_171 : memref<!tpu.dma_semaphore, #tpu.memory_space<semaphore_mem>>) src(%arg9 : memref<128x16xf32, #tpu.memory_space<vmem>>) dst(%dma_wait3A_181 : memref<65544x16xf32, #tpu.memory_space<vmem_shared>>)
      tpu.yield
    }) : () -> ()
    %run_scoped3A_74 = arith.constant 7 : i32
    "tpu.region"() ({
      %run_scoped3A_171 = tpu.sem_alloc : memref<!tpu.dma_semaphore, #tpu.memory_space<semaphore_mem>>
      %dma_start3A = arith.constant 0 : i32
      %dma_start3A_172 = tpu.memref_slice %arg8[%run_scoped3A_74, %dma_start3A] : memref<8x128xi32, #tpu.memory_space<vmem>> -> memref<1x128xi32, #tpu.memory_space<vmem>>
      %dma_start3A_173 = tpu.memref_squeeze %dma_start3A_172 : memref<1x128xi32, #tpu.memory_space<vmem>> -> memref<128xi32, #tpu.memory_space<vmem>>
      %dma_start3A_174 = arith.constant 0 : i32
      %dma_start3A_175 = arith.constant 0 : i32
      %dma_start3A_176 = tpu.memref_slice %arg5[%dma_start3A_174, %dma_start3A_175] : memref<65544x16xf32, #tpu.memory_space<vmem_shared>> -> memref<65544x16xf32, #tpu.memory_space<vmem_shared>>
      tpu.enqueue_indirect_dma source(%arg9 : memref<128x16xf32, #tpu.memory_space<vmem>>) target(%dma_start3A_176 : memref<65544x16xf32, #tpu.memory_space<vmem_shared>>) offsets(%dma_start3A_173 : memref<128xi32, #tpu.memory_space<vmem>>) semaphore(%run_scoped3A_171 : memref<!tpu.dma_semaphore, #tpu.memory_space<semaphore_mem>>) {add = true}
      %dma_wait3A = arith.constant 0 : i32
      %dma_wait3A_177 = tpu.memref_slice %arg8[%run_scoped3A_74, %dma_wait3A] : memref<8x128xi32, #tpu.memory_space<vmem>> -> memref<1x128xi32, #tpu.memory_space<vmem>>
      %dma_wait3A_178 = tpu.memref_squeeze %dma_wait3A_177 : memref<1x128xi32, #tpu.memory_space<vmem>> -> memref<128xi32, #tpu.memory_space<vmem>>
      %dma_wait3A_179 = arith.constant 0 : i32
      %dma_wait3A_180 = arith.constant 0 : i32
      %dma_wait3A_181 = tpu.memref_slice %arg5[%dma_wait3A_179, %dma_wait3A_180] : memref<65544x16xf32, #tpu.memory_space<vmem_shared>> -> memref<65544x16xf32, #tpu.memory_space<vmem_shared>>
      tpu.wait_indirect_dma semaphore(%run_scoped3A_171 : memref<!tpu.dma_semaphore, #tpu.memory_space<semaphore_mem>>) src(%arg9 : memref<128x16xf32, #tpu.memory_space<vmem>>) dst(%dma_wait3A_181 : memref<65544x16xf32, #tpu.memory_space<vmem_shared>>)
      tpu.yield
    }) : () -> ()
    %scan3A_75 = arith.constant 0 : i32
    %scan3A_76 = arith.constant 0 : i32
    %scan3A_77 = arith.constant 64 : i32
    %scan3A_78 = arith.addi %scan3A_76, %scan3A_77 : i32
    %scan3A_79 = arith.constant 1 : i32
    %scan3A_80 = scf.for %scan3A_171 = %scan3A_76 to %scan3A_78 step %scan3A_79 iter_args(%scan3A_172 = %scan3A_75) -> (i32)  : i32 {
      %broadcast_in_dim3A_173 = arith.constant 65536 : i32
      %broadcast_in_dim3A_174 = vector.broadcast %broadcast_in_dim3A_173 : i32 to vector<16xi32>
      %jit3A_175 = arith.constant 8 : i32
      %div3A = arith.divsi %scan3A_171, %jit3A_175 : i32
      %sign3A = arith.constant 0 : i32
      %sign3A_176 = arith.cmpi sgt, %scan3A_171, %sign3A : i32
      %sign3A_177 = arith.extui %sign3A_176 : i1 to i32
      %sign3A_178 = arith.constant 0 : i32
      %sign3A_179 = arith.cmpi slt, %scan3A_171, %sign3A_178 : i32
      %sign3A_180 = arith.extui %sign3A_179 : i1 to i32
      %sign3A_181 = arith.subi %sign3A_177, %sign3A_180 : i32
      %sign3A_182 = arith.constant 0 : i32
      %sign3A_183 = arith.cmpi sgt, %jit3A_175, %sign3A_182 : i32
      %sign3A_184 = arith.extui %sign3A_183 : i1 to i32
      %sign3A_185 = arith.constant 0 : i32
      %sign3A_186 = arith.cmpi slt, %jit3A_175, %sign3A_185 : i32
      %sign3A_187 = arith.extui %sign3A_186 : i1 to i32
      %sign3A_188 = arith.subi %sign3A_184, %sign3A_187 : i32
      %ne3A = arith.cmpi ne, %sign3A_181, %sign3A_188 : i32
      %rem3A = arith.remsi %scan3A_171, %jit3A_175 : i32
      %ne3A_189 = arith.constant 0 : i32
      %ne3A_190 = arith.cmpi ne, %rem3A, %ne3A_189 : i32
      %and3A = arith.andi %ne3A, %ne3A_190 : i1
      %sub3A = arith.constant 1 : i32
      %sub3A_191 = arith.subi %div3A, %sub3A : i32
      %select_n3A_192 = arith.select %and3A, %sub3A_191, %div3A : i32
      %jit3A_193 = arith.constant 8 : i32
      %eq3A_194 = arith.constant 0 : i32
      %eq3A_195 = arith.cmpi eq, %jit3A_193, %eq3A_194 : i32
      %jit3A_196 = arith.constant 1 : i32
      %select_n3A_197 = arith.select %eq3A_195, %jit3A_196, %jit3A_193 : i32
      %rem3A_198 = arith.remsi %scan3A_171, %select_n3A_197 : i32
      %ne3A_199 = arith.constant 0 : i32
      %ne3A_200 = arith.cmpi ne, %rem3A_198, %ne3A_199 : i32
      %lt3A = arith.constant 0 : i32
      %lt3A_201 = arith.cmpi slt, %rem3A_198, %lt3A : i32
      %lt3A_202 = arith.constant 0 : i32
      %lt3A_203 = arith.cmpi slt, %select_n3A_197, %lt3A_202 : i32
      %ne3A_204 = arith.xori %lt3A_201, %lt3A_203 : i1
      %and3A_205 = arith.andi %ne3A_204, %ne3A_200 : i1
      %add3A_206 = arith.addi %rem3A_198, %select_n3A_197 : i32
      %select_n3A_207 = arith.select %and3A_205, %add3A_206, %rem3A_198 : i32
      %mul3A_208 = arith.constant 16 : i32
      %mul3A_209 = arith.muli %select_n3A_207, %mul3A_208 : i32
      %swap3A = arith.index_cast %select_n3A_192 : i32 to index
      %swap3A_210 = arith.index_cast %mul3A_209 : i32 to index
      %swap3A_211 = tpu.vector_load %arg8[%swap3A, %swap3A_210] {strides = array<i32>} : memref<8x128xi32, #tpu.memory_space<vmem>>, vector<16xi32>,
      tpu.vector_store %arg8[%swap3A, %swap3A_210], %broadcast_in_dim3A_174 {strides = array<i32>} : memref<8x128xi32, #tpu.memory_space<vmem>>, vector<16xi32>,
      %scan3A_212 = arith.constant 0 : i32
      scf.yield %scan3A_212 : i32
    }
    %scan3A_81 = arith.constant 64 : i32
    %barrier3A_82 = arith.constant 0 : index
    tpu.barrier barrier_id(%barrier3A_82)
    %mul3A_83 = arith.constant 4096 : i32
    %mul3A_84 = arith.muli %arg1, %mul3A_83 : i32
    %add3A_85 = arith.constant 0 : i32
    %add3A_86 = arith.addi %mul3A_84, %add3A_85 : i32
    "tpu.region"() ({
      %run_scoped3A_171 = tpu.sem_alloc : memref<!tpu.dma_semaphore, #tpu.memory_space<semaphore_mem>>
      %dma_start3A = arith.constant 0 : i32
      %dma_start3A_172 = tpu.memref_slice %arg5[%add3A_86, %dma_start3A] : memref<65544x16xf32, #tpu.memory_space<vmem_shared>> -> memref<512x16xf32, #tpu.memory_space<vmem_shared>>
      %dma_start3A_173 = arith.constant 0 : i32
      %dma_start3A_174 = tpu.memref_slice %arg5[%add3A_86, %dma_start3A_173] : memref<65544x16xf32, #tpu.memory_space<vmem_shared>> -> memref<512x16xf32, #tpu.memory_space<vmem_shared>>
      tpu.enqueue_dma source(%dma_start3A_174 : memref<512x16xf32, #tpu.memory_space<vmem_shared>>) target(%arg10 : memref<512x16xf32, #tpu.memory_space<vmem>>) target_semaphore(%run_scoped3A_171 : memref<!tpu.dma_semaphore, #tpu.memory_space<semaphore_mem>>)
      %dma_wait3A = arith.constant 0 : i32
      %dma_wait3A_175 = tpu.memref_slice %arg5[%add3A_86, %dma_wait3A] : memref<65544x16xf32, #tpu.memory_space<vmem_shared>> -> memref<512x16xf32, #tpu.memory_space<vmem_shared>>
      %dma_wait3A_176 = arith.constant 0 : i32
      %dma_wait3A_177 = tpu.memref_slice %arg5[%add3A_86, %dma_wait3A_176] : memref<65544x16xf32, #tpu.memory_space<vmem_shared>> -> memref<512x16xf32, #tpu.memory_space<vmem_shared>>
      tpu.wait_dma2 semaphore(%run_scoped3A_171 : memref<!tpu.dma_semaphore, #tpu.memory_space<semaphore_mem>>) src(%dma_wait3A_177 : memref<512x16xf32, #tpu.memory_space<vmem_shared>>) dst(%arg10 : memref<512x16xf32, #tpu.memory_space<vmem>>)
      tpu.yield
    }) : () -> ()
    %mul3A_87 = arith.constant 65536 : i32
    %mul3A_88 = arith.muli %arg0, %mul3A_87 : i32
    %mul3A_89 = arith.constant 4096 : i32
    %mul3A_90 = arith.muli %arg1, %mul3A_89 : i32
    %add3A_91 = arith.addi %mul3A_88, %mul3A_90 : i32
    %add3A_92 = arith.constant 0 : i32
    %add3A_93 = arith.addi %add3A_91, %add3A_92 : i32
    "tpu.region"() ({
      %run_scoped3A_171 = tpu.sem_alloc : memref<!tpu.dma_semaphore, #tpu.memory_space<semaphore_mem>>
      %dma_start3A = arith.constant 0 : i32
      %dma_start3A_172 = tpu.memref_slice %arg4[%add3A_93, %dma_start3A] : memref<131072x16xf32, #tpu.memory_space<hbm>> -> memref<512x16xf32, #tpu.memory_space<hbm>>
      %dma_start3A_173 = arith.constant 0 : i32
      %dma_start3A_174 = tpu.memref_slice %arg4[%add3A_93, %dma_start3A_173] : memref<131072x16xf32, #tpu.memory_space<hbm>> -> memref<512x16xf32, #tpu.memory_space<hbm>>
      tpu.enqueue_dma source(%arg10 : memref<512x16xf32, #tpu.memory_space<vmem>>) target(%dma_start3A_174 : memref<512x16xf32, #tpu.memory_space<hbm>>) target_semaphore(%run_scoped3A_171 : memref<!tpu.dma_semaphore, #tpu.memory_space<semaphore_mem>>)
      %dma_wait3A = arith.constant 0 : i32
      %dma_wait3A_175 = tpu.memref_slice %arg4[%add3A_93, %dma_wait3A] : memref<131072x16xf32, #tpu.memory_space<hbm>> -> memref<512x16xf32, #tpu.memory_space<hbm>>
      %dma_wait3A_176 = arith.constant 0 : i32
      %dma_wait3A_177 = tpu.memref_slice %arg4[%add3A_93, %dma_wait3A_176] : memref<131072x16xf32, #tpu.memory_space<hbm>> -> memref<512x16xf32, #tpu.memory_space<hbm>>
      tpu.wait_dma2 semaphore(%run_scoped3A_171 : memref<!tpu.dma_semaphore, #tpu.memory_space<semaphore_mem>>) src(%arg10 : memref<512x16xf32, #tpu.memory_space<vmem>>) dst(%dma_wait3A_177 : memref<512x16xf32, #tpu.memory_space<hbm>>)
      tpu.yield
    }) : () -> ()
    %mul3A_94 = arith.constant 4096 : i32
    %mul3A_95 = arith.muli %arg1, %mul3A_94 : i32
    %add3A_96 = arith.constant 512 : i32
    %add3A_97 = arith.addi %mul3A_95, %add3A_96 : i32
    "tpu.region"() ({
      %run_scoped3A_171 = tpu.sem_alloc : memref<!tpu.dma_semaphore, #tpu.memory_space<semaphore_mem>>
      %dma_start3A = arith.constant 0 : i32
      %dma_start3A_172 = tpu.memref_slice %arg5[%add3A_97, %dma_start3A] : memref<65544x16xf32, #tpu.memory_space<vmem_shared>> -> memref<512x16xf32, #tpu.memory_space<vmem_shared>>
      %dma_start3A_173 = arith.constant 0 : i32
      %dma_start3A_174 = tpu.memref_slice %arg5[%add3A_97, %dma_start3A_173] : memref<65544x16xf32, #tpu.memory_space<vmem_shared>> -> memref<512x16xf32, #tpu.memory_space<vmem_shared>>
      tpu.enqueue_dma source(%dma_start3A_174 : memref<512x16xf32, #tpu.memory_space<vmem_shared>>) target(%arg10 : memref<512x16xf32, #tpu.memory_space<vmem>>) target_semaphore(%run_scoped3A_171 : memref<!tpu.dma_semaphore, #tpu.memory_space<semaphore_mem>>)
      %dma_wait3A = arith.constant 0 : i32
      %dma_wait3A_175 = tpu.memref_slice %arg5[%add3A_97, %dma_wait3A] : memref<65544x16xf32, #tpu.memory_space<vmem_shared>> -> memref<512x16xf32, #tpu.memory_space<vmem_shared>>
      %dma_wait3A_176 = arith.constant 0 : i32
      %dma_wait3A_177 = tpu.memref_slice %arg5[%add3A_97, %dma_wait3A_176] : memref<65544x16xf32, #tpu.memory_space<vmem_shared>> -> memref<512x16xf32, #tpu.memory_space<vmem_shared>>
      tpu.wait_dma2 semaphore(%run_scoped3A_171 : memref<!tpu.dma_semaphore, #tpu.memory_space<semaphore_mem>>) src(%dma_wait3A_177 : memref<512x16xf32, #tpu.memory_space<vmem_shared>>) dst(%arg10 : memref<512x16xf32, #tpu.memory_space<vmem>>)
      tpu.yield
    }) : () -> ()
    %mul3A_98 = arith.constant 65536 : i32
    %mul3A_99 = arith.muli %arg0, %mul3A_98 : i32
    %mul3A_100 = arith.constant 4096 : i32
    %mul3A_101 = arith.muli %arg1, %mul3A_100 : i32
    %add3A_102 = arith.addi %mul3A_99, %mul3A_101 : i32
    %add3A_103 = arith.constant 512 : i32
    %add3A_104 = arith.addi %add3A_102, %add3A_103 : i32
    "tpu.region"() ({
      %run_scoped3A_171 = tpu.sem_alloc : memref<!tpu.dma_semaphore, #tpu.memory_space<semaphore_mem>>
      %dma_start3A = arith.constant 0 : i32
      %dma_start3A_172 = tpu.memref_slice %arg4[%add3A_104, %dma_start3A] : memref<131072x16xf32, #tpu.memory_space<hbm>> -> memref<512x16xf32, #tpu.memory_space<hbm>>
      %dma_start3A_173 = arith.constant 0 : i32
      %dma_start3A_174 = tpu.memref_slice %arg4[%add3A_104, %dma_start3A_173] : memref<131072x16xf32, #tpu.memory_space<hbm>> -> memref<512x16xf32, #tpu.memory_space<hbm>>
      tpu.enqueue_dma source(%arg10 : memref<512x16xf32, #tpu.memory_space<vmem>>) target(%dma_start3A_174 : memref<512x16xf32, #tpu.memory_space<hbm>>) target_semaphore(%run_scoped3A_171 : memref<!tpu.dma_semaphore, #tpu.memory_space<semaphore_mem>>)
      %dma_wait3A = arith.constant 0 : i32
      %dma_wait3A_175 = tpu.memref_slice %arg4[%add3A_104, %dma_wait3A] : memref<131072x16xf32, #tpu.memory_space<hbm>> -> memref<512x16xf32, #tpu.memory_space<hbm>>
      %dma_wait3A_176 = arith.constant 0 : i32
      %dma_wait3A_177 = tpu.memref_slice %arg4[%add3A_104, %dma_wait3A_176] : memref<131072x16xf32, #tpu.memory_space<hbm>> -> memref<512x16xf32, #tpu.memory_space<hbm>>
      tpu.wait_dma2 semaphore(%run_scoped3A_171 : memref<!tpu.dma_semaphore, #tpu.memory_space<semaphore_mem>>) src(%arg10 : memref<512x16xf32, #tpu.memory_space<vmem>>) dst(%dma_wait3A_177 : memref<512x16xf32, #tpu.memory_space<hbm>>)
      tpu.yield
    }) : () -> ()
    %mul3A_105 = arith.constant 4096 : i32
    %mul3A_106 = arith.muli %arg1, %mul3A_105 : i32
    %add3A_107 = arith.constant 1024 : i32
    %add3A_108 = arith.addi %mul3A_106, %add3A_107 : i32
    "tpu.region"() ({
      %run_scoped3A_171 = tpu.sem_alloc : memref<!tpu.dma_semaphore, #tpu.memory_space<semaphore_mem>>
      %dma_start3A = arith.constant 0 : i32
      %dma_start3A_172 = tpu.memref_slice %arg5[%add3A_108, %dma_start3A] : memref<65544x16xf32, #tpu.memory_space<vmem_shared>> -> memref<512x16xf32, #tpu.memory_space<vmem_shared>>
      %dma_start3A_173 = arith.constant 0 : i32
      %dma_start3A_174 = tpu.memref_slice %arg5[%add3A_108, %dma_start3A_173] : memref<65544x16xf32, #tpu.memory_space<vmem_shared>> -> memref<512x16xf32, #tpu.memory_space<vmem_shared>>
      tpu.enqueue_dma source(%dma_start3A_174 : memref<512x16xf32, #tpu.memory_space<vmem_shared>>) target(%arg10 : memref<512x16xf32, #tpu.memory_space<vmem>>) target_semaphore(%run_scoped3A_171 : memref<!tpu.dma_semaphore, #tpu.memory_space<semaphore_mem>>)
      %dma_wait3A = arith.constant 0 : i32
      %dma_wait3A_175 = tpu.memref_slice %arg5[%add3A_108, %dma_wait3A] : memref<65544x16xf32, #tpu.memory_space<vmem_shared>> -> memref<512x16xf32, #tpu.memory_space<vmem_shared>>
      %dma_wait3A_176 = arith.constant 0 : i32
      %dma_wait3A_177 = tpu.memref_slice %arg5[%add3A_108, %dma_wait3A_176] : memref<65544x16xf32, #tpu.memory_space<vmem_shared>> -> memref<512x16xf32, #tpu.memory_space<vmem_shared>>
      tpu.wait_dma2 semaphore(%run_scoped3A_171 : memref<!tpu.dma_semaphore, #tpu.memory_space<semaphore_mem>>) src(%dma_wait3A_177 : memref<512x16xf32, #tpu.memory_space<vmem_shared>>) dst(%arg10 : memref<512x16xf32, #tpu.memory_space<vmem>>)
      tpu.yield
    }) : () -> ()
    %mul3A_109 = arith.constant 65536 : i32
    %mul3A_110 = arith.muli %arg0, %mul3A_109 : i32
    %mul3A_111 = arith.constant 4096 : i32
    %mul3A_112 = arith.muli %arg1, %mul3A_111 : i32
    %add3A_113 = arith.addi %mul3A_110, %mul3A_112 : i32
    %add3A_114 = arith.constant 1024 : i32
    %add3A_115 = arith.addi %add3A_113, %add3A_114 : i32
    "tpu.region"() ({
      %run_scoped3A_171 = tpu.sem_alloc : memref<!tpu.dma_semaphore, #tpu.memory_space<semaphore_mem>>
      %dma_start3A = arith.constant 0 : i32
      %dma_start3A_172 = tpu.memref_slice %arg4[%add3A_115, %dma_start3A] : memref<131072x16xf32, #tpu.memory_space<hbm>> -> memref<512x16xf32, #tpu.memory_space<hbm>>
      %dma_start3A_173 = arith.constant 0 : i32
      %dma_start3A_174 = tpu.memref_slice %arg4[%add3A_115, %dma_start3A_173] : memref<131072x16xf32, #tpu.memory_space<hbm>> -> memref<512x16xf32, #tpu.memory_space<hbm>>
      tpu.enqueue_dma source(%arg10 : memref<512x16xf32, #tpu.memory_space<vmem>>) target(%dma_start3A_174 : memref<512x16xf32, #tpu.memory_space<hbm>>) target_semaphore(%run_scoped3A_171 : memref<!tpu.dma_semaphore, #tpu.memory_space<semaphore_mem>>)
      %dma_wait3A = arith.constant 0 : i32
      %dma_wait3A_175 = tpu.memref_slice %arg4[%add3A_115, %dma_wait3A] : memref<131072x16xf32, #tpu.memory_space<hbm>> -> memref<512x16xf32, #tpu.memory_space<hbm>>
      %dma_wait3A_176 = arith.constant 0 : i32
      %dma_wait3A_177 = tpu.memref_slice %arg4[%add3A_115, %dma_wait3A_176] : memref<131072x16xf32, #tpu.memory_space<hbm>> -> memref<512x16xf32, #tpu.memory_space<hbm>>
      tpu.wait_dma2 semaphore(%run_scoped3A_171 : memref<!tpu.dma_semaphore, #tpu.memory_space<semaphore_mem>>) src(%arg10 : memref<512x16xf32, #tpu.memory_space<vmem>>) dst(%dma_wait3A_177 : memref<512x16xf32, #tpu.memory_space<hbm>>)
      tpu.yield
    }) : () -> ()
    %mul3A_116 = arith.constant 4096 : i32
    %mul3A_117 = arith.muli %arg1, %mul3A_116 : i32
    %add3A_118 = arith.constant 1536 : i32
    %add3A_119 = arith.addi %mul3A_117, %add3A_118 : i32
    "tpu.region"() ({
      %run_scoped3A_171 = tpu.sem_alloc : memref<!tpu.dma_semaphore, #tpu.memory_space<semaphore_mem>>
      %dma_start3A = arith.constant 0 : i32
      %dma_start3A_172 = tpu.memref_slice %arg5[%add3A_119, %dma_start3A] : memref<65544x16xf32, #tpu.memory_space<vmem_shared>> -> memref<512x16xf32, #tpu.memory_space<vmem_shared>>
      %dma_start3A_173 = arith.constant 0 : i32
      %dma_start3A_174 = tpu.memref_slice %arg5[%add3A_119, %dma_start3A_173] : memref<65544x16xf32, #tpu.memory_space<vmem_shared>> -> memref<512x16xf32, #tpu.memory_space<vmem_shared>>
      tpu.enqueue_dma source(%dma_start3A_174 : memref<512x16xf32, #tpu.memory_space<vmem_shared>>) target(%arg10 : memref<512x16xf32, #tpu.memory_space<vmem>>) target_semaphore(%run_scoped3A_171 : memref<!tpu.dma_semaphore, #tpu.memory_space<semaphore_mem>>)
      %dma_wait3A = arith.constant 0 : i32
      %dma_wait3A_175 = tpu.memref_slice %arg5[%add3A_119, %dma_wait3A] : memref<65544x16xf32, #tpu.memory_space<vmem_shared>> -> memref<512x16xf32, #tpu.memory_space<vmem_shared>>
      %dma_wait3A_176 = arith.constant 0 : i32
      %dma_wait3A_177 = tpu.memref_slice %arg5[%add3A_119, %dma_wait3A_176] : memref<65544x16xf32, #tpu.memory_space<vmem_shared>> -> memref<512x16xf32, #tpu.memory_space<vmem_shared>>
      tpu.wait_dma2 semaphore(%run_scoped3A_171 : memref<!tpu.dma_semaphore, #tpu.memory_space<semaphore_mem>>) src(%dma_wait3A_177 : memref<512x16xf32, #tpu.memory_space<vmem_shared>>) dst(%arg10 : memref<512x16xf32, #tpu.memory_space<vmem>>)
      tpu.yield
    }) : () -> ()
    %mul3A_120 = arith.constant 65536 : i32
    %mul3A_121 = arith.muli %arg0, %mul3A_120 : i32
    %mul3A_122 = arith.constant 4096 : i32
    %mul3A_123 = arith.muli %arg1, %mul3A_122 : i32
    %add3A_124 = arith.addi %mul3A_121, %mul3A_123 : i32
    %add3A_125 = arith.constant 1536 : i32
    %add3A_126 = arith.addi %add3A_124, %add3A_125 : i32
    "tpu.region"() ({
      %run_scoped3A_171 = tpu.sem_alloc : memref<!tpu.dma_semaphore, #tpu.memory_space<semaphore_mem>>
      %dma_start3A = arith.constant 0 : i32
      %dma_start3A_172 = tpu.memref_slice %arg4[%add3A_126, %dma_start3A] : memref<131072x16xf32, #tpu.memory_space<hbm>> -> memref<512x16xf32, #tpu.memory_space<hbm>>
      %dma_start3A_173 = arith.constant 0 : i32
      %dma_start3A_174 = tpu.memref_slice %arg4[%add3A_126, %dma_start3A_173] : memref<131072x16xf32, #tpu.memory_space<hbm>> -> memref<512x16xf32, #tpu.memory_space<hbm>>
      tpu.enqueue_dma source(%arg10 : memref<512x16xf32, #tpu.memory_space<vmem>>) target(%dma_start3A_174 : memref<512x16xf32, #tpu.memory_space<hbm>>) target_semaphore(%run_scoped3A_171 : memref<!tpu.dma_semaphore, #tpu.memory_space<semaphore_mem>>)
      %dma_wait3A = arith.constant 0 : i32
      %dma_wait3A_175 = tpu.memref_slice %arg4[%add3A_126, %dma_wait3A] : memref<131072x16xf32, #tpu.memory_space<hbm>> -> memref<512x16xf32, #tpu.memory_space<hbm>>
      %dma_wait3A_176 = arith.constant 0 : i32
      %dma_wait3A_177 = tpu.memref_slice %arg4[%add3A_126, %dma_wait3A_176] : memref<131072x16xf32, #tpu.memory_space<hbm>> -> memref<512x16xf32, #tpu.memory_space<hbm>>
      tpu.wait_dma2 semaphore(%run_scoped3A_171 : memref<!tpu.dma_semaphore, #tpu.memory_space<semaphore_mem>>) src(%arg10 : memref<512x16xf32, #tpu.memory_space<vmem>>) dst(%dma_wait3A_177 : memref<512x16xf32, #tpu.memory_space<hbm>>)
      tpu.yield
    }) : () -> ()
    %mul3A_127 = arith.constant 4096 : i32
    %mul3A_128 = arith.muli %arg1, %mul3A_127 : i32
    %add3A_129 = arith.constant 2048 : i32
    %add3A_130 = arith.addi %mul3A_128, %add3A_129 : i32
    "tpu.region"() ({
      %run_scoped3A_171 = tpu.sem_alloc : memref<!tpu.dma_semaphore, #tpu.memory_space<semaphore_mem>>
      %dma_start3A = arith.constant 0 : i32
      %dma_start3A_172 = tpu.memref_slice %arg5[%add3A_130, %dma_start3A] : memref<65544x16xf32, #tpu.memory_space<vmem_shared>> -> memref<512x16xf32, #tpu.memory_space<vmem_shared>>
      %dma_start3A_173 = arith.constant 0 : i32
      %dma_start3A_174 = tpu.memref_slice %arg5[%add3A_130, %dma_start3A_173] : memref<65544x16xf32, #tpu.memory_space<vmem_shared>> -> memref<512x16xf32, #tpu.memory_space<vmem_shared>>
      tpu.enqueue_dma source(%dma_start3A_174 : memref<512x16xf32, #tpu.memory_space<vmem_shared>>) target(%arg10 : memref<512x16xf32, #tpu.memory_space<vmem>>) target_semaphore(%run_scoped3A_171 : memref<!tpu.dma_semaphore, #tpu.memory_space<semaphore_mem>>)
      %dma_wait3A = arith.constant 0 : i32
      %dma_wait3A_175 = tpu.memref_slice %arg5[%add3A_130, %dma_wait3A] : memref<65544x16xf32, #tpu.memory_space<vmem_shared>> -> memref<512x16xf32, #tpu.memory_space<vmem_shared>>
      %dma_wait3A_176 = arith.constant 0 : i32
      %dma_wait3A_177 = tpu.memref_slice %arg5[%add3A_130, %dma_wait3A_176] : memref<65544x16xf32, #tpu.memory_space<vmem_shared>> -> memref<512x16xf32, #tpu.memory_space<vmem_shared>>
      tpu.wait_dma2 semaphore(%run_scoped3A_171 : memref<!tpu.dma_semaphore, #tpu.memory_space<semaphore_mem>>) src(%dma_wait3A_177 : memref<512x16xf32, #tpu.memory_space<vmem_shared>>) dst(%arg10 : memref<512x16xf32, #tpu.memory_space<vmem>>)
      tpu.yield
    }) : () -> ()
    %mul3A_131 = arith.constant 65536 : i32
    %mul3A_132 = arith.muli %arg0, %mul3A_131 : i32
    %mul3A_133 = arith.constant 4096 : i32
    %mul3A_134 = arith.muli %arg1, %mul3A_133 : i32
    %add3A_135 = arith.addi %mul3A_132, %mul3A_134 : i32
    %add3A_136 = arith.constant 2048 : i32
    %add3A_137 = arith.addi %add3A_135, %add3A_136 : i32
    "tpu.region"() ({
      %run_scoped3A_171 = tpu.sem_alloc : memref<!tpu.dma_semaphore, #tpu.memory_space<semaphore_mem>>
      %dma_start3A = arith.constant 0 : i32
      %dma_start3A_172 = tpu.memref_slice %arg4[%add3A_137, %dma_start3A] : memref<131072x16xf32, #tpu.memory_space<hbm>> -> memref<512x16xf32, #tpu.memory_space<hbm>>
      %dma_start3A_173 = arith.constant 0 : i32
      %dma_start3A_174 = tpu.memref_slice %arg4[%add3A_137, %dma_start3A_173] : memref<131072x16xf32, #tpu.memory_space<hbm>> -> memref<512x16xf32, #tpu.memory_space<hbm>>
      tpu.enqueue_dma source(%arg10 : memref<512x16xf32, #tpu.memory_space<vmem>>) target(%dma_start3A_174 : memref<512x16xf32, #tpu.memory_space<hbm>>) target_semaphore(%run_scoped3A_171 : memref<!tpu.dma_semaphore, #tpu.memory_space<semaphore_mem>>)
      %dma_wait3A = arith.constant 0 : i32
      %dma_wait3A_175 = tpu.memref_slice %arg4[%add3A_137, %dma_wait3A] : memref<131072x16xf32, #tpu.memory_space<hbm>> -> memref<512x16xf32, #tpu.memory_space<hbm>>
      %dma_wait3A_176 = arith.constant 0 : i32
      %dma_wait3A_177 = tpu.memref_slice %arg4[%add3A_137, %dma_wait3A_176] : memref<131072x16xf32, #tpu.memory_space<hbm>> -> memref<512x16xf32, #tpu.memory_space<hbm>>
      tpu.wait_dma2 semaphore(%run_scoped3A_171 : memref<!tpu.dma_semaphore, #tpu.memory_space<semaphore_mem>>) src(%arg10 : memref<512x16xf32, #tpu.memory_space<vmem>>) dst(%dma_wait3A_177 : memref<512x16xf32, #tpu.memory_space<hbm>>)
      tpu.yield
    }) : () -> ()
    %mul3A_138 = arith.constant 4096 : i32
    %mul3A_139 = arith.muli %arg1, %mul3A_138 : i32
    %add3A_140 = arith.constant 2560 : i32
    %add3A_141 = arith.addi %mul3A_139, %add3A_140 : i32
    "tpu.region"() ({
      %run_scoped3A_171 = tpu.sem_alloc : memref<!tpu.dma_semaphore, #tpu.memory_space<semaphore_mem>>
      %dma_start3A = arith.constant 0 : i32
      %dma_start3A_172 = tpu.memref_slice %arg5[%add3A_141, %dma_start3A] : memref<65544x16xf32, #tpu.memory_space<vmem_shared>> -> memref<512x16xf32, #tpu.memory_space<vmem_shared>>
      %dma_start3A_173 = arith.constant 0 : i32
      %dma_start3A_174 = tpu.memref_slice %arg5[%add3A_141, %dma_start3A_173] : memref<65544x16xf32, #tpu.memory_space<vmem_shared>> -> memref<512x16xf32, #tpu.memory_space<vmem_shared>>
      tpu.enqueue_dma source(%dma_start3A_174 : memref<512x16xf32, #tpu.memory_space<vmem_shared>>) target(%arg10 : memref<512x16xf32, #tpu.memory_space<vmem>>) target_semaphore(%run_scoped3A_171 : memref<!tpu.dma_semaphore, #tpu.memory_space<semaphore_mem>>)
      %dma_wait3A = arith.constant 0 : i32
      %dma_wait3A_175 = tpu.memref_slice %arg5[%add3A_141, %dma_wait3A] : memref<65544x16xf32, #tpu.memory_space<vmem_shared>> -> memref<512x16xf32, #tpu.memory_space<vmem_shared>>
      %dma_wait3A_176 = arith.constant 0 : i32
      %dma_wait3A_177 = tpu.memref_slice %arg5[%add3A_141, %dma_wait3A_176] : memref<65544x16xf32, #tpu.memory_space<vmem_shared>> -> memref<512x16xf32, #tpu.memory_space<vmem_shared>>
      tpu.wait_dma2 semaphore(%run_scoped3A_171 : memref<!tpu.dma_semaphore, #tpu.memory_space<semaphore_mem>>) src(%dma_wait3A_177 : memref<512x16xf32, #tpu.memory_space<vmem_shared>>) dst(%arg10 : memref<512x16xf32, #tpu.memory_space<vmem>>)
      tpu.yield
    }) : () -> ()
    %mul3A_142 = arith.constant 65536 : i32
    %mul3A_143 = arith.muli %arg0, %mul3A_142 : i32
    %mul3A_144 = arith.constant 4096 : i32
    %mul3A_145 = arith.muli %arg1, %mul3A_144 : i32
    %add3A_146 = arith.addi %mul3A_143, %mul3A_145 : i32
    %add3A_147 = arith.constant 2560 : i32
    %add3A_148 = arith.addi %add3A_146, %add3A_147 : i32
    "tpu.region"() ({
      %run_scoped3A_171 = tpu.sem_alloc : memref<!tpu.dma_semaphore, #tpu.memory_space<semaphore_mem>>
      %dma_start3A = arith.constant 0 : i32
      %dma_start3A_172 = tpu.memref_slice %arg4[%add3A_148, %dma_start3A] : memref<131072x16xf32, #tpu.memory_space<hbm>> -> memref<512x16xf32, #tpu.memory_space<hbm>>
      %dma_start3A_173 = arith.constant 0 : i32
      %dma_start3A_174 = tpu.memref_slice %arg4[%add3A_148, %dma_start3A_173] : memref<131072x16xf32, #tpu.memory_space<hbm>> -> memref<512x16xf32, #tpu.memory_space<hbm>>
      tpu.enqueue_dma source(%arg10 : memref<512x16xf32, #tpu.memory_space<vmem>>) target(%dma_start3A_174 : memref<512x16xf32, #tpu.memory_space<hbm>>) target_semaphore(%run_scoped3A_171 : memref<!tpu.dma_semaphore, #tpu.memory_space<semaphore_mem>>)
      %dma_wait3A = arith.constant 0 : i32
      %dma_wait3A_175 = tpu.memref_slice %arg4[%add3A_148, %dma_wait3A] : memref<131072x16xf32, #tpu.memory_space<hbm>> -> memref<512x16xf32, #tpu.memory_space<hbm>>
      %dma_wait3A_176 = arith.constant 0 : i32
      %dma_wait3A_177 = tpu.memref_slice %arg4[%add3A_148, %dma_wait3A_176] : memref<131072x16xf32, #tpu.memory_space<hbm>> -> memref<512x16xf32, #tpu.memory_space<hbm>>
      tpu.wait_dma2 semaphore(%run_scoped3A_171 : memref<!tpu.dma_semaphore, #tpu.memory_space<semaphore_mem>>) src(%arg10 : memref<512x16xf32, #tpu.memory_space<vmem>>) dst(%dma_wait3A_177 : memref<512x16xf32, #tpu.memory_space<hbm>>)
      tpu.yield
    }) : () -> ()
    %mul3A_149 = arith.constant 4096 : i32
    %mul3A_150 = arith.muli %arg1, %mul3A_149 : i32
    %add3A_151 = arith.constant 3072 : i32
    %add3A_152 = arith.addi %mul3A_150, %add3A_151 : i32
    "tpu.region"() ({
      %run_scoped3A_171 = tpu.sem_alloc : memref<!tpu.dma_semaphore, #tpu.memory_space<semaphore_mem>>
      %dma_start3A = arith.constant 0 : i32
      %dma_start3A_172 = tpu.memref_slice %arg5[%add3A_152, %dma_start3A] : memref<65544x16xf32, #tpu.memory_space<vmem_shared>> -> memref<512x16xf32, #tpu.memory_space<vmem_shared>>
      %dma_start3A_173 = arith.constant 0 : i32
      %dma_start3A_174 = tpu.memref_slice %arg5[%add3A_152, %dma_start3A_173] : memref<65544x16xf32, #tpu.memory_space<vmem_shared>> -> memref<512x16xf32, #tpu.memory_space<vmem_shared>>
      tpu.enqueue_dma source(%dma_start3A_174 : memref<512x16xf32, #tpu.memory_space<vmem_shared>>) target(%arg10 : memref<512x16xf32, #tpu.memory_space<vmem>>) target_semaphore(%run_scoped3A_171 : memref<!tpu.dma_semaphore, #tpu.memory_space<semaphore_mem>>)
      %dma_wait3A = arith.constant 0 : i32
      %dma_wait3A_175 = tpu.memref_slice %arg5[%add3A_152, %dma_wait3A] : memref<65544x16xf32, #tpu.memory_space<vmem_shared>> -> memref<512x16xf32, #tpu.memory_space<vmem_shared>>
      %dma_wait3A_176 = arith.constant 0 : i32
      %dma_wait3A_177 = tpu.memref_slice %arg5[%add3A_152, %dma_wait3A_176] : memref<65544x16xf32, #tpu.memory_space<vmem_shared>> -> memref<512x16xf32, #tpu.memory_space<vmem_shared>>
      tpu.wait_dma2 semaphore(%run_scoped3A_171 : memref<!tpu.dma_semaphore, #tpu.memory_space<semaphore_mem>>) src(%dma_wait3A_177 : memref<512x16xf32, #tpu.memory_space<vmem_shared>>) dst(%arg10 : memref<512x16xf32, #tpu.memory_space<vmem>>)
      tpu.yield
    }) : () -> ()
    %mul3A_153 = arith.constant 65536 : i32
    %mul3A_154 = arith.muli %arg0, %mul3A_153 : i32
    %mul3A_155 = arith.constant 4096 : i32
    %mul3A_156 = arith.muli %arg1, %mul3A_155 : i32
    %add3A_157 = arith.addi %mul3A_154, %mul3A_156 : i32
    %add3A_158 = arith.constant 3072 : i32
    %add3A_159 = arith.addi %add3A_157, %add3A_158 : i32
    "tpu.region"() ({
      %run_scoped3A_171 = tpu.sem_alloc : memref<!tpu.dma_semaphore, #tpu.memory_space<semaphore_mem>>
      %dma_start3A = arith.constant 0 : i32
      %dma_start3A_172 = tpu.memref_slice %arg4[%add3A_159, %dma_start3A] : memref<131072x16xf32, #tpu.memory_space<hbm>> -> memref<512x16xf32, #tpu.memory_space<hbm>>
      %dma_start3A_173 = arith.constant 0 : i32
      %dma_start3A_174 = tpu.memref_slice %arg4[%add3A_159, %dma_start3A_173] : memref<131072x16xf32, #tpu.memory_space<hbm>> -> memref<512x16xf32, #tpu.memory_space<hbm>>
      tpu.enqueue_dma source(%arg10 : memref<512x16xf32, #tpu.memory_space<vmem>>) target(%dma_start3A_174 : memref<512x16xf32, #tpu.memory_space<hbm>>) target_semaphore(%run_scoped3A_171 : memref<!tpu.dma_semaphore, #tpu.memory_space<semaphore_mem>>)
      %dma_wait3A = arith.constant 0 : i32
      %dma_wait3A_175 = tpu.memref_slice %arg4[%add3A_159, %dma_wait3A] : memref<131072x16xf32, #tpu.memory_space<hbm>> -> memref<512x16xf32, #tpu.memory_space<hbm>>
      %dma_wait3A_176 = arith.constant 0 : i32
      %dma_wait3A_177 = tpu.memref_slice %arg4[%add3A_159, %dma_wait3A_176] : memref<131072x16xf32, #tpu.memory_space<hbm>> -> memref<512x16xf32, #tpu.memory_space<hbm>>
      tpu.wait_dma2 semaphore(%run_scoped3A_171 : memref<!tpu.dma_semaphore, #tpu.memory_space<semaphore_mem>>) src(%arg10 : memref<512x16xf32, #tpu.memory_space<vmem>>) dst(%dma_wait3A_177 : memref<512x16xf32, #tpu.memory_space<hbm>>)
      tpu.yield
    }) : () -> ()
    %mul3A_160 = arith.constant 4096 : i32
    %mul3A_161 = arith.muli %arg1, %mul3A_160 : i32
    %add3A_162 = arith.constant 3584 : i32
    %add3A_163 = arith.addi %mul3A_161, %add3A_162 : i32
    "tpu.region"() ({
      %run_scoped3A_171 = tpu.sem_alloc : memref<!tpu.dma_semaphore, #tpu.memory_space<semaphore_mem>>
      %dma_start3A = arith.constant 0 : i32
      %dma_start3A_172 = tpu.memref_slice %arg5[%add3A_163, %dma_start3A] : memref<65544x16xf32, #tpu.memory_space<vmem_shared>> -> memref<512x16xf32, #tpu.memory_space<vmem_shared>>
      %dma_start3A_173 = arith.constant 0 : i32
      %dma_start3A_174 = tpu.memref_slice %arg5[%add3A_163, %dma_start3A_173] : memref<65544x16xf32, #tpu.memory_space<vmem_shared>> -> memref<512x16xf32, #tpu.memory_space<vmem_shared>>
      tpu.enqueue_dma source(%dma_start3A_174 : memref<512x16xf32, #tpu.memory_space<vmem_shared>>) target(%arg10 : memref<512x16xf32, #tpu.memory_space<vmem>>) target_semaphore(%run_scoped3A_171 : memref<!tpu.dma_semaphore, #tpu.memory_space<semaphore_mem>>)
      %dma_wait3A = arith.constant 0 : i32
      %dma_wait3A_175 = tpu.memref_slice %arg5[%add3A_163, %dma_wait3A] : memref<65544x16xf32, #tpu.memory_space<vmem_shared>> -> memref<512x16xf32, #tpu.memory_space<vmem_shared>>
      %dma_wait3A_176 = arith.constant 0 : i32
      %dma_wait3A_177 = tpu.memref_slice %arg5[%add3A_163, %dma_wait3A_176] : memref<65544x16xf32, #tpu.memory_space<vmem_shared>> -> memref<512x16xf32, #tpu.memory_space<vmem_shared>>
      tpu.wait_dma2 semaphore(%run_scoped3A_171 : memref<!tpu.dma_semaphore, #tpu.memory_space<semaphore_mem>>) src(%dma_wait3A_177 : memref<512x16xf32, #tpu.memory_space<vmem_shared>>) dst(%arg10 : memref<512x16xf32, #tpu.memory_space<vmem>>)
      tpu.yield
    }) : () -> ()
    %mul3A_164 = arith.constant 65536 : i32
    %mul3A_165 = arith.muli %arg0, %mul3A_164 : i32
    %mul3A_166 = arith.constant 4096 : i32
    %mul3A_167 = arith.muli %arg1, %mul3A_166 : i32
    %add3A_168 = arith.addi %mul3A_165, %mul3A_167 : i32
    %add3A_169 = arith.constant 3584 : i32
    %add3A_170 = arith.addi %add3A_168, %add3A_169 : i32
    "tpu.region"() ({
      %run_scoped3A_171 = tpu.sem_alloc : memref<!tpu.dma_semaphore, #tpu.memory_space<semaphore_mem>>
      %dma_start3A = arith.constant 0 : i32
      %dma_start3A_172 = tpu.memref_slice %arg4[%add3A_170, %dma_start3A] : memref<131072x16xf32, #tpu.memory_space<hbm>> -> memref<512x16xf32, #tpu.memory_space<hbm>>
      %dma_start3A_173 = arith.constant 0 : i32
      %dma_start3A_174 = tpu.memref_slice %arg4[%add3A_170, %dma_start3A_173] : memref<131072x16xf32, #tpu.memory_space<hbm>> -> memref<512x16xf32, #tpu.memory_space<hbm>>
      tpu.enqueue_dma source(%arg10 : memref<512x16xf32, #tpu.memory_space<vmem>>) target(%dma_start3A_174 : memref<512x16xf32, #tpu.memory_space<hbm>>) target_semaphore(%run_scoped3A_171 : memref<!tpu.dma_semaphore, #tpu.memory_space<semaphore_mem>>)
      %dma_wait3A = arith.constant 0 : i32
      %dma_wait3A_175 = tpu.memref_slice %arg4[%add3A_170, %dma_wait3A] : memref<131072x16xf32, #tpu.memory_space<hbm>> -> memref<512x16xf32, #tpu.memory_space<hbm>>
      %dma_wait3A_176 = arith.constant 0 : i32
      %dma_wait3A_177 = tpu.memref_slice %arg4[%add3A_170, %dma_wait3A_176] : memref<131072x16xf32, #tpu.memory_space<hbm>> -> memref<512x16xf32, #tpu.memory_space<hbm>>
      tpu.wait_dma2 semaphore(%run_scoped3A_171 : memref<!tpu.dma_semaphore, #tpu.memory_space<semaphore_mem>>) src(%arg10 : memref<512x16xf32, #tpu.memory_space<vmem>>) dst(%dma_wait3A_177 : memref<512x16xf32, #tpu.memory_space<hbm>>)
      tpu.yield
    }) : () -> ()
    return
  }
}

module attributes {stable_mosaic.version = 14 : i64} {
  func.func @_pre_body(%arg0: i32, %arg1: memref<2048x128xf32, #tpu.memory_space<vmem>>, %arg2: memref<1x128xf32, #tpu.memory_space<vmem>>, %arg3: memref<1x128xf32, #tpu.memory_space<vmem>>, %arg4: memref<128x128xf32, #tpu.memory_space<vmem>>, %arg5: memref<1x128xf32, #tpu.memory_space<vmem>>, %arg6: memref<128x128xf32, #tpu.memory_space<vmem>>, %arg7: memref<1x128xf32, #tpu.memory_space<vmem>>, %arg8: memref<2048x96xf32, #tpu.memory_space<vmem>>, %arg9: memref<2048x8xf32, #tpu.memory_space<vmem>>, %arg10: memref<2048x128xf32, #tpu.memory_space<vmem>>) attributes {dimension_semantics = [#tpu.dimension_semantics<arbitrary>], iteration_bounds = array<i64: 16>, scalar_prefetch = 0 : i64, scratch_operands = 0 : i64, tpu.core_type = #tpu.core_type<tc>, window_params = [{transform_indices = @transform_0, window_bounds = array<i64: 2048, 128>}, {pipeline_mode = #tpu.pipeline_mode<synchronous>, transform_indices = @transform_1, window_bounds = array<i64: 1, 128>}, {pipeline_mode = #tpu.pipeline_mode<synchronous>, transform_indices = @transform_2, window_bounds = array<i64: 1, 128>}, {pipeline_mode = #tpu.pipeline_mode<synchronous>, transform_indices = @transform_3, window_bounds = array<i64: 128, 128>}, {pipeline_mode = #tpu.pipeline_mode<synchronous>, transform_indices = @transform_4, window_bounds = array<i64: 1, 128>}, {pipeline_mode = #tpu.pipeline_mode<synchronous>, transform_indices = @transform_5, window_bounds = array<i64: 128, 128>}, {pipeline_mode = #tpu.pipeline_mode<synchronous>, transform_indices = @transform_6, window_bounds = array<i64: 1, 128>}, {transform_indices = @transform_7, window_bounds = array<i64: 2048, 96>}, {transform_indices = @transform_8, window_bounds = array<i64: 2048, 8>}, {transform_indices = @transform_9, window_bounds = array<i64: 2048, 128>}]} {
    %get3A = arith.constant 0 : index
    %get3A_0 = arith.constant 0 : index
    %get3A_1 = vector.load %arg1[%get3A, %get3A_0] : memref<2048x128xf32, #tpu.memory_space<vmem>>, vector<2048x128xf32>
    %reduce_sum3A = arith.constant dense<0.000000e+00> : vector<2048xf32>
    %reduce_sum3A_2 = vector.multi_reduction <add>, %get3A_1, %reduce_sum3A [1] : vector<2048x128xf32> to vector<2048xf32>
    %broadcast_in_dim3A = vector.shape_cast %reduce_sum3A_2 : vector<2048xf32> to vector<2048x1xf32>
    %mul3A = arith.constant 0.010416667 : f32
    %mul3A_3 = vector.broadcast %mul3A : f32 to vector<2048x1xf32>
    %mul3A_4 = arith.mulf %broadcast_in_dim3A, %mul3A_3 : vector<2048x1xf32>
    %mul3A_5 = arith.mulf %get3A_1, %get3A_1 : vector<2048x128xf32>
    %reduce_sum3A_6 = arith.constant dense<0.000000e+00> : vector<2048xf32>
    %reduce_sum3A_7 = vector.multi_reduction <add>, %mul3A_5, %reduce_sum3A_6 [1] : vector<2048x128xf32> to vector<2048xf32>
    %broadcast_in_dim3A_8 = vector.shape_cast %reduce_sum3A_7 : vector<2048xf32> to vector<2048x1xf32>
    %mul3A_9 = arith.constant 0.010416667 : f32
    %mul3A_10 = vector.broadcast %mul3A_9 : f32 to vector<2048x1xf32>
    %mul3A_11 = arith.mulf %broadcast_in_dim3A_8, %mul3A_10 : vector<2048x1xf32>
    %mul3A_12 = arith.mulf %mul3A_4, %mul3A_4 : vector<2048x1xf32>
    %sub3A = arith.subf %mul3A_11, %mul3A_12 : vector<2048x1xf32>
    %sub3A_13 = vector.broadcast %mul3A_4 : vector<2048x1xf32> to vector<2048x128xf32>
    %sub3A_14 = arith.subf %get3A_1, %sub3A_13 : vector<2048x128xf32>
    %add3A = arith.constant 9.99999974E-6 : f32
    %add3A_15 = vector.broadcast %add3A : f32 to vector<2048x1xf32>
    %add3A_16 = arith.addf %sub3A, %add3A_15 : vector<2048x1xf32>
    %rsqrt3A = math.rsqrt %add3A_16 : vector<2048x1xf32>
    %mul3A_17 = vector.broadcast %rsqrt3A : vector<2048x1xf32> to vector<2048x128xf32>
    %mul3A_18 = arith.mulf %sub3A_14, %mul3A_17 : vector<2048x128xf32>
    %get3A_19 = arith.constant 0 : index
    %get3A_20 = arith.constant 0 : index
    %get3A_21 = vector.load %arg2[%get3A_19, %get3A_20] : memref<1x128xf32, #tpu.memory_space<vmem>>, vector<1x128xf32>
    %mul3A_22 = vector.broadcast %get3A_21 : vector<1x128xf32> to vector<2048x128xf32>
    %mul3A_23 = arith.mulf %mul3A_18, %mul3A_22 : vector<2048x128xf32>
    %get3A_24 = arith.constant 0 : index
    %get3A_25 = arith.constant 0 : index
    %get3A_26 = vector.load %arg3[%get3A_24, %get3A_25] : memref<1x128xf32, #tpu.memory_space<vmem>>, vector<1x128xf32>
    %add3A_27 = vector.broadcast %get3A_26 : vector<1x128xf32> to vector<2048x128xf32>
    %add3A_28 = arith.addf %mul3A_23, %add3A_27 : vector<2048x128xf32>
    %slice3A = vector.extract_strided_slice %add3A_28 {offsets = [0, 0], sizes = [2048, 96], strides = [1, 1]} : vector<2048x128xf32> to vector<2048x96xf32>
    %swap3A = arith.constant 0 : index
    %swap3A_29 = arith.constant 0 : index
    %swap3A_30 = vector.load %arg8[%swap3A, %swap3A_29] : memref<2048x96xf32, #tpu.memory_space<vmem>>, vector<2048x96xf32>
    tpu.vector_store %arg8[%swap3A, %swap3A_29], %slice3A {strides = array<i32>} : memref<2048x96xf32, #tpu.memory_space<vmem>>, vector<2048x96xf32>,
    %get3A_31 = arith.constant 0 : index
    %get3A_32 = arith.constant 0 : index
    %get3A_33 = vector.load %arg4[%get3A_31, %get3A_32] : memref<128x128xf32, #tpu.memory_space<vmem>>, vector<128x128xf32>
    %dot_general3A = arith.constant dense<0.000000e+00> : vector<2048x128xf32>
    %dot_general3A_34 = tpu.matmul %add3A_28, %get3A_33, %dot_general3A {dimension_numbers = #tpu.dot_dimension_numbers<[1], [0], [0], [1], [0, 0, 1, 1], [], []>, transpose_lhs_hint = false} : vector<2048x128xf32>, vector<128x128xf32>, vector<2048x128xf32> -> vector<2048x128xf32>
    %get3A_35 = arith.constant 0 : index
    %get3A_36 = arith.constant 0 : index
    %get3A_37 = vector.load %arg5[%get3A_35, %get3A_36] : memref<1x128xf32, #tpu.memory_space<vmem>>, vector<1x128xf32>
    %add3A_38 = vector.broadcast %get3A_37 : vector<1x128xf32> to vector<2048x128xf32>
    %add3A_39 = arith.addf %dot_general3A_34, %add3A_38 : vector<2048x128xf32>
    %reduce_max3A = arith.constant dense<0xFF800000> : vector<2048xf32>
    %reduce_max3A_40 = vector.multi_reduction <maximumf>, %add3A_39, %reduce_max3A [1] : vector<2048x128xf32> to vector<2048xf32>
    %max3A = arith.constant 0xFF800000 : f32
    %max3A_41 = vector.broadcast %max3A : f32 to vector<2048xf32>
    %max3A_42 = arith.maximumf %max3A_41, %reduce_max3A_40 : vector<2048xf32>
    %broadcast_in_dim3A_43 = vector.shape_cast %max3A_42 : vector<2048xf32> to vector<2048x1xf32>
    %sub3A_44 = vector.broadcast %broadcast_in_dim3A_43 : vector<2048x1xf32> to vector<2048x128xf32>
    %sub3A_45 = arith.subf %add3A_39, %sub3A_44 : vector<2048x128xf32>
    %exp3A = math.exp %sub3A_45 : vector<2048x128xf32>
    %reduce_sum3A_46 = arith.constant dense<0.000000e+00> : vector<2048xf32>
    %reduce_sum3A_47 = vector.multi_reduction <add>, %exp3A, %reduce_sum3A_46 [1] : vector<2048x128xf32> to vector<2048xf32>
    %broadcast_in_dim3A_48 = vector.shape_cast %reduce_sum3A_47 : vector<2048xf32> to vector<2048x1xf32>
    %div3A = vector.broadcast %broadcast_in_dim3A_48 : vector<2048x1xf32> to vector<2048x128xf32>
    %div3A_49 = arith.divf %exp3A, %div3A : vector<2048x128xf32>
    %slice3A_50 = vector.extract_strided_slice %div3A_49 {offsets = [0, 0], sizes = [2048, 8], strides = [1, 1]} : vector<2048x128xf32> to vector<2048x8xf32>
    %swap3A_51 = arith.constant 0 : index
    %swap3A_52 = arith.constant 0 : index
    %swap3A_53 = vector.load %arg9[%swap3A_51, %swap3A_52] : memref<2048x8xf32, #tpu.memory_space<vmem>>, vector<2048x8xf32>
    tpu.vector_store %arg9[%swap3A_51, %swap3A_52], %slice3A_50 {strides = array<i32>} : memref<2048x8xf32, #tpu.memory_space<vmem>>, vector<2048x8xf32>,
    %get3A_54 = arith.constant 0 : index
    %get3A_55 = arith.constant 0 : index
    %get3A_56 = vector.load %arg6[%get3A_54, %get3A_55] : memref<128x128xf32, #tpu.memory_space<vmem>>, vector<128x128xf32>
    %dot_general3A_57 = arith.constant dense<0.000000e+00> : vector<2048x128xf32>
    %dot_general3A_58 = tpu.matmul %add3A_28, %get3A_56, %dot_general3A_57 {dimension_numbers = #tpu.dot_dimension_numbers<[1], [0], [0], [1], [0, 0, 1, 1], [], []>, transpose_lhs_hint = false} : vector<2048x128xf32>, vector<128x128xf32>, vector<2048x128xf32> -> vector<2048x128xf32>
    %get3A_59 = arith.constant 0 : index
    %get3A_60 = arith.constant 0 : index
    %get3A_61 = vector.load %arg7[%get3A_59, %get3A_60] : memref<1x128xf32, #tpu.memory_space<vmem>>, vector<1x128xf32>
    %add3A_62 = vector.broadcast %get3A_61 : vector<1x128xf32> to vector<2048x128xf32>
    %add3A_63 = arith.addf %dot_general3A_58, %add3A_62 : vector<2048x128xf32>
    %swap3A_64 = arith.constant 0 : index
    %swap3A_65 = arith.constant 0 : index
    %swap3A_66 = vector.load %arg10[%swap3A_64, %swap3A_65] : memref<2048x128xf32, #tpu.memory_space<vmem>>, vector<2048x128xf32>
    tpu.vector_store %arg10[%swap3A_64, %swap3A_65], %add3A_63 {strides = array<i32>} : memref<2048x128xf32, #tpu.memory_space<vmem>>, vector<2048x128xf32>,
    return
  }
  func.func @transform_0(%arg0: i32) -> (i32, i32) {
    %c0_i32 = arith.constant 0 : i32
    %c0_i32_0 = arith.constant 0 : i32
    return %arg0, %c0_i32 : i32, i32
  }
  func.func @transform_1(%arg0: i32) -> (i32, i32) {
    %c0_i32 = arith.constant 0 : i32
    %c0_i32_0 = arith.constant 0 : i32
    %c0_i32_1 = arith.constant 0 : i32
    return %c0_i32, %c0_i32_0 : i32, i32
  }
  func.func @transform_2(%arg0: i32) -> (i32, i32) {
    %c0_i32 = arith.constant 0 : i32
    %c0_i32_0 = arith.constant 0 : i32
    %c0_i32_1 = arith.constant 0 : i32
    return %c0_i32, %c0_i32_0 : i32, i32
  }
  func.func @transform_3(%arg0: i32) -> (i32, i32) {
    %c0_i32 = arith.constant 0 : i32
    %c0_i32_0 = arith.constant 0 : i32
    %c0_i32_1 = arith.constant 0 : i32
    return %c0_i32, %c0_i32_0 : i32, i32
  }
  func.func @transform_4(%arg0: i32) -> (i32, i32) {
    %c0_i32 = arith.constant 0 : i32
    %c0_i32_0 = arith.constant 0 : i32
    %c0_i32_1 = arith.constant 0 : i32
    return %c0_i32, %c0_i32_0 : i32, i32
  }
  func.func @transform_5(%arg0: i32) -> (i32, i32) {
    %c0_i32 = arith.constant 0 : i32
    %c0_i32_0 = arith.constant 0 : i32
    %c0_i32_1 = arith.constant 0 : i32
    return %c0_i32, %c0_i32_0 : i32, i32
  }
  func.func @transform_6(%arg0: i32) -> (i32, i32) {
    %c0_i32 = arith.constant 0 : i32
    %c0_i32_0 = arith.constant 0 : i32
    %c0_i32_1 = arith.constant 0 : i32
    return %c0_i32, %c0_i32_0 : i32, i32
  }
  func.func @transform_7(%arg0: i32) -> (i32, i32) {
    %c0_i32 = arith.constant 0 : i32
    %c0_i32_0 = arith.constant 0 : i32
    return %arg0, %c0_i32 : i32, i32
  }
  func.func @transform_8(%arg0: i32) -> (i32, i32) {
    %c0_i32 = arith.constant 0 : i32
    %c0_i32_0 = arith.constant 0 : i32
    return %arg0, %c0_i32 : i32, i32
  }
  func.func @transform_9(%arg0: i32) -> (i32, i32) {
    %c0_i32 = arith.constant 0 : i32
    %c0_i32_0 = arith.constant 0 : i32
    return %arg0, %c0_i32 : i32, i32
  }
}

module attributes {stable_mosaic.version = 14 : i64} {
  func.func @_post_body(%arg0: i32, %arg1: memref<2048x128xf32, #tpu.memory_space<vmem>>, %arg2: memref<2048x128xf32, #tpu.memory_space<vmem>>, %arg3: memref<2048x384xf32, #tpu.memory_space<vmem>>, %arg4: memref<2048x8xf32, #tpu.memory_space<vmem>>, %arg5: memref<2048x8xf32, #tpu.memory_space<vmem>>, %arg6: memref<384x128xf32, #tpu.memory_space<vmem>>, %arg7: memref<8x128xf32, #tpu.memory_space<vmem>>, %arg8: memref<128x128xf32, #tpu.memory_space<vmem>>, %arg9: memref<1x128xf32, #tpu.memory_space<vmem>>, %arg10: memref<1x128xf32, #tpu.memory_space<vmem>>, %arg11: memref<1x128xf32, #tpu.memory_space<vmem>>, %arg12: memref<128x384xf32, #tpu.memory_space<vmem>>, %arg13: memref<1x384xf32, #tpu.memory_space<vmem>>, %arg14: memref<384x128xf32, #tpu.memory_space<vmem>>, %arg15: memref<1x128xf32, #tpu.memory_space<vmem>>, %arg16: memref<2048x128xf32, #tpu.memory_space<vmem>>) attributes {dimension_semantics = [#tpu.dimension_semantics<arbitrary>], iteration_bounds = array<i64: 16>, scalar_prefetch = 0 : i64, scratch_operands = 0 : i64, tpu.core_type = #tpu.core_type<tc>, window_params = [{transform_indices = @transform_0, window_bounds = array<i64: 2048, 128>}, {transform_indices = @transform_1, window_bounds = array<i64: 2048, 128>}, {transform_indices = @transform_2, window_bounds = array<i64: 2048, 384>}, {transform_indices = @transform_3, window_bounds = array<i64: 2048, 8>}, {transform_indices = @transform_4, window_bounds = array<i64: 2048, 8>}, {pipeline_mode = #tpu.pipeline_mode<synchronous>, transform_indices = @transform_5, window_bounds = array<i64: 384, 128>}, {pipeline_mode = #tpu.pipeline_mode<synchronous>, transform_indices = @transform_6, window_bounds = array<i64: 8, 128>}, {pipeline_mode = #tpu.pipeline_mode<synchronous>, transform_indices = @transform_7, window_bounds = array<i64: 128, 128>}, {pipeline_mode = #tpu.pipeline_mode<synchronous>, transform_indices = @transform_8, window_bounds = array<i64: 1, 128>}, {pipeline_mode = #tpu.pipeline_mode<synchronous>, transform_indices = @transform_9, window_bounds = array<i64: 1, 128>}, {pipeline_mode = #tpu.pipeline_mode<synchronous>, transform_indices = @transform_10, window_bounds = array<i64: 1, 128>}, {pipeline_mode = #tpu.pipeline_mode<synchronous>, transform_indices = @transform_11, window_bounds = array<i64: 128, 384>}, {pipeline_mode = #tpu.pipeline_mode<synchronous>, transform_indices = @transform_12, window_bounds = array<i64: 1, 384>}, {pipeline_mode = #tpu.pipeline_mode<synchronous>, transform_indices = @transform_13, window_bounds = array<i64: 384, 128>}, {pipeline_mode = #tpu.pipeline_mode<synchronous>, transform_indices = @transform_14, window_bounds = array<i64: 1, 128>}, {transform_indices = @transform_15, window_bounds = array<i64: 2048, 128>}]} {
    %get3A = arith.constant 0 : index
    %get3A_0 = arith.constant 0 : index
    %get3A_1 = vector.load %arg1[%get3A, %get3A_0] : memref<2048x128xf32, #tpu.memory_space<vmem>>, vector<2048x128xf32>
    %get3A_2 = arith.constant 0 : index
    %get3A_3 = arith.constant 0 : index
    %get3A_4 = vector.load %arg4[%get3A_2, %get3A_3] : memref<2048x8xf32, #tpu.memory_space<vmem>>, vector<2048x8xf32>
    %get3A_5 = arith.constant 0 : index
    %get3A_6 = arith.constant 0 : index
    %get3A_7 = vector.load %arg5[%get3A_5, %get3A_6] : memref<2048x8xf32, #tpu.memory_space<vmem>>, vector<2048x8xf32>
    %max3A = arith.constant 1.000000e+00 : f32
    %max3A_8 = vector.broadcast %max3A : f32 to vector<2048x8xf32>
    %max3A_9 = arith.maximumf %get3A_4, %max3A_8 : vector<2048x8xf32>
    %div3A = arith.divf %get3A_7, %max3A_9 : vector<2048x8xf32>
    %gt3A = arith.constant 0.000000e+00 : f32
    %gt3A_10 = vector.broadcast %gt3A : f32 to vector<2048x8xf32>
    %gt3A_11 = arith.cmpf ogt, %get3A_4, %gt3A_10 : vector<2048x8xf32>
    %jit3A = arith.constant 0.000000e+00 : f32
    %broadcast_in_dim3A = vector.broadcast %jit3A : f32 to vector<2048x8xf32>
    %select_n3A = arith.select %gt3A_11, %get3A_7, %broadcast_in_dim3A : vector<2048x8xi1>, vector<2048x8xf32>
    %get3A_12 = arith.constant 0 : index
    %get3A_13 = arith.constant 0 : index
    %get3A_14 = vector.load %arg3[%get3A_12, %get3A_13] : memref<2048x384xf32, #tpu.memory_space<vmem>>, vector<2048x384xf32>
    %slice3A = vector.extract_strided_slice %get3A_14 {offsets = [0, 0], sizes = [2048, 96], strides = [1, 1]} : vector<2048x384xf32> to vector<2048x96xf32>
    %slice3A_15 = vector.extract_strided_slice %div3A {offsets = [0, 0], sizes = [2048, 1], strides = [1, 1]} : vector<2048x8xf32> to vector<2048x1xf32>
    %mul3A = vector.broadcast %slice3A_15 : vector<2048x1xf32> to vector<2048x96xf32>
    %mul3A_16 = arith.mulf %slice3A, %mul3A : vector<2048x96xf32>
    %slice3A_17 = vector.extract_strided_slice %get3A_14 {offsets = [0, 96], sizes = [2048, 96], strides = [1, 1]} : vector<2048x384xf32> to vector<2048x96xf32>
    %slice3A_18 = vector.extract_strided_slice %div3A {offsets = [0, 1], sizes = [2048, 1], strides = [1, 1]} : vector<2048x8xf32> to vector<2048x1xf32>
    %mul3A_19 = vector.broadcast %slice3A_18 : vector<2048x1xf32> to vector<2048x96xf32>
    %mul3A_20 = arith.mulf %slice3A_17, %mul3A_19 : vector<2048x96xf32>
    %slice3A_21 = vector.extract_strided_slice %get3A_14 {offsets = [0, 192], sizes = [2048, 96], strides = [1, 1]} : vector<2048x384xf32> to vector<2048x96xf32>
    %slice3A_22 = vector.extract_strided_slice %div3A {offsets = [0, 2], sizes = [2048, 1], strides = [1, 1]} : vector<2048x8xf32> to vector<2048x1xf32>
    %mul3A_23 = vector.broadcast %slice3A_22 : vector<2048x1xf32> to vector<2048x96xf32>
    %mul3A_24 = arith.mulf %slice3A_21, %mul3A_23 : vector<2048x96xf32>
    %slice3A_25 = vector.extract_strided_slice %get3A_14 {offsets = [0, 288], sizes = [2048, 96], strides = [1, 1]} : vector<2048x384xf32> to vector<2048x96xf32>
    %slice3A_26 = vector.extract_strided_slice %div3A {offsets = [0, 3], sizes = [2048, 1], strides = [1, 1]} : vector<2048x8xf32> to vector<2048x1xf32>
    %mul3A_27 = vector.broadcast %slice3A_26 : vector<2048x1xf32> to vector<2048x96xf32>
    %mul3A_28 = arith.mulf %slice3A_25, %mul3A_27 : vector<2048x96xf32>
    %concatenate3A = tpu.concatenate %mul3A_16, %mul3A_20, %mul3A_24, %mul3A_28 in 1 : vector<2048x96xf32>, vector<2048x96xf32>, vector<2048x96xf32>, vector<2048x96xf32> -> vector<2048x384xf32>
    %get3A_29 = arith.constant 0 : index
    %get3A_30 = arith.constant 0 : index
    %get3A_31 = vector.load %arg6[%get3A_29, %get3A_30] : memref<384x128xf32, #tpu.memory_space<vmem>>, vector<384x128xf32>
    %dot_general3A = arith.constant dense<0.000000e+00> : vector<2048x128xf32>
    %dot_general3A_32 = tpu.matmul %concatenate3A, %get3A_31, %dot_general3A {dimension_numbers = #tpu.dot_dimension_numbers<[1], [0], [0], [1], [0, 0, 1, 1], [], []>, transpose_lhs_hint = false} : vector<2048x384xf32>, vector<384x128xf32>, vector<2048x128xf32> -> vector<2048x128xf32>
    %get3A_33 = arith.constant 0 : index
    %get3A_34 = arith.constant 0 : index
    %get3A_35 = vector.load %arg7[%get3A_33, %get3A_34] : memref<8x128xf32, #tpu.memory_space<vmem>>, vector<8x128xf32>
    %dot_general3A_36 = arith.constant dense<0.000000e+00> : vector<2048x128xf32>
    %dot_general3A_37 = tpu.matmul %select_n3A, %get3A_35, %dot_general3A_36 {dimension_numbers = #tpu.dot_dimension_numbers<[1], [0], [0], [1], [0, 0, 1, 1], [], []>, transpose_lhs_hint = false} : vector<2048x8xf32>, vector<8x128xf32>, vector<2048x128xf32> -> vector<2048x128xf32>
    %add3A = arith.addf %dot_general3A_32, %dot_general3A_37 : vector<2048x128xf32>
    %get3A_38 = arith.constant 0 : index
    %get3A_39 = arith.constant 0 : index
    %get3A_40 = vector.load %arg2[%get3A_38, %get3A_39] : memref<2048x128xf32, #tpu.memory_space<vmem>>, vector<2048x128xf32>
    %add3A_41 = arith.addf %add3A, %get3A_40 : vector<2048x128xf32>
    %mul3A_42 = arith.constant 5.000000e-01 : f32
    %mul3A_43 = vector.broadcast %mul3A_42 : f32 to vector<2048x128xf32>
    %mul3A_44 = arith.mulf %mul3A_43, %add3A_41 : vector<2048x128xf32>
    %mul3A_45 = arith.constant 4.471500e-02 : f32
    %mul3A_46 = vector.broadcast %mul3A_45 : f32 to vector<2048x128xf32>
    %mul3A_47 = arith.mulf %mul3A_46, %add3A_41 : vector<2048x128xf32>
    %mul3A_48 = arith.mulf %mul3A_47, %add3A_41 : vector<2048x128xf32>
    %mul3A_49 = arith.mulf %mul3A_48, %add3A_41 : vector<2048x128xf32>
    %add3A_50 = arith.addf %add3A_41, %mul3A_49 : vector<2048x128xf32>
    %mul3A_51 = arith.constant 0.797884583 : f32
    %mul3A_52 = vector.broadcast %mul3A_51 : f32 to vector<2048x128xf32>
    %mul3A_53 = arith.mulf %mul3A_52, %add3A_50 : vector<2048x128xf32>
    %tanh3A = math.tanh %mul3A_53 : vector<2048x128xf32>
    %add3A_54 = arith.constant 1.000000e+00 : f32
    %add3A_55 = vector.broadcast %add3A_54 : f32 to vector<2048x128xf32>
    %add3A_56 = arith.addf %add3A_55, %tanh3A : vector<2048x128xf32>
    %mul3A_57 = arith.mulf %mul3A_44, %add3A_56 : vector<2048x128xf32>
    %get3A_58 = arith.constant 0 : index
    %get3A_59 = arith.constant 0 : index
    %get3A_60 = vector.load %arg8[%get3A_58, %get3A_59] : memref<128x128xf32, #tpu.memory_space<vmem>>, vector<128x128xf32>
    %dot_general3A_61 = arith.constant dense<0.000000e+00> : vector<2048x128xf32>
    %dot_general3A_62 = tpu.matmul %mul3A_57, %get3A_60, %dot_general3A_61 {dimension_numbers = #tpu.dot_dimension_numbers<[1], [0], [0], [1], [0, 0, 1, 1], [], []>, transpose_lhs_hint = false} : vector<2048x128xf32>, vector<128x128xf32>, vector<2048x128xf32> -> vector<2048x128xf32>
    %get3A_63 = arith.constant 0 : index
    %get3A_64 = arith.constant 0 : index
    %get3A_65 = vector.load %arg9[%get3A_63, %get3A_64] : memref<1x128xf32, #tpu.memory_space<vmem>>, vector<1x128xf32>
    %add3A_66 = vector.broadcast %get3A_65 : vector<1x128xf32> to vector<2048x128xf32>
    %add3A_67 = arith.addf %dot_general3A_62, %add3A_66 : vector<2048x128xf32>
    %add3A_68 = arith.addf %get3A_1, %add3A_67 : vector<2048x128xf32>
    %reduce_sum3A = arith.constant dense<0.000000e+00> : vector<2048xf32>
    %reduce_sum3A_69 = vector.multi_reduction <add>, %add3A_68, %reduce_sum3A [1] : vector<2048x128xf32> to vector<2048xf32>
    %broadcast_in_dim3A_70 = vector.shape_cast %reduce_sum3A_69 : vector<2048xf32> to vector<2048x1xf32>
    %mul3A_71 = arith.constant 0.010416667 : f32
    %mul3A_72 = vector.broadcast %mul3A_71 : f32 to vector<2048x1xf32>
    %mul3A_73 = arith.mulf %broadcast_in_dim3A_70, %mul3A_72 : vector<2048x1xf32>
    %mul3A_74 = arith.mulf %add3A_68, %add3A_68 : vector<2048x128xf32>
    %reduce_sum3A_75 = arith.constant dense<0.000000e+00> : vector<2048xf32>
    %reduce_sum3A_76 = vector.multi_reduction <add>, %mul3A_74, %reduce_sum3A_75 [1] : vector<2048x128xf32> to vector<2048xf32>
    %broadcast_in_dim3A_77 = vector.shape_cast %reduce_sum3A_76 : vector<2048xf32> to vector<2048x1xf32>
    %mul3A_78 = arith.constant 0.010416667 : f32
    %mul3A_79 = vector.broadcast %mul3A_78 : f32 to vector<2048x1xf32>
    %mul3A_80 = arith.mulf %broadcast_in_dim3A_77, %mul3A_79 : vector<2048x1xf32>
    %mul3A_81 = arith.mulf %mul3A_73, %mul3A_73 : vector<2048x1xf32>
    %sub3A = arith.subf %mul3A_80, %mul3A_81 : vector<2048x1xf32>
    %sub3A_82 = vector.broadcast %mul3A_73 : vector<2048x1xf32> to vector<2048x128xf32>
    %sub3A_83 = arith.subf %add3A_68, %sub3A_82 : vector<2048x128xf32>
    %add3A_84 = arith.constant 9.99999974E-6 : f32
    %add3A_85 = vector.broadcast %add3A_84 : f32 to vector<2048x1xf32>
    %add3A_86 = arith.addf %sub3A, %add3A_85 : vector<2048x1xf32>
    %rsqrt3A = math.rsqrt %add3A_86 : vector<2048x1xf32>
    %mul3A_87 = vector.broadcast %rsqrt3A : vector<2048x1xf32> to vector<2048x128xf32>
    %mul3A_88 = arith.mulf %sub3A_83, %mul3A_87 : vector<2048x128xf32>
    %get3A_89 = arith.constant 0 : index
    %get3A_90 = arith.constant 0 : index
    %get3A_91 = vector.load %arg10[%get3A_89, %get3A_90] : memref<1x128xf32, #tpu.memory_space<vmem>>, vector<1x128xf32>
    %mul3A_92 = vector.broadcast %get3A_91 : vector<1x128xf32> to vector<2048x128xf32>
    %mul3A_93 = arith.mulf %mul3A_88, %mul3A_92 : vector<2048x128xf32>
    %get3A_94 = arith.constant 0 : index
    %get3A_95 = arith.constant 0 : index
    %get3A_96 = vector.load %arg11[%get3A_94, %get3A_95] : memref<1x128xf32, #tpu.memory_space<vmem>>, vector<1x128xf32>
    %add3A_97 = vector.broadcast %get3A_96 : vector<1x128xf32> to vector<2048x128xf32>
    %add3A_98 = arith.addf %mul3A_93, %add3A_97 : vector<2048x128xf32>
    %get3A_99 = arith.constant 0 : index
    %get3A_100 = arith.constant 0 : index
    %get3A_101 = vector.load %arg12[%get3A_99, %get3A_100] : memref<128x384xf32, #tpu.memory_space<vmem>>, vector<128x384xf32>
    %dot_general3A_102 = arith.constant dense<0.000000e+00> : vector<2048x384xf32>
    %dot_general3A_103 = tpu.matmul %add3A_98, %get3A_101, %dot_general3A_102 {dimension_numbers = #tpu.dot_dimension_numbers<[1], [0], [0], [1], [0, 0, 1, 1], [], []>, transpose_lhs_hint = false} : vector<2048x128xf32>, vector<128x384xf32>, vector<2048x384xf32> -> vector<2048x384xf32>
    %get3A_104 = arith.constant 0 : index
    %get3A_105 = arith.constant 0 : index
    %get3A_106 = vector.load %arg13[%get3A_104, %get3A_105] : memref<1x384xf32, #tpu.memory_space<vmem>>, vector<1x384xf32>
    %add3A_107 = vector.broadcast %get3A_106 : vector<1x384xf32> to vector<2048x384xf32>
    %add3A_108 = arith.addf %dot_general3A_103, %add3A_107 : vector<2048x384xf32>
    %mul3A_109 = arith.constant 5.000000e-01 : f32
    %mul3A_110 = vector.broadcast %mul3A_109 : f32 to vector<2048x384xf32>
    %mul3A_111 = arith.mulf %mul3A_110, %add3A_108 : vector<2048x384xf32>
    %mul3A_112 = arith.constant 4.471500e-02 : f32
    %mul3A_113 = vector.broadcast %mul3A_112 : f32 to vector<2048x384xf32>
    %mul3A_114 = arith.mulf %mul3A_113, %add3A_108 : vector<2048x384xf32>
    %mul3A_115 = arith.mulf %mul3A_114, %add3A_108 : vector<2048x384xf32>
    %mul3A_116 = arith.mulf %mul3A_115, %add3A_108 : vector<2048x384xf32>
    %add3A_117 = arith.addf %add3A_108, %mul3A_116 : vector<2048x384xf32>
    %mul3A_118 = arith.constant 0.797884583 : f32
    %mul3A_119 = vector.broadcast %mul3A_118 : f32 to vector<2048x384xf32>
    %mul3A_120 = arith.mulf %mul3A_119, %add3A_117 : vector<2048x384xf32>
    %tanh3A_121 = math.tanh %mul3A_120 : vector<2048x384xf32>
    %add3A_122 = arith.constant 1.000000e+00 : f32
    %add3A_123 = vector.broadcast %add3A_122 : f32 to vector<2048x384xf32>
    %add3A_124 = arith.addf %add3A_123, %tanh3A_121 : vector<2048x384xf32>
    %mul3A_125 = arith.mulf %mul3A_111, %add3A_124 : vector<2048x384xf32>
    %get3A_126 = arith.constant 0 : index
    %get3A_127 = arith.constant 0 : index
    %get3A_128 = vector.load %arg14[%get3A_126, %get3A_127] : memref<384x128xf32, #tpu.memory_space<vmem>>, vector<384x128xf32>
    %dot_general3A_129 = arith.constant dense<0.000000e+00> : vector<2048x128xf32>
    %dot_general3A_130 = tpu.matmul %mul3A_125, %get3A_128, %dot_general3A_129 {dimension_numbers = #tpu.dot_dimension_numbers<[1], [0], [0], [1], [0, 0, 1, 1], [], []>, transpose_lhs_hint = false} : vector<2048x384xf32>, vector<384x128xf32>, vector<2048x128xf32> -> vector<2048x128xf32>
    %get3A_131 = arith.constant 0 : index
    %get3A_132 = arith.constant 0 : index
    %get3A_133 = vector.load %arg15[%get3A_131, %get3A_132] : memref<1x128xf32, #tpu.memory_space<vmem>>, vector<1x128xf32>
    %add3A_134 = vector.broadcast %get3A_133 : vector<1x128xf32> to vector<2048x128xf32>
    %add3A_135 = arith.addf %dot_general3A_130, %add3A_134 : vector<2048x128xf32>
    %add3A_136 = arith.addf %add3A_68, %add3A_135 : vector<2048x128xf32>
    %swap3A = arith.constant 0 : index
    %swap3A_137 = arith.constant 0 : index
    %swap3A_138 = vector.load %arg16[%swap3A, %swap3A_137] : memref<2048x128xf32, #tpu.memory_space<vmem>>, vector<2048x128xf32>
    tpu.vector_store %arg16[%swap3A, %swap3A_137], %add3A_136 {strides = array<i32>} : memref<2048x128xf32, #tpu.memory_space<vmem>>, vector<2048x128xf32>,
    return
  }
  func.func @transform_0(%arg0: i32) -> (i32, i32) {
    %c0_i32 = arith.constant 0 : i32
    %c0_i32_0 = arith.constant 0 : i32
    return %arg0, %c0_i32 : i32, i32
  }
  func.func @transform_1(%arg0: i32) -> (i32, i32) {
    %c0_i32 = arith.constant 0 : i32
    %c0_i32_0 = arith.constant 0 : i32
    return %arg0, %c0_i32 : i32, i32
  }
  func.func @transform_2(%arg0: i32) -> (i32, i32) {
    %c0_i32 = arith.constant 0 : i32
    %c0_i32_0 = arith.constant 0 : i32
    return %arg0, %c0_i32 : i32, i32
  }
  func.func @transform_3(%arg0: i32) -> (i32, i32) {
    %c0_i32 = arith.constant 0 : i32
    %c0_i32_0 = arith.constant 0 : i32
    return %arg0, %c0_i32 : i32, i32
  }
  func.func @transform_4(%arg0: i32) -> (i32, i32) {
    %c0_i32 = arith.constant 0 : i32
    %c0_i32_0 = arith.constant 0 : i32
    return %arg0, %c0_i32 : i32, i32
  }
  func.func @transform_5(%arg0: i32) -> (i32, i32) {
    %c0_i32 = arith.constant 0 : i32
    %c0_i32_0 = arith.constant 0 : i32
    %c0_i32_1 = arith.constant 0 : i32
    return %c0_i32, %c0_i32_0 : i32, i32
  }
  func.func @transform_6(%arg0: i32) -> (i32, i32) {
    %c0_i32 = arith.constant 0 : i32
    %c0_i32_0 = arith.constant 0 : i32
    %c0_i32_1 = arith.constant 0 : i32
    return %c0_i32, %c0_i32_0 : i32, i32
  }
  func.func @transform_7(%arg0: i32) -> (i32, i32) {
    %c0_i32 = arith.constant 0 : i32
    %c0_i32_0 = arith.constant 0 : i32
    %c0_i32_1 = arith.constant 0 : i32
    return %c0_i32, %c0_i32_0 : i32, i32
  }
  func.func @transform_8(%arg0: i32) -> (i32, i32) {
    %c0_i32 = arith.constant 0 : i32
    %c0_i32_0 = arith.constant 0 : i32
    %c0_i32_1 = arith.constant 0 : i32
    return %c0_i32, %c0_i32_0 : i32, i32
  }
  func.func @transform_9(%arg0: i32) -> (i32, i32) {
    %c0_i32 = arith.constant 0 : i32
    %c0_i32_0 = arith.constant 0 : i32
    %c0_i32_1 = arith.constant 0 : i32
    return %c0_i32, %c0_i32_0 : i32, i32
  }
  func.func @transform_10(%arg0: i32) -> (i32, i32) {
    %c0_i32 = arith.constant 0 : i32
    %c0_i32_0 = arith.constant 0 : i32
    %c0_i32_1 = arith.constant 0 : i32
    return %c0_i32, %c0_i32_0 : i32, i32
  }
  func.func @transform_11(%arg0: i32) -> (i32, i32) {
    %c0_i32 = arith.constant 0 : i32
    %c0_i32_0 = arith.constant 0 : i32
    %c0_i32_1 = arith.constant 0 : i32
    return %c0_i32, %c0_i32_0 : i32, i32
  }
  func.func @transform_12(%arg0: i32) -> (i32, i32) {
    %c0_i32 = arith.constant 0 : i32
    %c0_i32_0 = arith.constant 0 : i32
    %c0_i32_1 = arith.constant 0 : i32
    return %c0_i32, %c0_i32_0 : i32, i32
  }
  func.func @transform_13(%arg0: i32) -> (i32, i32) {
    %c0_i32 = arith.constant 0 : i32
    %c0_i32_0 = arith.constant 0 : i32
    %c0_i32_1 = arith.constant 0 : i32
    return %c0_i32, %c0_i32_0 : i32, i32
  }
  func.func @transform_14(%arg0: i32) -> (i32, i32) {
    %c0_i32 = arith.constant 0 : i32
    %c0_i32_0 = arith.constant 0 : i32
    %c0_i32_1 = arith.constant 0 : i32
    return %c0_i32, %c0_i32_0 : i32, i32
  }
  func.func @transform_15(%arg0: i32) -> (i32, i32) {
    %c0_i32 = arith.constant 0 : i32
    %c0_i32_0 = arith.constant 0 : i32
    return %arg0, %c0_i32 : i32, i32
  }
}

</mosaic_0001>

<sc_bundles>
// kernel: kernel.12.cloned.1.call-start
scs
__scs_entry_jumppad:
0x0: {  	(pc) =	sbr.rel $0x88, $3  }
0x1: {  	(tag) =	ssettag $0x0;
	lr =	simm.s32 $0x1  }
0x2: {  	[smem:$0x3F7E] =	sst lr;
	_ =	strace $0xD0000000  }
0x3: {  	_ = 	snop  }
0x4: {  	_ = 	snop  }
0x5: {  	_ = 	snop  }
0x6: {  	_ = 	snop  }
0x7: {  	_ = 	snop  }
__scs_overlays_trampoline_lowered:
0x8: {  	[smem:$0x3F8D] =	sst s0  }
0x9: {  	[smem:$0x3F8E] =	sst s1  }
0xa: {  	[smem:$0x3F8F] =	sst s2  }
0xb: {  	[smem:$0x3F90] =	sst s3  }
0xc: {  	[smem:$0x3F91] =	sst s4  }
0xd: {  	[smem:$0x3F92] =	sst s5  }
0xe: {  	[smem:$0x3F93] =	sst s6  }
0xf: {  	[smem:$0x3F94] =	sst s7  }
0x10: {  	[smem:$0x3F95] =	sst s8  }
0x11: {  	[smem:$0x3F96] =	sst s9;
	s0 =	simm.s32 @!p0 $0x0  }
0x12: {  	s1 =	sld [smem:$0x3F7C];
	s0 =	simm.s32 @p0 $0x1  }
0x13: {  	[smem:$0x3F97] =	sst s0;
	s0 =	simm.s32 @!p1 $0x0  }
0x14: {  	s2 =	sld [smem:$0x3F7B];
	s0 =	simm.s32 @p1 $0x1  }
0x15: {  	[smem:$0x3F98] =	sst s0;
	s0 =	simm.s32 @!p2 $0x0  }
0x16: {  	s3 =	sld [smem:$0x3FDB];
	s0 =	simm.s32 @p2 $0x1  }
0x17: {  	s4 =	simm.s32 $0x1BF5;
	[smem:$0x3F9A] =	sst s0  }
0x18: {  	s0 =	sld [smem:$0x3F7D];
	_ =	swait.ge [sflag:s4], $0x0  }
0x19: {  	s7 =	sld [smem:$0x3F7E]  }
0x1a: {  	s8 =	sadd.s32 $0xFFFFE003, lr  }
0x1b: {  	s9 =	sadd.s32 $0xFFFFFEF7, lr;
	s5 =	simm.s32 $0xFFFFFFFF;
	p2 =	slt.u32 s8, $0xFFFFF086  }
0x1c: {  	p1 =	slt.u32 s9, $0xF7A;
	s5 =	simm.s32 @!p2 $0x0  }
0x1d: {  	s5 =	simm.s32 @p1 $0x1;
	p0 =	seq.s32 s7, s2  }
0x1e: {  	s7 =	smul.u32 @!p0 $0xF7A, s2;
	p2 =	seq.s32 @!p0 s5, $0x0  }
0x1f: {  	s9 =	smul.u32 $0xF7A, s1;
	s8 =	simm.s32 @!p0 $0x1BF5;
	p2 =	por !p2, p0  }
0x20: {  	[sflag:s8] =	ssyncset.s32 @!p0 $0xFFFFF086;
	s6 =	sadd.s32 @!p0 s3, s7;
	s7 =	simm.s32 @!p0 $0x108  }
0x21: {  	s3 =	sadd.s32 s3, s9;
	s6 =	sadd.s32 @!p0 $0x88, s6;
	s7 =	simm.s32 @p2 $0x1082  }
0x22: {  	[simem:s7], [sflag:s8] =	dma.local @!p0 [hbm:s6], $0xF7A  }
0x23: {  	s9 =	sor.u32 $0xD0000000, s2;
	s6 =	simm.s32 $0x108;
	_ =	swait.ge @!p0 [sflag:s8], $0x0  }
0x24: {  	s3 =	sadd.s32 $0x88, s3;
	s6 =	simm.s32 @!p1 $0x1082;
	[sflag:s4] =	ssyncset.s32 $0xFFFFF086  }
0x25: {  	[simem:s6], [sflag:s4] =	dma.local [hbm:s3], $0xF7A  }
0x26: {  	[smem:$0x3F7E] =	sst s1;
	(tag) =	ssettag s2;
	_ =	strace s9  }
0x27: {  	s1 =	sld [smem:$0x3F8E]  }
0x28: {  	s2 =	sld [smem:$0x3F8F]  }
0x29: {  	s4 =	sld [smem:$0x3F91]  }
0x2a: {  	p0 =	seq.s32 s5, $0x0;
	s5 =	sld [smem:$0x3F92]  }
0x2b: {  	s6 =	sld [smem:$0x3F93]  }
0x2c: {  	s7 =	sld [smem:$0x3F94]  }
0x2d: {  	s3 =	simm.s32 $0x108;
	s8 =	sld [smem:$0x3F95]  }
0x2e: {  	s3 =	simm.s32 @!p0 $0x1082;
	s9 =	sld [smem:$0x3F96]  }
0x2f: {  	lr =	sadd.s32 s0, s3;
	s0 =	sld [smem:$0x3F8D]  }
0x30: {  	s3 =	sld [smem:$0x3F90]  }
0x31: {  	[smem:$0x3F99] =	sst s10  }
0x32: {  	s10 =	sld [smem:$0x3F97];
	_ =	sdelay $0x3  }
0x33: {  	p0 =	seq.s32 s10, $0x1;
	s10 =	sld [smem:$0x3F99];
	_ =	sdelay $0x3  }
0x34: {  	[smem:$0x3F99] =	sst s10  }
0x35: {  	s10 =	sld [smem:$0x3F98];
	_ =	sdelay $0x3  }
0x36: {  	p1 =	seq.s32 s10, $0x1;
	s10 =	sld [smem:$0x3F99];
	_ =	sdelay $0x3  }
0x37: {  	[smem:$0x3F99] =	sst s10  }
0x38: {  	s10 =	sld [smem:$0x3F9A]  }
0x39: {  	_ = 	snop;
	(pc) =	sbr.ind lr, $3  }
0x3a: {  	_ = 	snop  }
0x3b: {  	_ = 	snop  }
0x3c: {  	p2 =	seq.s32 s10, $0x1;
	s10 =	sld [smem:$0x3F99]  }
0x3d: {  	_ =	shalt  }
0x3e: {  	_ =	shalt  }
0x3f: {  	_ =	shalt  }
0x40: {  	_ =	shalt  }
0x41: {  	_ =	shalt  }
0x42: {  	_ =	shalt  }
0x43: {  	_ =	shalt  }
0x44: {  	_ =	shalt  }
0x45: {  	_ =	shalt  }
0x46: {  	_ =	shalt  }
0x47: {  	_ =	shalt  }
0x48: {  	_ =	shalt  }
0x49: {  	_ =	shalt  }
0x4a: {  	_ =	shalt  }
0x4b: {  	_ =	shalt  }
0x4c: {  	_ =	shalt  }
0x4d: {  	_ =	shalt  }
0x4e: {  	_ =	shalt  }
0x4f: {  	_ =	shalt  }
0x50: {  	_ =	shalt  }
0x51: {  	_ =	shalt  }
0x52: {  	_ =	shalt  }
0x53: {  	_ =	shalt  }
0x54: {  	_ =	shalt  }
0x55: {  	_ =	shalt  }
0x56: {  	_ =	shalt  }
0x57: {  	_ =	shalt  }
0x58: {  	_ =	shalt  }
0x59: {  	_ =	shalt  }
0x5a: {  	_ =	shalt  }
0x5b: {  	_ =	shalt  }
0x5c: {  	_ =	shalt  }
0x5d: {  	_ =	shalt  }
0x5e: {  	_ =	shalt  }
0x5f: {  	_ =	shalt  }
0x60: {  	_ =	shalt  }
0x61: {  	_ =	shalt  }
0x62: {  	_ =	shalt  }
0x63: {  	_ =	shalt  }
0x64: {  	_ =	shalt  }
0x65: {  	_ =	shalt  }
0x66: {  	_ =	shalt  }
0x67: {  	_ =	shalt  }
0x68: {  	_ =	shalt  }
0x69: {  	_ =	shalt  }
0x6a: {  	_ =	shalt  }
0x6b: {  	_ =	shalt  }
0x6c: {  	_ =	shalt  }
0x6d: {  	_ =	shalt  }
0x6e: {  	_ =	shalt  }
0x6f: {  	_ =	shalt  }
0x70: {  	_ =	shalt  }
0x71: {  	_ =	shalt  }
0x72: {  	_ =	shalt  }
0x73: {  	_ =	shalt  }
0x74: {  	_ =	shalt  }
0x75: {  	_ =	shalt  }
0x76: {  	_ =	shalt  }
0x77: {  	_ =	shalt  }
0x78: {  	_ =	shalt  }
0x79: {  	_ =	shalt  }
0x7a: {  	_ =	shalt  }
0x7b: {  	_ =	shalt  }
0x7c: {  	_ =	shalt  }
0x7d: {  	_ =	shalt  }
0x7e: {  	_ =	shalt  }
0x7f: {  	_ =	shalt  }
0x80: {  	_ =	shalt  }
0x81: {  	_ =	shalt  }
0x82: {  	_ =	shalt  }
0x83: {  	_ =	shalt  }
0x84: {  	_ =	shalt  }
0x85: {  	_ =	shalt  }
0x86: {  	_ =	shalt  }
0x87: {  	_ =	shalt  }
.Lfunc_end0:
.L_simem_size_0:
called_computation.1_lowered:
.L_overlay_start_0:
0x88: {  	s2 =	sld [smem:$0x3FD9]  }
0x89: {  	s3 =	sld [smem:$0x3FFE];
	_ =	sdelay $0x1  }
0x8a: {  	s1 =	srdreg.scid  }
0x8b: {  	s0 =	sand.u32 $0x1, s1  }
0x8c: {  	s17 =	sshll.u32 s0, $0xA;
	s2 =	sadd.s32 s3, s2  }
0x8d: {  	s2 =	sadd.s32 s2, s17  }
0x8e: {  	[smem:$0x3FA5] =	sst s2  }
0x8f: {  	_ = 	snop  }
0x90: {  	s2 =	sld [smem:$0x3FA7]  }
0x91: {  	s18 =	sld [smem:$0x3FD0];
	(tm) =	ssettm $0x1  }
0x92: {  	s4 =	sld [smem:$0x3FFB];
	_ =	sdelay $0x3  }
0x93: {  	_ =	strace s4  }
0x94: {  	s4 =	sld [smem:$0x3FFC];
	_ =	sdelay $0x3  }
0x95: {  	_ =	strace s4  }
0x96: {  	s4 =	sld [smem:$0x3FFD];
	_ =	sdelay $0x3  }
0x97: {  	_ =	strace s4  }
0x98: {  	_ =	strace $0x8FFFFFFF  }
0x99: {  	s19 =	sld [smem:$0x3FDB];
	_ =	sdelay $0x1  }
0x9a: {  	s5 =	simm.s32 $_scs_section_size  }
0x9b: {  	s6 =	simm.s32 $_size__tile_overlayer_lowered;
	s7 =	simm.s32 $_tile_overlayer_lowered  }
0x9c: {  	s22 =	simm.s32 $0x1BFF;
	s21 =	sshll.u32 s7, $0x1;
	s4 =	sadd.s32 s5, s19  }
0x9d: {  	s8 =	simm.s32 $0x0;
	s20 =	sshll.u32 s6, $0x1;
	s6 =	sadd.s32 s21, s4  }
0x9e: {  	[timem:s8], [sflag:s22] =	dma.local [hbm:s6], s20  }
0x9f: {  	_ =	swait.ge [sflag:s22], s20  }
0xa0: {  	s5 =	ssub.s32 $0x0, s20;
	[sflag:s22] =	ssyncset.done $0x0  }
0xa1: {  	[sflag:s22] =	ssyncadd.s32 s5;
	_ =	sdelay $0x1  }
0xa2: {  	s23 =	simm.s32 $0x1B8B  }
0xa3: {  	_ =	swait.ge [sflag:s23], $0x1  }
0xa4: {  	[sflag:s23] =	ssyncset.done $0x0  }
0xa5: {  	s25 =	simm.s32 $0x1B8E;
	s24 =	sld [smem:$0x3FFE];
	[sflag:s23] =	ssyncadd.s32 $0xFFFFFFFF  }
0xa6: {  	s26 =	simm.s32 $execute0_lowered;
	[smem:$0x3FD2] =	sst s25  }
0xa7: {  	s6 =	sshll.u32 s26, $0x1;
	_ =	strace $0x80000046;
	[dreg:$0x1] =	wrdreg $0xFFFFFFFF  }
0xa8: {  	s28 =	simm.s32 $_size_execute0_lowered;
	s4 =	sadd.s32 s4, s6;
	[dreg:$0x0] =	wrdreg $0x0  }
0xa9: {  	s6 =	sshll.u32 s28, $0x1;
	[dreg:$0x2] =	wrdreg s4  }
0xaa: {  	[dreg:$0x3] =	wrdreg s6  }
0xab: {  	[dreg:$0x4] =	wrdreg $0xC0  }
0xac: {  	_ =	task [dreg:s8], $0x5FFFF  }
0xad: {  	[dreg:$0x1] =	wrdreg $0xFFFFFFFF  }
0xae: {  	[dreg:$0x0] =	wrdreg $0x60  }
0xaf: {  	[dreg:$0x2] =	wrdreg s18  }
0xb0: {  	[dreg:$0x3] =	wrdreg s24  }
0xb1: {  	[dreg:$0x4] =	wrdreg s2  }
0xb2: {  	[dreg:$0x5] =	wrdreg $0x0  }
0xb3: {  	[dreg:$0x6] =	wrdreg $0xA  }
0xb4: {  	_ =	task.clear_ibuf [dreg:s8], $0x7FFFF;
	_ =	strace $0x90000046  }
0xb5: {  	s29 =	simm.s32 $0xA;
	_ =	strace $0x80000048  }
0xb6: {  	_ =	swait.ge [sflag:s29], $0x1  }
0xb7: {  	[sflag:s29] =	ssyncadd.s32 $0xFFFFFFFF  }
0xb8: {  	_ =	strace $0x90000048  }
0xb9: {  	_ =	sfence  }
0xba: {  	s30 =	sld [smem:$0x0];
	_ =	sdelay $0x2  }
0xbb: {  	s31 =	sshll.u32 s1, $0xD;
	s1 =	sshrl.u32 s1, $0x2  }
0xbc: {  	s3 =	sand.u32 $0x4000, s31;
	s1 =	sadd.s32 s1, s30  }
0xbd: {  	s0 =	sor.u32 s3, s0;
	s1 =	sshll.u32 s1, $0x11  }
0xbe: {  	s0 =	sor.u32 s1, s0  }
0xbf: {  	s0 =	sadd.s32 $0x8F2B, s0  }
0xc0: {  	[sflag:s0] =	ssyncadd.remote.s32 $0x1  }
0xc1: {  	_ =	sfence.sel $0xFFFF  }
0xc2: {  	[dreg:$0x0] =	wrdreg $0xFFFFFFFF;
	(pc) =	sbr.abs _section_cstart, $3  }
0xc3: {  	[dreg:$0x1] =	wrdreg $0xFFFFFFFF  }
0xc4: {  	_ =	task.clear_ibuf [dreg:s8], $0x2FFFF;
	_ =	strace $0x9FFFFFFF  }
0xc5: {  	(tm) =	ssettm $0x7FFFFFFF  }
tec
execute0_lowered:
.L_overlay_start_1:
0x0: {  	(tag) =	ssettag $0x1  }
0x1: {  	s1 =	rddreg [dreg:$0x0]  }
0x2: {  	s0 =	rddreg [dreg:$0x1]  }
0x3: {  	s2 =	rddreg [dreg:$0x2]  }
0x4: {  	s4 =	rddreg [dreg:$0x3];
	s6 =	simm.s32 $0x0  }
0x5: {  	s3 =	srdreg.scid;
	s5 =	stileid.u32;
	s19 =	simm.s32 $0x18E30  }
0x6: {  	s20 =	simm.s32 $0x2;
	s21 =	simm.s32 $0x18030;
	s22 =	simm.s32 $0x18430  }
0x7: {  	s23 =	simm.s32 $0x18830;
	s24 =	simm.s32 $0x18D30;
	s25 =	simm.s32 $0x18C30  }
0x8: {  	s28 =	simm.s32 $0x1;
	[smem:$0x7FF] =	sst s6;
	s7 =	smul.u32 $0x60000, s5  }
0x9: {  	s3 =	sand.u32 $0x1, s3;
	s6 =	sadd.s32 $0x186600, s0;
	s26 =	sadd.s32 $0x1C6600, s0  }
0xa: {  	s29 =	sshll.u32 s5, $0xA;
	s30 =	sadd.s32 $0x180000, s4;
	s14 =	sshll.u32 s5, $0xD  }
0xb: {  	s16 =	sadd.s32 $0x1A6600, s0;
	_ =	strace $0x80000047;
	[dreg:$0x5] =	wrdreg s26  }
0xc: {  	s0 =	sadd.s32 $0x1C7200, s0;
	p0 =	sne.s32 s5, $0xF;
	[dreg:$0x6] =	wrdreg s29  }
0xd: {  	s8 =	ssub.s32 $0x2, s3;
	[dreg:$0x7] =	wrdreg s30;
	s3 =	sshll.u32 s3, $0x2  }
0xe: {  	[dreg:$0x9] =	wrdreg s0;
	s9 =	sshrl.u32 s8, $0x1;
	s10 =	sshrl.u32 s7, $0x2  }
0xf: {  	[dreg:$0x8] =	wrdreg s3;
	s9 =	ssub.s32 s8, s9;
	s13 =	sadd.s32 s10, s4  }
0x10: {  	v0 =	vimm.s32 $0x4000;
	v3 =	vlaneseq.u32;
	s3 =	simm.s32 $0x0;
	s7 =	sadd.s32 $0x6000, s13;
	s31 =	smax.u32 s9, $0x1  }
0x11: {  	v1 =	vimm.s32 $0x0;
	v2 =	vimm.f32 $0.0e+00;
	v3 =	vor.u32 $0xF0, v3;
	s15 =	sadd.s32 $0xC000, s13;
	s17 =	sadd.s32 $0x12000, s13;
	[dreg:$0xa] =	wrdreg s31  }
.LBB2_1:
0x12: {  	[tilespmem:$0x18D30] =	vst v0  }
0x13: {  	[tilespmem:$0x18D40] =	vst v0  }
0x14: {  	[tilespmem:$0x18D50] =	vst v0  }
0x15: {  	[tilespmem:$0x18D60] =	vst v0  }
0x16: {  	[tilespmem:$0x18D70] =	vst v0  }
0x17: {  	[tilespmem:$0x18D80] =	vst v0  }
0x18: {  	[tilespmem:$0x18D90] =	vst v0  }
0x19: {  	[tilespmem:$0x18DA0] =	vst v0  }
0x1a: {  	[tilespmem:$0x18DB0] =	vst v0  }
0x1b: {  	[tilespmem:$0x18DC0] =	vst v0  }
0x1c: {  	[tilespmem:$0x18DD0] =	vst v0  }
0x1d: {  	[tilespmem:$0x18DE0] =	vst v0  }
0x1e: {  	[tilespmem:$0x18DF0] =	vst v0  }
0x1f: {  	[tilespmem:$0x18E00] =	vst v0  }
0x20: {  	[tilespmem:$0x18E10] =	vst v0  }
0x21: {  	[tilespmem:$0x18E20] =	vst v0  }
0x22: {  	[tilespmem:$0x18C30] =	vst v1  }
0x23: {  	[tilespmem:$0x18C40] =	vst v1  }
0x24: {  	[tilespmem:$0x18C50] =	vst v1  }
0x25: {  	[tilespmem:$0x18C60] =	vst v1  }
0x26: {  	[tilespmem:$0x18C70] =	vst v1  }
0x27: {  	[tilespmem:$0x18C80] =	vst v1  }
0x28: {  	[tilespmem:$0x18C90] =	vst v1  }
0x29: {  	[tilespmem:$0x18CA0] =	vst v1  }
0x2a: {  	[tilespmem:$0x18CB0] =	vst v1  }
0x2b: {  	[tilespmem:$0x18CC0] =	vst v1  }
0x2c: {  	[tilespmem:$0x18CD0] =	vst v1  }
0x2d: {  	[tilespmem:$0x18CE0] =	vst v1  }
0x2e: {  	[tilespmem:$0x18CF0] =	vst v1  }
0x2f: {  	[tilespmem:$0x18D00] =	vst v1  }
0x30: {  	[tilespmem:$0x18D10] =	vst v1  }
0x31: {  	[dreg:$0xb] =	wrdreg s3;
	[tilespmem:$0x18D20] =	vst v1;
	s3 =	simm.s32 $0x0  }
.LBB2_2:
0x32: {  	s0 =	simm.s32 $0x50  }
0x33: {  	[tilespmem:s0+$0x18E30] =	vst v2  }
0x34: {  	[tilespmem:s0+$0x18DE0] =	vst v2  }
0x35: {  	[tilespmem:s0+$0x18DF0] =	vst v2  }
0x36: {  	[tilespmem:s0+$0x18E00] =	vst v2  }
0x37: {  	s9 =	simm.s32 $0x2C0;
	[tilespmem:s0+$0x18E10] =	vst v2  }
.LBB2_3:
0x38: {  	p1 =	sne.s32 s9, $0x17FC0;
	[tilespmem:s0+$0x18E20] =	vst v2;
	s0 =	sshra.s32 s9, $0x2;
	s9 =	sadd.s32 $0x180, s9  }
.Ltmp0:
0x39: {  	[tilespmem:s0+$0x18E30] =	vst v2;
	(pc) =	sbr.rel @p1 .LBB2_3-.Ltmp0, $4  }
0x3a: {  	[tilespmem:s0+$0x18DE0] =	vst v2  }
0x3b: {  	[tilespmem:s0+$0x18DF0] =	vst v2  }
0x3c: {  	[tilespmem:s0+$0x18E00] =	vst v2  }
0x3d: {  	[tilespmem:s0+$0x18E10] =	vst v2  }
0x3e: {  	[tilespmem:s0+$0x18E20] =	vst v2  }
0x3f: {  	[spmem:s13] =	stream.linear.scatter [tilespmem:s19], [sflag:$0x2], $0x6000, $0x38;
	[tilespmem:$0x1EE30] =	vst v63  }
0x40: {  	_ =	swait.ge [sflag:s20], $0x6000  }
0x41: {  	[sflag:s20] =	ssyncset.done $0x0  }
0x42: {  	[sflag:s20] =	ssyncadd.s32 $0xFFFFA000  }
0x43: {  	[spmem:s7] =	stream.linear.scatter [tilespmem:s19], [sflag:$0x2], $0x6000, $0x38;
	[tilespmem:$0x1EE30] =	vst v63  }
0x44: {  	_ =	swait.ge [sflag:s20], $0x6000  }
0x45: {  	[sflag:s20] =	ssyncset.done $0x0  }
0x46: {  	[sflag:s20] =	ssyncadd.s32 $0xFFFFA000  }
0x47: {  	[spmem:s15] =	stream.linear.scatter [tilespmem:s19], [sflag:$0x2], $0x6000, $0x38;
	[tilespmem:$0x1EE30] =	vst v63  }
0x48: {  	_ =	swait.ge [sflag:s20], $0x6000  }
0x49: {  	[sflag:s20] =	ssyncset.done $0x0  }
0x4a: {  	[sflag:s20] =	ssyncadd.s32 $0xFFFFA000  }
0x4b: {  	[spmem:s17] =	stream.linear.scatter [tilespmem:s19], [sflag:$0x2], $0x6000, $0x38;
	[tilespmem:$0x1EE30] =	vst v63  }
0x4c: {  	_ =	swait.ge [sflag:s20], $0x6000  }
0x4d: {  	[sflag:s20] =	ssyncset.done $0x0  }
0x4e: {  	s0 =	simm.s32 @!p0 $0x18E30;
	s5 =	rddreg [dreg:$0x7];
	[sflag:s20] =	ssyncadd.s32 $0xFFFFA000  }
0x4f: {  	[spmem:s5] =	stream.linear.scatter @!p0 [tilespmem:s0], [sflag:$0x2], $0x300, $0x38;
	[tilespmem:$0x1EE30] =	vst v63  }
0x50: {  	s0 =	simm.s32 @!p0 $0x2  }
0x51: {  	_ =	swait.ge @!p0 [sflag:s0], $0x300  }
0x52: {  	s10 =	smov.u32 s13;
	s18 =	rddreg [dreg:$0x8]  }
0x53: {  	s11 =	smov.u32 s7;
	s12 =	smov.u32 s15;
	s18 =	sadd.s32 s18, s3  }
0x54: {  	s26 =	smov.u32 s17;
	[sflag:s0] =	ssyncset.done @!p0 $0x0;
	s9 =	sshll.u32 s18, $0xC  }
0x55: {  	s29 =	simm.s32 $0x0;
	[sflag:s0] =	ssyncadd.s32 @!p0 $0xFFFFFD00;
	s30 =	sadd.s32 $0x1000, s9  }
0x56: {  	s31 =	simm.s32 $0x0;
	s0 =	simm.s32 $0x0;
	[bflag:$0x0] =	sbarrier.arrive $0xFFFF;
	v4 =	vmov s9;
	v5 =	vmov s30  }
.LBB2_5:
0x57: {  	s9 =	sshll.u32 s31, $0x7  }
0x58: {  	s9 =	sadd.s32 s14, s9  }
0x59: {  	s13 =	sadd.s32 s6, s9  }
0x5a: {  	[tilespmem:s21], [sflag:$0x2] =	stream.linear.gather [hbm4b:s13+s0], $0x400, $0x38;
	[tilespmem:$0x1EE30] =	vst v63  }
0x5b: {  	_ =	swait.ge [sflag:s20], $0x400  }
0x5c: {  	[sflag:s20] =	ssyncset.done $0x0  }
0x5d: {  	s7 =	sadd.s32 s9, s16;
	[sflag:s20] =	ssyncadd.s32 $0xFFFFFC00  }
0x5e: {  	[tilespmem:s22], [sflag:$0x2] =	stream.linear.gather [hbm4b:s7+s0], $0x400, $0x38;
	[tilespmem:$0x1EE30] =	vst v63  }
0x5f: {  	_ =	swait.ge [sflag:s20], $0x400  }
0x60: {  	[sflag:s20] =	ssyncset.done $0x0  }
0x61: {  	s9 =	sadd.s32 s2, s9;
	[sflag:s20] =	ssyncadd.s32 $0xFFFFFC00  }
0x62: {  	[tilespmem:s23], [sflag:$0x2] =	stream.linear.gather [hbm4b:s9+s0], $0x400, $0x38;
	[tilespmem:$0x1EE30] =	vst v63  }
0x63: {  	_ =	swait.ge [sflag:s20], $0x400  }
0x64: {  	[sflag:s20] =	ssyncset.done $0x0  }
0x65: {  	s8 =	simm.s32 $0x0;
	p1 =	slt.s32 s29, $0xE1;
	[sflag:s20] =	ssyncadd.s32 $0xFFFFFC00  }
0x66: {  	s15 =	simm.s32 @!p1 $0x18C30;
	s17 =	simm.s32 @!p1 $0x18E30;
	v7 =	vld [tilespmem:s8+$0x18830]  }
0x67: {  	s30 =	simm.s32 @!p1 $0x1;
	s13 =	simm.s32 @!p1 $0x80;
	p1 =	por p1, p1;
	v6 =	vld [tilespmem:s8+$0x18430]  }
0x68: {  	v8 =	vld [tilespmem:s8+$0x18030];
	[tilespmem:s17], [sflag:$0x1] =	stream.indirect.gather @!p1 [hbm4b:s1+s13], $0x60, s15, s13, $0xb8  }
0x69: {  	_ =	swait.ge @!p1 [sflag:s30], $0x3000  }
0x6a: {  	[sflag:s30] =	ssyncset.done @!p1 $0x0  }
0x6b: {  	s9 =	simm.s32 @!p1 $0x1BE30;
	s15 =	simm.s32 @!p1 $0x18CB0;
	[sflag:s30] =	ssyncadd.s32 @!p1 $0xFFFFD000  }
0x6c: {  	[tilespmem:s9], [sflag:$0x1] =	stream.indirect.gather @!p1 [hbm4b:s1+s13], $0x60, s15, s13, $0xb8;
	vm0 =	vge.s32 v6, v4;
	vm1 =	vlt.s32 v6, v5;
	[tilespmem:$0x1EE30] =	vst v63  }
0x6d: {  	_ =	swait.ge @!p1 [sflag:s30], $0x3000;
	vm0 =	vmand vm0, vm1  }
0x6e: {  	[sflag:s30] =	ssyncset.done @!p1 $0x0;
	v9 =	vsel vm0, $0x1, v1  }
0x6f: {  	s5 =	simm.s32 @!p1 $0x18D30;
	s15 =	simm.s32 @!p1 $0x2;
	[sflag:s30] =	ssyncadd.s32 @!p1 $0xFFFFD000;
	(xrf0) =	vadd.scan.msk.s32 $0xffff, v9  }
0x70: {  	[spmem:s4] =	stream.indirect.scatter.add.f32 @!p1 [tilespmem:s17], [sflag:$0x2], $0x60, s5, s13, $0xb8;
	[tilespmem:$0x1EE30] =	vst v63  }
0x71: {  	p2 =	sgt.s32 s29, $0xE0;
	_ =	swait.ge @!p1 [sflag:s15], $0x3000  }
0x72: {  	s29 =	simm.s32 @p2 $0x0;
	v6 =	vsub.s32 v6, v4;
	[sflag:s15] =	ssyncset.done @!p1 $0x0  }
0x73: {  	v11 =	vshll.u32 v6, $0x2;
	v6 =	vimm.s32 @!p1 $0x4000;
	v9 =	vmov s29;
	s5 =	simm.s32 @!p1 $0x18DB0;
	[sflag:s15] =	ssyncadd.s32 @!p1 $0xFFFFD000  }
0x74: {  	v11 =	vadd.s32 v7, v11;
	v7 =	vnsel vm0, $0x0, v8;
	v9 =	vadd.s32 $0xFFFFFFFF, v9;
	[spmem:s4] =	stream.indirect.scatter.add.f32 @!p1 [tilespmem:s9], [sflag:$0x2], $0x60, s5, s13, $0xb8;
	[tilespmem:$0x1EE30] =	vst v63  }
0x75: {  	v8 =	vnsel vm0, $0x4000, v11;
	v10 =	vbroadcast v9, $0x0;
	v9 =	vimm.s32 @!p1 $0x0;
	s9 =	simm.s32 $0x40  }
.LBB2_6:
0x76: {  	_ =	swait.ge @!p1 [sflag:s15], $0x3000  }
0x77: {  	s5 =	smov.u32 s9;
	s9 =	sadd.s32 $0x40, s9;
	v11, _, _ =	vpop (xrf0)  }
0x78: {  	p2 =	sne.s32 s9, $0x1000;
	[sflag:s15] =	ssyncset.done @!p1 $0x0;
	v10 =	vadd.s32 v11, v10;
	(v2sf) =	vpush v11, $0xF  }
0x79: {  	[sflag:s15] =	ssyncadd.s32 @!p1 $0xFFFFD000  }
0x7a: {  	[tilespmem:$0x18D90] =	vst @!p1 v6  }
0x7b: {  	[tilespmem:$0x18D30] =	vst @!p1 v6  }
0x7c: {  	[tilespmem:$0x18CB0] =	vst @!p1 v9  }
0x7d: {  	[tilespmem:$0x18D50] =	vst @!p1 v6  }
0x7e: {  	[tilespmem:$0x18D60] =	vst @!p1 v6  }
0x7f: {  	[tilespmem:$0x18D70] =	vst @!p1 v6  }
0x80: {  	[tilespmem:$0x18D80] =	vst @!p1 v6  }
0x81: {  	[tilespmem:$0x18DB0] =	vst @!p1 v6  }
0x82: {  	[tilespmem:$0x18DC0] =	vst @!p1 v6  }
0x83: {  	[tilespmem:$0x18DD0] =	vst @!p1 v6  }
0x84: {  	[tilespmem:$0x18DE0] =	vst @!p1 v6  }
0x85: {  	[tilespmem:$0x18DF0] =	vst @!p1 v6  }
0x86: {  	[tilespmem:$0x18E00] =	vst @!p1 v6  }
0x87: {  	[tilespmem:$0x18E10] =	vst @!p1 v6;
	s13 =	spop (v2sf)  }
0x88: {  	[tilespmem:$0x18E20] =	vst @!p1 v6;
	s29 =	sadd.s32 s29, s13  }
0x89: {  	[tilespmem:$0x18C30] =	vst @!p1 v9  }
0x8a: {  	[tilespmem:$0x18C40] =	vst @!p1 v9  }
0x8b: {  	[tilespmem:$0x18C50] =	vst @!p1 v9  }
0x8c: {  	s5 =	sshra.s32 s5, $0x2;
	[tilespmem:$0x18C60] =	vst @!p1 v9  }
0x8d: {  	[tilespmem:$0x18C70] =	vst @!p1 v9  }
0x8e: {  	p3 =	slt.s32 s29, $0xE1;
	[tilespmem:$0x18C80] =	vst @!p1 v9  }
0x8f: {  	s13 =	simm.s32 @!p3 $0x80;
	s15 =	simm.s32 @!p3 $0x18C30;
	s17 =	simm.s32 @!p3 $0x18E30;
	[tilespmem:$0x18C90] =	vst @!p1 v9  }
0x90: {  	[tilespmem:$0x18CA0] =	vst @!p1 v9  }
0x91: {  	s30 =	simm.s32 @!p3 $0x1;
	[tilespmem:$0x18DA0] =	vst @!p1 v6  }
0x92: {  	[tilespmem:$0x18CC0] =	vst @!p1 v9  }
0x93: {  	[tilespmem:$0x18CD0] =	vst @!p1 v9  }
0x94: {  	[tilespmem:$0x18CE0] =	vst @!p1 v9  }
0x95: {  	v10 =	vsel vm0, v10, v3;
	[tilespmem:$0x18CF0] =	vst @!p1 v9  }
0x96: {  	[tilespmem:$0x18D00] =	vst @!p1 v9  }
0x97: {  	[tilespmem:$0x18D10] =	vst @!p1 v9  }
0x98: {  	[tilespmem:$0x18D20] =	vst @!p1 v9  }
0x99: {  	p4 =	sgt.s32 s29, $0xE0;
	[tilespmem:$0x18D40] =	vst @!p1 v6;
	p1 =	por p3, p3  }
0x9a: {  	s29 =	simm.s32 @p4 $0x0;
	[tilespmem:v10+s24+$0x0] =	vst.idx.msk $0xffff, v8  }
0x9b: {  	[tilespmem:v10+s25+$0x0] =	vst.idx.msk $0xffff, v7  }
0x9c: {  	v6 =	vmov s29;
	s7 =	simm.s32 @!p1 $0x1BE30;
	v7 =	vld [tilespmem:s5+$0x18830]  }
0x9d: {  	v6 =	vadd.s32 $0xFFFFFFFF, v6;
	v8 =	vld [tilespmem:s5+$0x18030]  }
0x9e: {  	v9 =	vld [tilespmem:s5+$0x18430];
	s5 =	simm.s32 @!p1 $0x18CB0  }
0x9f: {  	v10 =	vbroadcast v6, $0x0;
	[tilespmem:s17], [sflag:$0x1] =	stream.indirect.gather @!p1 [hbm4b:s1+s13], $0x60, s15, s13, $0xb8;
	[tilespmem:$0x1EE30] =	vst v63  }
0xa0: {  	_ =	swait.ge @!p1 [sflag:s30], $0x3000  }
0xa1: {  	v6 =	vimm.s32 @!p1 $0x4000;
	s15 =	simm.s32 @!p1 $0x2;
	[sflag:s30] =	ssyncset.done @!p1 $0x0  }
0xa2: {  	s8 =	simm.s32 @!p1 $0x18D30;
	[sflag:s30] =	ssyncadd.s32 @!p1 $0xFFFFD000  }
0xa3: {  	vm0 =	vge.s32 v9, v4;
	vm1 =	vlt.s32 v9, v5;
	v9 =	vsub.s32 v9, v4;
	[tilespmem:s7], [sflag:$0x1] =	stream.indirect.gather @!p1 [hbm4b:s1+s13], $0x60, s5, s13, $0xb8;
	[tilespmem:$0x1EE30] =	vst v63  }
0xa4: {  	s5 =	simm.s32 @!p1 $0x18DB0;
	vm0 =	vmand vm0, vm1;
	v11 =	vshll.u32 v9, $0x2;
	_ =	swait.ge @!p1 [sflag:s30], $0x3000;
	v9 =	vimm.s32 @!p1 $0x0  }
0xa5: {  	v11 =	vadd.s32 v7, v11;
	v7 =	vnsel vm0, $0x0, v8;
	[sflag:s30] =	ssyncset.done @!p1 $0x0;
	v12 =	vsel vm0, $0x1, v1  }
0xa6: {  	v8 =	vnsel vm0, $0x4000, v11;
	[sflag:s30] =	ssyncadd.s32 @!p1 $0xFFFFD000;
	(xrf0) =	vadd.scan.msk.s32 $0xffff, v12  }
0xa7: {  	[spmem:s4] =	stream.indirect.scatter.add.f32 @!p1 [tilespmem:s17], [sflag:$0x2], $0x60, s8, s13, $0xb8;
	[tilespmem:$0x1EE30] =	vst v63  }
.Ltmp1:
0xa8: {  	_ = 	snop;
	(pc) =	sbr.rel @p2 .LBB2_6-.Ltmp1, $4  }
0xa9: {  	_ =	swait.ge @!p1 [sflag:s15], $0x3000  }
0xaa: {  	[sflag:s15] =	ssyncset.done @!p1 $0x0  }
0xab: {  	[sflag:s15] =	ssyncadd.s32 @!p1 $0xFFFFD000  }
0xac: {  	[spmem:s4] =	stream.indirect.scatter.add.f32 @!p1 [tilespmem:s7], [sflag:$0x2], $0x60, s5, s13, $0xb8;
	[tilespmem:$0x1EE30] =	vst v63  }
0xad: {  	_ =	swait.ge @!p1 [sflag:s15], $0x3000  }
0xae: {  	[sflag:s15] =	ssyncset.done @!p1 $0x0  }
0xaf: {  	[sflag:s15] =	ssyncadd.s32 @!p1 $0xFFFFD000  }
0xb0: {  	[tilespmem:$0x18D90] =	vst @!p1 v6  }
0xb1: {  	[tilespmem:$0x18D30] =	vst @!p1 v6  }
0xb2: {  	[tilespmem:$0x18CB0] =	vst @!p1 v9  }
0xb3: {  	[tilespmem:$0x18D50] =	vst @!p1 v6  }
0xb4: {  	[tilespmem:$0x18D60] =	vst @!p1 v6  }
0xb5: {  	[tilespmem:$0x18D70] =	vst @!p1 v6  }
0xb6: {  	[tilespmem:$0x18D80] =	vst @!p1 v6  }
0xb7: {  	[tilespmem:$0x18DB0] =	vst @!p1 v6  }
0xb8: {  	[tilespmem:$0x18DC0] =	vst @!p1 v6  }
0xb9: {  	[tilespmem:$0x18DD0] =	vst @!p1 v6  }
0xba: {  	[tilespmem:$0x18DE0] =	vst @!p1 v6  }
0xbb: {  	[tilespmem:$0x18DF0] =	vst @!p1 v6  }
0xbc: {  	[tilespmem:$0x18E00] =	vst @!p1 v6  }
0xbd: {  	[tilespmem:$0x18E10] =	vst @!p1 v6  }
0xbe: {  	[tilespmem:$0x18E20] =	vst @!p1 v6  }
0xbf: {  	[tilespmem:$0x18C30] =	vst @!p1 v9  }
0xc0: {  	[tilespmem:$0x18C40] =	vst @!p1 v9  }
0xc1: {  	[tilespmem:$0x18C50] =	vst @!p1 v9  }
0xc2: {  	[tilespmem:$0x18C60] =	vst @!p1 v9  }
0xc3: {  	v11, _, _ =	vpop (xrf0);
	[tilespmem:$0x18C70] =	vst @!p1 v9  }
0xc4: {  	(v2sf) =	vpush v11, $0xF;
	[tilespmem:$0x18C80] =	vst @!p1 v9  }
0xc5: {  	[tilespmem:$0x18C90] =	vst @!p1 v9  }
0xc6: {  	[tilespmem:$0x18CA0] =	vst @!p1 v9  }
0xc7: {  	[tilespmem:$0x18DA0] =	vst @!p1 v6  }
0xc8: {  	[tilespmem:$0x18CC0] =	vst @!p1 v9  }
0xc9: {  	[tilespmem:$0x18CD0] =	vst @!p1 v9  }
0xca: {  	[tilespmem:$0x18CE0] =	vst @!p1 v9  }
0xcb: {  	[tilespmem:$0x18CF0] =	vst @!p1 v9  }
0xcc: {  	[tilespmem:$0x18D00] =	vst @!p1 v9  }
0xcd: {  	v10 =	vadd.s32 v11, v10;
	[tilespmem:$0x18D10] =	vst @!p1 v9  }
0xce: {  	s31 =	sadd.s32 $0x1, s31;
	v10 =	vsel vm0, v10, v3;
	[tilespmem:$0x18D20] =	vst @!p1 v9  }
0xcf: {  	[tilespmem:$0x18D40] =	vst @!p1 v6;
	p1 =	sne.s32 s31, $0x40  }
.Ltmp2:
0xd0: {  	_ = 	snop;
	(pc) =	sbr.rel @p1 .LBB2_5-.Ltmp2, $3  }
0xd1: {  	_ =	sdelay $0x1  }
0xd2: {  	[tilespmem:v10+s24+$0x0] =	vst.idx.msk $0xffff, v8;
	s5 =	spop (v2sf)  }
0xd3: {  	[tilespmem:v10+s25+$0x0] =	vst.idx.msk $0xffff, v7;
	s29 =	sadd.s32 s29, s5  }
0xd4: {  	s0 =	simm.s32 $0x80  }
0xd5: {  	[tilespmem:s19], [sflag:$0x1] =	stream.indirect.gather [hbm4b:s1+s0], $0x60, s25, s0, $0xb8;
	[tilespmem:$0x1EE30] =	vst v63  }
0xd6: {  	_ =	swait.ge [sflag:s28], $0x3000  }
0xd7: {  	[sflag:s28] =	ssyncset.done $0x0  }
0xd8: {  	s5 =	simm.s32 $0x18CB0;
	s7 =	simm.s32 $0x1BE30;
	[sflag:s28] =	ssyncadd.s32 $0xFFFFD000  }
0xd9: {  	[tilespmem:s7], [sflag:$0x1] =	stream.indirect.gather [hbm4b:s1+s0], $0x60, s5, s0, $0xb8;
	[tilespmem:$0x1EE30] =	vst v63  }
0xda: {  	_ =	swait.ge [sflag:s28], $0x3000  }
0xdb: {  	[sflag:s28] =	ssyncset.done $0x0  }
0xdc: {  	[sflag:s28] =	ssyncadd.s32 $0xFFFFD000  }
0xdd: {  	[spmem:s4] =	stream.indirect.scatter.add.f32 [tilespmem:s19], [sflag:$0x2], $0x60, s24, s0, $0xb8;
	[tilespmem:$0x1EE30] =	vst v63  }
0xde: {  	_ =	swait.ge [sflag:s20], $0x3000  }
0xdf: {  	[sflag:s20] =	ssyncset.done $0x0  }
0xe0: {  	s15 =	simm.s32 $0x18DB0;
	[sflag:s20] =	ssyncadd.s32 $0xFFFFD000  }
0xe1: {  	[spmem:s4] =	stream.indirect.scatter.add.f32 [tilespmem:s7], [sflag:$0x2], $0x60, s15, s0, $0xb8;
	[tilespmem:$0x1EE30] =	vst v63  }
0xe2: {  	_ =	swait.ge [sflag:s20], $0x3000  }
0xe3: {  	[sflag:s20] =	ssyncset.done $0x0  }
0xe4: {  	[sflag:s20] =	ssyncadd.s32 $0xFFFFD000  }
0xe5: {  	[tilespmem:$0x18D30] =	vst v0  }
0xe6: {  	[tilespmem:$0x18D40] =	vst v0  }
0xe7: {  	[tilespmem:$0x18D50] =	vst v0  }
0xe8: {  	[tilespmem:$0x18D60] =	vst v0  }
0xe9: {  	[tilespmem:$0x18D70] =	vst v0  }
0xea: {  	[tilespmem:$0x18D80] =	vst v0  }
0xeb: {  	[tilespmem:$0x18D90] =	vst v0  }
0xec: {  	[tilespmem:$0x18DA0] =	vst v0  }
0xed: {  	[tilespmem:$0x18DB0] =	vst v0  }
0xee: {  	[tilespmem:$0x18DC0] =	vst v0  }
0xef: {  	[tilespmem:$0x18DD0] =	vst v0  }
0xf0: {  	[tilespmem:$0x18DE0] =	vst v0  }
0xf1: {  	[tilespmem:$0x18DF0] =	vst v0  }
0xf2: {  	[tilespmem:$0x18E00] =	vst v0  }
0xf3: {  	[tilespmem:$0x18E10] =	vst v0  }
0xf4: {  	[tilespmem:$0x18E20] =	vst v0  }
0xf5: {  	[tilespmem:$0x18C30] =	vst v1  }
0xf6: {  	[tilespmem:$0x18C40] =	vst v1  }
0xf7: {  	[tilespmem:$0x18C50] =	vst v1  }
0xf8: {  	[tilespmem:$0x18C60] =	vst v1  }
0xf9: {  	[tilespmem:$0x18C70] =	vst v1  }
0xfa: {  	[tilespmem:$0x18C80] =	vst v1  }
0xfb: {  	[tilespmem:$0x18C90] =	vst v1  }
0xfc: {  	[tilespmem:$0x18CA0] =	vst v1  }
0xfd: {  	[tilespmem:$0x18CB0] =	vst v1  }
0xfe: {  	[tilespmem:$0x18CC0] =	vst v1  }
0xff: {  	[tilespmem:$0x18CD0] =	vst v1  }
0x100: {  	[tilespmem:$0x18CE0] =	vst v1  }
0x101: {  	[tilespmem:$0x18CF0] =	vst v1  }
0x102: {  	[tilespmem:$0x18D00] =	vst v1  }
0x103: {  	[tilespmem:$0x18D10] =	vst v1  }
0x104: {  	[tilespmem:$0x18D20] =	vst v1  }
0x105: {  	[bflag:$0x0] =	sbarrier.arrive $0xFFFF  }
0x106: {  	s17 =	sshll.u32 s18, $0xE;
	s18 =	rddreg [dreg:$0x6]  }
0x107: {  	[tilespmem:s19], [sflag:$0x2] =	stream.linear.gather [spmem:s10], $0x6000, $0x38;
	[tilespmem:$0x1EE30] =	vst v63  }
0x108: {  	s0 =	sor.u32 s18, s17  }
0x109: {  	_ =	swait.ge [sflag:s20], $0x6000;
	s5 =	smul.u32 $0xC, s0  }
0x10a: {  	[sflag:s20] =	ssyncset.done $0x0;
	s9 =	rddreg [dreg:$0x5]  }
0x10b: {  	s8 =	simm.s32 $0x0;
	[sflag:s20] =	ssyncadd.s32 $0xFFFFA000;
	s29 =	sadd.s32 s9, s5  }
0x10c: {  	[hbm4b:s29+s8] =	stream.linear.scatter [tilespmem:s19], [sflag:$0x2], $0x6000, $0x38;
	[tilespmem:$0x1EE30] =	vst v63  }
0x10d: {  	_ =	swait.ge [sflag:s20], $0x6000  }
0x10e: {  	[sflag:s20] =	ssyncset.done $0x0  }
0x10f: {  	[sflag:s20] =	ssyncadd.s32 $0xFFFFA000  }
0x110: {  	[tilespmem:s19], [sflag:$0x2] =	stream.linear.gather [spmem:s11], $0x6000, $0x38;
	[tilespmem:$0x1EE30] =	vst v63  }
0x111: {  	_ =	swait.ge [sflag:s20], $0x6000  }
0x112: {  	[sflag:s20] =	ssyncset.done $0x0;
	s30 =	rddreg [dreg:$0x9]  }
0x113: {  	[sflag:s20] =	ssyncadd.s32 $0xFFFFA000;
	s5 =	sadd.s32 s5, s30  }
0x114: {  	[hbm4b:s5+s8] =	stream.linear.scatter [tilespmem:s19], [sflag:$0x2], $0x6000, $0x38;
	[tilespmem:$0x1EE30] =	vst v63  }
0x115: {  	_ =	swait.ge [sflag:s20], $0x6000  }
0x116: {  	[sflag:s20] =	ssyncset.done $0x0  }
0x117: {  	s0 =	smul.u32 $0x60, s0;
	[sflag:s20] =	ssyncadd.s32 $0xFFFFA000  }
0x118: {  	[tilespmem:s19], [sflag:$0x2] =	stream.linear.gather [spmem:s12], $0x6000, $0x38;
	[tilespmem:$0x1EE30] =	vst v63  }
0x119: {  	s0 =	sshrl.u32 s0, $0x3;
	_ =	swait.ge [sflag:s20], $0x6000  }
0x11a: {  	s0 =	sadd.s32 s9, s0;
	[sflag:s20] =	ssyncset.done $0x0  }
0x11b: {  	s31 =	sadd.s32 $0x1800, s0;
	[sflag:s20] =	ssyncadd.s32 $0xFFFFA000  }
0x11c: {  	[hbm4b:s31+s8] =	stream.linear.scatter [tilespmem:s19], [sflag:$0x2], $0x6000, $0x38;
	[tilespmem:$0x1EE30] =	vst v63  }
0x11d: {  	_ =	swait.ge [sflag:s20], $0x6000  }
0x11e: {  	[sflag:s20] =	ssyncset.done $0x0  }
0x11f: {  	[sflag:s20] =	ssyncadd.s32 $0xFFFFA000  }
0x120: {  	[tilespmem:s19], [sflag:$0x2] =	stream.linear.gather [spmem:s26], $0x6000, $0x38;
	[tilespmem:$0x1EE30] =	vst v63  }
0x121: {  	s3 =	sadd.s32 $0x1, s3;
	_ =	swait.ge [sflag:s20], $0x6000  }
0x122: {  	p1 =	sne.s32 s3, $0x4;
	[sflag:s20] =	ssyncset.done $0x0  }
.Ltmp3:
0x123: {  	s0 =	sadd.s32 $0x2400, s0;
	[sflag:s20] =	ssyncadd.s32 $0xFFFFA000;
	(pc) =	sbr.rel @p1 .LBB2_2-.Ltmp3, $4  }
0x124: {  	[hbm4b:s0+s8] =	stream.linear.scatter [tilespmem:s19], [sflag:$0x2], $0x6000, $0x38;
	[tilespmem:$0x1EE30] =	vst v63  }
0x125: {  	_ =	swait.ge [sflag:s20], $0x6000  }
0x126: {  	s13 =	smov.u32 s10;
	s7 =	smov.u32 s11;
	[sflag:s20] =	ssyncset.done $0x0  }
0x127: {  	s15 =	smov.u32 s12;
	s17 =	smov.u32 s26;
	[sflag:s20] =	ssyncadd.s32 $0xFFFFA000  }
0x128: {  	s3 =	rddreg [dreg:$0xb]  }
0x129: {  	s0 =	rddreg [dreg:$0xa];
	s3 =	sadd.s32 $0x1, s3  }
0x12a: {  	p1 =	sne.s32 s3, s0  }
.Ltmp4:
0x12b: {  	_ = 	snop;
	(pc) =	sbr.rel @p1 .LBB2_1-.Ltmp4, $1  }
0x12c: {  	_ =	sdelay $0x3  }
0x12d: {  	_ =	sfence.sel $0x180000  }
0x12e: {  	[bflag:$0x0] =	sbarrier.arrive $0xFFFF  }
0x12f: {  	_ =	strace $0x90000047  }
0x130: {  	s0 =	stileid.u32;
	[bflag:$0x2] =	sbarrier.arrive $0xFFFF  }
0x131: {  	p0 =	sne.s32 s0, $0x0;
	s0 =	rddreg [dreg:$0x4]  }
0x132: {  	s0 =	sadd.s32 @!p0 $0x100000, s0  }
0x133: {  	[sflag:s0] =	ssyncadd.tile.s32 @!p0 $0x1;
	_ =	shalt  }
.Lfunc_end2:
_tile_overlayer_lowered:
.L_overlay_start_2:
0x134: {  	(tag) =	ssettag $0x2  }
0x135: {  	s0 =	rddreg [dreg:$0x0];
	s2 =	stileid.u32  }
0x136: {  	s1 =	rddreg [dreg:$0x1];
	p0 =	sne.s32 s2, $0x0  }
0x137: {  	s3 =	rddreg [dreg:$0x2];
	[bflag:$0x3] =	sbarrier.arrive $0xFFFF;
	s2 =	simm.s32 @!p0 $0x1C02  }
0x138: {  	[timem:s3], [sflag:s2] =	dma.local @!p0 [hbm:s0], s1  }
0x139: {  	s0 =	simm.s32 @!p0 $0x2  }
0x13a: {  	_ =	swait.ge @!p0 [sflag:s0], s1  }
0x13b: {  	s1 =	ssub.s32 @!p0 $0x0, s1;
	[sflag:s0] =	ssyncset.done @!p0 $0x0  }
0x13c: {  	[sflag:s0] =	ssyncadd.s32 @!p0 s1  }
0x13d: {  	[bflag:$0x3] =	sbarrier.arrive $0xFFFF  }
0x13e: {  	_ =	shalt  }

// kernel: kernel.15.cloned.1.call-start
scs
__scs_entry_jumppad:
0x0: {  	(pc) =	sbr.rel $0x88, $3  }
0x1: {  	(tag) =	ssettag $0x0;
	lr =	simm.s32 $0x1  }
0x2: {  	[smem:$0x3F7E] =	sst lr;
	_ =	strace $0xD0000000  }
0x3: {  	_ = 	snop  }
0x4: {  	_ = 	snop  }
0x5: {  	_ = 	snop  }
0x6: {  	_ = 	snop  }
0x7: {  	_ = 	snop  }
__scs_overlays_trampoline_lowered:
0x8: {  	[smem:$0x3F8D] =	sst s0  }
0x9: {  	[smem:$0x3F8E] =	sst s1  }
0xa: {  	[smem:$0x3F8F] =	sst s2  }
0xb: {  	[smem:$0x3F90] =	sst s3  }
0xc: {  	[smem:$0x3F91] =	sst s4  }
0xd: {  	[smem:$0x3F92] =	sst s5  }
0xe: {  	[smem:$0x3F93] =	sst s6  }
0xf: {  	[smem:$0x3F94] =	sst s7  }
0x10: {  	[smem:$0x3F95] =	sst s8  }
0x11: {  	[smem:$0x3F96] =	sst s9;
	s0 =	simm.s32 @!p0 $0x0  }
0x12: {  	s1 =	sld [smem:$0x3F7C];
	s0 =	simm.s32 @p0 $0x1  }
0x13: {  	[smem:$0x3F97] =	sst s0;
	s0 =	simm.s32 @!p1 $0x0  }
0x14: {  	s2 =	sld [smem:$0x3F7B];
	s0 =	simm.s32 @p1 $0x1  }
0x15: {  	[smem:$0x3F98] =	sst s0;
	s0 =	simm.s32 @!p2 $0x0  }
0x16: {  	s3 =	sld [smem:$0x3FDB];
	s0 =	simm.s32 @p2 $0x1  }
0x17: {  	s4 =	simm.s32 $0x1BF5;
	[smem:$0x3F9A] =	sst s0  }
0x18: {  	s0 =	sld [smem:$0x3F7D];
	_ =	swait.ge [sflag:s4], $0x0  }
0x19: {  	s7 =	sld [smem:$0x3F7E]  }
0x1a: {  	s8 =	sadd.s32 $0xFFFFE003, lr  }
0x1b: {  	s9 =	sadd.s32 $0xFFFFFEF7, lr;
	s5 =	simm.s32 $0xFFFFFFFF;
	p2 =	slt.u32 s8, $0xFFFFF086  }
0x1c: {  	p1 =	slt.u32 s9, $0xF7A;
	s5 =	simm.s32 @!p2 $0x0  }
0x1d: {  	s5 =	simm.s32 @p1 $0x1;
	p0 =	seq.s32 s7, s2  }
0x1e: {  	s7 =	smul.u32 @!p0 $0xF7A, s2;
	p2 =	seq.s32 @!p0 s5, $0x0  }
0x1f: {  	s9 =	smul.u32 $0xF7A, s1;
	s8 =	simm.s32 @!p0 $0x1BF5;
	p2 =	por !p2, p0  }
0x20: {  	[sflag:s8] =	ssyncset.s32 @!p0 $0xFFFFF086;
	s6 =	sadd.s32 @!p0 s3, s7;
	s7 =	simm.s32 @!p0 $0x108  }
0x21: {  	s3 =	sadd.s32 s3, s9;
	s6 =	sadd.s32 @!p0 $0x88, s6;
	s7 =	simm.s32 @p2 $0x1082  }
0x22: {  	[simem:s7], [sflag:s8] =	dma.local @!p0 [hbm:s6], $0xF7A  }
0x23: {  	s9 =	sor.u32 $0xD0000000, s2;
	s6 =	simm.s32 $0x108;
	_ =	swait.ge @!p0 [sflag:s8], $0x0  }
0x24: {  	s3 =	sadd.s32 $0x88, s3;
	s6 =	simm.s32 @!p1 $0x1082;
	[sflag:s4] =	ssyncset.s32 $0xFFFFF086  }
0x25: {  	[simem:s6], [sflag:s4] =	dma.local [hbm:s3], $0xF7A  }
0x26: {  	[smem:$0x3F7E] =	sst s1;
	(tag) =	ssettag s2;
	_ =	strace s9  }
0x27: {  	s1 =	sld [smem:$0x3F8E]  }
0x28: {  	s2 =	sld [smem:$0x3F8F]  }
0x29: {  	s4 =	sld [smem:$0x3F91]  }
0x2a: {  	p0 =	seq.s32 s5, $0x0;
	s5 =	sld [smem:$0x3F92]  }
0x2b: {  	s6 =	sld [smem:$0x3F93]  }
0x2c: {  	s7 =	sld [smem:$0x3F94]  }
0x2d: {  	s3 =	simm.s32 $0x108;
	s8 =	sld [smem:$0x3F95]  }
0x2e: {  	s3 =	simm.s32 @!p0 $0x1082;
	s9 =	sld [smem:$0x3F96]  }
0x2f: {  	lr =	sadd.s32 s0, s3;
	s0 =	sld [smem:$0x3F8D]  }
0x30: {  	s3 =	sld [smem:$0x3F90]  }
0x31: {  	[smem:$0x3F99] =	sst s10  }
0x32: {  	s10 =	sld [smem:$0x3F97];
	_ =	sdelay $0x3  }
0x33: {  	p0 =	seq.s32 s10, $0x1;
	s10 =	sld [smem:$0x3F99];
	_ =	sdelay $0x3  }
0x34: {  	[smem:$0x3F99] =	sst s10  }
0x35: {  	s10 =	sld [smem:$0x3F98];
	_ =	sdelay $0x3  }
0x36: {  	p1 =	seq.s32 s10, $0x1;
	s10 =	sld [smem:$0x3F99];
	_ =	sdelay $0x3  }
0x37: {  	[smem:$0x3F99] =	sst s10  }
0x38: {  	s10 =	sld [smem:$0x3F9A]  }
0x39: {  	_ = 	snop;
	(pc) =	sbr.ind lr, $3  }
0x3a: {  	_ = 	snop  }
0x3b: {  	_ = 	snop  }
0x3c: {  	p2 =	seq.s32 s10, $0x1;
	s10 =	sld [smem:$0x3F99]  }
0x3d: {  	_ =	shalt  }
0x3e: {  	_ =	shalt  }
0x3f: {  	_ =	shalt  }
0x40: {  	_ =	shalt  }
0x41: {  	_ =	shalt  }
0x42: {  	_ =	shalt  }
0x43: {  	_ =	shalt  }
0x44: {  	_ =	shalt  }
0x45: {  	_ =	shalt  }
0x46: {  	_ =	shalt  }
0x47: {  	_ =	shalt  }
0x48: {  	_ =	shalt  }
0x49: {  	_ =	shalt  }
0x4a: {  	_ =	shalt  }
0x4b: {  	_ =	shalt  }
0x4c: {  	_ =	shalt  }
0x4d: {  	_ =	shalt  }
0x4e: {  	_ =	shalt  }
0x4f: {  	_ =	shalt  }
0x50: {  	_ =	shalt  }
0x51: {  	_ =	shalt  }
0x52: {  	_ =	shalt  }
0x53: {  	_ =	shalt  }
0x54: {  	_ =	shalt  }
0x55: {  	_ =	shalt  }
0x56: {  	_ =	shalt  }
0x57: {  	_ =	shalt  }
0x58: {  	_ =	shalt  }
0x59: {  	_ =	shalt  }
0x5a: {  	_ =	shalt  }
0x5b: {  	_ =	shalt  }
0x5c: {  	_ =	shalt  }
0x5d: {  	_ =	shalt  }
0x5e: {  	_ =	shalt  }
0x5f: {  	_ =	shalt  }
0x60: {  	_ =	shalt  }
0x61: {  	_ =	shalt  }
0x62: {  	_ =	shalt  }
0x63: {  	_ =	shalt  }
0x64: {  	_ =	shalt  }
0x65: {  	_ =	shalt  }
0x66: {  	_ =	shalt  }
0x67: {  	_ =	shalt  }
0x68: {  	_ =	shalt  }
0x69: {  	_ =	shalt  }
0x6a: {  	_ =	shalt  }
0x6b: {  	_ =	shalt  }
0x6c: {  	_ =	shalt  }
0x6d: {  	_ =	shalt  }
0x6e: {  	_ =	shalt  }
0x6f: {  	_ =	shalt  }
0x70: {  	_ =	shalt  }
0x71: {  	_ =	shalt  }
0x72: {  	_ =	shalt  }
0x73: {  	_ =	shalt  }
0x74: {  	_ =	shalt  }
0x75: {  	_ =	shalt  }
0x76: {  	_ =	shalt  }
0x77: {  	_ =	shalt  }
0x78: {  	_ =	shalt  }
0x79: {  	_ =	shalt  }
0x7a: {  	_ =	shalt  }
0x7b: {  	_ =	shalt  }
0x7c: {  	_ =	shalt  }
0x7d: {  	_ =	shalt  }
0x7e: {  	_ =	shalt  }
0x7f: {  	_ =	shalt  }
0x80: {  	_ =	shalt  }
0x81: {  	_ =	shalt  }
0x82: {  	_ =	shalt  }
0x83: {  	_ =	shalt  }
0x84: {  	_ =	shalt  }
0x85: {  	_ =	shalt  }
0x86: {  	_ =	shalt  }
0x87: {  	_ =	shalt  }
.Lfunc_end0:
.L_simem_size_0:
called_computation.2_lowered:
.L_overlay_start_0:
0x88: {  	s2 =	sld [smem:$0x3FD9]  }
0x89: {  	s3 =	sld [smem:$0x3FFE];
	_ =	sdelay $0x1  }
0x8a: {  	s1 =	srdreg.scid  }
0x8b: {  	s0 =	sand.u32 $0x1, s1  }
0x8c: {  	s17 =	sshll.u32 s0, $0xA;
	s2 =	sadd.s32 s3, s2  }
0x8d: {  	s2 =	sadd.s32 s2, s17  }
0x8e: {  	[smem:$0x3FA5] =	sst s2  }
0x8f: {  	_ = 	snop  }
0x90: {  	s2 =	sld [smem:$0x3FA7]  }
0x91: {  	s18 =	sld [smem:$0x3FD0];
	(tm) =	ssettm $0x1  }
0x92: {  	s4 =	sld [smem:$0x3FFB];
	_ =	sdelay $0x3  }
0x93: {  	_ =	strace s4  }
0x94: {  	s4 =	sld [smem:$0x3FFC];
	_ =	sdelay $0x3  }
0x95: {  	_ =	strace s4  }
0x96: {  	s4 =	sld [smem:$0x3FFD];
	_ =	sdelay $0x3  }
0x97: {  	_ =	strace s4  }
0x98: {  	_ =	strace $0x8FFFFFFF  }
0x99: {  	s19 =	sld [smem:$0x3FDB];
	_ =	sdelay $0x1  }
0x9a: {  	s5 =	simm.s32 $_scs_section_size  }
0x9b: {  	s6 =	simm.s32 $_size__tile_overlayer_lowered;
	s7 =	simm.s32 $_tile_overlayer_lowered  }
0x9c: {  	s22 =	simm.s32 $0x1BFF;
	s21 =	sshll.u32 s7, $0x1;
	s4 =	sadd.s32 s5, s19  }
0x9d: {  	s8 =	simm.s32 $0x0;
	s20 =	sshll.u32 s6, $0x1;
	s6 =	sadd.s32 s21, s4  }
0x9e: {  	[timem:s8], [sflag:s22] =	dma.local [hbm:s6], s20  }
0x9f: {  	_ =	swait.ge [sflag:s22], s20  }
0xa0: {  	s5 =	ssub.s32 $0x0, s20;
	[sflag:s22] =	ssyncset.done $0x0  }
0xa1: {  	[sflag:s22] =	ssyncadd.s32 s5;
	_ =	sdelay $0x1  }
0xa2: {  	s23 =	simm.s32 $0x1B8B  }
0xa3: {  	_ =	swait.ge [sflag:s23], $0x1  }
0xa4: {  	[sflag:s23] =	ssyncset.done $0x0  }
0xa5: {  	s25 =	simm.s32 $0x1B8E;
	s24 =	sld [smem:$0x3FFE];
	[sflag:s23] =	ssyncadd.s32 $0xFFFFFFFF  }
0xa6: {  	s26 =	simm.s32 $execute0_lowered;
	[smem:$0x3FD2] =	sst s25  }
0xa7: {  	s6 =	sshll.u32 s26, $0x1;
	_ =	strace $0x8000004C;
	[dreg:$0x1] =	wrdreg $0xFFFFFFFF  }
0xa8: {  	s28 =	simm.s32 $_size_execute0_lowered;
	s4 =	sadd.s32 s4, s6;
	[dreg:$0x0] =	wrdreg $0x0  }
0xa9: {  	s6 =	sshll.u32 s28, $0x1;
	[dreg:$0x2] =	wrdreg s4  }
0xaa: {  	[dreg:$0x3] =	wrdreg s6  }
0xab: {  	[dreg:$0x4] =	wrdreg $0xC0  }
0xac: {  	_ =	task [dreg:s8], $0x5FFFF  }
0xad: {  	[dreg:$0x1] =	wrdreg $0xFFFFFFFF  }
0xae: {  	[dreg:$0x0] =	wrdreg $0x60  }
0xaf: {  	[dreg:$0x2] =	wrdreg s18  }
0xb0: {  	[dreg:$0x3] =	wrdreg s24  }
0xb1: {  	[dreg:$0x4] =	wrdreg s2  }
0xb2: {  	[dreg:$0x5] =	wrdreg $0x0  }
0xb3: {  	[dreg:$0x6] =	wrdreg $0x9  }
0xb4: {  	_ =	task.clear_ibuf [dreg:s8], $0x7FFFF;
	_ =	strace $0x9000004C  }
0xb5: {  	s29 =	simm.s32 $0x9;
	_ =	strace $0x8000004E  }
0xb6: {  	_ =	swait.ge [sflag:s29], $0x1  }
0xb7: {  	[sflag:s29] =	ssyncadd.s32 $0xFFFFFFFF  }
0xb8: {  	_ =	strace $0x9000004E  }
0xb9: {  	_ =	sfence  }
0xba: {  	s30 =	sld [smem:$0x0];
	_ =	sdelay $0x2  }
0xbb: {  	s31 =	sshll.u32 s1, $0xD;
	s1 =	sshrl.u32 s1, $0x2  }
0xbc: {  	s3 =	sand.u32 $0x4000, s31;
	s1 =	sadd.s32 s1, s30  }
0xbd: {  	s0 =	sor.u32 s3, s0;
	s1 =	sshll.u32 s1, $0x11  }
0xbe: {  	s0 =	sor.u32 s1, s0  }
0xbf: {  	s0 =	sadd.s32 $0x8F2B, s0  }
0xc0: {  	[sflag:s0] =	ssyncadd.remote.s32 $0x1  }
0xc1: {  	_ =	sfence.sel $0xFFFF  }
0xc2: {  	[dreg:$0x0] =	wrdreg $0xFFFFFFFF;
	(pc) =	sbr.abs _section_cstart, $3  }
0xc3: {  	[dreg:$0x1] =	wrdreg $0xFFFFFFFF  }
0xc4: {  	_ =	task.clear_ibuf [dreg:s8], $0x2FFFF;
	_ =	strace $0x9FFFFFFF  }
0xc5: {  	(tm) =	ssettm $0x7FFFFFFF  }
tec
execute0_lowered:
.L_overlay_start_1:
0x0: {  	(tag) =	ssettag $0x1  }
0x1: {  	s1 =	rddreg [dreg:$0x0]  }
0x2: {  	s0 =	rddreg [dreg:$0x1]  }
0x3: {  	s2 =	rddreg [dreg:$0x2]  }
0x4: {  	s4 =	rddreg [dreg:$0x3];
	s6 =	simm.s32 $0x0  }
0x5: {  	s3 =	srdreg.scid;
	s5 =	stileid.u32;
	s19 =	simm.s32 $0x18E30  }
0x6: {  	s20 =	simm.s32 $0x2;
	s21 =	simm.s32 $0x18030;
	s22 =	simm.s32 $0x18430  }
0x7: {  	s23 =	simm.s32 $0x18830;
	s24 =	simm.s32 $0x18D30;
	s25 =	simm.s32 $0x18C30  }
0x8: {  	s28 =	simm.s32 $0x1;
	[smem:$0x7FF] =	sst s6;
	s7 =	smul.u32 $0x60000, s5  }
0x9: {  	s3 =	sand.u32 $0x1, s3;
	s6 =	sadd.s32 $0x186600, s0;
	s26 =	sadd.s32 $0x246600, s0  }
0xa: {  	s29 =	sshll.u32 s5, $0xA;
	s30 =	sadd.s32 $0x180000, s4;
	s14 =	sshll.u32 s5, $0xD  }
0xb: {  	s16 =	sadd.s32 $0x1A6600, s0;
	_ =	strace $0x8000004D;
	[dreg:$0x5] =	wrdreg s26  }
0xc: {  	s0 =	sadd.s32 $0x247200, s0;
	p0 =	sne.s32 s5, $0xF;
	[dreg:$0x6] =	wrdreg s29  }
0xd: {  	s8 =	ssub.s32 $0x2, s3;
	[dreg:$0x7] =	wrdreg s30;
	s3 =	sshll.u32 s3, $0x2  }
0xe: {  	[dreg:$0x9] =	wrdreg s0;
	s9 =	sshrl.u32 s8, $0x1;
	s10 =	sshrl.u32 s7, $0x2  }
0xf: {  	[dreg:$0x8] =	wrdreg s3;
	s9 =	ssub.s32 s8, s9;
	s13 =	sadd.s32 s10, s4  }
0x10: {  	v0 =	vimm.s32 $0x4000;
	v3 =	vlaneseq.u32;
	s3 =	simm.s32 $0x0;
	s7 =	sadd.s32 $0x6000, s13;
	s31 =	smax.u32 s9, $0x1  }
0x11: {  	v1 =	vimm.s32 $0x0;
	v2 =	vimm.f32 $0.0e+00;
	v3 =	vor.u32 $0xF0, v3;
	s15 =	sadd.s32 $0xC000, s13;
	s17 =	sadd.s32 $0x12000, s13;
	[dreg:$0xa] =	wrdreg s31  }
.LBB2_1:
0x12: {  	[tilespmem:$0x18D30] =	vst v0  }
0x13: {  	[tilespmem:$0x18D40] =	vst v0  }
0x14: {  	[tilespmem:$0x18D50] =	vst v0  }
0x15: {  	[tilespmem:$0x18D60] =	vst v0  }
0x16: {  	[tilespmem:$0x18D70] =	vst v0  }
0x17: {  	[tilespmem:$0x18D80] =	vst v0  }
0x18: {  	[tilespmem:$0x18D90] =	vst v0  }
0x19: {  	[tilespmem:$0x18DA0] =	vst v0  }
0x1a: {  	[tilespmem:$0x18DB0] =	vst v0  }
0x1b: {  	[tilespmem:$0x18DC0] =	vst v0  }
0x1c: {  	[tilespmem:$0x18DD0] =	vst v0  }
0x1d: {  	[tilespmem:$0x18DE0] =	vst v0  }
0x1e: {  	[tilespmem:$0x18DF0] =	vst v0  }
0x1f: {  	[tilespmem:$0x18E00] =	vst v0  }
0x20: {  	[tilespmem:$0x18E10] =	vst v0  }
0x21: {  	[tilespmem:$0x18E20] =	vst v0  }
0x22: {  	[tilespmem:$0x18C30] =	vst v1  }
0x23: {  	[tilespmem:$0x18C40] =	vst v1  }
0x24: {  	[tilespmem:$0x18C50] =	vst v1  }
0x25: {  	[tilespmem:$0x18C60] =	vst v1  }
0x26: {  	[tilespmem:$0x18C70] =	vst v1  }
0x27: {  	[tilespmem:$0x18C80] =	vst v1  }
0x28: {  	[tilespmem:$0x18C90] =	vst v1  }
0x29: {  	[tilespmem:$0x18CA0] =	vst v1  }
0x2a: {  	[tilespmem:$0x18CB0] =	vst v1  }
0x2b: {  	[tilespmem:$0x18CC0] =	vst v1  }
0x2c: {  	[tilespmem:$0x18CD0] =	vst v1  }
0x2d: {  	[tilespmem:$0x18CE0] =	vst v1  }
0x2e: {  	[tilespmem:$0x18CF0] =	vst v1  }
0x2f: {  	[tilespmem:$0x18D00] =	vst v1  }
0x30: {  	[tilespmem:$0x18D10] =	vst v1  }
0x31: {  	[dreg:$0xb] =	wrdreg s3;
	[tilespmem:$0x18D20] =	vst v1;
	s3 =	simm.s32 $0x0  }
.LBB2_2:
0x32: {  	s0 =	simm.s32 $0x50  }
0x33: {  	[tilespmem:s0+$0x18E30] =	vst v2  }
0x34: {  	[tilespmem:s0+$0x18DE0] =	vst v2  }
0x35: {  	[tilespmem:s0+$0x18DF0] =	vst v2  }
0x36: {  	[tilespmem:s0+$0x18E00] =	vst v2  }
0x37: {  	s9 =	simm.s32 $0x2C0;
	[tilespmem:s0+$0x18E10] =	vst v2  }
.LBB2_3:
0x38: {  	p1 =	sne.s32 s9, $0x17FC0;
	[tilespmem:s0+$0x18E20] =	vst v2;
	s0 =	sshra.s32 s9, $0x2;
	s9 =	sadd.s32 $0x180, s9  }
.Ltmp0:
0x39: {  	[tilespmem:s0+$0x18E30] =	vst v2;
	(pc) =	sbr.rel @p1 .LBB2_3-.Ltmp0, $4  }
0x3a: {  	[tilespmem:s0+$0x18DE0] =	vst v2  }
0x3b: {  	[tilespmem:s0+$0x18DF0] =	vst v2  }
0x3c: {  	[tilespmem:s0+$0x18E00] =	vst v2  }
0x3d: {  	[tilespmem:s0+$0x18E10] =	vst v2  }
0x3e: {  	[tilespmem:s0+$0x18E20] =	vst v2  }
0x3f: {  	[spmem:s13] =	stream.linear.scatter [tilespmem:s19], [sflag:$0x2], $0x6000, $0x38;
	[tilespmem:$0x1EE30] =	vst v63  }
0x40: {  	_ =	swait.ge [sflag:s20], $0x6000  }
0x41: {  	[sflag:s20] =	ssyncset.done $0x0  }
0x42: {  	[sflag:s20] =	ssyncadd.s32 $0xFFFFA000  }
0x43: {  	[spmem:s7] =	stream.linear.scatter [tilespmem:s19], [sflag:$0x2], $0x6000, $0x38;
	[tilespmem:$0x1EE30] =	vst v63  }
0x44: {  	_ =	swait.ge [sflag:s20], $0x6000  }
0x45: {  	[sflag:s20] =	ssyncset.done $0x0  }
0x46: {  	[sflag:s20] =	ssyncadd.s32 $0xFFFFA000  }
0x47: {  	[spmem:s15] =	stream.linear.scatter [tilespmem:s19], [sflag:$0x2], $0x6000, $0x38;
	[tilespmem:$0x1EE30] =	vst v63  }
0x48: {  	_ =	swait.ge [sflag:s20], $0x6000  }
0x49: {  	[sflag:s20] =	ssyncset.done $0x0  }
0x4a: {  	[sflag:s20] =	ssyncadd.s32 $0xFFFFA000  }
0x4b: {  	[spmem:s17] =	stream.linear.scatter [tilespmem:s19], [sflag:$0x2], $0x6000, $0x38;
	[tilespmem:$0x1EE30] =	vst v63  }
0x4c: {  	_ =	swait.ge [sflag:s20], $0x6000  }
0x4d: {  	[sflag:s20] =	ssyncset.done $0x0  }
0x4e: {  	s0 =	simm.s32 @!p0 $0x18E30;
	s5 =	rddreg [dreg:$0x7];
	[sflag:s20] =	ssyncadd.s32 $0xFFFFA000  }
0x4f: {  	[spmem:s5] =	stream.linear.scatter @!p0 [tilespmem:s0], [sflag:$0x2], $0x300, $0x38;
	[tilespmem:$0x1EE30] =	vst v63  }
0x50: {  	s0 =	simm.s32 @!p0 $0x2  }
0x51: {  	_ =	swait.ge @!p0 [sflag:s0], $0x300  }
0x52: {  	s10 =	smov.u32 s13;
	s18 =	rddreg [dreg:$0x8]  }
0x53: {  	s11 =	smov.u32 s7;
	s12 =	smov.u32 s15;
	s18 =	sadd.s32 s18, s3  }
0x54: {  	s26 =	smov.u32 s17;
	[sflag:s0] =	ssyncset.done @!p0 $0x0;
	s9 =	sshll.u32 s18, $0xC  }
0x55: {  	s29 =	simm.s32 $0x0;
	[sflag:s0] =	ssyncadd.s32 @!p0 $0xFFFFFD00;
	s30 =	sadd.s32 $0x1000, s9  }
0x56: {  	s31 =	simm.s32 $0x0;
	s0 =	simm.s32 $0x0;
	[bflag:$0x0] =	sbarrier.arrive $0xFFFF;
	v4 =	vmov s9;
	v5 =	vmov s30  }
.LBB2_5:
0x57: {  	s9 =	sshll.u32 s31, $0x7  }
0x58: {  	s9 =	sadd.s32 s14, s9  }
0x59: {  	s13 =	sadd.s32 s6, s9  }
0x5a: {  	[tilespmem:s21], [sflag:$0x2] =	stream.linear.gather [hbm4b:s13+s0], $0x400, $0x38;
	[tilespmem:$0x1EE30] =	vst v63  }
0x5b: {  	_ =	swait.ge [sflag:s20], $0x400  }
0x5c: {  	[sflag:s20] =	ssyncset.done $0x0  }
0x5d: {  	s7 =	sadd.s32 s9, s16;
	[sflag:s20] =	ssyncadd.s32 $0xFFFFFC00  }
0x5e: {  	[tilespmem:s22], [sflag:$0x2] =	stream.linear.gather [hbm4b:s7+s0], $0x400, $0x38;
	[tilespmem:$0x1EE30] =	vst v63  }
0x5f: {  	_ =	swait.ge [sflag:s20], $0x400  }
0x60: {  	[sflag:s20] =	ssyncset.done $0x0  }
0x61: {  	s9 =	sadd.s32 s2, s9;
	[sflag:s20] =	ssyncadd.s32 $0xFFFFFC00  }
0x62: {  	[tilespmem:s23], [sflag:$0x2] =	stream.linear.gather [hbm4b:s9+s0], $0x400, $0x38;
	[tilespmem:$0x1EE30] =	vst v63  }
0x63: {  	_ =	swait.ge [sflag:s20], $0x400  }
0x64: {  	[sflag:s20] =	ssyncset.done $0x0  }
0x65: {  	s8 =	simm.s32 $0x0;
	p1 =	slt.s32 s29, $0xE1;
	[sflag:s20] =	ssyncadd.s32 $0xFFFFFC00  }
0x66: {  	s15 =	simm.s32 @!p1 $0x18C30;
	s17 =	simm.s32 @!p1 $0x18E30;
	v7 =	vld [tilespmem:s8+$0x18830]  }
0x67: {  	s30 =	simm.s32 @!p1 $0x1;
	s13 =	simm.s32 @!p1 $0x80;
	p1 =	por p1, p1;
	v6 =	vld [tilespmem:s8+$0x18430]  }
0x68: {  	v8 =	vld [tilespmem:s8+$0x18030];
	[tilespmem:s17], [sflag:$0x1] =	stream.indirect.gather @!p1 [hbm4b:s1+s13], $0x60, s15, s13, $0xb8  }
0x69: {  	_ =	swait.ge @!p1 [sflag:s30], $0x3000  }
0x6a: {  	[sflag:s30] =	ssyncset.done @!p1 $0x0  }
0x6b: {  	s9 =	simm.s32 @!p1 $0x1BE30;
	s15 =	simm.s32 @!p1 $0x18CB0;
	[sflag:s30] =	ssyncadd.s32 @!p1 $0xFFFFD000  }
0x6c: {  	[tilespmem:s9], [sflag:$0x1] =	stream.indirect.gather @!p1 [hbm4b:s1+s13], $0x60, s15, s13, $0xb8;
	vm0 =	vge.s32 v6, v4;
	vm1 =	vlt.s32 v6, v5;
	[tilespmem:$0x1EE30] =	vst v63  }
0x6d: {  	_ =	swait.ge @!p1 [sflag:s30], $0x3000;
	vm0 =	vmand vm0, vm1  }
0x6e: {  	[sflag:s30] =	ssyncset.done @!p1 $0x0;
	v9 =	vsel vm0, $0x1, v1  }
0x6f: {  	s5 =	simm.s32 @!p1 $0x18D30;
	s15 =	simm.s32 @!p1 $0x2;
	[sflag:s30] =	ssyncadd.s32 @!p1 $0xFFFFD000;
	(xrf0) =	vadd.scan.msk.s32 $0xffff, v9  }
0x70: {  	[spmem:s4] =	stream.indirect.scatter.add.f32 @!p1 [tilespmem:s17], [sflag:$0x2], $0x60, s5, s13, $0xb8;
	[tilespmem:$0x1EE30] =	vst v63  }
0x71: {  	p2 =	sgt.s32 s29, $0xE0;
	_ =	swait.ge @!p1 [sflag:s15], $0x3000  }
0x72: {  	s29 =	simm.s32 @p2 $0x0;
	v6 =	vsub.s32 v6, v4;
	[sflag:s15] =	ssyncset.done @!p1 $0x0  }
0x73: {  	v11 =	vshll.u32 v6, $0x2;
	v6 =	vimm.s32 @!p1 $0x4000;
	v9 =	vmov s29;
	s5 =	simm.s32 @!p1 $0x18DB0;
	[sflag:s15] =	ssyncadd.s32 @!p1 $0xFFFFD000  }
0x74: {  	v11 =	vadd.s32 v7, v11;
	v7 =	vnsel vm0, $0x0, v8;
	v9 =	vadd.s32 $0xFFFFFFFF, v9;
	[spmem:s4] =	stream.indirect.scatter.add.f32 @!p1 [tilespmem:s9], [sflag:$0x2], $0x60, s5, s13, $0xb8;
	[tilespmem:$0x1EE30] =	vst v63  }
0x75: {  	v8 =	vnsel vm0, $0x4000, v11;
	v10 =	vbroadcast v9, $0x0;
	v9 =	vimm.s32 @!p1 $0x0;
	s9 =	simm.s32 $0x40  }
.LBB2_6:
0x76: {  	_ =	swait.ge @!p1 [sflag:s15], $0x3000  }
0x77: {  	s5 =	smov.u32 s9;
	s9 =	sadd.s32 $0x40, s9;
	v11, _, _ =	vpop (xrf0)  }
0x78: {  	p2 =	sne.s32 s9, $0x1000;
	[sflag:s15] =	ssyncset.done @!p1 $0x0;
	v10 =	vadd.s32 v11, v10;
	(v2sf) =	vpush v11, $0xF  }
0x79: {  	[sflag:s15] =	ssyncadd.s32 @!p1 $0xFFFFD000  }
0x7a: {  	[tilespmem:$0x18D90] =	vst @!p1 v6  }
0x7b: {  	[tilespmem:$0x18D30] =	vst @!p1 v6  }
0x7c: {  	[tilespmem:$0x18CB0] =	vst @!p1 v9  }
0x7d: {  	[tilespmem:$0x18D50] =	vst @!p1 v6  }
0x7e: {  	[tilespmem:$0x18D60] =	vst @!p1 v6  }
0x7f: {  	[tilespmem:$0x18D70] =	vst @!p1 v6  }
0x80: {  	[tilespmem:$0x18D80] =	vst @!p1 v6  }
0x81: {  	[tilespmem:$0x18DB0] =	vst @!p1 v6  }
0x82: {  	[tilespmem:$0x18DC0] =	vst @!p1 v6  }
0x83: {  	[tilespmem:$0x18DD0] =	vst @!p1 v6  }
0x84: {  	[tilespmem:$0x18DE0] =	vst @!p1 v6  }
0x85: {  	[tilespmem:$0x18DF0] =	vst @!p1 v6  }
0x86: {  	[tilespmem:$0x18E00] =	vst @!p1 v6  }
0x87: {  	[tilespmem:$0x18E10] =	vst @!p1 v6;
	s13 =	spop (v2sf)  }
0x88: {  	[tilespmem:$0x18E20] =	vst @!p1 v6;
	s29 =	sadd.s32 s29, s13  }
0x89: {  	[tilespmem:$0x18C30] =	vst @!p1 v9  }
0x8a: {  	[tilespmem:$0x18C40] =	vst @!p1 v9  }
0x8b: {  	[tilespmem:$0x18C50] =	vst @!p1 v9  }
0x8c: {  	s5 =	sshra.s32 s5, $0x2;
	[tilespmem:$0x18C60] =	vst @!p1 v9  }
0x8d: {  	[tilespmem:$0x18C70] =	vst @!p1 v9  }
0x8e: {  	p3 =	slt.s32 s29, $0xE1;
	[tilespmem:$0x18C80] =	vst @!p1 v9  }
0x8f: {  	s13 =	simm.s32 @!p3 $0x80;
	s15 =	simm.s32 @!p3 $0x18C30;
	s17 =	simm.s32 @!p3 $0x18E30;
	[tilespmem:$0x18C90] =	vst @!p1 v9  }
0x90: {  	[tilespmem:$0x18CA0] =	vst @!p1 v9  }
0x91: {  	s30 =	simm.s32 @!p3 $0x1;
	[tilespmem:$0x18DA0] =	vst @!p1 v6  }
0x92: {  	[tilespmem:$0x18CC0] =	vst @!p1 v9  }
0x93: {  	[tilespmem:$0x18CD0] =	vst @!p1 v9  }
0x94: {  	[tilespmem:$0x18CE0] =	vst @!p1 v9  }
0x95: {  	v10 =	vsel vm0, v10, v3;
	[tilespmem:$0x18CF0] =	vst @!p1 v9  }
0x96: {  	[tilespmem:$0x18D00] =	vst @!p1 v9  }
0x97: {  	[tilespmem:$0x18D10] =	vst @!p1 v9  }
0x98: {  	[tilespmem:$0x18D20] =	vst @!p1 v9  }
0x99: {  	p4 =	sgt.s32 s29, $0xE0;
	[tilespmem:$0x18D40] =	vst @!p1 v6;
	p1 =	por p3, p3  }
0x9a: {  	s29 =	simm.s32 @p4 $0x0;
	[tilespmem:v10+s24+$0x0] =	vst.idx.msk $0xffff, v8  }
0x9b: {  	[tilespmem:v10+s25+$0x0] =	vst.idx.msk $0xffff, v7  }
0x9c: {  	v6 =	vmov s29;
	s7 =	simm.s32 @!p1 $0x1BE30;
	v7 =	vld [tilespmem:s5+$0x18830]  }
0x9d: {  	v6 =	vadd.s32 $0xFFFFFFFF, v6;
	v8 =	vld [tilespmem:s5+$0x18030]  }
0x9e: {  	v9 =	vld [tilespmem:s5+$0x18430];
	s5 =	simm.s32 @!p1 $0x18CB0  }
0x9f: {  	v10 =	vbroadcast v6, $0x0;
	[tilespmem:s17], [sflag:$0x1] =	stream.indirect.gather @!p1 [hbm4b:s1+s13], $0x60, s15, s13, $0xb8;
	[tilespmem:$0x1EE30] =	vst v63  }
0xa0: {  	_ =	swait.ge @!p1 [sflag:s30], $0x3000  }
0xa1: {  	v6 =	vimm.s32 @!p1 $0x4000;
	s15 =	simm.s32 @!p1 $0x2;
	[sflag:s30] =	ssyncset.done @!p1 $0x0  }
0xa2: {  	s8 =	simm.s32 @!p1 $0x18D30;
	[sflag:s30] =	ssyncadd.s32 @!p1 $0xFFFFD000  }
0xa3: {  	vm0 =	vge.s32 v9, v4;
	vm1 =	vlt.s32 v9, v5;
	v9 =	vsub.s32 v9, v4;
	[tilespmem:s7], [sflag:$0x1] =	stream.indirect.gather @!p1 [hbm4b:s1+s13], $0x60, s5, s13, $0xb8;
	[tilespmem:$0x1EE30] =	vst v63  }
0xa4: {  	s5 =	simm.s32 @!p1 $0x18DB0;
	vm0 =	vmand vm0, vm1;
	v11 =	vshll.u32 v9, $0x2;
	_ =	swait.ge @!p1 [sflag:s30], $0x3000;
	v9 =	vimm.s32 @!p1 $0x0  }
0xa5: {  	v11 =	vadd.s32 v7, v11;
	v7 =	vnsel vm0, $0x0, v8;
	[sflag:s30] =	ssyncset.done @!p1 $0x0;
	v12 =	vsel vm0, $0x1, v1  }
0xa6: {  	v8 =	vnsel vm0, $0x4000, v11;
	[sflag:s30] =	ssyncadd.s32 @!p1 $0xFFFFD000;
	(xrf0) =	vadd.scan.msk.s32 $0xffff, v12  }
0xa7: {  	[spmem:s4] =	stream.indirect.scatter.add.f32 @!p1 [tilespmem:s17], [sflag:$0x2], $0x60, s8, s13, $0xb8;
	[tilespmem:$0x1EE30] =	vst v63  }
.Ltmp1:
0xa8: {  	_ = 	snop;
	(pc) =	sbr.rel @p2 .LBB2_6-.Ltmp1, $4  }
0xa9: {  	_ =	swait.ge @!p1 [sflag:s15], $0x3000  }
0xaa: {  	[sflag:s15] =	ssyncset.done @!p1 $0x0  }
0xab: {  	[sflag:s15] =	ssyncadd.s32 @!p1 $0xFFFFD000  }
0xac: {  	[spmem:s4] =	stream.indirect.scatter.add.f32 @!p1 [tilespmem:s7], [sflag:$0x2], $0x60, s5, s13, $0xb8;
	[tilespmem:$0x1EE30] =	vst v63  }
0xad: {  	_ =	swait.ge @!p1 [sflag:s15], $0x3000  }
0xae: {  	[sflag:s15] =	ssyncset.done @!p1 $0x0  }
0xaf: {  	[sflag:s15] =	ssyncadd.s32 @!p1 $0xFFFFD000  }
0xb0: {  	[tilespmem:$0x18D90] =	vst @!p1 v6  }
0xb1: {  	[tilespmem:$0x18D30] =	vst @!p1 v6  }
0xb2: {  	[tilespmem:$0x18CB0] =	vst @!p1 v9  }
0xb3: {  	[tilespmem:$0x18D50] =	vst @!p1 v6  }
0xb4: {  	[tilespmem:$0x18D60] =	vst @!p1 v6  }
0xb5: {  	[tilespmem:$0x18D70] =	vst @!p1 v6  }
0xb6: {  	[tilespmem:$0x18D80] =	vst @!p1 v6  }
0xb7: {  	[tilespmem:$0x18DB0] =	vst @!p1 v6  }
0xb8: {  	[tilespmem:$0x18DC0] =	vst @!p1 v6  }
0xb9: {  	[tilespmem:$0x18DD0] =	vst @!p1 v6  }
0xba: {  	[tilespmem:$0x18DE0] =	vst @!p1 v6  }
0xbb: {  	[tilespmem:$0x18DF0] =	vst @!p1 v6  }
0xbc: {  	[tilespmem:$0x18E00] =	vst @!p1 v6  }
0xbd: {  	[tilespmem:$0x18E10] =	vst @!p1 v6  }
0xbe: {  	[tilespmem:$0x18E20] =	vst @!p1 v6  }
0xbf: {  	[tilespmem:$0x18C30] =	vst @!p1 v9  }
0xc0: {  	[tilespmem:$0x18C40] =	vst @!p1 v9  }
0xc1: {  	[tilespmem:$0x18C50] =	vst @!p1 v9  }
0xc2: {  	[tilespmem:$0x18C60] =	vst @!p1 v9  }
0xc3: {  	v11, _, _ =	vpop (xrf0);
	[tilespmem:$0x18C70] =	vst @!p1 v9  }
0xc4: {  	(v2sf) =	vpush v11, $0xF;
	[tilespmem:$0x18C80] =	vst @!p1 v9  }
0xc5: {  	[tilespmem:$0x18C90] =	vst @!p1 v9  }
0xc6: {  	[tilespmem:$0x18CA0] =	vst @!p1 v9  }
0xc7: {  	[tilespmem:$0x18DA0] =	vst @!p1 v6  }
0xc8: {  	[tilespmem:$0x18CC0] =	vst @!p1 v9  }
0xc9: {  	[tilespmem:$0x18CD0] =	vst @!p1 v9  }
0xca: {  	[tilespmem:$0x18CE0] =	vst @!p1 v9  }
0xcb: {  	[tilespmem:$0x18CF0] =	vst @!p1 v9  }
0xcc: {  	[tilespmem:$0x18D00] =	vst @!p1 v9  }
0xcd: {  	v10 =	vadd.s32 v11, v10;
	[tilespmem:$0x18D10] =	vst @!p1 v9  }
0xce: {  	s31 =	sadd.s32 $0x1, s31;
	v10 =	vsel vm0, v10, v3;
	[tilespmem:$0x18D20] =	vst @!p1 v9  }
0xcf: {  	[tilespmem:$0x18D40] =	vst @!p1 v6;
	p1 =	sne.s32 s31, $0x40  }
.Ltmp2:
0xd0: {  	_ = 	snop;
	(pc) =	sbr.rel @p1 .LBB2_5-.Ltmp2, $3  }
0xd1: {  	_ =	sdelay $0x1  }
0xd2: {  	[tilespmem:v10+s24+$0x0] =	vst.idx.msk $0xffff, v8;
	s5 =	spop (v2sf)  }
0xd3: {  	[tilespmem:v10+s25+$0x0] =	vst.idx.msk $0xffff, v7;
	s29 =	sadd.s32 s29, s5  }
0xd4: {  	s0 =	simm.s32 $0x80  }
0xd5: {  	[tilespmem:s19], [sflag:$0x1] =	stream.indirect.gather [hbm4b:s1+s0], $0x60, s25, s0, $0xb8;
	[tilespmem:$0x1EE30] =	vst v63  }
0xd6: {  	_ =	swait.ge [sflag:s28], $0x3000  }
0xd7: {  	[sflag:s28] =	ssyncset.done $0x0  }
0xd8: {  	s5 =	simm.s32 $0x18CB0;
	s7 =	simm.s32 $0x1BE30;
	[sflag:s28] =	ssyncadd.s32 $0xFFFFD000  }
0xd9: {  	[tilespmem:s7], [sflag:$0x1] =	stream.indirect.gather [hbm4b:s1+s0], $0x60, s5, s0, $0xb8;
	[tilespmem:$0x1EE30] =	vst v63  }
0xda: {  	_ =	swait.ge [sflag:s28], $0x3000  }
0xdb: {  	[sflag:s28] =	ssyncset.done $0x0  }
0xdc: {  	[sflag:s28] =	ssyncadd.s32 $0xFFFFD000  }
0xdd: {  	[spmem:s4] =	stream.indirect.scatter.add.f32 [tilespmem:s19], [sflag:$0x2], $0x60, s24, s0, $0xb8;
	[tilespmem:$0x1EE30] =	vst v63  }
0xde: {  	_ =	swait.ge [sflag:s20], $0x3000  }
0xdf: {  	[sflag:s20] =	ssyncset.done $0x0  }
0xe0: {  	s15 =	simm.s32 $0x18DB0;
	[sflag:s20] =	ssyncadd.s32 $0xFFFFD000  }
0xe1: {  	[spmem:s4] =	stream.indirect.scatter.add.f32 [tilespmem:s7], [sflag:$0x2], $0x60, s15, s0, $0xb8;
	[tilespmem:$0x1EE30] =	vst v63  }
0xe2: {  	_ =	swait.ge [sflag:s20], $0x3000  }
0xe3: {  	[sflag:s20] =	ssyncset.done $0x0  }
0xe4: {  	[sflag:s20] =	ssyncadd.s32 $0xFFFFD000  }
0xe5: {  	[tilespmem:$0x18D30] =	vst v0  }
0xe6: {  	[tilespmem:$0x18D40] =	vst v0  }
0xe7: {  	[tilespmem:$0x18D50] =	vst v0  }
0xe8: {  	[tilespmem:$0x18D60] =	vst v0  }
0xe9: {  	[tilespmem:$0x18D70] =	vst v0  }
0xea: {  	[tilespmem:$0x18D80] =	vst v0  }
0xeb: {  	[tilespmem:$0x18D90] =	vst v0  }
0xec: {  	[tilespmem:$0x18DA0] =	vst v0  }
0xed: {  	[tilespmem:$0x18DB0] =	vst v0  }
0xee: {  	[tilespmem:$0x18DC0] =	vst v0  }
0xef: {  	[tilespmem:$0x18DD0] =	vst v0  }
0xf0: {  	[tilespmem:$0x18DE0] =	vst v0  }
0xf1: {  	[tilespmem:$0x18DF0] =	vst v0  }
0xf2: {  	[tilespmem:$0x18E00] =	vst v0  }
0xf3: {  	[tilespmem:$0x18E10] =	vst v0  }
0xf4: {  	[tilespmem:$0x18E20] =	vst v0  }
0xf5: {  	[tilespmem:$0x18C30] =	vst v1  }
0xf6: {  	[tilespmem:$0x18C40] =	vst v1  }
0xf7: {  	[tilespmem:$0x18C50] =	vst v1  }
0xf8: {  	[tilespmem:$0x18C60] =	vst v1  }
0xf9: {  	[tilespmem:$0x18C70] =	vst v1  }
0xfa: {  	[tilespmem:$0x18C80] =	vst v1  }
0xfb: {  	[tilespmem:$0x18C90] =	vst v1  }
0xfc: {  	[tilespmem:$0x18CA0] =	vst v1  }
0xfd: {  	[tilespmem:$0x18CB0] =	vst v1  }
0xfe: {  	[tilespmem:$0x18CC0] =	vst v1  }
0xff: {  	[tilespmem:$0x18CD0] =	vst v1  }
0x100: {  	[tilespmem:$0x18CE0] =	vst v1  }
0x101: {  	[tilespmem:$0x18CF0] =	vst v1  }
0x102: {  	[tilespmem:$0x18D00] =	vst v1  }
0x103: {  	[tilespmem:$0x18D10] =	vst v1  }
0x104: {  	[tilespmem:$0x18D20] =	vst v1  }
0x105: {  	[bflag:$0x0] =	sbarrier.arrive $0xFFFF  }
0x106: {  	s17 =	sshll.u32 s18, $0xE;
	s18 =	rddreg [dreg:$0x6]  }
0x107: {  	[tilespmem:s19], [sflag:$0x2] =	stream.linear.gather [spmem:s10], $0x6000, $0x38;
	[tilespmem:$0x1EE30] =	vst v63  }
0x108: {  	s0 =	sor.u32 s18, s17  }
0x109: {  	_ =	swait.ge [sflag:s20], $0x6000;
	s5 =	smul.u32 $0xC, s0  }
0x10a: {  	[sflag:s20] =	ssyncset.done $0x0;
	s9 =	rddreg [dreg:$0x5]  }
0x10b: {  	s8 =	simm.s32 $0x0;
	[sflag:s20] =	ssyncadd.s32 $0xFFFFA000;
	s29 =	sadd.s32 s9, s5  }
0x10c: {  	[hbm4b:s29+s8] =	stream.linear.scatter [tilespmem:s19], [sflag:$0x2], $0x6000, $0x38;
	[tilespmem:$0x1EE30] =	vst v63  }
0x10d: {  	_ =	swait.ge [sflag:s20], $0x6000  }
0x10e: {  	[sflag:s20] =	ssyncset.done $0x0  }
0x10f: {  	[sflag:s20] =	ssyncadd.s32 $0xFFFFA000  }
0x110: {  	[tilespmem:s19], [sflag:$0x2] =	stream.linear.gather [spmem:s11], $0x6000, $0x38;
	[tilespmem:$0x1EE30] =	vst v63  }
0x111: {  	_ =	swait.ge [sflag:s20], $0x6000  }
0x112: {  	[sflag:s20] =	ssyncset.done $0x0;
	s30 =	rddreg [dreg:$0x9]  }
0x113: {  	[sflag:s20] =	ssyncadd.s32 $0xFFFFA000;
	s5 =	sadd.s32 s5, s30  }
0x114: {  	[hbm4b:s5+s8] =	stream.linear.scatter [tilespmem:s19], [sflag:$0x2], $0x6000, $0x38;
	[tilespmem:$0x1EE30] =	vst v63  }
0x115: {  	_ =	swait.ge [sflag:s20], $0x6000  }
0x116: {  	[sflag:s20] =	ssyncset.done $0x0  }
0x117: {  	s0 =	smul.u32 $0x60, s0;
	[sflag:s20] =	ssyncadd.s32 $0xFFFFA000  }
0x118: {  	[tilespmem:s19], [sflag:$0x2] =	stream.linear.gather [spmem:s12], $0x6000, $0x38;
	[tilespmem:$0x1EE30] =	vst v63  }
0x119: {  	s0 =	sshrl.u32 s0, $0x3;
	_ =	swait.ge [sflag:s20], $0x6000  }
0x11a: {  	s0 =	sadd.s32 s9, s0;
	[sflag:s20] =	ssyncset.done $0x0  }
0x11b: {  	s31 =	sadd.s32 $0x1800, s0;
	[sflag:s20] =	ssyncadd.s32 $0xFFFFA000  }
0x11c: {  	[hbm4b:s31+s8] =	stream.linear.scatter [tilespmem:s19], [sflag:$0x2], $0x6000, $0x38;
	[tilespmem:$0x1EE30] =	vst v63  }
0x11d: {  	_ =	swait.ge [sflag:s20], $0x6000  }
0x11e: {  	[sflag:s20] =	ssyncset.done $0x0  }
0x11f: {  	[sflag:s20] =	ssyncadd.s32 $0xFFFFA000  }
0x120: {  	[tilespmem:s19], [sflag:$0x2] =	stream.linear.gather [spmem:s26], $0x6000, $0x38;
	[tilespmem:$0x1EE30] =	vst v63  }
0x121: {  	s3 =	sadd.s32 $0x1, s3;
	_ =	swait.ge [sflag:s20], $0x6000  }
0x122: {  	p1 =	sne.s32 s3, $0x4;
	[sflag:s20] =	ssyncset.done $0x0  }
.Ltmp3:
0x123: {  	s0 =	sadd.s32 $0x2400, s0;
	[sflag:s20] =	ssyncadd.s32 $0xFFFFA000;
	(pc) =	sbr.rel @p1 .LBB2_2-.Ltmp3, $4  }
0x124: {  	[hbm4b:s0+s8] =	stream.linear.scatter [tilespmem:s19], [sflag:$0x2], $0x6000, $0x38;
	[tilespmem:$0x1EE30] =	vst v63  }
0x125: {  	_ =	swait.ge [sflag:s20], $0x6000  }
0x126: {  	s13 =	smov.u32 s10;
	s7 =	smov.u32 s11;
	[sflag:s20] =	ssyncset.done $0x0  }
0x127: {  	s15 =	smov.u32 s12;
	s17 =	smov.u32 s26;
	[sflag:s20] =	ssyncadd.s32 $0xFFFFA000  }
0x128: {  	s3 =	rddreg [dreg:$0xb]  }
0x129: {  	s0 =	rddreg [dreg:$0xa];
	s3 =	sadd.s32 $0x1, s3  }
0x12a: {  	p1 =	sne.s32 s3, s0  }
.Ltmp4:
0x12b: {  	_ = 	snop;
	(pc) =	sbr.rel @p1 .LBB2_1-.Ltmp4, $1  }
0x12c: {  	_ =	sdelay $0x3  }
0x12d: {  	_ =	sfence.sel $0x180000  }
0x12e: {  	[bflag:$0x0] =	sbarrier.arrive $0xFFFF  }
0x12f: {  	_ =	strace $0x9000004D  }
0x130: {  	s0 =	stileid.u32;
	[bflag:$0x2] =	sbarrier.arrive $0xFFFF  }
0x131: {  	p0 =	sne.s32 s0, $0x0;
	s0 =	rddreg [dreg:$0x4]  }
0x132: {  	s0 =	sadd.s32 @!p0 $0x100000, s0  }
0x133: {  	[sflag:s0] =	ssyncadd.tile.s32 @!p0 $0x1;
	_ =	shalt  }
.Lfunc_end2:
_tile_overlayer_lowered:
.L_overlay_start_2:
0x134: {  	(tag) =	ssettag $0x2  }
0x135: {  	s0 =	rddreg [dreg:$0x0];
	s2 =	stileid.u32  }
0x136: {  	s1 =	rddreg [dreg:$0x1];
	p0 =	sne.s32 s2, $0x0  }
0x137: {  	s3 =	rddreg [dreg:$0x2];
	[bflag:$0x3] =	sbarrier.arrive $0xFFFF;
	s2 =	simm.s32 @!p0 $0x1C02  }
0x138: {  	[timem:s3], [sflag:s2] =	dma.local @!p0 [hbm:s0], s1  }
0x139: {  	s0 =	simm.s32 @!p0 $0x2  }
0x13a: {  	_ =	swait.ge @!p0 [sflag:s0], s1  }
0x13b: {  	s1 =	ssub.s32 @!p0 $0x0, s1;
	[sflag:s0] =	ssyncset.done @!p0 $0x0  }
0x13c: {  	[sflag:s0] =	ssyncadd.s32 @!p0 s1  }
0x13d: {  	[bflag:$0x3] =	sbarrier.arrive $0xFFFF  }
0x13e: {  	_ =	shalt  }

// kernel: kernel.9.cloned.1.call-start
scs
__scs_entry_jumppad:
0x0: {  	(pc) =	sbr.rel $0x88, $3  }
0x1: {  	(tag) =	ssettag $0x0;
	lr =	simm.s32 $0x1  }
0x2: {  	[smem:$0x3F7E] =	sst lr;
	_ =	strace $0xD0000000  }
0x3: {  	_ = 	snop  }
0x4: {  	_ = 	snop  }
0x5: {  	_ = 	snop  }
0x6: {  	_ = 	snop  }
0x7: {  	_ = 	snop  }
__scs_overlays_trampoline_lowered:
0x8: {  	[smem:$0x3F8D] =	sst s0  }
0x9: {  	[smem:$0x3F8E] =	sst s1  }
0xa: {  	[smem:$0x3F8F] =	sst s2  }
0xb: {  	[smem:$0x3F90] =	sst s3  }
0xc: {  	[smem:$0x3F91] =	sst s4  }
0xd: {  	[smem:$0x3F92] =	sst s5  }
0xe: {  	[smem:$0x3F93] =	sst s6  }
0xf: {  	[smem:$0x3F94] =	sst s7  }
0x10: {  	[smem:$0x3F95] =	sst s8  }
0x11: {  	[smem:$0x3F96] =	sst s9;
	s0 =	simm.s32 @!p0 $0x0  }
0x12: {  	s1 =	sld [smem:$0x3F7C];
	s0 =	simm.s32 @p0 $0x1  }
0x13: {  	[smem:$0x3F97] =	sst s0;
	s0 =	simm.s32 @!p1 $0x0  }
0x14: {  	s2 =	sld [smem:$0x3F7B];
	s0 =	simm.s32 @p1 $0x1  }
0x15: {  	[smem:$0x3F98] =	sst s0;
	s0 =	simm.s32 @!p2 $0x0  }
0x16: {  	s3 =	sld [smem:$0x3FDB];
	s0 =	simm.s32 @p2 $0x1  }
0x17: {  	s4 =	simm.s32 $0x1BF5;
	[smem:$0x3F9A] =	sst s0  }
0x18: {  	s0 =	sld [smem:$0x3F7D];
	_ =	swait.ge [sflag:s4], $0x0  }
0x19: {  	s7 =	sld [smem:$0x3F7E]  }
0x1a: {  	s8 =	sadd.s32 $0xFFFFE003, lr  }
0x1b: {  	s9 =	sadd.s32 $0xFFFFFEF7, lr;
	s5 =	simm.s32 $0xFFFFFFFF;
	p2 =	slt.u32 s8, $0xFFFFF086  }
0x1c: {  	p1 =	slt.u32 s9, $0xF7A;
	s5 =	simm.s32 @!p2 $0x0  }
0x1d: {  	s5 =	simm.s32 @p1 $0x1;
	p0 =	seq.s32 s7, s2  }
0x1e: {  	s7 =	smul.u32 @!p0 $0xF7A, s2;
	p2 =	seq.s32 @!p0 s5, $0x0  }
0x1f: {  	s9 =	smul.u32 $0xF7A, s1;
	s8 =	simm.s32 @!p0 $0x1BF5;
	p2 =	por !p2, p0  }
0x20: {  	[sflag:s8] =	ssyncset.s32 @!p0 $0xFFFFF086;
	s6 =	sadd.s32 @!p0 s3, s7;
	s7 =	simm.s32 @!p0 $0x108  }
0x21: {  	s3 =	sadd.s32 s3, s9;
	s6 =	sadd.s32 @!p0 $0x88, s6;
	s7 =	simm.s32 @p2 $0x1082  }
0x22: {  	[simem:s7], [sflag:s8] =	dma.local @!p0 [hbm:s6], $0xF7A  }
0x23: {  	s9 =	sor.u32 $0xD0000000, s2;
	s6 =	simm.s32 $0x108;
	_ =	swait.ge @!p0 [sflag:s8], $0x0  }
0x24: {  	s3 =	sadd.s32 $0x88, s3;
	s6 =	simm.s32 @!p1 $0x1082;
	[sflag:s4] =	ssyncset.s32 $0xFFFFF086  }
0x25: {  	[simem:s6], [sflag:s4] =	dma.local [hbm:s3], $0xF7A  }
0x26: {  	[smem:$0x3F7E] =	sst s1;
	(tag) =	ssettag s2;
	_ =	strace s9  }
0x27: {  	s1 =	sld [smem:$0x3F8E]  }
0x28: {  	s2 =	sld [smem:$0x3F8F]  }
0x29: {  	s4 =	sld [smem:$0x3F91]  }
0x2a: {  	p0 =	seq.s32 s5, $0x0;
	s5 =	sld [smem:$0x3F92]  }
0x2b: {  	s6 =	sld [smem:$0x3F93]  }
0x2c: {  	s7 =	sld [smem:$0x3F94]  }
0x2d: {  	s3 =	simm.s32 $0x108;
	s8 =	sld [smem:$0x3F95]  }
0x2e: {  	s3 =	simm.s32 @!p0 $0x1082;
	s9 =	sld [smem:$0x3F96]  }
0x2f: {  	lr =	sadd.s32 s0, s3;
	s0 =	sld [smem:$0x3F8D]  }
0x30: {  	s3 =	sld [smem:$0x3F90]  }
0x31: {  	[smem:$0x3F99] =	sst s10  }
0x32: {  	s10 =	sld [smem:$0x3F97];
	_ =	sdelay $0x3  }
0x33: {  	p0 =	seq.s32 s10, $0x1;
	s10 =	sld [smem:$0x3F99];
	_ =	sdelay $0x3  }
0x34: {  	[smem:$0x3F99] =	sst s10  }
0x35: {  	s10 =	sld [smem:$0x3F98];
	_ =	sdelay $0x3  }
0x36: {  	p1 =	seq.s32 s10, $0x1;
	s10 =	sld [smem:$0x3F99];
	_ =	sdelay $0x3  }
0x37: {  	[smem:$0x3F99] =	sst s10  }
0x38: {  	s10 =	sld [smem:$0x3F9A]  }
0x39: {  	_ = 	snop;
	(pc) =	sbr.ind lr, $3  }
0x3a: {  	_ = 	snop  }
0x3b: {  	_ = 	snop  }
0x3c: {  	p2 =	seq.s32 s10, $0x1;
	s10 =	sld [smem:$0x3F99]  }
0x3d: {  	_ =	shalt  }
0x3e: {  	_ =	shalt  }
0x3f: {  	_ =	shalt  }
0x40: {  	_ =	shalt  }
0x41: {  	_ =	shalt  }
0x42: {  	_ =	shalt  }
0x43: {  	_ =	shalt  }
0x44: {  	_ =	shalt  }
0x45: {  	_ =	shalt  }
0x46: {  	_ =	shalt  }
0x47: {  	_ =	shalt  }
0x48: {  	_ =	shalt  }
0x49: {  	_ =	shalt  }
0x4a: {  	_ =	shalt  }
0x4b: {  	_ =	shalt  }
0x4c: {  	_ =	shalt  }
0x4d: {  	_ =	shalt  }
0x4e: {  	_ =	shalt  }
0x4f: {  	_ =	shalt  }
0x50: {  	_ =	shalt  }
0x51: {  	_ =	shalt  }
0x52: {  	_ =	shalt  }
0x53: {  	_ =	shalt  }
0x54: {  	_ =	shalt  }
0x55: {  	_ =	shalt  }
0x56: {  	_ =	shalt  }
0x57: {  	_ =	shalt  }
0x58: {  	_ =	shalt  }
0x59: {  	_ =	shalt  }
0x5a: {  	_ =	shalt  }
0x5b: {  	_ =	shalt  }
0x5c: {  	_ =	shalt  }
0x5d: {  	_ =	shalt  }
0x5e: {  	_ =	shalt  }
0x5f: {  	_ =	shalt  }
0x60: {  	_ =	shalt  }
0x61: {  	_ =	shalt  }
0x62: {  	_ =	shalt  }
0x63: {  	_ =	shalt  }
0x64: {  	_ =	shalt  }
0x65: {  	_ =	shalt  }
0x66: {  	_ =	shalt  }
0x67: {  	_ =	shalt  }
0x68: {  	_ =	shalt  }
0x69: {  	_ =	shalt  }
0x6a: {  	_ =	shalt  }
0x6b: {  	_ =	shalt  }
0x6c: {  	_ =	shalt  }
0x6d: {  	_ =	shalt  }
0x6e: {  	_ =	shalt  }
0x6f: {  	_ =	shalt  }
0x70: {  	_ =	shalt  }
0x71: {  	_ =	shalt  }
0x72: {  	_ =	shalt  }
0x73: {  	_ =	shalt  }
0x74: {  	_ =	shalt  }
0x75: {  	_ =	shalt  }
0x76: {  	_ =	shalt  }
0x77: {  	_ =	shalt  }
0x78: {  	_ =	shalt  }
0x79: {  	_ =	shalt  }
0x7a: {  	_ =	shalt  }
0x7b: {  	_ =	shalt  }
0x7c: {  	_ =	shalt  }
0x7d: {  	_ =	shalt  }
0x7e: {  	_ =	shalt  }
0x7f: {  	_ =	shalt  }
0x80: {  	_ =	shalt  }
0x81: {  	_ =	shalt  }
0x82: {  	_ =	shalt  }
0x83: {  	_ =	shalt  }
0x84: {  	_ =	shalt  }
0x85: {  	_ =	shalt  }
0x86: {  	_ =	shalt  }
0x87: {  	_ =	shalt  }
.Lfunc_end0:
.L_simem_size_0:
called_computation_lowered:
.L_overlay_start_0:
0x88: {  	s2 =	sld [smem:$0x3FD9]  }
0x89: {  	s3 =	sld [smem:$0x3FFE];
	_ =	sdelay $0x1  }
0x8a: {  	s1 =	srdreg.scid  }
0x8b: {  	s0 =	sand.u32 $0x1, s1  }
0x8c: {  	s17 =	sshll.u32 s0, $0xA;
	s2 =	sadd.s32 s3, s2  }
0x8d: {  	s2 =	sadd.s32 s2, s17  }
0x8e: {  	[smem:$0x3FA5] =	sst s2  }
0x8f: {  	_ = 	snop  }
0x90: {  	s18 =	sld [smem:$0x3FA7];
	(tm) =	ssettm $0x1  }
0x91: {  	s19 =	sld [smem:$0x3FFB];
	_ =	sdelay $0x3  }
0x92: {  	_ =	strace s19  }
0x93: {  	s2 =	sld [smem:$0x3FFC];
	_ =	sdelay $0x3  }
0x94: {  	_ =	strace s2  }
0x95: {  	s2 =	sld [smem:$0x3FFD];
	_ =	sdelay $0x3  }
0x96: {  	_ =	strace s2  }
0x97: {  	_ =	strace $0x8FFFFFFF  }
0x98: {  	s20 =	sld [smem:$0x3FDB];
	_ =	sdelay $0x1  }
0x99: {  	s4 =	simm.s32 $_scs_section_size  }
0x9a: {  	s5 =	simm.s32 $_size__tile_overlayer_lowered;
	s6 =	simm.s32 $_tile_overlayer_lowered  }
0x9b: {  	s7 =	simm.s32 $0x1BFF;
	s21 =	sshll.u32 s6, $0x1;
	s4 =	sadd.s32 s4, s20  }
0x9c: {  	s22 =	simm.s32 $0x0;
	s5 =	sshll.u32 s5, $0x1;
	s6 =	sadd.s32 s21, s4  }
0x9d: {  	[timem:s22], [sflag:s7] =	dma.local [hbm:s6], s5  }
0x9e: {  	_ =	swait.ge [sflag:s7], s5  }
0x9f: {  	s5 =	ssub.s32 $0x0, s5;
	[sflag:s7] =	ssyncset.done $0x0  }
0xa0: {  	[sflag:s7] =	ssyncadd.s32 s5;
	_ =	sdelay $0x1  }
0xa1: {  	s23 =	simm.s32 $0x1B8B  }
0xa2: {  	_ =	swait.ge [sflag:s23], $0x1  }
0xa3: {  	[sflag:s23] =	ssyncset.done $0x0  }
0xa4: {  	[sflag:s23] =	ssyncadd.s32 $0xFFFFFFFF  }
0xa5: {  	s5 =	sld [smem:$0x0]  }
0xa6: {  	s6 =	sand.u32 $0xFFFFFFFE, s1  }
0xa7: {  	p0 =	sne.s32 s1, s6  }
0xa8: {  	s6 =	sshll.u32 @p0 s6, $0xE  }
0xa9: {  	s6 =	sadd.s32 @p0 $0x11B8D, s6;
	s7 =	sshll.u32 @p0 s5, $0x11  }
0xaa: {  	s6 =	sor.u32 @p0 s7, s6  }
0xab: {  	[sflag:s6] =	ssyncadd.remote.s32 @p0 $0x1;
	_ =	sdelay $0x1  }
0xac: {  	s6 =	simm.s32 @p0 $0x1B8D  }
0xad: {  	_ =	swait.eq @p0 [sflag:s6], $0x1  }
0xae: {  	[sflag:s6] =	ssyncadd.s32 @p0 $0xFFFFFFFF  }
0xaf: {  	s7 =	sshll.u32 @!p0 s1, $0xE  }
0xb0: {  	s7 =	sor.u32 @!p0 $0x4000, s7;
	s6 =	simm.s32 @!p0 $0x1B8D  }
0xb1: {  	s5 =	sshll.u32 @!p0 s5, $0x11;
	s7 =	sadd.s32 @!p0 $0x11B8D, s7;
	_ =	swait.eq @!p0 [sflag:s6], $0x1  }
0xb2: {  	s5 =	sor.u32 @!p0 s5, s7;
	[sflag:s6] =	ssyncadd.s32 @!p0 $0xFFFFFFFF  }
0xb3: {  	s25 =	simm.s32 $0x1B8E;
	s24 =	sld [smem:$0x3FFE];
	[sflag:s5] =	ssyncadd.remote.s32 @!p0 $0x1  }
0xb4: {  	s26 =	simm.s32 $execute0_lowered;
	[smem:$0x3FD2] =	sst s25  }
0xb5: {  	s6 =	sshll.u32 s26, $0x1;
	_ =	strace $0x80000049;
	[dreg:$0x1] =	wrdreg $0xFFFFFFFF  }
0xb6: {  	s28 =	simm.s32 $_size_execute0_lowered;
	s4 =	sadd.s32 s4, s6;
	[dreg:$0x0] =	wrdreg $0x0  }
0xb7: {  	s6 =	sshll.u32 s28, $0x1;
	[dreg:$0x2] =	wrdreg s4  }
0xb8: {  	[dreg:$0x3] =	wrdreg s6  }
0xb9: {  	[dreg:$0x4] =	wrdreg $0xC0  }
0xba: {  	_ =	task [dreg:s22], $0x5FFFF  }
0xbb: {  	[dreg:$0x1] =	wrdreg $0xFFFFFFFF  }
0xbc: {  	[dreg:$0x0] =	wrdreg $0x60  }
0xbd: {  	[dreg:$0x2] =	wrdreg s24  }
0xbe: {  	[dreg:$0x3] =	wrdreg s18  }
0xbf: {  	[dreg:$0x4] =	wrdreg $0x0  }
0xc0: {  	[dreg:$0x5] =	wrdreg $0x9  }
0xc1: {  	_ =	task.clear_ibuf [dreg:s22], $0x6FFFF;
	_ =	strace $0x90000049  }
0xc2: {  	s29 =	simm.s32 $0x9;
	_ =	strace $0x8000004B  }
0xc3: {  	_ =	swait.ge [sflag:s29], $0x1  }
0xc4: {  	[sflag:s29] =	ssyncadd.s32 $0xFFFFFFFF  }
0xc5: {  	_ =	strace $0x9000004B  }
0xc6: {  	_ =	sfence  }
0xc7: {  	s30 =	sld [smem:$0x0];
	_ =	sdelay $0x2  }
0xc8: {  	s31 =	sshll.u32 s1, $0xD;
	s1 =	sshrl.u32 s1, $0x2  }
0xc9: {  	s4 =	sand.u32 $0x4000, s31;
	s1 =	sadd.s32 s1, s30  }
0xca: {  	s0 =	sor.u32 s4, s0;
	s1 =	sshll.u32 s1, $0x11  }
0xcb: {  	s0 =	sor.u32 s1, s0  }
0xcc: {  	s0 =	sadd.s32 $0x8F2B, s0  }
0xcd: {  	[sflag:s0] =	ssyncadd.remote.s32 $0x1  }
0xce: {  	_ =	sfence.sel $0xFFFF  }
0xcf: {  	[dreg:$0x0] =	wrdreg $0xFFFFFFFF;
	(pc) =	sbr.abs _section_cstart, $3  }
0xd0: {  	[dreg:$0x1] =	wrdreg $0xFFFFFFFF  }
0xd1: {  	_ =	task.clear_ibuf [dreg:s22], $0x2FFFF;
	_ =	strace $0x9FFFFFFF  }
0xd2: {  	(tm) =	ssettm $0x7FFFFFFF  }
0xd3: {  	_ =	shalt  }
tec
execute0_lowered:
.L_overlay_start_1:
0x0: {  	(tag) =	ssettag $0x1  }
0x1: {  	s0 =	rddreg [dreg:$0x0]  }
0x2: {  	s1 =	rddreg [dreg:$0x1]  }
0x3: {  	s3 =	rddreg [dreg:$0x2]  }
0x4: {  	s2 =	srdreg.scid;
	s4 =	simm.s32 $0x0;
	s10 =	stileid.u32  }
0x5: {  	s28 =	simm.s32 $0x10008;
	s29 =	simm.s32 $0x10408;
	s30 =	simm.s32 $0x80  }
0x6: {  	s31 =	simm.s32 $0x10808;
	s2 =	sand.u32 $0x1, s2;
	[smem:$0x7FF] =	sst s4  }
0x7: {  	s5 =	sshll.u32 s10, $0xD;
	s8 =	sshll.u32 s10, $0x10;
	s6 =	sshll.u32 s2, $0x11  }
0x8: {  	s25 =	sadd.s32 $0x100000, s3;
	p0 =	sne.s32 s10, $0xF;
	s7 =	sor.u32 s5, s6  }
0x9: {  	_ =	strace $0x8000004A;
	s6 =	sadd.s32 $0x346600, s0;
	s0 =	sadd.s32 s7, s0  }
0xa: {  	[dreg:$0x9] =	wrdreg s25;
	s25 =	simm.s32 $0x11408;
	s9 =	sadd.s32 $0x366600, s0  }
0xb: {  	s7 =	sadd.s32 s8, s3;
	s26 =	sadd.s32 $0x366A00, s0;
	[dreg:$0xa] =	wrdreg s9  }
0xc: {  	s8 =	sshll.u32 s2, $0xE;
	s15 =	sadd.s32 $0x366E00, s0;
	[dreg:$0xb] =	wrdreg s26  }
0xd: {  	s2 =	ssub.s32 $0x2, s2;
	s16 =	sadd.s32 $0x367200, s0;
	[dreg:$0xc] =	wrdreg s15  }
0xe: {  	s11 =	sadd.s32 $0x2000, s7;
	s18 =	sadd.s32 $0x367A00, s0;
	[dreg:$0xd] =	wrdreg s16  }
0xf: {  	s12 =	sadd.s32 $0x4000, s7;
	s19 =	sadd.s32 $0x367E00, s0;
	[dreg:$0xf] =	wrdreg s18  }
0x10: {  	s22 =	sadd.s32 $0x6000, s7;
	s14 =	sadd.s32 $0x8000, s7;
	[dreg:$0x10] =	wrdreg s19  }
0x11: {  	s13 =	sadd.s32 $0xA000, s7;
	s23 =	sadd.s32 $0xC000, s7;
	[dreg:$0x4] =	wrdreg s22  }
0x12: {  	s24 =	sadd.s32 $0xE000, s7;
	s17 =	sshrl.u32 s2, $0x1;
	[dreg:$0x5] =	wrdreg s12  }
0x13: {  	s21 =	sadd.s32 $0x4000, s8;
	s15 =	sadd.s32 $0x367600, s0;
	[dreg:$0x6] =	wrdreg s11  }
0x14: {  	s2 =	ssub.s32 s2, s17;
	s0 =	sadd.s32 $0x368200, s0;
	[dreg:$0x7] =	wrdreg s23  }
0x15: {  	s26 =	simm.s32 $0x1;
	s16 =	simm.s32 $0x10988;
	[dreg:$0x8] =	wrdreg s24  }
0x16: {  	s17 =	simm.s32 $0x10A08;
	s18 =	simm.s32 $0x10A88;
	[dreg:$0xe] =	wrdreg s15  }
0x17: {  	v1 =	vimm.f32 $0.0e+00;
	vm0 =	vcmask $0x300;
	v2 =	vmov s21;
	s19 =	simm.s32 $0x10B08;
	s21 =	simm.s32 $0x0;
	[dreg:$0x11] =	wrdreg s0  }
0x18: {  	v6 =	vlaneseq.u32;
	v4 =	vimm.s32 $0x10000;
	v5 =	vimm.s32 $0x0;
	s20 =	smax.u32 s2, $0x1;
	s0 =	simm.s32 $0x10C08;
	s2 =	simm.s32 $0x10888  }
0x19: {  	v3 =	vsel vm0, $0x3F800000, v1;
	v6 =	vor.u32 $0x3F0, v6;
	v0 =	vmov s8;
	s15 =	simm.s32 $0x10908;
	[dreg:$0x12] =	wrdreg s20;
	s20 =	simm.s32 $0x10B88  }
.LBB2_1:
0x1a: {  	s8 =	simm.s32 $0x40;
	s9 =	simm.s32 $0x0  }
.LBB2_2:
0x1b: {  	p1 =	sne.s32 s8, $0x7FC0;
	[tilespmem:s9+$0x11408] =	vst v1;
	s9 =	smov.u32 s8;
	s8 =	sadd.s32 $0x40, s8  }
.Ltmp0:
0x1c: {  	(pc) =	sbr.rel @p1 .LBB2_2-.Ltmp0, $2  }
0x1d: {  	_ =	sdelay $0x2  }
0x1e: {  	s9 =	sshra.s32 s9, $0x2  }
0x1f: {  	[tilespmem:s9+$0x11408] =	vst v1  }
0x20: {  	[spmem:s7] =	stream.linear.scatter [tilespmem:s25], [sflag:$0x1], $0x2000, $0x38;
	[tilespmem:$0x13408] =	vst v63  }
0x21: {  	_ =	swait.ge [sflag:s26], $0x2000  }
0x22: {  	[sflag:s26] =	ssyncset.done $0x0  }
0x23: {  	[sflag:s26] =	ssyncadd.s32 $0xFFFFE000  }
0x24: {  	[spmem:s11] =	stream.linear.scatter [tilespmem:s25], [sflag:$0x1], $0x2000, $0x38;
	[tilespmem:$0x13408] =	vst v63  }
0x25: {  	_ =	swait.ge [sflag:s26], $0x2000  }
0x26: {  	[sflag:s26] =	ssyncset.done $0x0  }
0x27: {  	[sflag:s26] =	ssyncadd.s32 $0xFFFFE000  }
0x28: {  	[spmem:s12] =	stream.linear.scatter [tilespmem:s25], [sflag:$0x1], $0x2000, $0x38;
	[tilespmem:$0x13408] =	vst v63  }
0x29: {  	_ =	swait.ge [sflag:s26], $0x2000  }
0x2a: {  	[sflag:s26] =	ssyncset.done $0x0  }
0x2b: {  	[sflag:s26] =	ssyncadd.s32 $0xFFFFE000  }
0x2c: {  	[spmem:s22] =	stream.linear.scatter [tilespmem:s25], [sflag:$0x1], $0x2000, $0x38;
	[tilespmem:$0x13408] =	vst v63  }
0x2d: {  	_ =	swait.ge [sflag:s26], $0x2000  }
0x2e: {  	[sflag:s26] =	ssyncset.done $0x0  }
0x2f: {  	[sflag:s26] =	ssyncadd.s32 $0xFFFFE000  }
0x30: {  	[spmem:s14] =	stream.linear.scatter [tilespmem:s25], [sflag:$0x1], $0x2000, $0x38;
	[tilespmem:$0x13408] =	vst v63  }
0x31: {  	_ =	swait.ge [sflag:s26], $0x2000  }
0x32: {  	[sflag:s26] =	ssyncset.done $0x0  }
0x33: {  	[sflag:s26] =	ssyncadd.s32 $0xFFFFE000  }
0x34: {  	[spmem:s13] =	stream.linear.scatter [tilespmem:s25], [sflag:$0x1], $0x2000, $0x38;
	[tilespmem:$0x13408] =	vst v63  }
0x35: {  	_ =	swait.ge [sflag:s26], $0x2000  }
0x36: {  	[sflag:s26] =	ssyncset.done $0x0  }
0x37: {  	[sflag:s26] =	ssyncadd.s32 $0xFFFFE000  }
0x38: {  	[spmem:s23] =	stream.linear.scatter [tilespmem:s25], [sflag:$0x1], $0x2000, $0x38;
	[tilespmem:$0x13408] =	vst v63  }
0x39: {  	_ =	swait.ge [sflag:s26], $0x2000  }
0x3a: {  	[sflag:s26] =	ssyncset.done $0x0  }
0x3b: {  	[sflag:s26] =	ssyncadd.s32 $0xFFFFE000  }
0x3c: {  	[spmem:s24] =	stream.linear.scatter [tilespmem:s25], [sflag:$0x1], $0x2000, $0x38;
	[tilespmem:$0x13408] =	vst v63  }
0x3d: {  	_ =	swait.ge [sflag:s26], $0x2000  }
0x3e: {  	[sflag:s26] =	ssyncset.done $0x0  }
0x3f: {  	s8 =	simm.s32 @!p0 $0x11408;
	s9 =	rddreg [dreg:$0x9];
	[sflag:s26] =	ssyncadd.s32 $0xFFFFE000  }
0x40: {  	[spmem:s9] =	stream.linear.scatter @!p0 [tilespmem:s8], [sflag:$0x1], $0x80, $0x38;
	[tilespmem:$0x13408] =	vst v63  }
0x41: {  	s8 =	simm.s32 @!p0 $0x1  }
0x42: {  	_ =	swait.ge @!p0 [sflag:s8], $0x80  }
0x43: {  	s10 =	simm.s32 $0x0;
	[sflag:s8] =	ssyncset.done @!p0 $0x0  }
0x44: {  	s9 =	simm.s32 $0x40;
	[sflag:s8] =	ssyncadd.s32 @!p0 $0xFFFFFF80;
	s8 =	simm.s32 $0x0  }
.LBB2_4:
0x45: {  	p1 =	sne.s32 s9, $0x1FC0;
	[tilespmem:s10+$0x10C08] =	vst v3;
	s10 =	smov.u32 s9;
	s9 =	sadd.s32 $0x40, s9  }
.Ltmp1:
0x46: {  	(pc) =	sbr.rel @p1 .LBB2_4-.Ltmp1, $2  }
0x47: {  	_ =	sdelay $0x2  }
0x48: {  	s10 =	sshra.s32 s10, $0x2  }
0x49: {  	s9 =	sand.u32 $0xE00, s8  }
0x4a: {  	s11 =	sand.u32 $0x70, s8;
	s22 =	sshrl.u32 s9, $0x2  }
0x4b: {  	[tilespmem:s10+$0x10C08] =	vst v3;
	s9 =	simm.s32 $0x40;
	s10 =	sor.u32 s11, s22  }
.LBB2_6:
0x4c: {  	p1 =	sne.s32 s9, $0xFC0  }
0x4d: {  	[tilespmem:s10+$0x10808] =	vst v4;
	s8 =	sadd.s32 $0x10, s8;
	s10 =	smov.u32 s9;
	s9 =	sadd.s32 $0x40, s9  }
.Ltmp2:
0x4e: {  	(pc) =	sbr.rel @p1 .LBB2_6-.Ltmp2, $4  }
0x4f: {  	_ = 	snop  }
0x50: {  	s10 =	sand.u32 $0xE00, s10  }
0x51: {  	s11 =	sand.u32 $0x70, s8;
	s10 =	sshrl.u32 s10, $0x2  }
0x52: {  	s10 =	sor.u32 s11, s10  }
.Ltmp3:
0x53: {  	(pc) =	sbr.rel .LBB2_8-.Ltmp3, $4  }
0x54: {  	_ = 	snop  }
0x55: {  	[tilespmem:s10+$0x10808] =	vst v4  }
0x56: {  	[bflag:$0x0] =	sbarrier.arrive $0xFFFF  }
0x57: {  	s22 =	simm.s32 $0x0;
	s23 =	simm.s32 $0x0;
	s24 =	simm.s32 $0x0  }
.LBB2_14:
0x58: {  	s24 =	sadd.s32 $0x1, s24  }
0x59: {  	p1 =	sne.s32 s24, $0x40  }
.Ltmp4:
0x5a: {  	_ = 	snop;
	(pc) =	sbr.rel @!p1 .LBB2_15-.Ltmp4, $1  }
0x5b: {  	_ =	sdelay $0x3  }
.LBB2_8:
0x5c: {  	s8 =	sshll.u32 s24, $0x7  }
0x5d: {  	s8 =	sadd.s32 s5, s8  }
0x5e: {  	s9 =	sadd.s32 s6, s8  }
0x5f: {  	[tilespmem:s28], [sflag:$0x1] =	stream.linear.gather [hbm4b:s9+s22], $0x400, $0x38;
	[tilespmem:$0x13408] =	vst v63  }
0x60: {  	_ =	swait.ge [sflag:s26], $0x400  }
0x61: {  	[sflag:s26] =	ssyncset.done $0x0  }
.Ltmp5:
0x62: {  	s8 =	sadd.s32 s1, s8;
	[sflag:s26] =	ssyncadd.s32 $0xFFFFFC00;
	(pc) =	sbr.rel .LBB2_9-.Ltmp5, $4  }
0x63: {  	[tilespmem:s29], [sflag:$0x1] =	stream.linear.gather [hbm4b:s8+s22], $0x400, $0x38;
	[tilespmem:$0x13408] =	vst v63  }
0x64: {  	_ =	swait.ge [sflag:s26], $0x400  }
0x65: {  	[sflag:s26] =	ssyncset.done $0x0  }
0x66: {  	s8 =	simm.s32 $0x0;
	[sflag:s26] =	ssyncadd.s32 $0xFFFFFC00  }
.LBB2_12:
0x67: {  	[tilespmem:s11+$0x10808] =	vst v4  }
.LBB2_13:
0x68: {  	vm0 =	vge.s32 v7, v0;
	vm1 =	vlt.s32 v7, v2  }
0x69: {  	vm0 =	vmand vm0, vm1  }
0x6a: {  	v9 =	vsel vm0, $0x1, v5  }
0x6b: {  	(xrf0) =	vadd.scan.msk.s32 $0xffff, v9;
	_ =	sdelay $0x5  }
0x6c: {  	v9, _, _ =	vpop (xrf0)  }
0x6d: {  	(v2sf) =	vpush v9, $0xF;
	_ =	sdelay $0x3  }
0x6e: {  	p1 =	sgt.s32 s23, $0x3E0  }
0x6f: {  	s23 =	simm.s32 @p1 $0x0  }
0x70: {  	v10 =	vmov s23  }
0x71: {  	v10 =	vadd.s32 $0xFFFFFFFF, v10  }
0x72: {  	v10 =	vbroadcast v10, $0x0;
	_ =	sdelay $0x1  }
0x73: {  	s8 =	sadd.s32 $0x1, s8;
	v9 =	vadd.s32 v9, v10  }
0x74: {  	p1 =	sne.s32 s8, $0x40;
	v9 =	vsel vm0, v9, v6  }
.Ltmp6:
0x75: {  	v7 =	vsub.s32 v7, v0;
	(pc) =	sbr.rel @!p1 .LBB2_14-.Ltmp6, $4  }
0x76: {  	v7 =	vshll.u32 v7, $0x2  }
0x77: {  	v7 =	vadd.s32 v8, v7  }
0x78: {  	v7 =	vnsel vm0, $0x10000, v7;
	s9 =	spop (v2sf)  }
0x79: {  	[tilespmem:v9+s31+$0x0] =	vst.idx.msk $0xffff, v7;
	s23 =	sadd.s32 s23, s9  }
.LBB2_9:
0x7a: {  	s9 =	sshll.u32 s8, $0x4;
	p1 =	slt.s32 s23, $0x3E1  }
.Ltmp7:
0x7b: {  	v7 =	vld [tilespmem:s9+$0x10008];
	(pc) =	sbr.rel @p1 .LBB2_13-.Ltmp7, $2  }
0x7c: {  	_ =	sdelay $0x2  }
0x7d: {  	v8 =	vld [tilespmem:s9+$0x10408]  }
0x7e: {  	[spmem:s3] =	stream.indirect.scatter.add.f32 [tilespmem:s0], [sflag:$0x1], $0x10, s31, s30, $0xb8;
	[tilespmem:$0x13408] =	vst v63  }
0x7f: {  	_ =	swait.ge [sflag:s26], $0x800  }
0x80: {  	[sflag:s26] =	ssyncset.done $0x0  }
0x81: {  	[sflag:s26] =	ssyncadd.s32 $0xFFFFF800  }
0x82: {  	[spmem:s3] =	stream.indirect.scatter.add.f32 [tilespmem:s0], [sflag:$0x1], $0x10, s2, s30, $0xb8;
	[tilespmem:$0x13408] =	vst v63  }
0x83: {  	_ =	swait.ge [sflag:s26], $0x800  }
0x84: {  	[sflag:s26] =	ssyncset.done $0x0  }
0x85: {  	[sflag:s26] =	ssyncadd.s32 $0xFFFFF800  }
0x86: {  	[spmem:s3] =	stream.indirect.scatter.add.f32 [tilespmem:s0], [sflag:$0x1], $0x10, s15, s30, $0xb8;
	[tilespmem:$0x13408] =	vst v63  }
0x87: {  	_ =	swait.ge [sflag:s26], $0x800  }
0x88: {  	[sflag:s26] =	ssyncset.done $0x0  }
0x89: {  	[sflag:s26] =	ssyncadd.s32 $0xFFFFF800  }
0x8a: {  	[spmem:s3] =	stream.indirect.scatter.add.f32 [tilespmem:s0], [sflag:$0x1], $0x10, s16, s30, $0xb8;
	[tilespmem:$0x13408] =	vst v63  }
0x8b: {  	_ =	swait.ge [sflag:s26], $0x800  }
0x8c: {  	[sflag:s26] =	ssyncset.done $0x0  }
0x8d: {  	[sflag:s26] =	ssyncadd.s32 $0xFFFFF800  }
0x8e: {  	[spmem:s3] =	stream.indirect.scatter.add.f32 [tilespmem:s0], [sflag:$0x1], $0x10, s17, s30, $0xb8;
	[tilespmem:$0x13408] =	vst v63  }
0x8f: {  	_ =	swait.ge [sflag:s26], $0x800  }
0x90: {  	[sflag:s26] =	ssyncset.done $0x0  }
0x91: {  	[sflag:s26] =	ssyncadd.s32 $0xFFFFF800  }
0x92: {  	[spmem:s3] =	stream.indirect.scatter.add.f32 [tilespmem:s0], [sflag:$0x1], $0x10, s18, s30, $0xb8;
	[tilespmem:$0x13408] =	vst v63  }
0x93: {  	_ =	swait.ge [sflag:s26], $0x800  }
0x94: {  	[sflag:s26] =	ssyncset.done $0x0  }
0x95: {  	[sflag:s26] =	ssyncadd.s32 $0xFFFFF800  }
0x96: {  	[spmem:s3] =	stream.indirect.scatter.add.f32 [tilespmem:s0], [sflag:$0x1], $0x10, s19, s30, $0xb8;
	[tilespmem:$0x13408] =	vst v63  }
0x97: {  	_ =	swait.ge [sflag:s26], $0x800  }
0x98: {  	[sflag:s26] =	ssyncset.done $0x0  }
0x99: {  	s9 =	simm.s32 $0x0;
	[sflag:s26] =	ssyncadd.s32 $0xFFFFF800  }
0x9a: {  	[spmem:s3] =	stream.indirect.scatter.add.f32 [tilespmem:s0], [sflag:$0x1], $0x10, s20, s30, $0xb8;
	[tilespmem:$0x13408] =	vst v63  }
0x9b: {  	s10 =	sand.u32 $0xE00, s9;
	_ =	swait.ge [sflag:s26], $0x800  }
0x9c: {  	s11 =	sand.u32 $0x70, s9;
	s12 =	sshrl.u32 s10, $0x2;
	[sflag:s26] =	ssyncset.done $0x0  }
0x9d: {  	s10 =	simm.s32 $0x40;
	s11 =	sor.u32 s11, s12;
	[sflag:s26] =	ssyncadd.s32 $0xFFFFF800  }
.LBB2_11:
0x9e: {  	p1 =	sne.s32 s10, $0xFC0  }
0x9f: {  	[tilespmem:s11+$0x10808] =	vst v4;
	s9 =	sadd.s32 $0x10, s9;
	s11 =	smov.u32 s10;
	s10 =	sadd.s32 $0x40, s10  }
.Ltmp8:
0xa0: {  	(pc) =	sbr.rel @p1 .LBB2_11-.Ltmp8, $4  }
0xa1: {  	_ = 	snop  }
0xa2: {  	s11 =	sand.u32 $0xE00, s11  }
0xa3: {  	s12 =	sand.u32 $0x70, s9;
	s11 =	sshrl.u32 s11, $0x2  }
0xa4: {  	s11 =	sor.u32 s12, s11  }
.Ltmp9:
0xa5: {  	_ = 	snop;
	(pc) =	sbr.rel .LBB2_12-.Ltmp9, $1  }
0xa6: {  	_ =	sdelay $0x3  }
.LBB2_15:
0xa7: {  	[spmem:s3] =	stream.indirect.scatter.add.f32 [tilespmem:s0], [sflag:$0x1], $0x10, s31, s30, $0xb8;
	[tilespmem:$0x13408] =	vst v63  }
0xa8: {  	_ =	swait.ge [sflag:s26], $0x800  }
0xa9: {  	[sflag:s26] =	ssyncset.done $0x0  }
0xaa: {  	[sflag:s26] =	ssyncadd.s32 $0xFFFFF800  }
0xab: {  	[spmem:s3] =	stream.indirect.scatter.add.f32 [tilespmem:s0], [sflag:$0x1], $0x10, s2, s30, $0xb8;
	[tilespmem:$0x13408] =	vst v63  }
0xac: {  	_ =	swait.ge [sflag:s26], $0x800  }
0xad: {  	[sflag:s26] =	ssyncset.done $0x0  }
0xae: {  	[sflag:s26] =	ssyncadd.s32 $0xFFFFF800  }
0xaf: {  	[spmem:s3] =	stream.indirect.scatter.add.f32 [tilespmem:s0], [sflag:$0x1], $0x10, s15, s30, $0xb8;
	[tilespmem:$0x13408] =	vst v63  }
0xb0: {  	_ =	swait.ge [sflag:s26], $0x800  }
0xb1: {  	[sflag:s26] =	ssyncset.done $0x0  }
0xb2: {  	[sflag:s26] =	ssyncadd.s32 $0xFFFFF800  }
0xb3: {  	[spmem:s3] =	stream.indirect.scatter.add.f32 [tilespmem:s0], [sflag:$0x1], $0x10, s16, s30, $0xb8;
	[tilespmem:$0x13408] =	vst v63  }
0xb4: {  	_ =	swait.ge [sflag:s26], $0x800  }
0xb5: {  	[sflag:s26] =	ssyncset.done $0x0  }
0xb6: {  	[sflag:s26] =	ssyncadd.s32 $0xFFFFF800  }
0xb7: {  	[spmem:s3] =	stream.indirect.scatter.add.f32 [tilespmem:s0], [sflag:$0x1], $0x10, s17, s30, $0xb8;
	[tilespmem:$0x13408] =	vst v63  }
0xb8: {  	_ =	swait.ge [sflag:s26], $0x800  }
0xb9: {  	[sflag:s26] =	ssyncset.done $0x0  }
0xba: {  	[sflag:s26] =	ssyncadd.s32 $0xFFFFF800  }
0xbb: {  	[spmem:s3] =	stream.indirect.scatter.add.f32 [tilespmem:s0], [sflag:$0x1], $0x10, s18, s30, $0xb8;
	[tilespmem:$0x13408] =	vst v63  }
0xbc: {  	_ =	swait.ge [sflag:s26], $0x800  }
0xbd: {  	[sflag:s26] =	ssyncset.done $0x0  }
0xbe: {  	[sflag:s26] =	ssyncadd.s32 $0xFFFFF800  }
0xbf: {  	[spmem:s3] =	stream.indirect.scatter.add.f32 [tilespmem:s0], [sflag:$0x1], $0x10, s19, s30, $0xb8;
	[tilespmem:$0x13408] =	vst v63  }
0xc0: {  	_ =	swait.ge [sflag:s26], $0x800  }
0xc1: {  	[sflag:s26] =	ssyncset.done $0x0  }
0xc2: {  	s8 =	simm.s32 $0x0;
	[sflag:s26] =	ssyncadd.s32 $0xFFFFF800  }
0xc3: {  	[spmem:s3] =	stream.indirect.scatter.add.f32 [tilespmem:s0], [sflag:$0x1], $0x10, s20, s30, $0xb8;
	[tilespmem:$0x13408] =	vst v63  }
0xc4: {  	s9 =	sand.u32 $0xE00, s8;
	_ =	swait.ge [sflag:s26], $0x800  }
0xc5: {  	s10 =	sand.u32 $0x70, s8;
	s11 =	sshrl.u32 s9, $0x2;
	[sflag:s26] =	ssyncset.done $0x0  }
0xc6: {  	s9 =	simm.s32 $0x40;
	s10 =	sor.u32 s10, s11;
	[sflag:s26] =	ssyncadd.s32 $0xFFFFF800  }
.LBB2_16:
0xc7: {  	p1 =	sne.s32 s9, $0xFC0  }
0xc8: {  	[tilespmem:s10+$0x10808] =	vst v4;
	s8 =	sadd.s32 $0x10, s8;
	s10 =	smov.u32 s9;
	s9 =	sadd.s32 $0x40, s9  }
.Ltmp10:
0xc9: {  	(pc) =	sbr.rel @p1 .LBB2_16-.Ltmp10, $4  }
0xca: {  	_ = 	snop  }
0xcb: {  	s10 =	sand.u32 $0xE00, s10  }
0xcc: {  	s11 =	sand.u32 $0x70, s8;
	s10 =	sshrl.u32 s10, $0x2  }
0xcd: {  	s10 =	sor.u32 s11, s10  }
0xce: {  	[tilespmem:s10+$0x10808] =	vst v4  }
0xcf: {  	[bflag:$0x0] =	sbarrier.arrive $0xFFFF  }
0xd0: {  	[tilespmem:s25], [sflag:$0x1] =	stream.linear.gather [spmem:s7], $0x2000, $0x38;
	[tilespmem:$0x13408] =	vst v63  }
0xd1: {  	_ =	swait.ge [sflag:s26], $0x2000  }
0xd2: {  	[sflag:s26] =	ssyncset.done $0x0  }
0xd3: {  	s8 =	rddreg [dreg:$0xa];
	[sflag:s26] =	ssyncadd.s32 $0xFFFFE000  }
0xd4: {  	[hbm4b:s8+s4] =	stream.linear.scatter [tilespmem:s25], [sflag:$0x1], $0x2000, $0x38;
	[tilespmem:$0x13408] =	vst v63  }
0xd5: {  	_ =	swait.ge [sflag:s26], $0x2000  }
0xd6: {  	[sflag:s26] =	ssyncset.done $0x0  }
0xd7: {  	s11 =	rddreg [dreg:$0x6];
	[sflag:s26] =	ssyncadd.s32 $0xFFFFE000  }
0xd8: {  	[tilespmem:s25], [sflag:$0x1] =	stream.linear.gather [spmem:s11], $0x2000, $0x38;
	[tilespmem:$0x13408] =	vst v63  }
0xd9: {  	_ =	swait.ge [sflag:s26], $0x2000  }
0xda: {  	[sflag:s26] =	ssyncset.done $0x0  }
0xdb: {  	s23 =	rddreg [dreg:$0xb];
	[sflag:s26] =	ssyncadd.s32 $0xFFFFE000  }
0xdc: {  	[hbm4b:s23+s4] =	stream.linear.scatter [tilespmem:s25], [sflag:$0x1], $0x2000, $0x38;
	[tilespmem:$0x13408] =	vst v63  }
0xdd: {  	_ =	swait.ge [sflag:s26], $0x2000  }
0xde: {  	[sflag:s26] =	ssyncset.done $0x0  }
0xdf: {  	s12 =	rddreg [dreg:$0x5];
	[sflag:s26] =	ssyncadd.s32 $0xFFFFE000  }
0xe0: {  	[tilespmem:s25], [sflag:$0x1] =	stream.linear.gather [spmem:s12], $0x2000, $0x38;
	[tilespmem:$0x13408] =	vst v63  }
0xe1: {  	_ =	swait.ge [sflag:s26], $0x2000  }
0xe2: {  	[sflag:s26] =	ssyncset.done $0x0  }
0xe3: {  	s24 =	rddreg [dreg:$0xc];
	[sflag:s26] =	ssyncadd.s32 $0xFFFFE000  }
0xe4: {  	[hbm4b:s24+s4] =	stream.linear.scatter [tilespmem:s25], [sflag:$0x1], $0x2000, $0x38;
	[tilespmem:$0x13408] =	vst v63  }
0xe5: {  	_ =	swait.ge [sflag:s26], $0x2000  }
0xe6: {  	[sflag:s26] =	ssyncset.done $0x0  }
0xe7: {  	s22 =	rddreg [dreg:$0x4];
	[sflag:s26] =	ssyncadd.s32 $0xFFFFE000  }
0xe8: {  	[tilespmem:s25], [sflag:$0x1] =	stream.linear.gather [spmem:s22], $0x2000, $0x38;
	[tilespmem:$0x13408] =	vst v63  }
0xe9: {  	_ =	swait.ge [sflag:s26], $0x2000  }
0xea: {  	[sflag:s26] =	ssyncset.done $0x0  }
0xeb: {  	s9 =	rddreg [dreg:$0xd];
	[sflag:s26] =	ssyncadd.s32 $0xFFFFE000  }
0xec: {  	[hbm4b:s9+s4] =	stream.linear.scatter [tilespmem:s25], [sflag:$0x1], $0x2000, $0x38;
	[tilespmem:$0x13408] =	vst v63  }
0xed: {  	_ =	swait.ge [sflag:s26], $0x2000  }
0xee: {  	[sflag:s26] =	ssyncset.done $0x0  }
0xef: {  	[sflag:s26] =	ssyncadd.s32 $0xFFFFE000  }
0xf0: {  	[tilespmem:s25], [sflag:$0x1] =	stream.linear.gather [spmem:s14], $0x2000, $0x38;
	[tilespmem:$0x13408] =	vst v63  }
0xf1: {  	_ =	swait.ge [sflag:s26], $0x2000  }
0xf2: {  	[sflag:s26] =	ssyncset.done $0x0  }
0xf3: {  	s10 =	rddreg [dreg:$0xe];
	[sflag:s26] =	ssyncadd.s32 $0xFFFFE000  }
0xf4: {  	[hbm4b:s10+s4] =	stream.linear.scatter [tilespmem:s25], [sflag:$0x1], $0x2000, $0x38;
	[tilespmem:$0x13408] =	vst v63  }
0xf5: {  	_ =	swait.ge [sflag:s26], $0x2000  }
0xf6: {  	[sflag:s26] =	ssyncset.done $0x0  }
0xf7: {  	[sflag:s26] =	ssyncadd.s32 $0xFFFFE000  }
0xf8: {  	[tilespmem:s25], [sflag:$0x1] =	stream.linear.gather [spmem:s13], $0x2000, $0x38;
	[tilespmem:$0x13408] =	vst v63  }
0xf9: {  	_ =	swait.ge [sflag:s26], $0x2000  }
0xfa: {  	[sflag:s26] =	ssyncset.done $0x0  }
0xfb: {  	s23 =	rddreg [dreg:$0xf];
	[sflag:s26] =	ssyncadd.s32 $0xFFFFE000  }
0xfc: {  	[hbm4b:s23+s4] =	stream.linear.scatter [tilespmem:s25], [sflag:$0x1], $0x2000, $0x38;
	[tilespmem:$0x13408] =	vst v63  }
0xfd: {  	_ =	swait.ge [sflag:s26], $0x2000  }
0xfe: {  	[sflag:s26] =	ssyncset.done $0x0  }
0xff: {  	s23 =	rddreg [dreg:$0x7];
	[sflag:s26] =	ssyncadd.s32 $0xFFFFE000  }
0x100: {  	[tilespmem:s25], [sflag:$0x1] =	stream.linear.gather [spmem:s23], $0x2000, $0x38;
	[tilespmem:$0x13408] =	vst v63  }
0x101: {  	_ =	swait.ge [sflag:s26], $0x2000  }
0x102: {  	[sflag:s26] =	ssyncset.done $0x0  }
0x103: {  	s24 =	rddreg [dreg:$0x10];
	[sflag:s26] =	ssyncadd.s32 $0xFFFFE000  }
0x104: {  	[hbm4b:s24+s4] =	stream.linear.scatter [tilespmem:s25], [sflag:$0x1], $0x2000, $0x38;
	[tilespmem:$0x13408] =	vst v63  }
0x105: {  	_ =	swait.ge [sflag:s26], $0x2000  }
0x106: {  	[sflag:s26] =	ssyncset.done $0x0  }
0x107: {  	s24 =	rddreg [dreg:$0x8];
	[sflag:s26] =	ssyncadd.s32 $0xFFFFE000  }
0x108: {  	[tilespmem:s25], [sflag:$0x1] =	stream.linear.gather [spmem:s24], $0x2000, $0x38;
	[tilespmem:$0x13408] =	vst v63  }
0x109: {  	_ =	swait.ge [sflag:s26], $0x2000  }
0x10a: {  	[sflag:s26] =	ssyncset.done $0x0  }
0x10b: {  	s9 =	rddreg [dreg:$0x11];
	[sflag:s26] =	ssyncadd.s32 $0xFFFFE000  }
0x10c: {  	[hbm4b:s9+s4] =	stream.linear.scatter [tilespmem:s25], [sflag:$0x1], $0x2000, $0x38;
	[tilespmem:$0x13408] =	vst v63  }
0x10d: {  	_ =	swait.ge [sflag:s26], $0x2000  }
0x10e: {  	s21 =	sadd.s32 $0x1, s21;
	s10 =	rddreg [dreg:$0x12]  }
0x10f: {  	p1 =	sne.s32 s21, s10  }
.Ltmp11:
0x110: {  	_ = 	snop;
	(pc) =	sbr.rel @p1 .LBB2_1-.Ltmp11, $3  }
0x111: {  	_ =	sdelay $0x1  }
0x112: {  	[sflag:s26] =	ssyncset.done $0x0  }
0x113: {  	[sflag:s26] =	ssyncadd.s32 $0xFFFFE000  }
0x114: {  	_ =	sfence.sel $0x180000  }
0x115: {  	[bflag:$0x0] =	sbarrier.arrive $0xFFFF  }
0x116: {  	_ =	strace $0x9000004A  }
0x117: {  	s0 =	stileid.u32;
	[bflag:$0x2] =	sbarrier.arrive $0xFFFF  }
0x118: {  	p0 =	sne.s32 s0, $0x0;
	s0 =	rddreg [dreg:$0x3]  }
0x119: {  	s0 =	sadd.s32 @!p0 $0x100000, s0  }
0x11a: {  	[sflag:s0] =	ssyncadd.tile.s32 @!p0 $0x1;
	_ =	shalt  }
.Lfunc_end2:
_tile_overlayer_lowered:
.L_overlay_start_2:
0x11b: {  	(tag) =	ssettag $0x2  }
0x11c: {  	s0 =	rddreg [dreg:$0x0];
	s2 =	stileid.u32  }
0x11d: {  	s1 =	rddreg [dreg:$0x1];
	p0 =	sne.s32 s2, $0x0  }
0x11e: {  	s3 =	rddreg [dreg:$0x2];
	[bflag:$0x3] =	sbarrier.arrive $0xFFFF;
	s2 =	simm.s32 @!p0 $0x1C01  }
0x11f: {  	[timem:s3], [sflag:s2] =	dma.local @!p0 [hbm:s0], s1  }
0x120: {  	s0 =	simm.s32 @!p0 $0x1  }
0x121: {  	_ =	swait.ge @!p0 [sflag:s0], s1  }
0x122: {  	s1 =	ssub.s32 @!p0 $0x0, s1;
	[sflag:s0] =	ssyncset.done @!p0 $0x0  }
0x123: {  	[sflag:s0] =	ssyncadd.s32 @!p0 s1  }
0x124: {  	[bflag:$0x3] =	sbarrier.arrive $0xFFFF  }
0x125: {  	_ =	shalt  }

</sc_bundles>
